<compile_context>
chip_gen: v7x
topology: tpu7x:2x2x1
jax: 0.10.2.dev20260603
libtpu: 0.0.44.dev20260713+nightly
codegen_flags: <defaults>
</compile_context>

<pallas_src>
import functools

import jax
import jax.numpy as jnp
from jax import lax
from jax.experimental import pallas as pl
from jax.experimental.pallas import tpu as pltpu
from jax.experimental.pallas import tpu_sc as plsc

NN = 10000
NP = 10240
D = 128
E2 = 330000
CH = 96
NW = 32
CPW = 108
PAIRS = CPW // 2
PER_W = CPW * CH
EP = NW * PER_W
NPT = NP // 16
BLK = 1024
GRID = NP // BLK


def _pre_body(x_ref, w1_ref, b1_ref, gw_ref, asrc_ref, adst_ref,
              x1_ref, h_ref, sc_ref):
    f32 = jnp.float32
    x1 = jnp.dot(x_ref[...], w1_ref[...].T, preferred_element_type=f32)
    x1 = x1 + b1_ref[...]
    x1_ref[...] = x1
    rows = []
    for l in range(3):
        h_ref[l] = jnp.dot(x1, gw_ref[l].T, preferred_element_type=f32)
    for l in range(3):
        rows.append(jnp.dot(asrc_ref[l:l + 1, :], gw_ref[l],
                            preferred_element_type=f32))
    for l in range(3):
        rows.append(jnp.dot(adst_ref[l:l + 1, :], gw_ref[l],
                            preferred_element_type=f32))
    rows.append(jnp.zeros((2, D), f32))
    a_mat = jnp.concatenate(rows, axis=0)
    sc_ref[...] = lax.dot_general(
        x1, a_mat, dimension_numbers=(((1,), (1,)), ((), ())),
        preferred_element_type=f32)


def _pre_call(xp, W1, b1r, gat_W, att_src, att_dst):
    f32 = jnp.float32
    return pl.pallas_call(
        _pre_body,
        grid=(GRID,),
        in_specs=[
            pl.BlockSpec((BLK, D), lambda i: (i, 0)),
            pl.BlockSpec((D, D), lambda i: (0, 0)),
            pl.BlockSpec((1, D), lambda i: (0, 0)),
            pl.BlockSpec((3, D, D), lambda i: (0, 0, 0)),
            pl.BlockSpec((3, D), lambda i: (0, 0)),
            pl.BlockSpec((3, D), lambda i: (0, 0)),
        ],
        out_specs=[
            pl.BlockSpec((BLK, D), lambda i: (i, 0)),
            pl.BlockSpec((3, BLK, D), lambda i: (0, i, 0)),
            pl.BlockSpec((BLK, 8), lambda i: (i, 0)),
        ],
        out_shape=[
            jax.ShapeDtypeStruct((NP, D), f32),
            jax.ShapeDtypeStruct((3, NP, D), f32),
            jax.ShapeDtypeStruct((NP, 8), f32),
        ],
    )(xp, W1, b1r, gat_W, att_src, att_dst)


def _edge_body(h_hbm, sc_hbm, ed_hbm, z_hbm, z1_hbm,
               num_out, den_out,
               num_sh, den_sh, as_v, ad_v,
               sd0, sd1, exb0, exb1, sadj0, sadj1, dstb0, dstb1,
               rows0, rows1, isem0, isem1, gsem0, gsem1):
    f32 = jnp.float32
    c = lax.axis_index("c")
    s = lax.axis_index("s")
    wid = s * 2 + c
    iota = lax.iota(jnp.int32, 16)
    cbase = wid * CPW
    sd = (sd0, sd1)
    exb = (exb0, exb1)
    sadj = (sadj0, sadj1)
    dstb = (dstb0, dstb1)
    rows = (rows0, rows1)
    isem = (isem0, isem1)
    gsem = (gsem0, gsem1)

    def fetch_idx(k, b):
        pltpu.async_copy(ed_hbm.at[cbase + k], sd[b], isem[b])

    def wait_idx(b):
        pltpu.make_async_copy(ed_hbm.at[0], sd[b], isem[b]).wait()

    def gather_rows(b):
        pltpu.async_copy(h_hbm.at[sadj[b]], rows[b], gsem[b])

    def wait_rows(b):
        pltpu.make_async_copy(h_hbm.at[sadj[b]], rows[b], gsem[b]).wait()

    for l in range(3):
        pltpu.sync_copy(sc_hbm.at[l], as_v)
        pltpu.sync_copy(sc_hbm.at[3 + l], ad_v)

        @pl.when(s == 0)
        def _():
            pltpu.sync_copy(z_hbm, num_sh)
            pltpu.sync_copy(z1_hbm, den_sh)
        plsc.subcore_barrier()

        def vec_phase(k, b):
            def _vec(r, c2):
                si = sd[b][0, pl.ds(r * 16, 16)]
                di = sd[b][1, pl.ds(r * 16, 16)]
                sv = plsc.load_gather(as_v, [si])
                dv = plsc.load_gather(ad_v, [di])
                e = sv + dv
                e = jnp.where(e >= 0.0, e, 0.2 * e)
                gid = (cbase + k) * CH + r * 16 + iota
                ex = jnp.where(gid < E2, jnp.exp(e), 0.0)
                exb[b][pl.ds(r * 16, 16)] = ex
                sadj[b][pl.ds(r * 16, 16)] = si + l * NP
                dstb[b][pl.ds(r * 16, 16)] = di
                return c2
            lax.fori_loop(0, CH // 16, _vec, 0)

        def scale_scatter(b):
            pltpu.sync_copy(exb[b], den_sh.at[dstb[b]], add=True)

            def _scale(q, c2):
                for u in range(4):
                    r = q * 4 + u
                    ridx = iota * 0 + r
                    ex16 = plsc.load_gather(exb[b], [ridx])
                    for j in range(8):
                        sl = pl.ds(j * 16, 16)
                        rows[b][r, sl] = rows[b][r, sl] * ex16
                return c2
            lax.fori_loop(0, CH // 4, _scale, 0)
            pltpu.sync_copy(rows[b], num_sh.at[dstb[b]], add=True)

        fetch_idx(0, 0)
        wait_idx(0)
        vec_phase(0, 0)
        gather_rows(0)
        fetch_idx(1, 1)

        def _pair(kk, carry):
            a = 2 * kk
            last = kk == PAIRS - 1
            wait_idx(1)
            vec_phase(a + 1, 1)
            gather_rows(1)

            @pl.when(jnp.logical_not(last))
            def _():
                fetch_idx(a + 2, 0)
            wait_rows(0)
            scale_scatter(0)

            @pl.when(jnp.logical_not(last))
            def _():
                wait_idx(0)
                vec_phase(a + 2, 0)
                gather_rows(0)
                fetch_idx(a + 3, 1)
            wait_rows(1)
            scale_scatter(1)
            return carry
        lax.fori_loop(0, PAIRS, _pair, 0)

        plsc.subcore_barrier()
        pltpu.sync_copy(den_sh.at[pl.ds(s * NPT, NPT)],
                        den_out.at[2 * l + c, pl.ds(s * NPT, NPT)])
        pltpu.sync_copy(num_sh.at[pl.ds(s * NPT, NPT)],
                        num_out.at[2 * l + c, pl.ds(s * NPT, NPT)])
        plsc.subcore_barrier()


def _edge_call(h_flat, scT, ed, zf, z1):
    f32 = jnp.float32
    i32 = jnp.int32
    mesh = plsc.VectorSubcoreMesh(core_axis_name="c", subcore_axis_name="s")
    fn = functools.partial(
        pl.kernel,
        out_type=[
            jax.ShapeDtypeStruct((6, NP, D), f32),
            jax.ShapeDtypeStruct((6, NP), f32),
        ],
        mesh=mesh,
        scratch_types=[
            pltpu.VMEM_SHARED((NP, D), f32),
            pltpu.VMEM_SHARED((NP,), f32),
            pltpu.VMEM((NP,), f32),
            pltpu.VMEM((NP,), f32),
            pltpu.VMEM((2, CH), i32),
            pltpu.VMEM((2, CH), i32),
            pltpu.VMEM((CH,), f32),
            pltpu.VMEM((CH,), f32),
            pltpu.VMEM((CH,), i32),
            pltpu.VMEM((CH,), i32),
            pltpu.VMEM((CH,), i32),
            pltpu.VMEM((CH,), i32),
            pltpu.VMEM((CH, D), f32),
            pltpu.VMEM((CH, D), f32),
            pltpu.SemaphoreType.DMA,
            pltpu.SemaphoreType.DMA,
            pltpu.SemaphoreType.DMA,
            pltpu.SemaphoreType.DMA,
        ],
        compiler_params=pltpu.CompilerParams(needs_layout_passes=False),
    )(_edge_body)
    return fn(h_flat, scT, ed, zf, z1)


def _post_body(num_ref, den_ref, x1_ref, gb_ref, wih_ref, whh_ref,
               w2_ref, b2_ref, o_ref):
    f32 = jnp.float32
    x = x1_ref[...]
    h = jnp.zeros((BLK, D), f32)
    cst = jnp.zeros((BLK, D), f32)
    for l in range(3):
        den = jnp.sum(den_ref[2 * l:2 * l + 2, :], axis=0) + 1e-16
        num = num_ref[2 * l] + num_ref[2 * l + 1]
        htmp = jnp.tanh(num / den[:, None] + gb_ref[l:l + 1, :])
        incat = jnp.concatenate([htmp, x], axis=-1)
        gates = (jnp.dot(incat, wih_ref[l].T, preferred_element_type=f32)
                 + jnp.dot(h, whh_ref[l].T, preferred_element_type=f32))
        i_ = jax.nn.sigmoid(gates[:, 0 * D:1 * D])
        f_ = jax.nn.sigmoid(gates[:, 1 * D:2 * D])
        g_ = jnp.tanh(gates[:, 2 * D:3 * D])
        o_ = jax.nn.sigmoid(gates[:, 3 * D:4 * D])
        cst = f_ * cst + i_ * g_
        h = o_ * jnp.tanh(cst)
        x = h
    o_ref[...] = jnp.dot(x, w2_ref[...].T, preferred_element_type=f32) \
        + b2_ref[...]


def _post_call(num6, den, x1, gat_b, w_ih, w_hh, W2, b2r):
    f32 = jnp.float32
    return pl.pallas_call(
        _post_body,
        grid=(GRID,),
        in_specs=[
            pl.BlockSpec((6, BLK, D), lambda i: (0, i, 0)),
            pl.BlockSpec((6, BLK), lambda i: (0, i)),
            pl.BlockSpec((BLK, D), lambda i: (i, 0)),
            pl.BlockSpec((3, D), lambda i: (0, 0)),
            pl.BlockSpec((3, 4 * D, 2 * D), lambda i: (0, 0, 0)),
            pl.BlockSpec((3, 4 * D, D), lambda i: (0, 0, 0)),
            pl.BlockSpec((D, D), lambda i: (0, 0)),
            pl.BlockSpec((1, D), lambda i: (0, 0)),
        ],
        out_specs=pl.BlockSpec((BLK, D), lambda i: (i, 0)),
        out_shape=jax.ShapeDtypeStruct((NP, D), f32),
    )(num6, den, x1, gat_b, w_ih, w_hh, W2, b2r)


def kernel(x, edge_index, W1, b1, gat_W, att_src, att_dst, gat_b,
           w_ih, w_hh, W2, b2):
    f32 = jnp.float32
    xp = jnp.pad(x.astype(f32), ((0, NP - NN), (0, 0)))
    b1r = b1.reshape(1, D).astype(f32)
    b2r = b2.reshape(1, D).astype(f32)

    loop = jnp.arange(NN, dtype=jnp.int32)
    pad = jnp.zeros((EP - E2,), jnp.int32)
    srcp = jnp.concatenate([edge_index[0].astype(jnp.int32), loop, pad])
    dstp = jnp.concatenate([edge_index[1].astype(jnp.int32), loop, pad])
    ed = jnp.stack([srcp.reshape(EP // CH, CH),
                    dstp.reshape(EP // CH, CH)], axis=1)

    x1, h_all, scores = _pre_call(xp, W1, b1r, gat_W, att_src, att_dst)
    h_flat = h_all.reshape(3 * NP, D)
    scT = scores.T
    zf = jnp.zeros((NP, D), f32)
    z1 = jnp.zeros((NP,), f32)

    num6, den = _edge_call(h_flat, scT, ed, zf, z1)
    out = _post_call(num6, den, x1, gat_b, w_ih, w_hh, W2, b2r)
    return out[:NN]

# --- scband reference (transcript-rebuilt; emitter-appended) ---
"""Pipeline reference for scband-genie-path-lazy-49349174231534 (READ-ONLY COPY).

The authoritative reference and input builder live on the scoring server;
editing this copy changes nothing except your own understanding.
"""

import jax, jax.numpy as jnp
import numpy as np

N = 10000
E = 320000
IN_FEATS = 128
DIM = 128
HID = 128
OUT_FEATS = 128
LAYERS = 3


def setup_inputs(seed: int = 0):
    key = jax.random.key(seed)
    ks = jax.random.split(key, 12)
    inp = {}
    inp['x'] = jax.random.normal(ks[0], (N, IN_FEATS), dtype=jnp.float32)
    inp['edge_index'] = jax.random.randint(ks[1], (2, E), 0, N, dtype=jnp.int32)
    inp['W1'] = jax.random.normal(ks[2], (DIM, IN_FEATS), dtype=jnp.float32) * 0.05
    inp['b1'] = jnp.zeros((DIM,), dtype=jnp.float32)
    inp['gat_W'] = jax.random.normal(ks[3], (LAYERS, DIM, DIM), dtype=jnp.float32) * 0.05
    inp['att_src'] = jax.random.normal(ks[4], (LAYERS, DIM), dtype=jnp.float32) * 0.05
    inp['att_dst'] = jax.random.normal(ks[5], (LAYERS, DIM), dtype=jnp.float32) * 0.05
    inp['gat_b'] = jnp.zeros((LAYERS, DIM), dtype=jnp.float32)
    inp['w_ih'] = jax.random.normal(ks[6], (LAYERS, 4 * HID, 2 * DIM), dtype=jnp.float32) * 0.05
    inp['w_hh'] = jax.random.normal(ks[7], (LAYERS, 4 * HID, HID), dtype=jnp.float32) * 0.05
    inp['W2'] = jax.random.normal(ks[8], (OUT_FEATS, DIM), dtype=jnp.float32) * 0.05
    inp['b2'] = jnp.zeros((OUT_FEATS,), dtype=jnp.float32)
    return inp


def _gat_conv(x, src, dst, W, a_src, a_dst, b):
    # PyG-style GATConv with heads=1, self-loops already appended to src/dst
    n = x.shape[0]
    h = x @ W.T
    e = (h @ a_src)[src] + (h @ a_dst)[dst]
    e = jax.nn.leaky_relu(e, negative_slope=0.2)
    m = jax.ops.segment_max(e, dst, num_segments=n)
    ex = jnp.exp(e - m[dst])
    denom = jax.ops.segment_sum(ex, dst, num_segments=n)
    alpha = ex / (denom[dst] + 1e-16)
    out = jax.ops.segment_sum(h[src] * alpha[:, None], dst, num_segments=n)
    return out + b


def _lstm_step(xin, h, c, w_ih, w_hh):
    # torch.nn.LSTM with bias=False, 1 layer, seq_len=1; gate order i,f,g,o
    gates = xin @ w_ih.T + h @ w_hh.T
    i, f, g, o = jnp.split(gates, 4, axis=-1)
    i = jax.nn.sigmoid(i)
    f = jax.nn.sigmoid(f)
    g = jnp.tanh(g)
    o = jax.nn.sigmoid(o)
    c = f * c + i * g
    h = o * jnp.tanh(c)
    return h, c


def _forward(x, edge_index, W1, b1, gat_W, att_src, att_dst, gat_b, w_ih, w_hh, W2, b2):
    n = x.shape[0]
    loop = jnp.arange(n, dtype=edge_index.dtype)
    src = jnp.concatenate([edge_index[0], loop])
    dst = jnp.concatenate([edge_index[1], loop])
    x = x @ W1.T + b1
    h = jnp.zeros((n, HID), dtype=x.dtype)
    c = jnp.zeros((n, HID), dtype=x.dtype)
    h_tmps = [jnp.tanh(_gat_conv(x, src, dst, gat_W[i], att_src[i], att_dst[i], gat_b[i])) for i in range(LAYERS)]
    for i in range(LAYERS):
        in_cat = jnp.concatenate([h_tmps[i], x], axis=-1)
        h, c = _lstm_step(in_cat, h, c, w_ih[i], w_hh[i])
        x = h
    return x @ W2.T + b2


def reference(x, edge_index, W1, b1, gat_W, att_src, att_dst, gat_b, w_ih, w_hh, W2, b2):
    return _forward(x, edge_index, W1, b1, gat_W, att_src, att_dst, gat_b, w_ih, w_hh, W2, b2)

if __name__ == "__main__":
    import jax
    _d = setup_inputs()
    print(jax.jit(kernel)(*tuple(_d.values())))

</pallas_src>

<mosaic_0001>
#map = affine_map<(d0, d1) -> (0, 0)>
#map1 = affine_map<(d0, d1) -> (0, 0, 0)>
#map2 = affine_map<(d0, d1) -> (0)>
module attributes {stable_mosaic.version = 14 : i64} {
  func.func @_edge_body(%arg0: i32, %arg1: i32, %arg2: memref<30720x128xf32, #tpu.memory_space<hbm>>, %arg3: memref<8x10240xf32, #tpu.memory_space<hbm>>, %arg4: memref<3456x2x96xi32, #tpu.memory_space<hbm>>, %arg5: memref<10240x128xf32, #tpu.memory_space<hbm>>, %arg6: memref<10240xf32, #tpu.memory_space<hbm>>, %arg7: memref<6x10240x128xf32, #tpu.memory_space<hbm>>, %arg8: memref<6x10240xf32, #tpu.memory_space<hbm>>, %arg9: memref<10240x128xf32, #tpu.memory_space<vmem_shared>>, %arg10: memref<10240xf32, #tpu.memory_space<vmem_shared>>, %arg11: memref<10240xf32, #tpu.memory_space<vmem>>, %arg12: memref<10240xf32, #tpu.memory_space<vmem>>, %arg13: memref<2x96xi32, #tpu.memory_space<vmem>>, %arg14: memref<2x96xi32, #tpu.memory_space<vmem>>, %arg15: memref<96xf32, #tpu.memory_space<vmem>>, %arg16: memref<96xf32, #tpu.memory_space<vmem>>, %arg17: memref<96xi32, #tpu.memory_space<vmem>>, %arg18: memref<96xi32, #tpu.memory_space<vmem>>, %arg19: memref<96xi32, #tpu.memory_space<vmem>>, %arg20: memref<96xi32, #tpu.memory_space<vmem>>, %arg21: memref<96x128xf32, #tpu.memory_space<vmem>>, %arg22: memref<96x128xf32, #tpu.memory_space<vmem>>, %arg23: memref<!tpu.dma_semaphore, #tpu.memory_space<semaphore_mem>>, %arg24: memref<!tpu.dma_semaphore, #tpu.memory_space<semaphore_mem>>, %arg25: memref<!tpu.dma_semaphore, #tpu.memory_space<semaphore_mem>>, %arg26: memref<!tpu.dma_semaphore, #tpu.memory_space<semaphore_mem>>) attributes {dimension_semantics = [#tpu.dimension_semantics<core_parallel>, #tpu.dimension_semantics<subcore_parallel>], iteration_bounds = array<i64: 2, 16>, scalar_prefetch = 0 : i64, scratch_operands = 18 : i64, tpu.core_type = #tpu.core_type<sc_vector_subcore>, window_params = [{transform_indices = #map}, {transform_indices = #map}, {transform_indices = #map1}, {transform_indices = #map}, {transform_indices = #map2}, {transform_indices = #map1}, {transform_indices = #map}]} {
    %mul3A = arith.constant 2 : i32
    %mul3A_0 = arith.muli %arg1, %mul3A : i32
    %add3A = arith.addi %mul3A_0, %arg0 : i32
    %iota3A = tpu.iota {dimensions = array<i32: 0>} : vector<16xi32>
    %mul3A_1 = arith.constant 108 : i32
    %mul3A_2 = arith.muli %add3A, %mul3A_1 : i32
    %run_scoped3A = arith.constant 0 : i32
    "tpu.region"() ({
      %run_scoped3A_193 = tpu.sem_alloc : memref<!tpu.dma_semaphore, #tpu.memory_space<semaphore_mem>>
      %dma_start3A_194 = arith.constant 0 : i32
      %dma_start3A_195 = tpu.memref_slice %arg3[%run_scoped3A, %dma_start3A_194] : memref<8x10240xf32, #tpu.memory_space<hbm>> -> memref<1x10240xf32, #tpu.memory_space<hbm>>
      %dma_start3A_196 = tpu.memref_squeeze %dma_start3A_195 : memref<1x10240xf32, #tpu.memory_space<hbm>> -> memref<10240xf32, #tpu.memory_space<hbm>>
      %dma_start3A_197 = arith.constant 0 : i32
      %dma_start3A_198 = tpu.memref_slice %arg3[%run_scoped3A, %dma_start3A_197] : memref<8x10240xf32, #tpu.memory_space<hbm>> -> memref<1x10240xf32, #tpu.memory_space<hbm>>
      %dma_start3A_199 = tpu.memref_squeeze %dma_start3A_198 : memref<1x10240xf32, #tpu.memory_space<hbm>> -> memref<10240xf32, #tpu.memory_space<hbm>>
      tpu.enqueue_dma source(%dma_start3A_199 : memref<10240xf32, #tpu.memory_space<hbm>>) target(%arg11 : memref<10240xf32, #tpu.memory_space<vmem>>) target_semaphore(%run_scoped3A_193 : memref<!tpu.dma_semaphore, #tpu.memory_space<semaphore_mem>>)
      %dma_wait3A_200 = arith.constant 0 : i32
      %dma_wait3A_201 = tpu.memref_slice %arg3[%run_scoped3A, %dma_wait3A_200] : memref<8x10240xf32, #tpu.memory_space<hbm>> -> memref<1x10240xf32, #tpu.memory_space<hbm>>
      %dma_wait3A_202 = tpu.memref_squeeze %dma_wait3A_201 : memref<1x10240xf32, #tpu.memory_space<hbm>> -> memref<10240xf32, #tpu.memory_space<hbm>>
      %dma_wait3A_203 = arith.constant 0 : i32
      %dma_wait3A_204 = tpu.memref_slice %arg3[%run_scoped3A, %dma_wait3A_203] : memref<8x10240xf32, #tpu.memory_space<hbm>> -> memref<1x10240xf32, #tpu.memory_space<hbm>>
      %dma_wait3A_205 = tpu.memref_squeeze %dma_wait3A_204 : memref<1x10240xf32, #tpu.memory_space<hbm>> -> memref<10240xf32, #tpu.memory_space<hbm>>
      tpu.wait_dma2 semaphore(%run_scoped3A_193 : memref<!tpu.dma_semaphore, #tpu.memory_space<semaphore_mem>>) src(%dma_wait3A_205 : memref<10240xf32, #tpu.memory_space<hbm>>) dst(%arg11 : memref<10240xf32, #tpu.memory_space<vmem>>)
      tpu.yield
    }) : () -> ()
    %run_scoped3A_3 = arith.constant 3 : i32
    "tpu.region"() ({
      %run_scoped3A_193 = tpu.sem_alloc : memref<!tpu.dma_semaphore, #tpu.memory_space<semaphore_mem>>
      %dma_start3A_194 = arith.constant 0 : i32
      %dma_start3A_195 = tpu.memref_slice %arg3[%run_scoped3A_3, %dma_start3A_194] : memref<8x10240xf32, #tpu.memory_space<hbm>> -> memref<1x10240xf32, #tpu.memory_space<hbm>>
      %dma_start3A_196 = tpu.memref_squeeze %dma_start3A_195 : memref<1x10240xf32, #tpu.memory_space<hbm>> -> memref<10240xf32, #tpu.memory_space<hbm>>
      %dma_start3A_197 = arith.constant 0 : i32
      %dma_start3A_198 = tpu.memref_slice %arg3[%run_scoped3A_3, %dma_start3A_197] : memref<8x10240xf32, #tpu.memory_space<hbm>> -> memref<1x10240xf32, #tpu.memory_space<hbm>>
      %dma_start3A_199 = tpu.memref_squeeze %dma_start3A_198 : memref<1x10240xf32, #tpu.memory_space<hbm>> -> memref<10240xf32, #tpu.memory_space<hbm>>
      tpu.enqueue_dma source(%dma_start3A_199 : memref<10240xf32, #tpu.memory_space<hbm>>) target(%arg12 : memref<10240xf32, #tpu.memory_space<vmem>>) target_semaphore(%run_scoped3A_193 : memref<!tpu.dma_semaphore, #tpu.memory_space<semaphore_mem>>)
      %dma_wait3A_200 = arith.constant 0 : i32
      %dma_wait3A_201 = tpu.memref_slice %arg3[%run_scoped3A_3, %dma_wait3A_200] : memref<8x10240xf32, #tpu.memory_space<hbm>> -> memref<1x10240xf32, #tpu.memory_space<hbm>>
      %dma_wait3A_202 = tpu.memref_squeeze %dma_wait3A_201 : memref<1x10240xf32, #tpu.memory_space<hbm>> -> memref<10240xf32, #tpu.memory_space<hbm>>
      %dma_wait3A_203 = arith.constant 0 : i32
      %dma_wait3A_204 = tpu.memref_slice %arg3[%run_scoped3A_3, %dma_wait3A_203] : memref<8x10240xf32, #tpu.memory_space<hbm>> -> memref<1x10240xf32, #tpu.memory_space<hbm>>
      %dma_wait3A_205 = tpu.memref_squeeze %dma_wait3A_204 : memref<1x10240xf32, #tpu.memory_space<hbm>> -> memref<10240xf32, #tpu.memory_space<hbm>>
      tpu.wait_dma2 semaphore(%run_scoped3A_193 : memref<!tpu.dma_semaphore, #tpu.memory_space<semaphore_mem>>) src(%dma_wait3A_205 : memref<10240xf32, #tpu.memory_space<hbm>>) dst(%arg12 : memref<10240xf32, #tpu.memory_space<vmem>>)
      tpu.yield
    }) : () -> ()
    %eq3A = arith.constant 0 : i32
    %eq3A_4 = arith.cmpi eq, %arg1, %eq3A : i32
    %convert_element_type3A = arith.extui %eq3A_4 : i1 to i32
    %cond3A = arith.constant 0 : i32
    %cond3A_5 = arith.cmpi ne, %convert_element_type3A, %cond3A : i32
    scf.if %cond3A_5 {
      "tpu.region"() ({
        %run_scoped3A_193 = tpu.sem_alloc : memref<!tpu.dma_semaphore, #tpu.memory_space<semaphore_mem>>
        tpu.enqueue_dma source(%arg5 : memref<10240x128xf32, #tpu.memory_space<hbm>>) target(%arg9 : memref<10240x128xf32, #tpu.memory_space<vmem_shared>>) target_semaphore(%run_scoped3A_193 : memref<!tpu.dma_semaphore, #tpu.memory_space<semaphore_mem>>)
        tpu.wait_dma2 semaphore(%run_scoped3A_193 : memref<!tpu.dma_semaphore, #tpu.memory_space<semaphore_mem>>) src(%arg5 : memref<10240x128xf32, #tpu.memory_space<hbm>>) dst(%arg9 : memref<10240x128xf32, #tpu.memory_space<vmem_shared>>)
        tpu.yield
      }) : () -> ()
      "tpu.region"() ({
        %run_scoped3A_193 = tpu.sem_alloc : memref<!tpu.dma_semaphore, #tpu.memory_space<semaphore_mem>>
        tpu.enqueue_dma source(%arg6 : memref<10240xf32, #tpu.memory_space<hbm>>) target(%arg10 : memref<10240xf32, #tpu.memory_space<vmem_shared>>) target_semaphore(%run_scoped3A_193 : memref<!tpu.dma_semaphore, #tpu.memory_space<semaphore_mem>>)
        tpu.wait_dma2 semaphore(%run_scoped3A_193 : memref<!tpu.dma_semaphore, #tpu.memory_space<semaphore_mem>>) src(%arg6 : memref<10240xf32, #tpu.memory_space<hbm>>) dst(%arg10 : memref<10240xf32, #tpu.memory_space<vmem_shared>>)
        tpu.yield
      }) : () -> ()
    } else {
    }
    %barrier3A = arith.constant 0 : index
    tpu.barrier barrier_id(%barrier3A)
    %add3A_6 = arith.constant 0 : i32
    %add3A_7 = arith.addi %mul3A_2, %add3A_6 : i32
    %dma_start3A = arith.constant 0 : i32
    %dma_start3A_8 = arith.constant 0 : i32
    %dma_start3A_9 = tpu.memref_slice %arg4[%add3A_7, %dma_start3A, %dma_start3A_8] : memref<3456x2x96xi32, #tpu.memory_space<hbm>> -> memref<1x2x96xi32, #tpu.memory_space<hbm>>
    %dma_start3A_10 = tpu.memref_squeeze %dma_start3A_9 : memref<1x2x96xi32, #tpu.memory_space<hbm>> -> memref<2x96xi32, #tpu.memory_space<hbm>>
    %dma_start3A_11 = arith.constant 0 : i32
    %dma_start3A_12 = arith.constant 0 : i32
    %dma_start3A_13 = tpu.memref_slice %arg4[%add3A_7, %dma_start3A_11, %dma_start3A_12] : memref<3456x2x96xi32, #tpu.memory_space<hbm>> -> memref<1x2x96xi32, #tpu.memory_space<hbm>>
    %dma_start3A_14 = tpu.memref_squeeze %dma_start3A_13 : memref<1x2x96xi32, #tpu.memory_space<hbm>> -> memref<2x96xi32, #tpu.memory_space<hbm>>
    tpu.enqueue_dma source(%dma_start3A_14 : memref<2x96xi32, #tpu.memory_space<hbm>>) target(%arg13 : memref<2x96xi32, #tpu.memory_space<vmem>>) target_semaphore(%arg23 : memref<!tpu.dma_semaphore, #tpu.memory_space<semaphore_mem>>)
    %dma_wait3A = arith.constant 0 : i32
    %dma_wait3A_15 = arith.constant 0 : i32
    %dma_wait3A_16 = arith.constant 0 : i32
    %dma_wait3A_17 = tpu.memref_slice %arg4[%dma_wait3A, %dma_wait3A_15, %dma_wait3A_16] : memref<3456x2x96xi32, #tpu.memory_space<hbm>> -> memref<1x2x96xi32, #tpu.memory_space<hbm>>
    %dma_wait3A_18 = tpu.memref_squeeze %dma_wait3A_17 : memref<1x2x96xi32, #tpu.memory_space<hbm>> -> memref<2x96xi32, #tpu.memory_space<hbm>>
    %dma_wait3A_19 = arith.constant 0 : i32
    %dma_wait3A_20 = arith.constant 0 : i32
    %dma_wait3A_21 = tpu.memref_slice %arg4[%dma_wait3A, %dma_wait3A_19, %dma_wait3A_20] : memref<3456x2x96xi32, #tpu.memory_space<hbm>> -> memref<1x2x96xi32, #tpu.memory_space<hbm>>
    %dma_wait3A_22 = tpu.memref_squeeze %dma_wait3A_21 : memref<1x2x96xi32, #tpu.memory_space<hbm>> -> memref<2x96xi32, #tpu.memory_space<hbm>>
    tpu.wait_dma2 semaphore(%arg23 : memref<!tpu.dma_semaphore, #tpu.memory_space<semaphore_mem>>) src(%dma_wait3A_22 : memref<2x96xi32, #tpu.memory_space<hbm>>) dst(%arg13 : memref<2x96xi32, #tpu.memory_space<vmem>>)
    %scan3A = arith.constant 0 : i32
    %scan3A_23 = arith.constant 0 : i32
    %scan3A_24 = arith.constant 6 : i32
    %scan3A_25 = arith.addi %scan3A_23, %scan3A_24 : i32
    %scan3A_26 = arith.constant 1 : i32
    scf.for %scan3A_193 = %scan3A_23 to %scan3A_25 step %scan3A_26  : i32 {
      %mul3A_194 = arith.constant 16 : i32
      %mul3A_195 = arith.muli %scan3A_193, %mul3A_194 : i32
      %get3A = arith.constant 0 : i32
      %get3A_196 = arith.index_cast %get3A : i32 to index
      %get3A_197 = arith.index_cast %mul3A_195 : i32 to index
      %get3A_198 = tpu.vector_load %arg13[%get3A_196, %get3A_197] {strides = array<i32>} : memref<2x96xi32, #tpu.memory_space<vmem>>, vector<16xi32>,
      %mul3A_199 = arith.constant 16 : i32
      %mul3A_200 = arith.muli %scan3A_193, %mul3A_199 : i32
      %get3A_201 = arith.constant 1 : i32
      %get3A_202 = arith.index_cast %get3A_201 : i32 to index
      %get3A_203 = arith.index_cast %mul3A_200 : i32 to index
      %get3A_204 = tpu.vector_load %arg13[%get3A_202, %get3A_203] {strides = array<i32>} : memref<2x96xi32, #tpu.memory_space<vmem>>, vector<16xi32>,
      %gather3A = tpu.vector_load_idx %arg11[%get3A_198] : memref<10240xf32, #tpu.memory_space<vmem>>[vector<16xi32>], vector<16xf32>,
      %gather3A_205 = tpu.vector_load_idx %arg12[%get3A_204] : memref<10240xf32, #tpu.memory_space<vmem>>[vector<16xi32>], vector<16xf32>,
      %add3A_206 = arith.addf %gather3A, %gather3A_205 : vector<16xf32>
      %ge3A = arith.constant 0.000000e+00 : f32
      %ge3A_207 = vector.broadcast %ge3A : f32 to vector<16xf32>
      %ge3A_208 = arith.cmpf oge, %add3A_206, %ge3A_207 : vector<16xf32>
      %mul3A_209 = arith.constant 2.000000e-01 : f32
      %mul3A_210 = vector.broadcast %mul3A_209 : f32 to vector<16xf32>
      %mul3A_211 = arith.mulf %mul3A_210, %add3A_206 : vector<16xf32>
      %select_n3A = arith.select %ge3A_208, %add3A_206, %mul3A_211 : vector<16xi1>, vector<16xf32>
      %add3A_212 = arith.constant 0 : i32
      %add3A_213 = arith.addi %mul3A_2, %add3A_212 : i32
      %mul3A_214 = arith.constant 96 : i32
      %mul3A_215 = arith.muli %add3A_213, %mul3A_214 : i32
      %mul3A_216 = arith.constant 16 : i32
      %mul3A_217 = arith.muli %scan3A_193, %mul3A_216 : i32
      %add3A_218 = arith.addi %mul3A_215, %mul3A_217 : i32
      %add3A_219 = vector.broadcast %add3A_218 : i32 to vector<16xi32>
      %add3A_220 = arith.addi %add3A_219, %iota3A : vector<16xi32>
      %lt3A = arith.constant 330000 : i32
      %lt3A_221 = vector.broadcast %lt3A : i32 to vector<16xi32>
      %lt3A_222 = arith.cmpi slt, %add3A_220, %lt3A_221 : vector<16xi32>
      %exp3A = math.exp %select_n3A : vector<16xf32>
      %jit3A = arith.constant 0.000000e+00 : f32
      %broadcast_in_dim3A = vector.broadcast %jit3A : f32 to vector<16xf32>
      %select_n3A_223 = arith.select %lt3A_222, %exp3A, %broadcast_in_dim3A : vector<16xi1>, vector<16xf32>
      %mul3A_224 = arith.constant 16 : i32
      %mul3A_225 = arith.muli %scan3A_193, %mul3A_224 : i32
      %swap3A = arith.index_cast %mul3A_225 : i32 to index
      %swap3A_226 = tpu.vector_load %arg15[%swap3A] {strides = array<i32>} : memref<96xf32, #tpu.memory_space<vmem>>, vector<16xf32>,
      tpu.vector_store %arg15[%swap3A], %select_n3A_223 {strides = array<i32>} : memref<96xf32, #tpu.memory_space<vmem>>, vector<16xf32>,
      %add3A_227 = arith.constant 0 : i32
      %add3A_228 = vector.broadcast %add3A_227 : i32 to vector<16xi32>
      %add3A_229 = arith.addi %get3A_198, %add3A_228 : vector<16xi32>
      %mul3A_230 = arith.constant 16 : i32
      %mul3A_231 = arith.muli %scan3A_193, %mul3A_230 : i32
      %swap3A_232 = arith.index_cast %mul3A_231 : i32 to index
      %swap3A_233 = tpu.vector_load %arg17[%swap3A_232] {strides = array<i32>} : memref<96xi32, #tpu.memory_space<vmem>>, vector<16xi32>,
      tpu.vector_store %arg17[%swap3A_232], %add3A_229 {strides = array<i32>} : memref<96xi32, #tpu.memory_space<vmem>>, vector<16xi32>,
      %mul3A_234 = arith.constant 16 : i32
      %mul3A_235 = arith.muli %scan3A_193, %mul3A_234 : i32
      %swap3A_236 = arith.index_cast %mul3A_235 : i32 to index
      %swap3A_237 = tpu.vector_load %arg19[%swap3A_236] {strides = array<i32>} : memref<96xi32, #tpu.memory_space<vmem>>, vector<16xi32>,
      tpu.vector_store %arg19[%swap3A_236], %get3A_204 {strides = array<i32>} : memref<96xi32, #tpu.memory_space<vmem>>, vector<16xi32>,
    }
    %scan3A_27 = arith.constant 6 : i32
    %dma_start3A_28 = arith.constant 0 : i32
    %dma_start3A_29 = arith.constant 0 : i32
    %dma_start3A_30 = tpu.memref_slice %arg2[%dma_start3A_28, %dma_start3A_29] : memref<30720x128xf32, #tpu.memory_space<hbm>> -> memref<30720x128xf32, #tpu.memory_space<hbm>>
    tpu.enqueue_indirect_dma source(%dma_start3A_30 : memref<30720x128xf32, #tpu.memory_space<hbm>>) target(%arg21 : memref<96x128xf32, #tpu.memory_space<vmem>>) offsets(%arg17 : memref<96xi32, #tpu.memory_space<vmem>>) semaphore(%arg25 : memref<!tpu.dma_semaphore, #tpu.memory_space<semaphore_mem>>)
    %add3A_31 = arith.constant 1 : i32
    %add3A_32 = arith.addi %mul3A_2, %add3A_31 : i32
    %dma_start3A_33 = arith.constant 0 : i32
    %dma_start3A_34 = arith.constant 0 : i32
    %dma_start3A_35 = tpu.memref_slice %arg4[%add3A_32, %dma_start3A_33, %dma_start3A_34] : memref<3456x2x96xi32, #tpu.memory_space<hbm>> -> memref<1x2x96xi32, #tpu.memory_space<hbm>>
    %dma_start3A_36 = tpu.memref_squeeze %dma_start3A_35 : memref<1x2x96xi32, #tpu.memory_space<hbm>> -> memref<2x96xi32, #tpu.memory_space<hbm>>
    %dma_start3A_37 = arith.constant 0 : i32
    %dma_start3A_38 = arith.constant 0 : i32
    %dma_start3A_39 = tpu.memref_slice %arg4[%add3A_32, %dma_start3A_37, %dma_start3A_38] : memref<3456x2x96xi32, #tpu.memory_space<hbm>> -> memref<1x2x96xi32, #tpu.memory_space<hbm>>
    %dma_start3A_40 = tpu.memref_squeeze %dma_start3A_39 : memref<1x2x96xi32, #tpu.memory_space<hbm>> -> memref<2x96xi32, #tpu.memory_space<hbm>>
    tpu.enqueue_dma source(%dma_start3A_40 : memref<2x96xi32, #tpu.memory_space<hbm>>) target(%arg14 : memref<2x96xi32, #tpu.memory_space<vmem>>) target_semaphore(%arg24 : memref<!tpu.dma_semaphore, #tpu.memory_space<semaphore_mem>>)
    %scan3A_41 = arith.constant 0 : i32
    %scan3A_42 = arith.constant 0 : i32
    %scan3A_43 = arith.constant 54 : i32
    %scan3A_44 = arith.addi %scan3A_42, %scan3A_43 : i32
    %scan3A_45 = arith.constant 1 : i32
    scf.for %scan3A_193 = %scan3A_42 to %scan3A_44 step %scan3A_45  : i32 {
      %mul3A_194 = arith.constant 2 : i32
      %mul3A_195 = arith.muli %mul3A_194, %scan3A_193 : i32
      %eq3A_196 = arith.constant 53 : i32
      %eq3A_197 = arith.cmpi eq, %scan3A_193, %eq3A_196 : i32
      %dma_wait3A_198 = arith.constant 0 : i32
      %dma_wait3A_199 = arith.constant 0 : i32
      %dma_wait3A_200 = arith.constant 0 : i32
      %dma_wait3A_201 = tpu.memref_slice %arg4[%dma_wait3A_198, %dma_wait3A_199, %dma_wait3A_200] : memref<3456x2x96xi32, #tpu.memory_space<hbm>> -> memref<1x2x96xi32, #tpu.memory_space<hbm>>
      %dma_wait3A_202 = tpu.memref_squeeze %dma_wait3A_201 : memref<1x2x96xi32, #tpu.memory_space<hbm>> -> memref<2x96xi32, #tpu.memory_space<hbm>>
      %dma_wait3A_203 = arith.constant 0 : i32
      %dma_wait3A_204 = arith.constant 0 : i32
      %dma_wait3A_205 = tpu.memref_slice %arg4[%dma_wait3A_198, %dma_wait3A_203, %dma_wait3A_204] : memref<3456x2x96xi32, #tpu.memory_space<hbm>> -> memref<1x2x96xi32, #tpu.memory_space<hbm>>
      %dma_wait3A_206 = tpu.memref_squeeze %dma_wait3A_205 : memref<1x2x96xi32, #tpu.memory_space<hbm>> -> memref<2x96xi32, #tpu.memory_space<hbm>>
      tpu.wait_dma2 semaphore(%arg24 : memref<!tpu.dma_semaphore, #tpu.memory_space<semaphore_mem>>) src(%dma_wait3A_206 : memref<2x96xi32, #tpu.memory_space<hbm>>) dst(%arg14 : memref<2x96xi32, #tpu.memory_space<vmem>>)
      %add3A_207 = arith.constant 1 : i32
      %add3A_208 = arith.addi %mul3A_195, %add3A_207 : i32
      %scan3A_209 = arith.constant 0 : i32
      %scan3A_210 = arith.constant 0 : i32
      %scan3A_211 = arith.constant 6 : i32
      %scan3A_212 = arith.addi %scan3A_210, %scan3A_211 : i32
      %scan3A_213 = arith.constant 1 : i32
      scf.for %scan3A_245 = %scan3A_210 to %scan3A_212 step %scan3A_213  : i32 {
        %mul3A_246 = arith.constant 16 : i32
        %mul3A_247 = arith.muli %scan3A_245, %mul3A_246 : i32
        %get3A = arith.constant 0 : i32
        %get3A_248 = arith.index_cast %get3A : i32 to index
        %get3A_249 = arith.index_cast %mul3A_247 : i32 to index
        %get3A_250 = tpu.vector_load %arg14[%get3A_248, %get3A_249] {strides = array<i32>} : memref<2x96xi32, #tpu.memory_space<vmem>>, vector<16xi32>,
        %mul3A_251 = arith.constant 16 : i32
        %mul3A_252 = arith.muli %scan3A_245, %mul3A_251 : i32
        %get3A_253 = arith.constant 1 : i32
        %get3A_254 = arith.index_cast %get3A_253 : i32 to index
        %get3A_255 = arith.index_cast %mul3A_252 : i32 to index
        %get3A_256 = tpu.vector_load %arg14[%get3A_254, %get3A_255] {strides = array<i32>} : memref<2x96xi32, #tpu.memory_space<vmem>>, vector<16xi32>,
        %gather3A = tpu.vector_load_idx %arg11[%get3A_250] : memref<10240xf32, #tpu.memory_space<vmem>>[vector<16xi32>], vector<16xf32>,
        %gather3A_257 = tpu.vector_load_idx %arg12[%get3A_256] : memref<10240xf32, #tpu.memory_space<vmem>>[vector<16xi32>], vector<16xf32>,
        %add3A_258 = arith.addf %gather3A, %gather3A_257 : vector<16xf32>
        %ge3A = arith.constant 0.000000e+00 : f32
        %ge3A_259 = vector.broadcast %ge3A : f32 to vector<16xf32>
        %ge3A_260 = arith.cmpf oge, %add3A_258, %ge3A_259 : vector<16xf32>
        %mul3A_261 = arith.constant 2.000000e-01 : f32
        %mul3A_262 = vector.broadcast %mul3A_261 : f32 to vector<16xf32>
        %mul3A_263 = arith.mulf %mul3A_262, %add3A_258 : vector<16xf32>
        %select_n3A = arith.select %ge3A_260, %add3A_258, %mul3A_263 : vector<16xi1>, vector<16xf32>
        %add3A_264 = arith.addi %mul3A_2, %add3A_208 : i32
        %mul3A_265 = arith.constant 96 : i32
        %mul3A_266 = arith.muli %add3A_264, %mul3A_265 : i32
        %mul3A_267 = arith.constant 16 : i32
        %mul3A_268 = arith.muli %scan3A_245, %mul3A_267 : i32
        %add3A_269 = arith.addi %mul3A_266, %mul3A_268 : i32
        %add3A_270 = vector.broadcast %add3A_269 : i32 to vector<16xi32>
        %add3A_271 = arith.addi %add3A_270, %iota3A : vector<16xi32>
        %lt3A = arith.constant 330000 : i32
        %lt3A_272 = vector.broadcast %lt3A : i32 to vector<16xi32>
        %lt3A_273 = arith.cmpi slt, %add3A_271, %lt3A_272 : vector<16xi32>
        %exp3A = math.exp %select_n3A : vector<16xf32>
        %jit3A = arith.constant 0.000000e+00 : f32
        %broadcast_in_dim3A = vector.broadcast %jit3A : f32 to vector<16xf32>
        %select_n3A_274 = arith.select %lt3A_273, %exp3A, %broadcast_in_dim3A : vector<16xi1>, vector<16xf32>
        %mul3A_275 = arith.constant 16 : i32
        %mul3A_276 = arith.muli %scan3A_245, %mul3A_275 : i32
        %swap3A = arith.index_cast %mul3A_276 : i32 to index
        %swap3A_277 = tpu.vector_load %arg16[%swap3A] {strides = array<i32>} : memref<96xf32, #tpu.memory_space<vmem>>, vector<16xf32>,
        tpu.vector_store %arg16[%swap3A], %select_n3A_274 {strides = array<i32>} : memref<96xf32, #tpu.memory_space<vmem>>, vector<16xf32>,
        %add3A_278 = arith.constant 0 : i32
        %add3A_279 = vector.broadcast %add3A_278 : i32 to vector<16xi32>
        %add3A_280 = arith.addi %get3A_250, %add3A_279 : vector<16xi32>
        %mul3A_281 = arith.constant 16 : i32
        %mul3A_282 = arith.muli %scan3A_245, %mul3A_281 : i32
        %swap3A_283 = arith.index_cast %mul3A_282 : i32 to index
        %swap3A_284 = tpu.vector_load %arg18[%swap3A_283] {strides = array<i32>} : memref<96xi32, #tpu.memory_space<vmem>>, vector<16xi32>,
        tpu.vector_store %arg18[%swap3A_283], %add3A_280 {strides = array<i32>} : memref<96xi32, #tpu.memory_space<vmem>>, vector<16xi32>,
        %mul3A_285 = arith.constant 16 : i32
        %mul3A_286 = arith.muli %scan3A_245, %mul3A_285 : i32
        %swap3A_287 = arith.index_cast %mul3A_286 : i32 to index
        %swap3A_288 = tpu.vector_load %arg20[%swap3A_287] {strides = array<i32>} : memref<96xi32, #tpu.memory_space<vmem>>, vector<16xi32>,
        tpu.vector_store %arg20[%swap3A_287], %get3A_256 {strides = array<i32>} : memref<96xi32, #tpu.memory_space<vmem>>, vector<16xi32>,
      }
      %scan3A_214 = arith.constant 6 : i32
      %dma_start3A_215 = arith.constant 0 : i32
      %dma_start3A_216 = arith.constant 0 : i32
      %dma_start3A_217 = tpu.memref_slice %arg2[%dma_start3A_215, %dma_start3A_216] : memref<30720x128xf32, #tpu.memory_space<hbm>> -> memref<30720x128xf32, #tpu.memory_space<hbm>>
      tpu.enqueue_indirect_dma source(%dma_start3A_217 : memref<30720x128xf32, #tpu.memory_space<hbm>>) target(%arg22 : memref<96x128xf32, #tpu.memory_space<vmem>>) offsets(%arg18 : memref<96xi32, #tpu.memory_space<vmem>>) semaphore(%arg26 : memref<!tpu.dma_semaphore, #tpu.memory_space<semaphore_mem>>)
      %not3A = arith.constant true
      %not3A_218 = arith.xori %eq3A_197, %not3A : i1
      %convert_element_type3A_219 = arith.extui %not3A_218 : i1 to i32
      %cond3A_220 = arith.constant 0 : i32
      %cond3A_221 = arith.cmpi ne, %convert_element_type3A_219, %cond3A_220 : i32
      scf.if %cond3A_221 {
        %add3A_245 = arith.constant 2 : i32
        %add3A_246 = arith.addi %mul3A_195, %add3A_245 : i32
        %add3A_247 = arith.addi %mul3A_2, %add3A_246 : i32
        %dma_start3A_248 = arith.constant 0 : i32
        %dma_start3A_249 = arith.constant 0 : i32
        %dma_start3A_250 = tpu.memref_slice %arg4[%add3A_247, %dma_start3A_248, %dma_start3A_249] : memref<3456x2x96xi32, #tpu.memory_space<hbm>> -> memref<1x2x96xi32, #tpu.memory_space<hbm>>
        %dma_start3A_251 = tpu.memref_squeeze %dma_start3A_250 : memref<1x2x96xi32, #tpu.memory_space<hbm>> -> memref<2x96xi32, #tpu.memory_space<hbm>>
        %dma_start3A_252 = arith.constant 0 : i32
        %dma_start3A_253 = arith.constant 0 : i32
        %dma_start3A_254 = tpu.memref_slice %arg4[%add3A_247, %dma_start3A_252, %dma_start3A_253] : memref<3456x2x96xi32, #tpu.memory_space<hbm>> -> memref<1x2x96xi32, #tpu.memory_space<hbm>>
        %dma_start3A_255 = tpu.memref_squeeze %dma_start3A_254 : memref<1x2x96xi32, #tpu.memory_space<hbm>> -> memref<2x96xi32, #tpu.memory_space<hbm>>
        tpu.enqueue_dma source(%dma_start3A_255 : memref<2x96xi32, #tpu.memory_space<hbm>>) target(%arg13 : memref<2x96xi32, #tpu.memory_space<vmem>>) target_semaphore(%arg23 : memref<!tpu.dma_semaphore, #tpu.memory_space<semaphore_mem>>)
      } else {
      }
      %dma_wait3A_222 = arith.constant 0 : i32
      %dma_wait3A_223 = arith.constant 0 : i32
      %dma_wait3A_224 = tpu.memref_slice %arg2[%dma_wait3A_222, %dma_wait3A_223] : memref<30720x128xf32, #tpu.memory_space<hbm>> -> memref<30720x128xf32, #tpu.memory_space<hbm>>
      tpu.wait_indirect_dma semaphore(%arg25 : memref<!tpu.dma_semaphore, #tpu.memory_space<semaphore_mem>>) src(%dma_wait3A_224 : memref<30720x128xf32, #tpu.memory_space<hbm>>) dst(%arg21 : memref<96x128xf32, #tpu.memory_space<vmem>>)
      "tpu.region"() ({
        %run_scoped3A_245 = tpu.sem_alloc : memref<!tpu.dma_semaphore, #tpu.memory_space<semaphore_mem>>
        %dma_start3A_246 = arith.constant 0 : i32
        %dma_start3A_247 = tpu.memref_slice %arg10[%dma_start3A_246] : memref<10240xf32, #tpu.memory_space<vmem_shared>> -> memref<10240xf32, #tpu.memory_space<vmem_shared>>
        tpu.enqueue_indirect_dma source(%arg15 : memref<96xf32, #tpu.memory_space<vmem>>) target(%dma_start3A_247 : memref<10240xf32, #tpu.memory_space<vmem_shared>>) offsets(%arg19 : memref<96xi32, #tpu.memory_space<vmem>>) semaphore(%run_scoped3A_245 : memref<!tpu.dma_semaphore, #tpu.memory_space<semaphore_mem>>) {add = true}
        %dma_wait3A_248 = arith.constant 0 : i32
        %dma_wait3A_249 = tpu.memref_slice %arg10[%dma_wait3A_248] : memref<10240xf32, #tpu.memory_space<vmem_shared>> -> memref<10240xf32, #tpu.memory_space<vmem_shared>>
        tpu.wait_indirect_dma semaphore(%run_scoped3A_245 : memref<!tpu.dma_semaphore, #tpu.memory_space<semaphore_mem>>) src(%arg15 : memref<96xf32, #tpu.memory_space<vmem>>) dst(%dma_wait3A_249 : memref<10240xf32, #tpu.memory_space<vmem_shared>>)
        tpu.yield
      }) : () -> ()
      %scan3A_225 = arith.constant 0 : i32
      %scan3A_226 = arith.constant 0 : i32
      %scan3A_227 = arith.constant 24 : i32
      %scan3A_228 = arith.addi %scan3A_226, %scan3A_227 : i32
      %scan3A_229 = arith.constant 1 : i32
      scf.for %scan3A_245 = %scan3A_226 to %scan3A_228 step %scan3A_229  : i32 {
        %mul3A_246 = arith.constant 4 : i32
        %mul3A_247 = arith.muli %scan3A_245, %mul3A_246 : i32
        %add3A_248 = arith.constant 0 : i32
        %add3A_249 = arith.addi %mul3A_247, %add3A_248 : i32
        %mul3A_250 = arith.constant 0 : i32
        %mul3A_251 = vector.broadcast %mul3A_250 : i32 to vector<16xi32>
        %mul3A_252 = arith.muli %iota3A, %mul3A_251 : vector<16xi32>
        %add3A_253 = vector.broadcast %add3A_249 : i32 to vector<16xi32>
        %add3A_254 = arith.addi %mul3A_252, %add3A_253 : vector<16xi32>
        %gather3A = tpu.vector_load_idx %arg15[%add3A_254] : memref<96xf32, #tpu.memory_space<vmem>>[vector<16xi32>], vector<16xf32>,
        %get3A = arith.index_cast %add3A_249 : i32 to index
        %get3A_255 = arith.constant 0 : index
        %get3A_256 = tpu.vector_load %arg21[%get3A, %get3A_255] {strides = array<i32>} : memref<96x128xf32, #tpu.memory_space<vmem>>, vector<16xf32>,
        %mul3A_257 = arith.mulf %get3A_256, %gather3A : vector<16xf32>
        %swap3A = arith.index_cast %add3A_249 : i32 to index
        %swap3A_258 = arith.constant 0 : index
        %swap3A_259 = tpu.vector_load %arg21[%swap3A, %swap3A_258] {strides = array<i32>} : memref<96x128xf32, #tpu.memory_space<vmem>>, vector<16xf32>,
        tpu.vector_store %arg21[%swap3A, %swap3A_258], %mul3A_257 {strides = array<i32>} : memref<96x128xf32, #tpu.memory_space<vmem>>, vector<16xf32>,
        %get3A_260 = arith.index_cast %add3A_249 : i32 to index
        %get3A_261 = arith.constant 16 : index
        %get3A_262 = tpu.vector_load %arg21[%get3A_260, %get3A_261] {strides = array<i32>} : memref<96x128xf32, #tpu.memory_space<vmem>>, vector<16xf32>,
        %mul3A_263 = arith.mulf %get3A_262, %gather3A : vector<16xf32>
        %swap3A_264 = arith.index_cast %add3A_249 : i32 to index
        %swap3A_265 = arith.constant 16 : index
        %swap3A_266 = tpu.vector_load %arg21[%swap3A_264, %swap3A_265] {strides = array<i32>} : memref<96x128xf32, #tpu.memory_space<vmem>>, vector<16xf32>,
        tpu.vector_store %arg21[%swap3A_264, %swap3A_265], %mul3A_263 {strides = array<i32>} : memref<96x128xf32, #tpu.memory_space<vmem>>, vector<16xf32>,
        %get3A_267 = arith.index_cast %add3A_249 : i32 to index
        %get3A_268 = arith.constant 32 : index
        %get3A_269 = tpu.vector_load %arg21[%get3A_267, %get3A_268] {strides = array<i32>} : memref<96x128xf32, #tpu.memory_space<vmem>>, vector<16xf32>,
        %mul3A_270 = arith.mulf %get3A_269, %gather3A : vector<16xf32>
        %swap3A_271 = arith.index_cast %add3A_249 : i32 to index
        %swap3A_272 = arith.constant 32 : index
        %swap3A_273 = tpu.vector_load %arg21[%swap3A_271, %swap3A_272] {strides = array<i32>} : memref<96x128xf32, #tpu.memory_space<vmem>>, vector<16xf32>,
        tpu.vector_store %arg21[%swap3A_271, %swap3A_272], %mul3A_270 {strides = array<i32>} : memref<96x128xf32, #tpu.memory_space<vmem>>, vector<16xf32>,
        %get3A_274 = arith.index_cast %add3A_249 : i32 to index
        %get3A_275 = arith.constant 48 : index
        %get3A_276 = tpu.vector_load %arg21[%get3A_274, %get3A_275] {strides = array<i32>} : memref<96x128xf32, #tpu.memory_space<vmem>>, vector<16xf32>,
        %mul3A_277 = arith.mulf %get3A_276, %gather3A : vector<16xf32>
        %swap3A_278 = arith.index_cast %add3A_249 : i32 to index
        %swap3A_279 = arith.constant 48 : index
        %swap3A_280 = tpu.vector_load %arg21[%swap3A_278, %swap3A_279] {strides = array<i32>} : memref<96x128xf32, #tpu.memory_space<vmem>>, vector<16xf32>,
        tpu.vector_store %arg21[%swap3A_278, %swap3A_279], %mul3A_277 {strides = array<i32>} : memref<96x128xf32, #tpu.memory_space<vmem>>, vector<16xf32>,
        %get3A_281 = arith.index_cast %add3A_249 : i32 to index
        %get3A_282 = arith.constant 64 : index
        %get3A_283 = tpu.vector_load %arg21[%get3A_281, %get3A_282] {strides = array<i32>} : memref<96x128xf32, #tpu.memory_space<vmem>>, vector<16xf32>,
        %mul3A_284 = arith.mulf %get3A_283, %gather3A : vector<16xf32>
        %swap3A_285 = arith.index_cast %add3A_249 : i32 to index
        %swap3A_286 = arith.constant 64 : index
        %swap3A_287 = tpu.vector_load %arg21[%swap3A_285, %swap3A_286] {strides = array<i32>} : memref<96x128xf32, #tpu.memory_space<vmem>>, vector<16xf32>,
        tpu.vector_store %arg21[%swap3A_285, %swap3A_286], %mul3A_284 {strides = array<i32>} : memref<96x128xf32, #tpu.memory_space<vmem>>, vector<16xf32>,
        %get3A_288 = arith.index_cast %add3A_249 : i32 to index
        %get3A_289 = arith.constant 80 : index
        %get3A_290 = tpu.vector_load %arg21[%get3A_288, %get3A_289] {strides = array<i32>} : memref<96x128xf32, #tpu.memory_space<vmem>>, vector<16xf32>,
        %mul3A_291 = arith.mulf %get3A_290, %gather3A : vector<16xf32>
        %swap3A_292 = arith.index_cast %add3A_249 : i32 to index
        %swap3A_293 = arith.constant 80 : index
        %swap3A_294 = tpu.vector_load %arg21[%swap3A_292, %swap3A_293] {strides = array<i32>} : memref<96x128xf32, #tpu.memory_space<vmem>>, vector<16xf32>,
        tpu.vector_store %arg21[%swap3A_292, %swap3A_293], %mul3A_291 {strides = array<i32>} : memref<96x128xf32, #tpu.memory_space<vmem>>, vector<16xf32>,
        %get3A_295 = arith.index_cast %add3A_249 : i32 to index
        %get3A_296 = arith.constant 96 : index
        %get3A_297 = tpu.vector_load %arg21[%get3A_295, %get3A_296] {strides = array<i32>} : memref<96x128xf32, #tpu.memory_space<vmem>>, vector<16xf32>,
        %mul3A_298 = arith.mulf %get3A_297, %gather3A : vector<16xf32>
        %swap3A_299 = arith.index_cast %add3A_249 : i32 to index
        %swap3A_300 = arith.constant 96 : index
        %swap3A_301 = tpu.vector_load %arg21[%swap3A_299, %swap3A_300] {strides = array<i32>} : memref<96x128xf32, #tpu.memory_space<vmem>>, vector<16xf32>,
        tpu.vector_store %arg21[%swap3A_299, %swap3A_300], %mul3A_298 {strides = array<i32>} : memref<96x128xf32, #tpu.memory_space<vmem>>, vector<16xf32>,
        %get3A_302 = arith.index_cast %add3A_249 : i32 to index
        %get3A_303 = arith.constant 112 : index
        %get3A_304 = tpu.vector_load %arg21[%get3A_302, %get3A_303] {strides = array<i32>} : memref<96x128xf32, #tpu.memory_space<vmem>>, vector<16xf32>,
        %mul3A_305 = arith.mulf %get3A_304, %gather3A : vector<16xf32>
        %swap3A_306 = arith.index_cast %add3A_249 : i32 to index
        %swap3A_307 = arith.constant 112 : index
        %swap3A_308 = tpu.vector_load %arg21[%swap3A_306, %swap3A_307] {strides = array<i32>} : memref<96x128xf32, #tpu.memory_space<vmem>>, vector<16xf32>,
        tpu.vector_store %arg21[%swap3A_306, %swap3A_307], %mul3A_305 {strides = array<i32>} : memref<96x128xf32, #tpu.memory_space<vmem>>, vector<16xf32>,
        %mul3A_309 = arith.constant 4 : i32
        %mul3A_310 = arith.muli %scan3A_245, %mul3A_309 : i32
        %add3A_311 = arith.constant 1 : i32
        %add3A_312 = arith.addi %mul3A_310, %add3A_311 : i32
        %mul3A_313 = arith.constant 0 : i32
        %mul3A_314 = vector.broadcast %mul3A_313 : i32 to vector<16xi32>
        %mul3A_315 = arith.muli %iota3A, %mul3A_314 : vector<16xi32>
        %add3A_316 = vector.broadcast %add3A_312 : i32 to vector<16xi32>
        %add3A_317 = arith.addi %mul3A_315, %add3A_316 : vector<16xi32>
        %gather3A_318 = tpu.vector_load_idx %arg15[%add3A_317] : memref<96xf32, #tpu.memory_space<vmem>>[vector<16xi32>], vector<16xf32>,
        %get3A_319 = arith.index_cast %add3A_312 : i32 to index
        %get3A_320 = arith.constant 0 : index
        %get3A_321 = tpu.vector_load %arg21[%get3A_319, %get3A_320] {strides = array<i32>} : memref<96x128xf32, #tpu.memory_space<vmem>>, vector<16xf32>,
        %mul3A_322 = arith.mulf %get3A_321, %gather3A_318 : vector<16xf32>
        %swap3A_323 = arith.index_cast %add3A_312 : i32 to index
        %swap3A_324 = arith.constant 0 : index
        %swap3A_325 = tpu.vector_load %arg21[%swap3A_323, %swap3A_324] {strides = array<i32>} : memref<96x128xf32, #tpu.memory_space<vmem>>, vector<16xf32>,
        tpu.vector_store %arg21[%swap3A_323, %swap3A_324], %mul3A_322 {strides = array<i32>} : memref<96x128xf32, #tpu.memory_space<vmem>>, vector<16xf32>,
        %get3A_326 = arith.index_cast %add3A_312 : i32 to index
        %get3A_327 = arith.constant 16 : index
        %get3A_328 = tpu.vector_load %arg21[%get3A_326, %get3A_327] {strides = array<i32>} : memref<96x128xf32, #tpu.memory_space<vmem>>, vector<16xf32>,
        %mul3A_329 = arith.mulf %get3A_328, %gather3A_318 : vector<16xf32>
        %swap3A_330 = arith.index_cast %add3A_312 : i32 to index
        %swap3A_331 = arith.constant 16 : index
        %swap3A_332 = tpu.vector_load %arg21[%swap3A_330, %swap3A_331] {strides = array<i32>} : memref<96x128xf32, #tpu.memory_space<vmem>>, vector<16xf32>,
        tpu.vector_store %arg21[%swap3A_330, %swap3A_331], %mul3A_329 {strides = array<i32>} : memref<96x128xf32, #tpu.memory_space<vmem>>, vector<16xf32>,
        %get3A_333 = arith.index_cast %add3A_312 : i32 to index
        %get3A_334 = arith.constant 32 : index
        %get3A_335 = tpu.vector_load %arg21[%get3A_333, %get3A_334] {strides = array<i32>} : memref<96x128xf32, #tpu.memory_space<vmem>>, vector<16xf32>,
        %mul3A_336 = arith.mulf %get3A_335, %gather3A_318 : vector<16xf32>
        %swap3A_337 = arith.index_cast %add3A_312 : i32 to index
        %swap3A_338 = arith.constant 32 : index
        %swap3A_339 = tpu.vector_load %arg21[%swap3A_337, %swap3A_338] {strides = array<i32>} : memref<96x128xf32, #tpu.memory_space<vmem>>, vector<16xf32>,
        tpu.vector_store %arg21[%swap3A_337, %swap3A_338], %mul3A_336 {strides = array<i32>} : memref<96x128xf32, #tpu.memory_space<vmem>>, vector<16xf32>,
        %get3A_340 = arith.index_cast %add3A_312 : i32 to index
        %get3A_341 = arith.constant 48 : index
        %get3A_342 = tpu.vector_load %arg21[%get3A_340, %get3A_341] {strides = array<i32>} : memref<96x128xf32, #tpu.memory_space<vmem>>, vector<16xf32>,
        %mul3A_343 = arith.mulf %get3A_342, %gather3A_318 : vector<16xf32>
        %swap3A_344 = arith.index_cast %add3A_312 : i32 to index
        %swap3A_345 = arith.constant 48 : index
        %swap3A_346 = tpu.vector_load %arg21[%swap3A_344, %swap3A_345] {strides = array<i32>} : memref<96x128xf32, #tpu.memory_space<vmem>>, vector<16xf32>,
        tpu.vector_store %arg21[%swap3A_344, %swap3A_345], %mul3A_343 {strides = array<i32>} : memref<96x128xf32, #tpu.memory_space<vmem>>, vector<16xf32>,
        %get3A_347 = arith.index_cast %add3A_312 : i32 to index
        %get3A_348 = arith.constant 64 : index
        %get3A_349 = tpu.vector_load %arg21[%get3A_347, %get3A_348] {strides = array<i32>} : memref<96x128xf32, #tpu.memory_space<vmem>>, vector<16xf32>,
        %mul3A_350 = arith.mulf %get3A_349, %gather3A_318 : vector<16xf32>
        %swap3A_351 = arith.index_cast %add3A_312 : i32 to index
        %swap3A_352 = arith.constant 64 : index
        %swap3A_353 = tpu.vector_load %arg21[%swap3A_351, %swap3A_352] {strides = array<i32>} : memref<96x128xf32, #tpu.memory_space<vmem>>, vector<16xf32>,
        tpu.vector_store %arg21[%swap3A_351, %swap3A_352], %mul3A_350 {strides = array<i32>} : memref<96x128xf32, #tpu.memory_space<vmem>>, vector<16xf32>,
        %get3A_354 = arith.index_cast %add3A_312 : i32 to index
        %get3A_355 = arith.constant 80 : index
        %get3A_356 = tpu.vector_load %arg21[%get3A_354, %get3A_355] {strides = array<i32>} : memref<96x128xf32, #tpu.memory_space<vmem>>, vector<16xf32>,
        %mul3A_357 = arith.mulf %get3A_356, %gather3A_318 : vector<16xf32>
        %swap3A_358 = arith.index_cast %add3A_312 : i32 to index
        %swap3A_359 = arith.constant 80 : index
        %swap3A_360 = tpu.vector_load %arg21[%swap3A_358, %swap3A_359] {strides = array<i32>} : memref<96x128xf32, #tpu.memory_space<vmem>>, vector<16xf32>,
        tpu.vector_store %arg21[%swap3A_358, %swap3A_359], %mul3A_357 {strides = array<i32>} : memref<96x128xf32, #tpu.memory_space<vmem>>, vector<16xf32>,
        %get3A_361 = arith.index_cast %add3A_312 : i32 to index
        %get3A_362 = arith.constant 96 : index
        %get3A_363 = tpu.vector_load %arg21[%get3A_361, %get3A_362] {strides = array<i32>} : memref<96x128xf32, #tpu.memory_space<vmem>>, vector<16xf32>,
        %mul3A_364 = arith.mulf %get3A_363, %gather3A_318 : vector<16xf32>
        %swap3A_365 = arith.index_cast %add3A_312 : i32 to index
        %swap3A_366 = arith.constant 96 : index
        %swap3A_367 = tpu.vector_load %arg21[%swap3A_365, %swap3A_366] {strides = array<i32>} : memref<96x128xf32, #tpu.memory_space<vmem>>, vector<16xf32>,
        tpu.vector_store %arg21[%swap3A_365, %swap3A_366], %mul3A_364 {strides = array<i32>} : memref<96x128xf32, #tpu.memory_space<vmem>>, vector<16xf32>,
        %get3A_368 = arith.index_cast %add3A_312 : i32 to index
        %get3A_369 = arith.constant 112 : index
        %get3A_370 = tpu.vector_load %arg21[%get3A_368, %get3A_369] {strides = array<i32>} : memref<96x128xf32, #tpu.memory_space<vmem>>, vector<16xf32>,
        %mul3A_371 = arith.mulf %get3A_370, %gather3A_318 : vector<16xf32>
        %swap3A_372 = arith.index_cast %add3A_312 : i32 to index
        %swap3A_373 = arith.constant 112 : index
        %swap3A_374 = tpu.vector_load %arg21[%swap3A_372, %swap3A_373] {strides = array<i32>} : memref<96x128xf32, #tpu.memory_space<vmem>>, vector<16xf32>,
        tpu.vector_store %arg21[%swap3A_372, %swap3A_373], %mul3A_371 {strides = array<i32>} : memref<96x128xf32, #tpu.memory_space<vmem>>, vector<16xf32>,
        %mul3A_375 = arith.constant 4 : i32
        %mul3A_376 = arith.muli %scan3A_245, %mul3A_375 : i32
        %add3A_377 = arith.constant 2 : i32
        %add3A_378 = arith.addi %mul3A_376, %add3A_377 : i32
        %mul3A_379 = arith.constant 0 : i32
        %mul3A_380 = vector.broadcast %mul3A_379 : i32 to vector<16xi32>
        %mul3A_381 = arith.muli %iota3A, %mul3A_380 : vector<16xi32>
        %add3A_382 = vector.broadcast %add3A_378 : i32 to vector<16xi32>
        %add3A_383 = arith.addi %mul3A_381, %add3A_382 : vector<16xi32>
        %gather3A_384 = tpu.vector_load_idx %arg15[%add3A_383] : memref<96xf32, #tpu.memory_space<vmem>>[vector<16xi32>], vector<16xf32>,
        %get3A_385 = arith.index_cast %add3A_378 : i32 to index
        %get3A_386 = arith.constant 0 : index
        %get3A_387 = tpu.vector_load %arg21[%get3A_385, %get3A_386] {strides = array<i32>} : memref<96x128xf32, #tpu.memory_space<vmem>>, vector<16xf32>,
        %mul3A_388 = arith.mulf %get3A_387, %gather3A_384 : vector<16xf32>
        %swap3A_389 = arith.index_cast %add3A_378 : i32 to index
        %swap3A_390 = arith.constant 0 : index
        %swap3A_391 = tpu.vector_load %arg21[%swap3A_389, %swap3A_390] {strides = array<i32>} : memref<96x128xf32, #tpu.memory_space<vmem>>, vector<16xf32>,
        tpu.vector_store %arg21[%swap3A_389, %swap3A_390], %mul3A_388 {strides = array<i32>} : memref<96x128xf32, #tpu.memory_space<vmem>>, vector<16xf32>,
        %get3A_392 = arith.index_cast %add3A_378 : i32 to index
        %get3A_393 = arith.constant 16 : index
        %get3A_394 = tpu.vector_load %arg21[%get3A_392, %get3A_393] {strides = array<i32>} : memref<96x128xf32, #tpu.memory_space<vmem>>, vector<16xf32>,
        %mul3A_395 = arith.mulf %get3A_394, %gather3A_384 : vector<16xf32>
        %swap3A_396 = arith.index_cast %add3A_378 : i32 to index
        %swap3A_397 = arith.constant 16 : index
        %swap3A_398 = tpu.vector_load %arg21[%swap3A_396, %swap3A_397] {strides = array<i32>} : memref<96x128xf32, #tpu.memory_space<vmem>>, vector<16xf32>,
        tpu.vector_store %arg21[%swap3A_396, %swap3A_397], %mul3A_395 {strides = array<i32>} : memref<96x128xf32, #tpu.memory_space<vmem>>, vector<16xf32>,
        %get3A_399 = arith.index_cast %add3A_378 : i32 to index
        %get3A_400 = arith.constant 32 : index
        %get3A_401 = tpu.vector_load %arg21[%get3A_399, %get3A_400] {strides = array<i32>} : memref<96x128xf32, #tpu.memory_space<vmem>>, vector<16xf32>,
        %mul3A_402 = arith.mulf %get3A_401, %gather3A_384 : vector<16xf32>
        %swap3A_403 = arith.index_cast %add3A_378 : i32 to index
        %swap3A_404 = arith.constant 32 : index
        %swap3A_405 = tpu.vector_load %arg21[%swap3A_403, %swap3A_404] {strides = array<i32>} : memref<96x128xf32, #tpu.memory_space<vmem>>, vector<16xf32>,
        tpu.vector_store %arg21[%swap3A_403, %swap3A_404], %mul3A_402 {strides = array<i32>} : memref<96x128xf32, #tpu.memory_space<vmem>>, vector<16xf32>,
        %get3A_406 = arith.index_cast %add3A_378 : i32 to index
        %get3A_407 = arith.constant 48 : index
        %get3A_408 = tpu.vector_load %arg21[%get3A_406, %get3A_407] {strides = array<i32>} : memref<96x128xf32, #tpu.memory_space<vmem>>, vector<16xf32>,
        %mul3A_409 = arith.mulf %get3A_408, %gather3A_384 : vector<16xf32>
        %swap3A_410 = arith.index_cast %add3A_378 : i32 to index
        %swap3A_411 = arith.constant 48 : index
        %swap3A_412 = tpu.vector_load %arg21[%swap3A_410, %swap3A_411] {strides = array<i32>} : memref<96x128xf32, #tpu.memory_space<vmem>>, vector<16xf32>,
        tpu.vector_store %arg21[%swap3A_410, %swap3A_411], %mul3A_409 {strides = array<i32>} : memref<96x128xf32, #tpu.memory_space<vmem>>, vector<16xf32>,
        %get3A_413 = arith.index_cast %add3A_378 : i32 to index
        %get3A_414 = arith.constant 64 : index
        %get3A_415 = tpu.vector_load %arg21[%get3A_413, %get3A_414] {strides = array<i32>} : memref<96x128xf32, #tpu.memory_space<vmem>>, vector<16xf32>,
        %mul3A_416 = arith.mulf %get3A_415, %gather3A_384 : vector<16xf32>
        %swap3A_417 = arith.index_cast %add3A_378 : i32 to index
        %swap3A_418 = arith.constant 64 : index
        %swap3A_419 = tpu.vector_load %arg21[%swap3A_417, %swap3A_418] {strides = array<i32>} : memref<96x128xf32, #tpu.memory_space<vmem>>, vector<16xf32>,
        tpu.vector_store %arg21[%swap3A_417, %swap3A_418], %mul3A_416 {strides = array<i32>} : memref<96x128xf32, #tpu.memory_space<vmem>>, vector<16xf32>,
        %get3A_420 = arith.index_cast %add3A_378 : i32 to index
        %get3A_421 = arith.constant 80 : index
        %get3A_422 = tpu.vector_load %arg21[%get3A_420, %get3A_421] {strides = array<i32>} : memref<96x128xf32, #tpu.memory_space<vmem>>, vector<16xf32>,
        %mul3A_423 = arith.mulf %get3A_422, %gather3A_384 : vector<16xf32>
        %swap3A_424 = arith.index_cast %add3A_378 : i32 to index
        %swap3A_425 = arith.constant 80 : index
        %swap3A_426 = tpu.vector_load %arg21[%swap3A_424, %swap3A_425] {strides = array<i32>} : memref<96x128xf32, #tpu.memory_space<vmem>>, vector<16xf32>,
        tpu.vector_store %arg21[%swap3A_424, %swap3A_425], %mul3A_423 {strides = array<i32>} : memref<96x128xf32, #tpu.memory_space<vmem>>, vector<16xf32>,
        %get3A_427 = arith.index_cast %add3A_378 : i32 to index
        %get3A_428 = arith.constant 96 : index
        %get3A_429 = tpu.vector_load %arg21[%get3A_427, %get3A_428] {strides = array<i32>} : memref<96x128xf32, #tpu.memory_space<vmem>>, vector<16xf32>,
        %mul3A_430 = arith.mulf %get3A_429, %gather3A_384 : vector<16xf32>
        %swap3A_431 = arith.index_cast %add3A_378 : i32 to index
        %swap3A_432 = arith.constant 96 : index
        %swap3A_433 = tpu.vector_load %arg21[%swap3A_431, %swap3A_432] {strides = array<i32>} : memref<96x128xf32, #tpu.memory_space<vmem>>, vector<16xf32>,
        tpu.vector_store %arg21[%swap3A_431, %swap3A_432], %mul3A_430 {strides = array<i32>} : memref<96x128xf32, #tpu.memory_space<vmem>>, vector<16xf32>,
        %get3A_434 = arith.index_cast %add3A_378 : i32 to index
        %get3A_435 = arith.constant 112 : index
        %get3A_436 = tpu.vector_load %arg21[%get3A_434, %get3A_435] {strides = array<i32>} : memref<96x128xf32, #tpu.memory_space<vmem>>, vector<16xf32>,
        %mul3A_437 = arith.mulf %get3A_436, %gather3A_384 : vector<16xf32>
        %swap3A_438 = arith.index_cast %add3A_378 : i32 to index
        %swap3A_439 = arith.constant 112 : index
        %swap3A_440 = tpu.vector_load %arg21[%swap3A_438, %swap3A_439] {strides = array<i32>} : memref<96x128xf32, #tpu.memory_space<vmem>>, vector<16xf32>,
        tpu.vector_store %arg21[%swap3A_438, %swap3A_439], %mul3A_437 {strides = array<i32>} : memref<96x128xf32, #tpu.memory_space<vmem>>, vector<16xf32>,
        %mul3A_441 = arith.constant 4 : i32
        %mul3A_442 = arith.muli %scan3A_245, %mul3A_441 : i32
        %add3A_443 = arith.constant 3 : i32
        %add3A_444 = arith.addi %mul3A_442, %add3A_443 : i32
        %mul3A_445 = arith.constant 0 : i32
        %mul3A_446 = vector.broadcast %mul3A_445 : i32 to vector<16xi32>
        %mul3A_447 = arith.muli %iota3A, %mul3A_446 : vector<16xi32>
        %add3A_448 = vector.broadcast %add3A_444 : i32 to vector<16xi32>
        %add3A_449 = arith.addi %mul3A_447, %add3A_448 : vector<16xi32>
        %gather3A_450 = tpu.vector_load_idx %arg15[%add3A_449] : memref<96xf32, #tpu.memory_space<vmem>>[vector<16xi32>], vector<16xf32>,
        %get3A_451 = arith.index_cast %add3A_444 : i32 to index
        %get3A_452 = arith.constant 0 : index
        %get3A_453 = tpu.vector_load %arg21[%get3A_451, %get3A_452] {strides = array<i32>} : memref<96x128xf32, #tpu.memory_space<vmem>>, vector<16xf32>,
        %mul3A_454 = arith.mulf %get3A_453, %gather3A_450 : vector<16xf32>
        %swap3A_455 = arith.index_cast %add3A_444 : i32 to index
        %swap3A_456 = arith.constant 0 : index
        %swap3A_457 = tpu.vector_load %arg21[%swap3A_455, %swap3A_456] {strides = array<i32>} : memref<96x128xf32, #tpu.memory_space<vmem>>, vector<16xf32>,
        tpu.vector_store %arg21[%swap3A_455, %swap3A_456], %mul3A_454 {strides = array<i32>} : memref<96x128xf32, #tpu.memory_space<vmem>>, vector<16xf32>,
        %get3A_458 = arith.index_cast %add3A_444 : i32 to index
        %get3A_459 = arith.constant 16 : index
        %get3A_460 = tpu.vector_load %arg21[%get3A_458, %get3A_459] {strides = array<i32>} : memref<96x128xf32, #tpu.memory_space<vmem>>, vector<16xf32>,
        %mul3A_461 = arith.mulf %get3A_460, %gather3A_450 : vector<16xf32>
        %swap3A_462 = arith.index_cast %add3A_444 : i32 to index
        %swap3A_463 = arith.constant 16 : index
        %swap3A_464 = tpu.vector_load %arg21[%swap3A_462, %swap3A_463] {strides = array<i32>} : memref<96x128xf32, #tpu.memory_space<vmem>>, vector<16xf32>,
        tpu.vector_store %arg21[%swap3A_462, %swap3A_463], %mul3A_461 {strides = array<i32>} : memref<96x128xf32, #tpu.memory_space<vmem>>, vector<16xf32>,
        %get3A_465 = arith.index_cast %add3A_444 : i32 to index
        %get3A_466 = arith.constant 32 : index
        %get3A_467 = tpu.vector_load %arg21[%get3A_465, %get3A_466] {strides = array<i32>} : memref<96x128xf32, #tpu.memory_space<vmem>>, vector<16xf32>,
        %mul3A_468 = arith.mulf %get3A_467, %gather3A_450 : vector<16xf32>
        %swap3A_469 = arith.index_cast %add3A_444 : i32 to index
        %swap3A_470 = arith.constant 32 : index
        %swap3A_471 = tpu.vector_load %arg21[%swap3A_469, %swap3A_470] {strides = array<i32>} : memref<96x128xf32, #tpu.memory_space<vmem>>, vector<16xf32>,
        tpu.vector_store %arg21[%swap3A_469, %swap3A_470], %mul3A_468 {strides = array<i32>} : memref<96x128xf32, #tpu.memory_space<vmem>>, vector<16xf32>,
        %get3A_472 = arith.index_cast %add3A_444 : i32 to index
        %get3A_473 = arith.constant 48 : index
        %get3A_474 = tpu.vector_load %arg21[%get3A_472, %get3A_473] {strides = array<i32>} : memref<96x128xf32, #tpu.memory_space<vmem>>, vector<16xf32>,
        %mul3A_475 = arith.mulf %get3A_474, %gather3A_450 : vector<16xf32>
        %swap3A_476 = arith.index_cast %add3A_444 : i32 to index
        %swap3A_477 = arith.constant 48 : index
        %swap3A_478 = tpu.vector_load %arg21[%swap3A_476, %swap3A_477] {strides = array<i32>} : memref<96x128xf32, #tpu.memory_space<vmem>>, vector<16xf32>,
        tpu.vector_store %arg21[%swap3A_476, %swap3A_477], %mul3A_475 {strides = array<i32>} : memref<96x128xf32, #tpu.memory_space<vmem>>, vector<16xf32>,
        %get3A_479 = arith.index_cast %add3A_444 : i32 to index
        %get3A_480 = arith.constant 64 : index
        %get3A_481 = tpu.vector_load %arg21[%get3A_479, %get3A_480] {strides = array<i32>} : memref<96x128xf32, #tpu.memory_space<vmem>>, vector<16xf32>,
        %mul3A_482 = arith.mulf %get3A_481, %gather3A_450 : vector<16xf32>
        %swap3A_483 = arith.index_cast %add3A_444 : i32 to index
        %swap3A_484 = arith.constant 64 : index
        %swap3A_485 = tpu.vector_load %arg21[%swap3A_483, %swap3A_484] {strides = array<i32>} : memref<96x128xf32, #tpu.memory_space<vmem>>, vector<16xf32>,
        tpu.vector_store %arg21[%swap3A_483, %swap3A_484], %mul3A_482 {strides = array<i32>} : memref<96x128xf32, #tpu.memory_space<vmem>>, vector<16xf32>,
        %get3A_486 = arith.index_cast %add3A_444 : i32 to index
        %get3A_487 = arith.constant 80 : index
        %get3A_488 = tpu.vector_load %arg21[%get3A_486, %get3A_487] {strides = array<i32>} : memref<96x128xf32, #tpu.memory_space<vmem>>, vector<16xf32>,
        %mul3A_489 = arith.mulf %get3A_488, %gather3A_450 : vector<16xf32>
        %swap3A_490 = arith.index_cast %add3A_444 : i32 to index
        %swap3A_491 = arith.constant 80 : index
        %swap3A_492 = tpu.vector_load %arg21[%swap3A_490, %swap3A_491] {strides = array<i32>} : memref<96x128xf32, #tpu.memory_space<vmem>>, vector<16xf32>,
        tpu.vector_store %arg21[%swap3A_490, %swap3A_491], %mul3A_489 {strides = array<i32>} : memref<96x128xf32, #tpu.memory_space<vmem>>, vector<16xf32>,
        %get3A_493 = arith.index_cast %add3A_444 : i32 to index
        %get3A_494 = arith.constant 96 : index
        %get3A_495 = tpu.vector_load %arg21[%get3A_493, %get3A_494] {strides = array<i32>} : memref<96x128xf32, #tpu.memory_space<vmem>>, vector<16xf32>,
        %mul3A_496 = arith.mulf %get3A_495, %gather3A_450 : vector<16xf32>
        %swap3A_497 = arith.index_cast %add3A_444 : i32 to index
        %swap3A_498 = arith.constant 96 : index
        %swap3A_499 = tpu.vector_load %arg21[%swap3A_497, %swap3A_498] {strides = array<i32>} : memref<96x128xf32, #tpu.memory_space<vmem>>, vector<16xf32>,
        tpu.vector_store %arg21[%swap3A_497, %swap3A_498], %mul3A_496 {strides = array<i32>} : memref<96x128xf32, #tpu.memory_space<vmem>>, vector<16xf32>,
        %get3A_500 = arith.index_cast %add3A_444 : i32 to index
        %get3A_501 = arith.constant 112 : index
        %get3A_502 = tpu.vector_load %arg21[%get3A_500, %get3A_501] {strides = array<i32>} : memref<96x128xf32, #tpu.memory_space<vmem>>, vector<16xf32>,
        %mul3A_503 = arith.mulf %get3A_502, %gather3A_450 : vector<16xf32>
        %swap3A_504 = arith.index_cast %add3A_444 : i32 to index
        %swap3A_505 = arith.constant 112 : index
        %swap3A_506 = tpu.vector_load %arg21[%swap3A_504, %swap3A_505] {strides = array<i32>} : memref<96x128xf32, #tpu.memory_space<vmem>>, vector<16xf32>,
        tpu.vector_store %arg21[%swap3A_504, %swap3A_505], %mul3A_503 {strides = array<i32>} : memref<96x128xf32, #tpu.memory_space<vmem>>, vector<16xf32>,
      }
      %scan3A_230 = arith.constant 24 : i32
      "tpu.region"() ({
        %run_scoped3A_245 = tpu.sem_alloc : memref<!tpu.dma_semaphore, #tpu.memory_space<semaphore_mem>>
        %dma_start3A_246 = arith.constant 0 : i32
        %dma_start3A_247 = arith.constant 0 : i32
        %dma_start3A_248 = tpu.memref_slice %arg9[%dma_start3A_246, %dma_start3A_247] : memref<10240x128xf32, #tpu.memory_space<vmem_shared>> -> memref<10240x128xf32, #tpu.memory_space<vmem_shared>>
        tpu.enqueue_indirect_dma source(%arg21 : memref<96x128xf32, #tpu.memory_space<vmem>>) target(%dma_start3A_248 : memref<10240x128xf32, #tpu.memory_space<vmem_shared>>) offsets(%arg19 : memref<96xi32, #tpu.memory_space<vmem>>) semaphore(%run_scoped3A_245 : memref<!tpu.dma_semaphore, #tpu.memory_space<semaphore_mem>>) {add = true}
        %dma_wait3A_249 = arith.constant 0 : i32
        %dma_wait3A_250 = arith.constant 0 : i32
        %dma_wait3A_251 = tpu.memref_slice %arg9[%dma_wait3A_249, %dma_wait3A_250] : memref<10240x128xf32, #tpu.memory_space<vmem_shared>> -> memref<10240x128xf32, #tpu.memory_space<vmem_shared>>
        tpu.wait_indirect_dma semaphore(%run_scoped3A_245 : memref<!tpu.dma_semaphore, #tpu.memory_space<semaphore_mem>>) src(%arg21 : memref<96x128xf32, #tpu.memory_space<vmem>>) dst(%dma_wait3A_251 : memref<10240x128xf32, #tpu.memory_space<vmem_shared>>)
        tpu.yield
      }) : () -> ()
      %not3A_231 = arith.constant true
      %not3A_232 = arith.xori %eq3A_197, %not3A_231 : i1
      %convert_element_type3A_233 = arith.extui %not3A_232 : i1 to i32
      %cond3A_234 = arith.constant 0 : i32
      %cond3A_235 = arith.cmpi ne, %convert_element_type3A_233, %cond3A_234 : i32
      scf.if %cond3A_235 {
        %dma_wait3A_245 = arith.constant 0 : i32
        %dma_wait3A_246 = arith.constant 0 : i32
        %dma_wait3A_247 = arith.constant 0 : i32
        %dma_wait3A_248 = tpu.memref_slice %arg4[%dma_wait3A_245, %dma_wait3A_246, %dma_wait3A_247] : memref<3456x2x96xi32, #tpu.memory_space<hbm>> -> memref<1x2x96xi32, #tpu.memory_space<hbm>>
        %dma_wait3A_249 = tpu.memref_squeeze %dma_wait3A_248 : memref<1x2x96xi32, #tpu.memory_space<hbm>> -> memref<2x96xi32, #tpu.memory_space<hbm>>
        %dma_wait3A_250 = arith.constant 0 : i32
        %dma_wait3A_251 = arith.constant 0 : i32
        %dma_wait3A_252 = tpu.memref_slice %arg4[%dma_wait3A_245, %dma_wait3A_250, %dma_wait3A_251] : memref<3456x2x96xi32, #tpu.memory_space<hbm>> -> memref<1x2x96xi32, #tpu.memory_space<hbm>>
        %dma_wait3A_253 = tpu.memref_squeeze %dma_wait3A_252 : memref<1x2x96xi32, #tpu.memory_space<hbm>> -> memref<2x96xi32, #tpu.memory_space<hbm>>
        tpu.wait_dma2 semaphore(%arg23 : memref<!tpu.dma_semaphore, #tpu.memory_space<semaphore_mem>>) src(%dma_wait3A_253 : memref<2x96xi32, #tpu.memory_space<hbm>>) dst(%arg13 : memref<2x96xi32, #tpu.memory_space<vmem>>)
        %add3A_254 = arith.constant 2 : i32
        %add3A_255 = arith.addi %mul3A_195, %add3A_254 : i32
        %scan3A_256 = arith.constant 0 : i32
        %scan3A_257 = arith.constant 0 : i32
        %scan3A_258 = arith.constant 6 : i32
        %scan3A_259 = arith.addi %scan3A_257, %scan3A_258 : i32
        %scan3A_260 = arith.constant 1 : i32
        scf.for %scan3A_276 = %scan3A_257 to %scan3A_259 step %scan3A_260  : i32 {
          %mul3A_277 = arith.constant 16 : i32
          %mul3A_278 = arith.muli %scan3A_276, %mul3A_277 : i32
          %get3A = arith.constant 0 : i32
          %get3A_279 = arith.index_cast %get3A : i32 to index
          %get3A_280 = arith.index_cast %mul3A_278 : i32 to index
          %get3A_281 = tpu.vector_load %arg13[%get3A_279, %get3A_280] {strides = array<i32>} : memref<2x96xi32, #tpu.memory_space<vmem>>, vector<16xi32>,
          %mul3A_282 = arith.constant 16 : i32
          %mul3A_283 = arith.muli %scan3A_276, %mul3A_282 : i32
          %get3A_284 = arith.constant 1 : i32
          %get3A_285 = arith.index_cast %get3A_284 : i32 to index
          %get3A_286 = arith.index_cast %mul3A_283 : i32 to index
          %get3A_287 = tpu.vector_load %arg13[%get3A_285, %get3A_286] {strides = array<i32>} : memref<2x96xi32, #tpu.memory_space<vmem>>, vector<16xi32>,
          %gather3A = tpu.vector_load_idx %arg11[%get3A_281] : memref<10240xf32, #tpu.memory_space<vmem>>[vector<16xi32>], vector<16xf32>,
          %gather3A_288 = tpu.vector_load_idx %arg12[%get3A_287] : memref<10240xf32, #tpu.memory_space<vmem>>[vector<16xi32>], vector<16xf32>,
          %add3A_289 = arith.addf %gather3A, %gather3A_288 : vector<16xf32>
          %ge3A = arith.constant 0.000000e+00 : f32
          %ge3A_290 = vector.broadcast %ge3A : f32 to vector<16xf32>
          %ge3A_291 = arith.cmpf oge, %add3A_289, %ge3A_290 : vector<16xf32>
          %mul3A_292 = arith.constant 2.000000e-01 : f32
          %mul3A_293 = vector.broadcast %mul3A_292 : f32 to vector<16xf32>
          %mul3A_294 = arith.mulf %mul3A_293, %add3A_289 : vector<16xf32>
          %select_n3A = arith.select %ge3A_291, %add3A_289, %mul3A_294 : vector<16xi1>, vector<16xf32>
          %add3A_295 = arith.addi %mul3A_2, %add3A_255 : i32
          %mul3A_296 = arith.constant 96 : i32
          %mul3A_297 = arith.muli %add3A_295, %mul3A_296 : i32
          %mul3A_298 = arith.constant 16 : i32
          %mul3A_299 = arith.muli %scan3A_276, %mul3A_298 : i32
          %add3A_300 = arith.addi %mul3A_297, %mul3A_299 : i32
          %add3A_301 = vector.broadcast %add3A_300 : i32 to vector<16xi32>
          %add3A_302 = arith.addi %add3A_301, %iota3A : vector<16xi32>
          %lt3A = arith.constant 330000 : i32
          %lt3A_303 = vector.broadcast %lt3A : i32 to vector<16xi32>
          %lt3A_304 = arith.cmpi slt, %add3A_302, %lt3A_303 : vector<16xi32>
          %exp3A = math.exp %select_n3A : vector<16xf32>
          %jit3A = arith.constant 0.000000e+00 : f32
          %broadcast_in_dim3A = vector.broadcast %jit3A : f32 to vector<16xf32>
          %select_n3A_305 = arith.select %lt3A_304, %exp3A, %broadcast_in_dim3A : vector<16xi1>, vector<16xf32>
          %mul3A_306 = arith.constant 16 : i32
          %mul3A_307 = arith.muli %scan3A_276, %mul3A_306 : i32
          %swap3A = arith.index_cast %mul3A_307 : i32 to index
          %swap3A_308 = tpu.vector_load %arg15[%swap3A] {strides = array<i32>} : memref<96xf32, #tpu.memory_space<vmem>>, vector<16xf32>,
          tpu.vector_store %arg15[%swap3A], %select_n3A_305 {strides = array<i32>} : memref<96xf32, #tpu.memory_space<vmem>>, vector<16xf32>,
          %add3A_309 = arith.constant 0 : i32
          %add3A_310 = vector.broadcast %add3A_309 : i32 to vector<16xi32>
          %add3A_311 = arith.addi %get3A_281, %add3A_310 : vector<16xi32>
          %mul3A_312 = arith.constant 16 : i32
          %mul3A_313 = arith.muli %scan3A_276, %mul3A_312 : i32
          %swap3A_314 = arith.index_cast %mul3A_313 : i32 to index
          %swap3A_315 = tpu.vector_load %arg17[%swap3A_314] {strides = array<i32>} : memref<96xi32, #tpu.memory_space<vmem>>, vector<16xi32>,
          tpu.vector_store %arg17[%swap3A_314], %add3A_311 {strides = array<i32>} : memref<96xi32, #tpu.memory_space<vmem>>, vector<16xi32>,
          %mul3A_316 = arith.constant 16 : i32
          %mul3A_317 = arith.muli %scan3A_276, %mul3A_316 : i32
          %swap3A_318 = arith.index_cast %mul3A_317 : i32 to index
          %swap3A_319 = tpu.vector_load %arg19[%swap3A_318] {strides = array<i32>} : memref<96xi32, #tpu.memory_space<vmem>>, vector<16xi32>,
          tpu.vector_store %arg19[%swap3A_318], %get3A_287 {strides = array<i32>} : memref<96xi32, #tpu.memory_space<vmem>>, vector<16xi32>,
        }
        %scan3A_261 = arith.constant 6 : i32
        %dma_start3A_262 = arith.constant 0 : i32
        %dma_start3A_263 = arith.constant 0 : i32
        %dma_start3A_264 = tpu.memref_slice %arg2[%dma_start3A_262, %dma_start3A_263] : memref<30720x128xf32, #tpu.memory_space<hbm>> -> memref<30720x128xf32, #tpu.memory_space<hbm>>
        tpu.enqueue_indirect_dma source(%dma_start3A_264 : memref<30720x128xf32, #tpu.memory_space<hbm>>) target(%arg21 : memref<96x128xf32, #tpu.memory_space<vmem>>) offsets(%arg17 : memref<96xi32, #tpu.memory_space<vmem>>) semaphore(%arg25 : memref<!tpu.dma_semaphore, #tpu.memory_space<semaphore_mem>>)
        %add3A_265 = arith.constant 3 : i32
        %add3A_266 = arith.addi %mul3A_195, %add3A_265 : i32
        %add3A_267 = arith.addi %mul3A_2, %add3A_266 : i32
        %dma_start3A_268 = arith.constant 0 : i32
        %dma_start3A_269 = arith.constant 0 : i32
        %dma_start3A_270 = tpu.memref_slice %arg4[%add3A_267, %dma_start3A_268, %dma_start3A_269] : memref<3456x2x96xi32, #tpu.memory_space<hbm>> -> memref<1x2x96xi32, #tpu.memory_space<hbm>>
        %dma_start3A_271 = tpu.memref_squeeze %dma_start3A_270 : memref<1x2x96xi32, #tpu.memory_space<hbm>> -> memref<2x96xi32, #tpu.memory_space<hbm>>
        %dma_start3A_272 = arith.constant 0 : i32
        %dma_start3A_273 = arith.constant 0 : i32
        %dma_start3A_274 = tpu.memref_slice %arg4[%add3A_267, %dma_start3A_272, %dma_start3A_273] : memref<3456x2x96xi32, #tpu.memory_space<hbm>> -> memref<1x2x96xi32, #tpu.memory_space<hbm>>
        %dma_start3A_275 = tpu.memref_squeeze %dma_start3A_274 : memref<1x2x96xi32, #tpu.memory_space<hbm>> -> memref<2x96xi32, #tpu.memory_space<hbm>>
        tpu.enqueue_dma source(%dma_start3A_275 : memref<2x96xi32, #tpu.memory_space<hbm>>) target(%arg14 : memref<2x96xi32, #tpu.memory_space<vmem>>) target_semaphore(%arg24 : memref<!tpu.dma_semaphore, #tpu.memory_space<semaphore_mem>>)
      } else {
      }
      %dma_wait3A_236 = arith.constant 0 : i32
      %dma_wait3A_237 = arith.constant 0 : i32
      %dma_wait3A_238 = tpu.memref_slice %arg2[%dma_wait3A_236, %dma_wait3A_237] : memref<30720x128xf32, #tpu.memory_space<hbm>> -> memref<30720x128xf32, #tpu.memory_space<hbm>>
      tpu.wait_indirect_dma semaphore(%arg26 : memref<!tpu.dma_semaphore, #tpu.memory_space<semaphore_mem>>) src(%dma_wait3A_238 : memref<30720x128xf32, #tpu.memory_space<hbm>>) dst(%arg22 : memref<96x128xf32, #tpu.memory_space<vmem>>)
      "tpu.region"() ({
        %run_scoped3A_245 = tpu.sem_alloc : memref<!tpu.dma_semaphore, #tpu.memory_space<semaphore_mem>>
        %dma_start3A_246 = arith.constant 0 : i32
        %dma_start3A_247 = tpu.memref_slice %arg10[%dma_start3A_246] : memref<10240xf32, #tpu.memory_space<vmem_shared>> -> memref<10240xf32, #tpu.memory_space<vmem_shared>>
        tpu.enqueue_indirect_dma source(%arg16 : memref<96xf32, #tpu.memory_space<vmem>>) target(%dma_start3A_247 : memref<10240xf32, #tpu.memory_space<vmem_shared>>) offsets(%arg20 : memref<96xi32, #tpu.memory_space<vmem>>) semaphore(%run_scoped3A_245 : memref<!tpu.dma_semaphore, #tpu.memory_space<semaphore_mem>>) {add = true}
        %dma_wait3A_248 = arith.constant 0 : i32
        %dma_wait3A_249 = tpu.memref_slice %arg10[%dma_wait3A_248] : memref<10240xf32, #tpu.memory_space<vmem_shared>> -> memref<10240xf32, #tpu.memory_space<vmem_shared>>
        tpu.wait_indirect_dma semaphore(%run_scoped3A_245 : memref<!tpu.dma_semaphore, #tpu.memory_space<semaphore_mem>>) src(%arg16 : memref<96xf32, #tpu.memory_space<vmem>>) dst(%dma_wait3A_249 : memref<10240xf32, #tpu.memory_space<vmem_shared>>)
        tpu.yield
      }) : () -> ()
      %scan3A_239 = arith.constant 0 : i32
      %scan3A_240 = arith.constant 0 : i32
      %scan3A_241 = arith.constant 24 : i32
      %scan3A_242 = arith.addi %scan3A_240, %scan3A_241 : i32
      %scan3A_243 = arith.constant 1 : i32
      scf.for %scan3A_245 = %scan3A_240 to %scan3A_242 step %scan3A_243  : i32 {
        %mul3A_246 = arith.constant 4 : i32
        %mul3A_247 = arith.muli %scan3A_245, %mul3A_246 : i32
        %add3A_248 = arith.constant 0 : i32
        %add3A_249 = arith.addi %mul3A_247, %add3A_248 : i32
        %mul3A_250 = arith.constant 0 : i32
        %mul3A_251 = vector.broadcast %mul3A_250 : i32 to vector<16xi32>
        %mul3A_252 = arith.muli %iota3A, %mul3A_251 : vector<16xi32>
        %add3A_253 = vector.broadcast %add3A_249 : i32 to vector<16xi32>
        %add3A_254 = arith.addi %mul3A_252, %add3A_253 : vector<16xi32>
        %gather3A = tpu.vector_load_idx %arg16[%add3A_254] : memref<96xf32, #tpu.memory_space<vmem>>[vector<16xi32>], vector<16xf32>,
        %get3A = arith.index_cast %add3A_249 : i32 to index
        %get3A_255 = arith.constant 0 : index
        %get3A_256 = tpu.vector_load %arg22[%get3A, %get3A_255] {strides = array<i32>} : memref<96x128xf32, #tpu.memory_space<vmem>>, vector<16xf32>,
        %mul3A_257 = arith.mulf %get3A_256, %gather3A : vector<16xf32>
        %swap3A = arith.index_cast %add3A_249 : i32 to index
        %swap3A_258 = arith.constant 0 : index
        %swap3A_259 = tpu.vector_load %arg22[%swap3A, %swap3A_258] {strides = array<i32>} : memref<96x128xf32, #tpu.memory_space<vmem>>, vector<16xf32>,
        tpu.vector_store %arg22[%swap3A, %swap3A_258], %mul3A_257 {strides = array<i32>} : memref<96x128xf32, #tpu.memory_space<vmem>>, vector<16xf32>,
        %get3A_260 = arith.index_cast %add3A_249 : i32 to index
        %get3A_261 = arith.constant 16 : index
        %get3A_262 = tpu.vector_load %arg22[%get3A_260, %get3A_261] {strides = array<i32>} : memref<96x128xf32, #tpu.memory_space<vmem>>, vector<16xf32>,
        %mul3A_263 = arith.mulf %get3A_262, %gather3A : vector<16xf32>
        %swap3A_264 = arith.index_cast %add3A_249 : i32 to index
        %swap3A_265 = arith.constant 16 : index
        %swap3A_266 = tpu.vector_load %arg22[%swap3A_264, %swap3A_265] {strides = array<i32>} : memref<96x128xf32, #tpu.memory_space<vmem>>, vector<16xf32>,
        tpu.vector_store %arg22[%swap3A_264, %swap3A_265], %mul3A_263 {strides = array<i32>} : memref<96x128xf32, #tpu.memory_space<vmem>>, vector<16xf32>,
        %get3A_267 = arith.index_cast %add3A_249 : i32 to index
        %get3A_268 = arith.constant 32 : index
        %get3A_269 = tpu.vector_load %arg22[%get3A_267, %get3A_268] {strides = array<i32>} : memref<96x128xf32, #tpu.memory_space<vmem>>, vector<16xf32>,
        %mul3A_270 = arith.mulf %get3A_269, %gather3A : vector<16xf32>
        %swap3A_271 = arith.index_cast %add3A_249 : i32 to index
        %swap3A_272 = arith.constant 32 : index
        %swap3A_273 = tpu.vector_load %arg22[%swap3A_271, %swap3A_272] {strides = array<i32>} : memref<96x128xf32, #tpu.memory_space<vmem>>, vector<16xf32>,
        tpu.vector_store %arg22[%swap3A_271, %swap3A_272], %mul3A_270 {strides = array<i32>} : memref<96x128xf32, #tpu.memory_space<vmem>>, vector<16xf32>,
        %get3A_274 = arith.index_cast %add3A_249 : i32 to index
        %get3A_275 = arith.constant 48 : index
        %get3A_276 = tpu.vector_load %arg22[%get3A_274, %get3A_275] {strides = array<i32>} : memref<96x128xf32, #tpu.memory_space<vmem>>, vector<16xf32>,
        %mul3A_277 = arith.mulf %get3A_276, %gather3A : vector<16xf32>
        %swap3A_278 = arith.index_cast %add3A_249 : i32 to index
        %swap3A_279 = arith.constant 48 : index
        %swap3A_280 = tpu.vector_load %arg22[%swap3A_278, %swap3A_279] {strides = array<i32>} : memref<96x128xf32, #tpu.memory_space<vmem>>, vector<16xf32>,
        tpu.vector_store %arg22[%swap3A_278, %swap3A_279], %mul3A_277 {strides = array<i32>} : memref<96x128xf32, #tpu.memory_space<vmem>>, vector<16xf32>,
        %get3A_281 = arith.index_cast %add3A_249 : i32 to index
        %get3A_282 = arith.constant 64 : index
        %get3A_283 = tpu.vector_load %arg22[%get3A_281, %get3A_282] {strides = array<i32>} : memref<96x128xf32, #tpu.memory_space<vmem>>, vector<16xf32>,
        %mul3A_284 = arith.mulf %get3A_283, %gather3A : vector<16xf32>
        %swap3A_285 = arith.index_cast %add3A_249 : i32 to index
        %swap3A_286 = arith.constant 64 : index
        %swap3A_287 = tpu.vector_load %arg22[%swap3A_285, %swap3A_286] {strides = array<i32>} : memref<96x128xf32, #tpu.memory_space<vmem>>, vector<16xf32>,
        tpu.vector_store %arg22[%swap3A_285, %swap3A_286], %mul3A_284 {strides = array<i32>} : memref<96x128xf32, #tpu.memory_space<vmem>>, vector<16xf32>,
        %get3A_288 = arith.index_cast %add3A_249 : i32 to index
        %get3A_289 = arith.constant 80 : index
        %get3A_290 = tpu.vector_load %arg22[%get3A_288, %get3A_289] {strides = array<i32>} : memref<96x128xf32, #tpu.memory_space<vmem>>, vector<16xf32>,
        %mul3A_291 = arith.mulf %get3A_290, %gather3A : vector<16xf32>
        %swap3A_292 = arith.index_cast %add3A_249 : i32 to index
        %swap3A_293 = arith.constant 80 : index
        %swap3A_294 = tpu.vector_load %arg22[%swap3A_292, %swap3A_293] {strides = array<i32>} : memref<96x128xf32, #tpu.memory_space<vmem>>, vector<16xf32>,
        tpu.vector_store %arg22[%swap3A_292, %swap3A_293], %mul3A_291 {strides = array<i32>} : memref<96x128xf32, #tpu.memory_space<vmem>>, vector<16xf32>,
        %get3A_295 = arith.index_cast %add3A_249 : i32 to index
        %get3A_296 = arith.constant 96 : index
        %get3A_297 = tpu.vector_load %arg22[%get3A_295, %get3A_296] {strides = array<i32>} : memref<96x128xf32, #tpu.memory_space<vmem>>, vector<16xf32>,
        %mul3A_298 = arith.mulf %get3A_297, %gather3A : vector<16xf32>
        %swap3A_299 = arith.index_cast %add3A_249 : i32 to index
        %swap3A_300 = arith.constant 96 : index
        %swap3A_301 = tpu.vector_load %arg22[%swap3A_299, %swap3A_300] {strides = array<i32>} : memref<96x128xf32, #tpu.memory_space<vmem>>, vector<16xf32>,
        tpu.vector_store %arg22[%swap3A_299, %swap3A_300], %mul3A_298 {strides = array<i32>} : memref<96x128xf32, #tpu.memory_space<vmem>>, vector<16xf32>,
        %get3A_302 = arith.index_cast %add3A_249 : i32 to index
        %get3A_303 = arith.constant 112 : index
        %get3A_304 = tpu.vector_load %arg22[%get3A_302, %get3A_303] {strides = array<i32>} : memref<96x128xf32, #tpu.memory_space<vmem>>, vector<16xf32>,
        %mul3A_305 = arith.mulf %get3A_304, %gather3A : vector<16xf32>
        %swap3A_306 = arith.index_cast %add3A_249 : i32 to index
        %swap3A_307 = arith.constant 112 : index
        %swap3A_308 = tpu.vector_load %arg22[%swap3A_306, %swap3A_307] {strides = array<i32>} : memref<96x128xf32, #tpu.memory_space<vmem>>, vector<16xf32>,
        tpu.vector_store %arg22[%swap3A_306, %swap3A_307], %mul3A_305 {strides = array<i32>} : memref<96x128xf32, #tpu.memory_space<vmem>>, vector<16xf32>,
        %mul3A_309 = arith.constant 4 : i32
        %mul3A_310 = arith.muli %scan3A_245, %mul3A_309 : i32
        %add3A_311 = arith.constant 1 : i32
        %add3A_312 = arith.addi %mul3A_310, %add3A_311 : i32
        %mul3A_313 = arith.constant 0 : i32
        %mul3A_314 = vector.broadcast %mul3A_313 : i32 to vector<16xi32>
        %mul3A_315 = arith.muli %iota3A, %mul3A_314 : vector<16xi32>
        %add3A_316 = vector.broadcast %add3A_312 : i32 to vector<16xi32>
        %add3A_317 = arith.addi %mul3A_315, %add3A_316 : vector<16xi32>
        %gather3A_318 = tpu.vector_load_idx %arg16[%add3A_317] : memref<96xf32, #tpu.memory_space<vmem>>[vector<16xi32>], vector<16xf32>,
        %get3A_319 = arith.index_cast %add3A_312 : i32 to index
        %get3A_320 = arith.constant 0 : index
        %get3A_321 = tpu.vector_load %arg22[%get3A_319, %get3A_320] {strides = array<i32>} : memref<96x128xf32, #tpu.memory_space<vmem>>, vector<16xf32>,
        %mul3A_322 = arith.mulf %get3A_321, %gather3A_318 : vector<16xf32>
        %swap3A_323 = arith.index_cast %add3A_312 : i32 to index
        %swap3A_324 = arith.constant 0 : index
        %swap3A_325 = tpu.vector_load %arg22[%swap3A_323, %swap3A_324] {strides = array<i32>} : memref<96x128xf32, #tpu.memory_space<vmem>>, vector<16xf32>,
        tpu.vector_store %arg22[%swap3A_323, %swap3A_324], %mul3A_322 {strides = array<i32>} : memref<96x128xf32, #tpu.memory_space<vmem>>, vector<16xf32>,
        %get3A_326 = arith.index_cast %add3A_312 : i32 to index
        %get3A_327 = arith.constant 16 : index
        %get3A_328 = tpu.vector_load %arg22[%get3A_326, %get3A_327] {strides = array<i32>} : memref<96x128xf32, #tpu.memory_space<vmem>>, vector<16xf32>,
        %mul3A_329 = arith.mulf %get3A_328, %gather3A_318 : vector<16xf32>
        %swap3A_330 = arith.index_cast %add3A_312 : i32 to index
        %swap3A_331 = arith.constant 16 : index
        %swap3A_332 = tpu.vector_load %arg22[%swap3A_330, %swap3A_331] {strides = array<i32>} : memref<96x128xf32, #tpu.memory_space<vmem>>, vector<16xf32>,
        tpu.vector_store %arg22[%swap3A_330, %swap3A_331], %mul3A_329 {strides = array<i32>} : memref<96x128xf32, #tpu.memory_space<vmem>>, vector<16xf32>,
        %get3A_333 = arith.index_cast %add3A_312 : i32 to index
        %get3A_334 = arith.constant 32 : index
        %get3A_335 = tpu.vector_load %arg22[%get3A_333, %get3A_334] {strides = array<i32>} : memref<96x128xf32, #tpu.memory_space<vmem>>, vector<16xf32>,
        %mul3A_336 = arith.mulf %get3A_335, %gather3A_318 : vector<16xf32>
        %swap3A_337 = arith.index_cast %add3A_312 : i32 to index
        %swap3A_338 = arith.constant 32 : index
        %swap3A_339 = tpu.vector_load %arg22[%swap3A_337, %swap3A_338] {strides = array<i32>} : memref<96x128xf32, #tpu.memory_space<vmem>>, vector<16xf32>,
        tpu.vector_store %arg22[%swap3A_337, %swap3A_338], %mul3A_336 {strides = array<i32>} : memref<96x128xf32, #tpu.memory_space<vmem>>, vector<16xf32>,
        %get3A_340 = arith.index_cast %add3A_312 : i32 to index
        %get3A_341 = arith.constant 48 : index
        %get3A_342 = tpu.vector_load %arg22[%get3A_340, %get3A_341] {strides = array<i32>} : memref<96x128xf32, #tpu.memory_space<vmem>>, vector<16xf32>,
        %mul3A_343 = arith.mulf %get3A_342, %gather3A_318 : vector<16xf32>
        %swap3A_344 = arith.index_cast %add3A_312 : i32 to index
        %swap3A_345 = arith.constant 48 : index
        %swap3A_346 = tpu.vector_load %arg22[%swap3A_344, %swap3A_345] {strides = array<i32>} : memref<96x128xf32, #tpu.memory_space<vmem>>, vector<16xf32>,
        tpu.vector_store %arg22[%swap3A_344, %swap3A_345], %mul3A_343 {strides = array<i32>} : memref<96x128xf32, #tpu.memory_space<vmem>>, vector<16xf32>,
        %get3A_347 = arith.index_cast %add3A_312 : i32 to index
        %get3A_348 = arith.constant 64 : index
        %get3A_349 = tpu.vector_load %arg22[%get3A_347, %get3A_348] {strides = array<i32>} : memref<96x128xf32, #tpu.memory_space<vmem>>, vector<16xf32>,
        %mul3A_350 = arith.mulf %get3A_349, %gather3A_318 : vector<16xf32>
        %swap3A_351 = arith.index_cast %add3A_312 : i32 to index
        %swap3A_352 = arith.constant 64 : index
        %swap3A_353 = tpu.vector_load %arg22[%swap3A_351, %swap3A_352] {strides = array<i32>} : memref<96x128xf32, #tpu.memory_space<vmem>>, vector<16xf32>,
        tpu.vector_store %arg22[%swap3A_351, %swap3A_352], %mul3A_350 {strides = array<i32>} : memref<96x128xf32, #tpu.memory_space<vmem>>, vector<16xf32>,
        %get3A_354 = arith.index_cast %add3A_312 : i32 to index
        %get3A_355 = arith.constant 80 : index
        %get3A_356 = tpu.vector_load %arg22[%get3A_354, %get3A_355] {strides = array<i32>} : memref<96x128xf32, #tpu.memory_space<vmem>>, vector<16xf32>,
        %mul3A_357 = arith.mulf %get3A_356, %gather3A_318 : vector<16xf32>
        %swap3A_358 = arith.index_cast %add3A_312 : i32 to index
        %swap3A_359 = arith.constant 80 : index
        %swap3A_360 = tpu.vector_load %arg22[%swap3A_358, %swap3A_359] {strides = array<i32>} : memref<96x128xf32, #tpu.memory_space<vmem>>, vector<16xf32>,
        tpu.vector_store %arg22[%swap3A_358, %swap3A_359], %mul3A_357 {strides = array<i32>} : memref<96x128xf32, #tpu.memory_space<vmem>>, vector<16xf32>,
        %get3A_361 = arith.index_cast %add3A_312 : i32 to index
        %get3A_362 = arith.constant 96 : index
        %get3A_363 = tpu.vector_load %arg22[%get3A_361, %get3A_362] {strides = array<i32>} : memref<96x128xf32, #tpu.memory_space<vmem>>, vector<16xf32>,
        %mul3A_364 = arith.mulf %get3A_363, %gather3A_318 : vector<16xf32>
        %swap3A_365 = arith.index_cast %add3A_312 : i32 to index
        %swap3A_366 = arith.constant 96 : index
        %swap3A_367 = tpu.vector_load %arg22[%swap3A_365, %swap3A_366] {strides = array<i32>} : memref<96x128xf32, #tpu.memory_space<vmem>>, vector<16xf32>,
        tpu.vector_store %arg22[%swap3A_365, %swap3A_366], %mul3A_364 {strides = array<i32>} : memref<96x128xf32, #tpu.memory_space<vmem>>, vector<16xf32>,
        %get3A_368 = arith.index_cast %add3A_312 : i32 to index
        %get3A_369 = arith.constant 112 : index
        %get3A_370 = tpu.vector_load %arg22[%get3A_368, %get3A_369] {strides = array<i32>} : memref<96x128xf32, #tpu.memory_space<vmem>>, vector<16xf32>,
        %mul3A_371 = arith.mulf %get3A_370, %gather3A_318 : vector<16xf32>
        %swap3A_372 = arith.index_cast %add3A_312 : i32 to index
        %swap3A_373 = arith.constant 112 : index
        %swap3A_374 = tpu.vector_load %arg22[%swap3A_372, %swap3A_373] {strides = array<i32>} : memref<96x128xf32, #tpu.memory_space<vmem>>, vector<16xf32>,
        tpu.vector_store %arg22[%swap3A_372, %swap3A_373], %mul3A_371 {strides = array<i32>} : memref<96x128xf32, #tpu.memory_space<vmem>>, vector<16xf32>,
        %mul3A_375 = arith.constant 4 : i32
        %mul3A_376 = arith.muli %scan3A_245, %mul3A_375 : i32
        %add3A_377 = arith.constant 2 : i32
        %add3A_378 = arith.addi %mul3A_376, %add3A_377 : i32
        %mul3A_379 = arith.constant 0 : i32
        %mul3A_380 = vector.broadcast %mul3A_379 : i32 to vector<16xi32>
        %mul3A_381 = arith.muli %iota3A, %mul3A_380 : vector<16xi32>
        %add3A_382 = vector.broadcast %add3A_378 : i32 to vector<16xi32>
        %add3A_383 = arith.addi %mul3A_381, %add3A_382 : vector<16xi32>
        %gather3A_384 = tpu.vector_load_idx %arg16[%add3A_383] : memref<96xf32, #tpu.memory_space<vmem>>[vector<16xi32>], vector<16xf32>,
        %get3A_385 = arith.index_cast %add3A_378 : i32 to index
        %get3A_386 = arith.constant 0 : index
        %get3A_387 = tpu.vector_load %arg22[%get3A_385, %get3A_386] {strides = array<i32>} : memref<96x128xf32, #tpu.memory_space<vmem>>, vector<16xf32>,
        %mul3A_388 = arith.mulf %get3A_387, %gather3A_384 : vector<16xf32>
        %swap3A_389 = arith.index_cast %add3A_378 : i32 to index
        %swap3A_390 = arith.constant 0 : index
        %swap3A_391 = tpu.vector_load %arg22[%swap3A_389, %swap3A_390] {strides = array<i32>} : memref<96x128xf32, #tpu.memory_space<vmem>>, vector<16xf32>,
        tpu.vector_store %arg22[%swap3A_389, %swap3A_390], %mul3A_388 {strides = array<i32>} : memref<96x128xf32, #tpu.memory_space<vmem>>, vector<16xf32>,
        %get3A_392 = arith.index_cast %add3A_378 : i32 to index
        %get3A_393 = arith.constant 16 : index
        %get3A_394 = tpu.vector_load %arg22[%get3A_392, %get3A_393] {strides = array<i32>} : memref<96x128xf32, #tpu.memory_space<vmem>>, vector<16xf32>,
        %mul3A_395 = arith.mulf %get3A_394, %gather3A_384 : vector<16xf32>
        %swap3A_396 = arith.index_cast %add3A_378 : i32 to index
        %swap3A_397 = arith.constant 16 : index
        %swap3A_398 = tpu.vector_load %arg22[%swap3A_396, %swap3A_397] {strides = array<i32>} : memref<96x128xf32, #tpu.memory_space<vmem>>, vector<16xf32>,
        tpu.vector_store %arg22[%swap3A_396, %swap3A_397], %mul3A_395 {strides = array<i32>} : memref<96x128xf32, #tpu.memory_space<vmem>>, vector<16xf32>,
        %get3A_399 = arith.index_cast %add3A_378 : i32 to index
        %get3A_400 = arith.constant 32 : index
        %get3A_401 = tpu.vector_load %arg22[%get3A_399, %get3A_400] {strides = array<i32>} : memref<96x128xf32, #tpu.memory_space<vmem>>, vector<16xf32>,
        %mul3A_402 = arith.mulf %get3A_401, %gather3A_384 : vector<16xf32>
        %swap3A_403 = arith.index_cast %add3A_378 : i32 to index
        %swap3A_404 = arith.constant 32 : index
        %swap3A_405 = tpu.vector_load %arg22[%swap3A_403, %swap3A_404] {strides = array<i32>} : memref<96x128xf32, #tpu.memory_space<vmem>>, vector<16xf32>,
        tpu.vector_store %arg22[%swap3A_403, %swap3A_404], %mul3A_402 {strides = array<i32>} : memref<96x128xf32, #tpu.memory_space<vmem>>, vector<16xf32>,
        %get3A_406 = arith.index_cast %add3A_378 : i32 to index
        %get3A_407 = arith.constant 48 : index
        %get3A_408 = tpu.vector_load %arg22[%get3A_406, %get3A_407] {strides = array<i32>} : memref<96x128xf32, #tpu.memory_space<vmem>>, vector<16xf32>,
        %mul3A_409 = arith.mulf %get3A_408, %gather3A_384 : vector<16xf32>
        %swap3A_410 = arith.index_cast %add3A_378 : i32 to index
        %swap3A_411 = arith.constant 48 : index
        %swap3A_412 = tpu.vector_load %arg22[%swap3A_410, %swap3A_411] {strides = array<i32>} : memref<96x128xf32, #tpu.memory_space<vmem>>, vector<16xf32>,
        tpu.vector_store %arg22[%swap3A_410, %swap3A_411], %mul3A_409 {strides = array<i32>} : memref<96x128xf32, #tpu.memory_space<vmem>>, vector<16xf32>,
        %get3A_413 = arith.index_cast %add3A_378 : i32 to index
        %get3A_414 = arith.constant 64 : index
        %get3A_415 = tpu.vector_load %arg22[%get3A_413, %get3A_414] {strides = array<i32>} : memref<96x128xf32, #tpu.memory_space<vmem>>, vector<16xf32>,
        %mul3A_416 = arith.mulf %get3A_415, %gather3A_384 : vector<16xf32>
        %swap3A_417 = arith.index_cast %add3A_378 : i32 to index
        %swap3A_418 = arith.constant 64 : index
        %swap3A_419 = tpu.vector_load %arg22[%swap3A_417, %swap3A_418] {strides = array<i32>} : memref<96x128xf32, #tpu.memory_space<vmem>>, vector<16xf32>,
        tpu.vector_store %arg22[%swap3A_417, %swap3A_418], %mul3A_416 {strides = array<i32>} : memref<96x128xf32, #tpu.memory_space<vmem>>, vector<16xf32>,
        %get3A_420 = arith.index_cast %add3A_378 : i32 to index
        %get3A_421 = arith.constant 80 : index
        %get3A_422 = tpu.vector_load %arg22[%get3A_420, %get3A_421] {strides = array<i32>} : memref<96x128xf32, #tpu.memory_space<vmem>>, vector<16xf32>,
        %mul3A_423 = arith.mulf %get3A_422, %gather3A_384 : vector<16xf32>
        %swap3A_424 = arith.index_cast %add3A_378 : i32 to index
        %swap3A_425 = arith.constant 80 : index
        %swap3A_426 = tpu.vector_load %arg22[%swap3A_424, %swap3A_425] {strides = array<i32>} : memref<96x128xf32, #tpu.memory_space<vmem>>, vector<16xf32>,
        tpu.vector_store %arg22[%swap3A_424, %swap3A_425], %mul3A_423 {strides = array<i32>} : memref<96x128xf32, #tpu.memory_space<vmem>>, vector<16xf32>,
        %get3A_427 = arith.index_cast %add3A_378 : i32 to index
        %get3A_428 = arith.constant 96 : index
        %get3A_429 = tpu.vector_load %arg22[%get3A_427, %get3A_428] {strides = array<i32>} : memref<96x128xf32, #tpu.memory_space<vmem>>, vector<16xf32>,
        %mul3A_430 = arith.mulf %get3A_429, %gather3A_384 : vector<16xf32>
        %swap3A_431 = arith.index_cast %add3A_378 : i32 to index
        %swap3A_432 = arith.constant 96 : index
        %swap3A_433 = tpu.vector_load %arg22[%swap3A_431, %swap3A_432] {strides = array<i32>} : memref<96x128xf32, #tpu.memory_space<vmem>>, vector<16xf32>,
        tpu.vector_store %arg22[%swap3A_431, %swap3A_432], %mul3A_430 {strides = array<i32>} : memref<96x128xf32, #tpu.memory_space<vmem>>, vector<16xf32>,
        %get3A_434 = arith.index_cast %add3A_378 : i32 to index
        %get3A_435 = arith.constant 112 : index
        %get3A_436 = tpu.vector_load %arg22[%get3A_434, %get3A_435] {strides = array<i32>} : memref<96x128xf32, #tpu.memory_space<vmem>>, vector<16xf32>,
        %mul3A_437 = arith.mulf %get3A_436, %gather3A_384 : vector<16xf32>
        %swap3A_438 = arith.index_cast %add3A_378 : i32 to index
        %swap3A_439 = arith.constant 112 : index
        %swap3A_440 = tpu.vector_load %arg22[%swap3A_438, %swap3A_439] {strides = array<i32>} : memref<96x128xf32, #tpu.memory_space<vmem>>, vector<16xf32>,
        tpu.vector_store %arg22[%swap3A_438, %swap3A_439], %mul3A_437 {strides = array<i32>} : memref<96x128xf32, #tpu.memory_space<vmem>>, vector<16xf32>,
        %mul3A_441 = arith.constant 4 : i32
        %mul3A_442 = arith.muli %scan3A_245, %mul3A_441 : i32
        %add3A_443 = arith.constant 3 : i32
        %add3A_444 = arith.addi %mul3A_442, %add3A_443 : i32
        %mul3A_445 = arith.constant 0 : i32
        %mul3A_446 = vector.broadcast %mul3A_445 : i32 to vector<16xi32>
        %mul3A_447 = arith.muli %iota3A, %mul3A_446 : vector<16xi32>
        %add3A_448 = vector.broadcast %add3A_444 : i32 to vector<16xi32>
        %add3A_449 = arith.addi %mul3A_447, %add3A_448 : vector<16xi32>
        %gather3A_450 = tpu.vector_load_idx %arg16[%add3A_449] : memref<96xf32, #tpu.memory_space<vmem>>[vector<16xi32>], vector<16xf32>,
        %get3A_451 = arith.index_cast %add3A_444 : i32 to index
        %get3A_452 = arith.constant 0 : index
        %get3A_453 = tpu.vector_load %arg22[%get3A_451, %get3A_452] {strides = array<i32>} : memref<96x128xf32, #tpu.memory_space<vmem>>, vector<16xf32>,
        %mul3A_454 = arith.mulf %get3A_453, %gather3A_450 : vector<16xf32>
        %swap3A_455 = arith.index_cast %add3A_444 : i32 to index
        %swap3A_456 = arith.constant 0 : index
        %swap3A_457 = tpu.vector_load %arg22[%swap3A_455, %swap3A_456] {strides = array<i32>} : memref<96x128xf32, #tpu.memory_space<vmem>>, vector<16xf32>,
        tpu.vector_store %arg22[%swap3A_455, %swap3A_456], %mul3A_454 {strides = array<i32>} : memref<96x128xf32, #tpu.memory_space<vmem>>, vector<16xf32>,
        %get3A_458 = arith.index_cast %add3A_444 : i32 to index
        %get3A_459 = arith.constant 16 : index
        %get3A_460 = tpu.vector_load %arg22[%get3A_458, %get3A_459] {strides = array<i32>} : memref<96x128xf32, #tpu.memory_space<vmem>>, vector<16xf32>,
        %mul3A_461 = arith.mulf %get3A_460, %gather3A_450 : vector<16xf32>
        %swap3A_462 = arith.index_cast %add3A_444 : i32 to index
        %swap3A_463 = arith.constant 16 : index
        %swap3A_464 = tpu.vector_load %arg22[%swap3A_462, %swap3A_463] {strides = array<i32>} : memref<96x128xf32, #tpu.memory_space<vmem>>, vector<16xf32>,
        tpu.vector_store %arg22[%swap3A_462, %swap3A_463], %mul3A_461 {strides = array<i32>} : memref<96x128xf32, #tpu.memory_space<vmem>>, vector<16xf32>,
        %get3A_465 = arith.index_cast %add3A_444 : i32 to index
        %get3A_466 = arith.constant 32 : index
        %get3A_467 = tpu.vector_load %arg22[%get3A_465, %get3A_466] {strides = array<i32>} : memref<96x128xf32, #tpu.memory_space<vmem>>, vector<16xf32>,
        %mul3A_468 = arith.mulf %get3A_467, %gather3A_450 : vector<16xf32>
        %swap3A_469 = arith.index_cast %add3A_444 : i32 to index
        %swap3A_470 = arith.constant 32 : index
        %swap3A_471 = tpu.vector_load %arg22[%swap3A_469, %swap3A_470] {strides = array<i32>} : memref<96x128xf32, #tpu.memory_space<vmem>>, vector<16xf32>,
        tpu.vector_store %arg22[%swap3A_469, %swap3A_470], %mul3A_468 {strides = array<i32>} : memref<96x128xf32, #tpu.memory_space<vmem>>, vector<16xf32>,
        %get3A_472 = arith.index_cast %add3A_444 : i32 to index
        %get3A_473 = arith.constant 48 : index
        %get3A_474 = tpu.vector_load %arg22[%get3A_472, %get3A_473] {strides = array<i32>} : memref<96x128xf32, #tpu.memory_space<vmem>>, vector<16xf32>,
        %mul3A_475 = arith.mulf %get3A_474, %gather3A_450 : vector<16xf32>
        %swap3A_476 = arith.index_cast %add3A_444 : i32 to index
        %swap3A_477 = arith.constant 48 : index
        %swap3A_478 = tpu.vector_load %arg22[%swap3A_476, %swap3A_477] {strides = array<i32>} : memref<96x128xf32, #tpu.memory_space<vmem>>, vector<16xf32>,
        tpu.vector_store %arg22[%swap3A_476, %swap3A_477], %mul3A_475 {strides = array<i32>} : memref<96x128xf32, #tpu.memory_space<vmem>>, vector<16xf32>,
        %get3A_479 = arith.index_cast %add3A_444 : i32 to index
        %get3A_480 = arith.constant 64 : index
        %get3A_481 = tpu.vector_load %arg22[%get3A_479, %get3A_480] {strides = array<i32>} : memref<96x128xf32, #tpu.memory_space<vmem>>, vector<16xf32>,
        %mul3A_482 = arith.mulf %get3A_481, %gather3A_450 : vector<16xf32>
        %swap3A_483 = arith.index_cast %add3A_444 : i32 to index
        %swap3A_484 = arith.constant 64 : index
        %swap3A_485 = tpu.vector_load %arg22[%swap3A_483, %swap3A_484] {strides = array<i32>} : memref<96x128xf32, #tpu.memory_space<vmem>>, vector<16xf32>,
        tpu.vector_store %arg22[%swap3A_483, %swap3A_484], %mul3A_482 {strides = array<i32>} : memref<96x128xf32, #tpu.memory_space<vmem>>, vector<16xf32>,
        %get3A_486 = arith.index_cast %add3A_444 : i32 to index
        %get3A_487 = arith.constant 80 : index
        %get3A_488 = tpu.vector_load %arg22[%get3A_486, %get3A_487] {strides = array<i32>} : memref<96x128xf32, #tpu.memory_space<vmem>>, vector<16xf32>,
        %mul3A_489 = arith.mulf %get3A_488, %gather3A_450 : vector<16xf32>
        %swap3A_490 = arith.index_cast %add3A_444 : i32 to index
        %swap3A_491 = arith.constant 80 : index
        %swap3A_492 = tpu.vector_load %arg22[%swap3A_490, %swap3A_491] {strides = array<i32>} : memref<96x128xf32, #tpu.memory_space<vmem>>, vector<16xf32>,
        tpu.vector_store %arg22[%swap3A_490, %swap3A_491], %mul3A_489 {strides = array<i32>} : memref<96x128xf32, #tpu.memory_space<vmem>>, vector<16xf32>,
        %get3A_493 = arith.index_cast %add3A_444 : i32 to index
        %get3A_494 = arith.constant 96 : index
        %get3A_495 = tpu.vector_load %arg22[%get3A_493, %get3A_494] {strides = array<i32>} : memref<96x128xf32, #tpu.memory_space<vmem>>, vector<16xf32>,
        %mul3A_496 = arith.mulf %get3A_495, %gather3A_450 : vector<16xf32>
        %swap3A_497 = arith.index_cast %add3A_444 : i32 to index
        %swap3A_498 = arith.constant 96 : index
        %swap3A_499 = tpu.vector_load %arg22[%swap3A_497, %swap3A_498] {strides = array<i32>} : memref<96x128xf32, #tpu.memory_space<vmem>>, vector<16xf32>,
        tpu.vector_store %arg22[%swap3A_497, %swap3A_498], %mul3A_496 {strides = array<i32>} : memref<96x128xf32, #tpu.memory_space<vmem>>, vector<16xf32>,
        %get3A_500 = arith.index_cast %add3A_444 : i32 to index
        %get3A_501 = arith.constant 112 : index
        %get3A_502 = tpu.vector_load %arg22[%get3A_500, %get3A_501] {strides = array<i32>} : memref<96x128xf32, #tpu.memory_space<vmem>>, vector<16xf32>,
        %mul3A_503 = arith.mulf %get3A_502, %gather3A_450 : vector<16xf32>
        %swap3A_504 = arith.index_cast %add3A_444 : i32 to index
        %swap3A_505 = arith.constant 112 : index
        %swap3A_506 = tpu.vector_load %arg22[%swap3A_504, %swap3A_505] {strides = array<i32>} : memref<96x128xf32, #tpu.memory_space<vmem>>, vector<16xf32>,
        tpu.vector_store %arg22[%swap3A_504, %swap3A_505], %mul3A_503 {strides = array<i32>} : memref<96x128xf32, #tpu.memory_space<vmem>>, vector<16xf32>,
      }
      %scan3A_244 = arith.constant 24 : i32
      "tpu.region"() ({
        %run_scoped3A_245 = tpu.sem_alloc : memref<!tpu.dma_semaphore, #tpu.memory_space<semaphore_mem>>
        %dma_start3A_246 = arith.constant 0 : i32
        %dma_start3A_247 = arith.constant 0 : i32
        %dma_start3A_248 = tpu.memref_slice %arg9[%dma_start3A_246, %dma_start3A_247] : memref<10240x128xf32, #tpu.memory_space<vmem_shared>> -> memref<10240x128xf32, #tpu.memory_space<vmem_shared>>
        tpu.enqueue_indirect_dma source(%arg22 : memref<96x128xf32, #tpu.memory_space<vmem>>) target(%dma_start3A_248 : memref<10240x128xf32, #tpu.memory_space<vmem_shared>>) offsets(%arg20 : memref<96xi32, #tpu.memory_space<vmem>>) semaphore(%run_scoped3A_245 : memref<!tpu.dma_semaphore, #tpu.memory_space<semaphore_mem>>) {add = true}
        %dma_wait3A_249 = arith.constant 0 : i32
        %dma_wait3A_250 = arith.constant 0 : i32
        %dma_wait3A_251 = tpu.memref_slice %arg9[%dma_wait3A_249, %dma_wait3A_250] : memref<10240x128xf32, #tpu.memory_space<vmem_shared>> -> memref<10240x128xf32, #tpu.memory_space<vmem_shared>>
        tpu.wait_indirect_dma semaphore(%run_scoped3A_245 : memref<!tpu.dma_semaphore, #tpu.memory_space<semaphore_mem>>) src(%arg22 : memref<96x128xf32, #tpu.memory_space<vmem>>) dst(%dma_wait3A_251 : memref<10240x128xf32, #tpu.memory_space<vmem_shared>>)
        tpu.yield
      }) : () -> ()
    }
    %scan3A_46 = arith.constant 54 : i32
    %barrier3A_47 = arith.constant 0 : index
    tpu.barrier barrier_id(%barrier3A_47)
    %mul3A_48 = arith.constant 640 : i32
    %mul3A_49 = arith.muli %arg1, %mul3A_48 : i32
    %add3A_50 = arith.constant 0 : i32
    %add3A_51 = arith.addi %add3A_50, %arg0 : i32
    %mul3A_52 = arith.constant 640 : i32
    %mul3A_53 = arith.muli %arg1, %mul3A_52 : i32
    "tpu.region"() ({
      %run_scoped3A_193 = tpu.sem_alloc : memref<!tpu.dma_semaphore, #tpu.memory_space<semaphore_mem>>
      %dma_start3A_194 = tpu.memref_slice %arg8[%add3A_51, %mul3A_53] : memref<6x10240xf32, #tpu.memory_space<hbm>> -> memref<1x640xf32, #tpu.memory_space<hbm>>
      %dma_start3A_195 = tpu.memref_squeeze %dma_start3A_194 : memref<1x640xf32, #tpu.memory_space<hbm>> -> memref<640xf32, #tpu.memory_space<hbm>>
      %dma_start3A_196 = tpu.memref_slice %arg10[%mul3A_49] : memref<10240xf32, #tpu.memory_space<vmem_shared>> -> memref<640xf32, #tpu.memory_space<vmem_shared>>
      tpu.enqueue_dma source(%dma_start3A_196 : memref<640xf32, #tpu.memory_space<vmem_shared>>) target(%dma_start3A_195 : memref<640xf32, #tpu.memory_space<hbm>>) target_semaphore(%run_scoped3A_193 : memref<!tpu.dma_semaphore, #tpu.memory_space<semaphore_mem>>)
      %dma_wait3A_197 = tpu.memref_slice %arg8[%add3A_51, %mul3A_53] : memref<6x10240xf32, #tpu.memory_space<hbm>> -> memref<1x640xf32, #tpu.memory_space<hbm>>
      %dma_wait3A_198 = tpu.memref_squeeze %dma_wait3A_197 : memref<1x640xf32, #tpu.memory_space<hbm>> -> memref<640xf32, #tpu.memory_space<hbm>>
      %dma_wait3A_199 = tpu.memref_slice %arg10[%mul3A_49] : memref<10240xf32, #tpu.memory_space<vmem_shared>> -> memref<640xf32, #tpu.memory_space<vmem_shared>>
      tpu.wait_dma2 semaphore(%run_scoped3A_193 : memref<!tpu.dma_semaphore, #tpu.memory_space<semaphore_mem>>) src(%dma_wait3A_199 : memref<640xf32, #tpu.memory_space<vmem_shared>>) dst(%dma_wait3A_198 : memref<640xf32, #tpu.memory_space<hbm>>)
      tpu.yield
    }) : () -> ()
    %mul3A_54 = arith.constant 640 : i32
    %mul3A_55 = arith.muli %arg1, %mul3A_54 : i32
    %add3A_56 = arith.constant 0 : i32
    %add3A_57 = arith.addi %add3A_56, %arg0 : i32
    %mul3A_58 = arith.constant 640 : i32
    %mul3A_59 = arith.muli %arg1, %mul3A_58 : i32
    "tpu.region"() ({
      %run_scoped3A_193 = tpu.sem_alloc : memref<!tpu.dma_semaphore, #tpu.memory_space<semaphore_mem>>
      %dma_start3A_194 = arith.constant 0 : i32
      %dma_start3A_195 = tpu.memref_slice %arg7[%add3A_57, %mul3A_59, %dma_start3A_194] : memref<6x10240x128xf32, #tpu.memory_space<hbm>> -> memref<1x640x128xf32, #tpu.memory_space<hbm>>
      %dma_start3A_196 = tpu.memref_squeeze %dma_start3A_195 : memref<1x640x128xf32, #tpu.memory_space<hbm>> -> memref<640x128xf32, #tpu.memory_space<hbm>>
      %dma_start3A_197 = arith.constant 0 : i32
      %dma_start3A_198 = tpu.memref_slice %arg9[%mul3A_55, %dma_start3A_197] : memref<10240x128xf32, #tpu.memory_space<vmem_shared>> -> memref<640x128xf32, #tpu.memory_space<vmem_shared>>
      tpu.enqueue_dma source(%dma_start3A_198 : memref<640x128xf32, #tpu.memory_space<vmem_shared>>) target(%dma_start3A_196 : memref<640x128xf32, #tpu.memory_space<hbm>>) target_semaphore(%run_scoped3A_193 : memref<!tpu.dma_semaphore, #tpu.memory_space<semaphore_mem>>)
      %dma_wait3A_199 = arith.constant 0 : i32
      %dma_wait3A_200 = tpu.memref_slice %arg7[%add3A_57, %mul3A_59, %dma_wait3A_199] : memref<6x10240x128xf32, #tpu.memory_space<hbm>> -> memref<1x640x128xf32, #tpu.memory_space<hbm>>
      %dma_wait3A_201 = tpu.memref_squeeze %dma_wait3A_200 : memref<1x640x128xf32, #tpu.memory_space<hbm>> -> memref<640x128xf32, #tpu.memory_space<hbm>>
      %dma_wait3A_202 = arith.constant 0 : i32
      %dma_wait3A_203 = tpu.memref_slice %arg9[%mul3A_55, %dma_wait3A_202] : memref<10240x128xf32, #tpu.memory_space<vmem_shared>> -> memref<640x128xf32, #tpu.memory_space<vmem_shared>>
      tpu.wait_dma2 semaphore(%run_scoped3A_193 : memref<!tpu.dma_semaphore, #tpu.memory_space<semaphore_mem>>) src(%dma_wait3A_203 : memref<640x128xf32, #tpu.memory_space<vmem_shared>>) dst(%dma_wait3A_201 : memref<640x128xf32, #tpu.memory_space<hbm>>)
      tpu.yield
    }) : () -> ()
    %barrier3A_60 = arith.constant 0 : index
    tpu.barrier barrier_id(%barrier3A_60)
    %run_scoped3A_61 = arith.constant 1 : i32
    "tpu.region"() ({
      %run_scoped3A_193 = tpu.sem_alloc : memref<!tpu.dma_semaphore, #tpu.memory_space<semaphore_mem>>
      %dma_start3A_194 = arith.constant 0 : i32
      %dma_start3A_195 = tpu.memref_slice %arg3[%run_scoped3A_61, %dma_start3A_194] : memref<8x10240xf32, #tpu.memory_space<hbm>> -> memref<1x10240xf32, #tpu.memory_space<hbm>>
      %dma_start3A_196 = tpu.memref_squeeze %dma_start3A_195 : memref<1x10240xf32, #tpu.memory_space<hbm>> -> memref<10240xf32, #tpu.memory_space<hbm>>
      %dma_start3A_197 = arith.constant 0 : i32
      %dma_start3A_198 = tpu.memref_slice %arg3[%run_scoped3A_61, %dma_start3A_197] : memref<8x10240xf32, #tpu.memory_space<hbm>> -> memref<1x10240xf32, #tpu.memory_space<hbm>>
      %dma_start3A_199 = tpu.memref_squeeze %dma_start3A_198 : memref<1x10240xf32, #tpu.memory_space<hbm>> -> memref<10240xf32, #tpu.memory_space<hbm>>
      tpu.enqueue_dma source(%dma_start3A_199 : memref<10240xf32, #tpu.memory_space<hbm>>) target(%arg11 : memref<10240xf32, #tpu.memory_space<vmem>>) target_semaphore(%run_scoped3A_193 : memref<!tpu.dma_semaphore, #tpu.memory_space<semaphore_mem>>)
      %dma_wait3A_200 = arith.constant 0 : i32
      %dma_wait3A_201 = tpu.memref_slice %arg3[%run_scoped3A_61, %dma_wait3A_200] : memref<8x10240xf32, #tpu.memory_space<hbm>> -> memref<1x10240xf32, #tpu.memory_space<hbm>>
      %dma_wait3A_202 = tpu.memref_squeeze %dma_wait3A_201 : memref<1x10240xf32, #tpu.memory_space<hbm>> -> memref<10240xf32, #tpu.memory_space<hbm>>
      %dma_wait3A_203 = arith.constant 0 : i32
      %dma_wait3A_204 = tpu.memref_slice %arg3[%run_scoped3A_61, %dma_wait3A_203] : memref<8x10240xf32, #tpu.memory_space<hbm>> -> memref<1x10240xf32, #tpu.memory_space<hbm>>
      %dma_wait3A_205 = tpu.memref_squeeze %dma_wait3A_204 : memref<1x10240xf32, #tpu.memory_space<hbm>> -> memref<10240xf32, #tpu.memory_space<hbm>>
      tpu.wait_dma2 semaphore(%run_scoped3A_193 : memref<!tpu.dma_semaphore, #tpu.memory_space<semaphore_mem>>) src(%dma_wait3A_205 : memref<10240xf32, #tpu.memory_space<hbm>>) dst(%arg11 : memref<10240xf32, #tpu.memory_space<vmem>>)
      tpu.yield
    }) : () -> ()
    %run_scoped3A_62 = arith.constant 4 : i32
    "tpu.region"() ({
      %run_scoped3A_193 = tpu.sem_alloc : memref<!tpu.dma_semaphore, #tpu.memory_space<semaphore_mem>>
      %dma_start3A_194 = arith.constant 0 : i32
      %dma_start3A_195 = tpu.memref_slice %arg3[%run_scoped3A_62, %dma_start3A_194] : memref<8x10240xf32, #tpu.memory_space<hbm>> -> memref<1x10240xf32, #tpu.memory_space<hbm>>
      %dma_start3A_196 = tpu.memref_squeeze %dma_start3A_195 : memref<1x10240xf32, #tpu.memory_space<hbm>> -> memref<10240xf32, #tpu.memory_space<hbm>>
      %dma_start3A_197 = arith.constant 0 : i32
      %dma_start3A_198 = tpu.memref_slice %arg3[%run_scoped3A_62, %dma_start3A_197] : memref<8x10240xf32, #tpu.memory_space<hbm>> -> memref<1x10240xf32, #tpu.memory_space<hbm>>
      %dma_start3A_199 = tpu.memref_squeeze %dma_start3A_198 : memref<1x10240xf32, #tpu.memory_space<hbm>> -> memref<10240xf32, #tpu.memory_space<hbm>>
      tpu.enqueue_dma source(%dma_start3A_199 : memref<10240xf32, #tpu.memory_space<hbm>>) target(%arg12 : memref<10240xf32, #tpu.memory_space<vmem>>) target_semaphore(%run_scoped3A_193 : memref<!tpu.dma_semaphore, #tpu.memory_space<semaphore_mem>>)
      %dma_wait3A_200 = arith.constant 0 : i32
      %dma_wait3A_201 = tpu.memref_slice %arg3[%run_scoped3A_62, %dma_wait3A_200] : memref<8x10240xf32, #tpu.memory_space<hbm>> -> memref<1x10240xf32, #tpu.memory_space<hbm>>
      %dma_wait3A_202 = tpu.memref_squeeze %dma_wait3A_201 : memref<1x10240xf32, #tpu.memory_space<hbm>> -> memref<10240xf32, #tpu.memory_space<hbm>>
      %dma_wait3A_203 = arith.constant 0 : i32
      %dma_wait3A_204 = tpu.memref_slice %arg3[%run_scoped3A_62, %dma_wait3A_203] : memref<8x10240xf32, #tpu.memory_space<hbm>> -> memref<1x10240xf32, #tpu.memory_space<hbm>>
      %dma_wait3A_205 = tpu.memref_squeeze %dma_wait3A_204 : memref<1x10240xf32, #tpu.memory_space<hbm>> -> memref<10240xf32, #tpu.memory_space<hbm>>
      tpu.wait_dma2 semaphore(%run_scoped3A_193 : memref<!tpu.dma_semaphore, #tpu.memory_space<semaphore_mem>>) src(%dma_wait3A_205 : memref<10240xf32, #tpu.memory_space<hbm>>) dst(%arg12 : memref<10240xf32, #tpu.memory_space<vmem>>)
      tpu.yield
    }) : () -> ()
    %eq3A_63 = arith.constant 0 : i32
    %eq3A_64 = arith.cmpi eq, %arg1, %eq3A_63 : i32
    %convert_element_type3A_65 = arith.extui %eq3A_64 : i1 to i32
    %cond3A_66 = arith.constant 0 : i32
    %cond3A_67 = arith.cmpi ne, %convert_element_type3A_65, %cond3A_66 : i32
    scf.if %cond3A_67 {
      "tpu.region"() ({
        %run_scoped3A_193 = tpu.sem_alloc : memref<!tpu.dma_semaphore, #tpu.memory_space<semaphore_mem>>
        tpu.enqueue_dma source(%arg5 : memref<10240x128xf32, #tpu.memory_space<hbm>>) target(%arg9 : memref<10240x128xf32, #tpu.memory_space<vmem_shared>>) target_semaphore(%run_scoped3A_193 : memref<!tpu.dma_semaphore, #tpu.memory_space<semaphore_mem>>)
        tpu.wait_dma2 semaphore(%run_scoped3A_193 : memref<!tpu.dma_semaphore, #tpu.memory_space<semaphore_mem>>) src(%arg5 : memref<10240x128xf32, #tpu.memory_space<hbm>>) dst(%arg9 : memref<10240x128xf32, #tpu.memory_space<vmem_shared>>)
        tpu.yield
      }) : () -> ()
      "tpu.region"() ({
        %run_scoped3A_193 = tpu.sem_alloc : memref<!tpu.dma_semaphore, #tpu.memory_space<semaphore_mem>>
        tpu.enqueue_dma source(%arg6 : memref<10240xf32, #tpu.memory_space<hbm>>) target(%arg10 : memref<10240xf32, #tpu.memory_space<vmem_shared>>) target_semaphore(%run_scoped3A_193 : memref<!tpu.dma_semaphore, #tpu.memory_space<semaphore_mem>>)
        tpu.wait_dma2 semaphore(%run_scoped3A_193 : memref<!tpu.dma_semaphore, #tpu.memory_space<semaphore_mem>>) src(%arg6 : memref<10240xf32, #tpu.memory_space<hbm>>) dst(%arg10 : memref<10240xf32, #tpu.memory_space<vmem_shared>>)
        tpu.yield
      }) : () -> ()
    } else {
    }
    %barrier3A_68 = arith.constant 0 : index
    tpu.barrier barrier_id(%barrier3A_68)
    %add3A_69 = arith.constant 0 : i32
    %add3A_70 = arith.addi %mul3A_2, %add3A_69 : i32
    %dma_start3A_71 = arith.constant 0 : i32
    %dma_start3A_72 = arith.constant 0 : i32
    %dma_start3A_73 = tpu.memref_slice %arg4[%add3A_70, %dma_start3A_71, %dma_start3A_72] : memref<3456x2x96xi32, #tpu.memory_space<hbm>> -> memref<1x2x96xi32, #tpu.memory_space<hbm>>
    %dma_start3A_74 = tpu.memref_squeeze %dma_start3A_73 : memref<1x2x96xi32, #tpu.memory_space<hbm>> -> memref<2x96xi32, #tpu.memory_space<hbm>>
    %dma_start3A_75 = arith.constant 0 : i32
    %dma_start3A_76 = arith.constant 0 : i32
    %dma_start3A_77 = tpu.memref_slice %arg4[%add3A_70, %dma_start3A_75, %dma_start3A_76] : memref<3456x2x96xi32, #tpu.memory_space<hbm>> -> memref<1x2x96xi32, #tpu.memory_space<hbm>>
    %dma_start3A_78 = tpu.memref_squeeze %dma_start3A_77 : memref<1x2x96xi32, #tpu.memory_space<hbm>> -> memref<2x96xi32, #tpu.memory_space<hbm>>
    tpu.enqueue_dma source(%dma_start3A_78 : memref<2x96xi32, #tpu.memory_space<hbm>>) target(%arg13 : memref<2x96xi32, #tpu.memory_space<vmem>>) target_semaphore(%arg23 : memref<!tpu.dma_semaphore, #tpu.memory_space<semaphore_mem>>)
    %dma_wait3A_79 = arith.constant 0 : i32
    %dma_wait3A_80 = arith.constant 0 : i32
    %dma_wait3A_81 = arith.constant 0 : i32
    %dma_wait3A_82 = tpu.memref_slice %arg4[%dma_wait3A_79, %dma_wait3A_80, %dma_wait3A_81] : memref<3456x2x96xi32, #tpu.memory_space<hbm>> -> memref<1x2x96xi32, #tpu.memory_space<hbm>>
    %dma_wait3A_83 = tpu.memref_squeeze %dma_wait3A_82 : memref<1x2x96xi32, #tpu.memory_space<hbm>> -> memref<2x96xi32, #tpu.memory_space<hbm>>
    %dma_wait3A_84 = arith.constant 0 : i32
    %dma_wait3A_85 = arith.constant 0 : i32
    %dma_wait3A_86 = tpu.memref_slice %arg4[%dma_wait3A_79, %dma_wait3A_84, %dma_wait3A_85] : memref<3456x2x96xi32, #tpu.memory_space<hbm>> -> memref<1x2x96xi32, #tpu.memory_space<hbm>>
    %dma_wait3A_87 = tpu.memref_squeeze %dma_wait3A_86 : memref<1x2x96xi32, #tpu.memory_space<hbm>> -> memref<2x96xi32, #tpu.memory_space<hbm>>
    tpu.wait_dma2 semaphore(%arg23 : memref<!tpu.dma_semaphore, #tpu.memory_space<semaphore_mem>>) src(%dma_wait3A_87 : memref<2x96xi32, #tpu.memory_space<hbm>>) dst(%arg13 : memref<2x96xi32, #tpu.memory_space<vmem>>)
    %scan3A_88 = arith.constant 0 : i32
    %scan3A_89 = arith.constant 0 : i32
    %scan3A_90 = arith.constant 6 : i32
    %scan3A_91 = arith.addi %scan3A_89, %scan3A_90 : i32
    %scan3A_92 = arith.constant 1 : i32
    scf.for %scan3A_193 = %scan3A_89 to %scan3A_91 step %scan3A_92  : i32 {
      %mul3A_194 = arith.constant 16 : i32
      %mul3A_195 = arith.muli %scan3A_193, %mul3A_194 : i32
      %get3A = arith.constant 0 : i32
      %get3A_196 = arith.index_cast %get3A : i32 to index
      %get3A_197 = arith.index_cast %mul3A_195 : i32 to index
      %get3A_198 = tpu.vector_load %arg13[%get3A_196, %get3A_197] {strides = array<i32>} : memref<2x96xi32, #tpu.memory_space<vmem>>, vector<16xi32>,
      %mul3A_199 = arith.constant 16 : i32
      %mul3A_200 = arith.muli %scan3A_193, %mul3A_199 : i32
      %get3A_201 = arith.constant 1 : i32
      %get3A_202 = arith.index_cast %get3A_201 : i32 to index
      %get3A_203 = arith.index_cast %mul3A_200 : i32 to index
      %get3A_204 = tpu.vector_load %arg13[%get3A_202, %get3A_203] {strides = array<i32>} : memref<2x96xi32, #tpu.memory_space<vmem>>, vector<16xi32>,
      %gather3A = tpu.vector_load_idx %arg11[%get3A_198] : memref<10240xf32, #tpu.memory_space<vmem>>[vector<16xi32>], vector<16xf32>,
      %gather3A_205 = tpu.vector_load_idx %arg12[%get3A_204] : memref<10240xf32, #tpu.memory_space<vmem>>[vector<16xi32>], vector<16xf32>,
      %add3A_206 = arith.addf %gather3A, %gather3A_205 : vector<16xf32>
      %ge3A = arith.constant 0.000000e+00 : f32
      %ge3A_207 = vector.broadcast %ge3A : f32 to vector<16xf32>
      %ge3A_208 = arith.cmpf oge, %add3A_206, %ge3A_207 : vector<16xf32>
      %mul3A_209 = arith.constant 2.000000e-01 : f32
      %mul3A_210 = vector.broadcast %mul3A_209 : f32 to vector<16xf32>
      %mul3A_211 = arith.mulf %mul3A_210, %add3A_206 : vector<16xf32>
      %select_n3A = arith.select %ge3A_208, %add3A_206, %mul3A_211 : vector<16xi1>, vector<16xf32>
      %add3A_212 = arith.constant 0 : i32
      %add3A_213 = arith.addi %mul3A_2, %add3A_212 : i32
      %mul3A_214 = arith.constant 96 : i32
      %mul3A_215 = arith.muli %add3A_213, %mul3A_214 : i32
      %mul3A_216 = arith.constant 16 : i32
      %mul3A_217 = arith.muli %scan3A_193, %mul3A_216 : i32
      %add3A_218 = arith.addi %mul3A_215, %mul3A_217 : i32
      %add3A_219 = vector.broadcast %add3A_218 : i32 to vector<16xi32>
      %add3A_220 = arith.addi %add3A_219, %iota3A : vector<16xi32>
      %lt3A = arith.constant 330000 : i32
      %lt3A_221 = vector.broadcast %lt3A : i32 to vector<16xi32>
      %lt3A_222 = arith.cmpi slt, %add3A_220, %lt3A_221 : vector<16xi32>
      %exp3A = math.exp %select_n3A : vector<16xf32>
      %jit3A = arith.constant 0.000000e+00 : f32
      %broadcast_in_dim3A = vector.broadcast %jit3A : f32 to vector<16xf32>
      %select_n3A_223 = arith.select %lt3A_222, %exp3A, %broadcast_in_dim3A : vector<16xi1>, vector<16xf32>
      %mul3A_224 = arith.constant 16 : i32
      %mul3A_225 = arith.muli %scan3A_193, %mul3A_224 : i32
      %swap3A = arith.index_cast %mul3A_225 : i32 to index
      %swap3A_226 = tpu.vector_load %arg15[%swap3A] {strides = array<i32>} : memref<96xf32, #tpu.memory_space<vmem>>, vector<16xf32>,
      tpu.vector_store %arg15[%swap3A], %select_n3A_223 {strides = array<i32>} : memref<96xf32, #tpu.memory_space<vmem>>, vector<16xf32>,
      %add3A_227 = arith.constant 10240 : i32
      %add3A_228 = vector.broadcast %add3A_227 : i32 to vector<16xi32>
      %add3A_229 = arith.addi %get3A_198, %add3A_228 : vector<16xi32>
      %mul3A_230 = arith.constant 16 : i32
      %mul3A_231 = arith.muli %scan3A_193, %mul3A_230 : i32
      %swap3A_232 = arith.index_cast %mul3A_231 : i32 to index
      %swap3A_233 = tpu.vector_load %arg17[%swap3A_232] {strides = array<i32>} : memref<96xi32, #tpu.memory_space<vmem>>, vector<16xi32>,
      tpu.vector_store %arg17[%swap3A_232], %add3A_229 {strides = array<i32>} : memref<96xi32, #tpu.memory_space<vmem>>, vector<16xi32>,
      %mul3A_234 = arith.constant 16 : i32
      %mul3A_235 = arith.muli %scan3A_193, %mul3A_234 : i32
      %swap3A_236 = arith.index_cast %mul3A_235 : i32 to index
      %swap3A_237 = tpu.vector_load %arg19[%swap3A_236] {strides = array<i32>} : memref<96xi32, #tpu.memory_space<vmem>>, vector<16xi32>,
      tpu.vector_store %arg19[%swap3A_236], %get3A_204 {strides = array<i32>} : memref<96xi32, #tpu.memory_space<vmem>>, vector<16xi32>,
    }
    %scan3A_93 = arith.constant 6 : i32
    %dma_start3A_94 = arith.constant 0 : i32
    %dma_start3A_95 = arith.constant 0 : i32
    %dma_start3A_96 = tpu.memref_slice %arg2[%dma_start3A_94, %dma_start3A_95] : memref<30720x128xf32, #tpu.memory_space<hbm>> -> memref<30720x128xf32, #tpu.memory_space<hbm>>
    tpu.enqueue_indirect_dma source(%dma_start3A_96 : memref<30720x128xf32, #tpu.memory_space<hbm>>) target(%arg21 : memref<96x128xf32, #tpu.memory_space<vmem>>) offsets(%arg17 : memref<96xi32, #tpu.memory_space<vmem>>) semaphore(%arg25 : memref<!tpu.dma_semaphore, #tpu.memory_space<semaphore_mem>>)
    %add3A_97 = arith.constant 1 : i32
    %add3A_98 = arith.addi %mul3A_2, %add3A_97 : i32
    %dma_start3A_99 = arith.constant 0 : i32
    %dma_start3A_100 = arith.constant 0 : i32
    %dma_start3A_101 = tpu.memref_slice %arg4[%add3A_98, %dma_start3A_99, %dma_start3A_100] : memref<3456x2x96xi32, #tpu.memory_space<hbm>> -> memref<1x2x96xi32, #tpu.memory_space<hbm>>
    %dma_start3A_102 = tpu.memref_squeeze %dma_start3A_101 : memref<1x2x96xi32, #tpu.memory_space<hbm>> -> memref<2x96xi32, #tpu.memory_space<hbm>>
    %dma_start3A_103 = arith.constant 0 : i32
    %dma_start3A_104 = arith.constant 0 : i32
    %dma_start3A_105 = tpu.memref_slice %arg4[%add3A_98, %dma_start3A_103, %dma_start3A_104] : memref<3456x2x96xi32, #tpu.memory_space<hbm>> -> memref<1x2x96xi32, #tpu.memory_space<hbm>>
    %dma_start3A_106 = tpu.memref_squeeze %dma_start3A_105 : memref<1x2x96xi32, #tpu.memory_space<hbm>> -> memref<2x96xi32, #tpu.memory_space<hbm>>
    tpu.enqueue_dma source(%dma_start3A_106 : memref<2x96xi32, #tpu.memory_space<hbm>>) target(%arg14 : memref<2x96xi32, #tpu.memory_space<vmem>>) target_semaphore(%arg24 : memref<!tpu.dma_semaphore, #tpu.memory_space<semaphore_mem>>)
    %scan3A_107 = arith.constant 0 : i32
    %scan3A_108 = arith.constant 0 : i32
    %scan3A_109 = arith.constant 54 : i32
    %scan3A_110 = arith.addi %scan3A_108, %scan3A_109 : i32
    %scan3A_111 = arith.constant 1 : i32
    scf.for %scan3A_193 = %scan3A_108 to %scan3A_110 step %scan3A_111  : i32 {
      %mul3A_194 = arith.constant 2 : i32
      %mul3A_195 = arith.muli %mul3A_194, %scan3A_193 : i32
      %eq3A_196 = arith.constant 53 : i32
      %eq3A_197 = arith.cmpi eq, %scan3A_193, %eq3A_196 : i32
      %dma_wait3A_198 = arith.constant 0 : i32
      %dma_wait3A_199 = arith.constant 0 : i32
      %dma_wait3A_200 = arith.constant 0 : i32
      %dma_wait3A_201 = tpu.memref_slice %arg4[%dma_wait3A_198, %dma_wait3A_199, %dma_wait3A_200] : memref<3456x2x96xi32, #tpu.memory_space<hbm>> -> memref<1x2x96xi32, #tpu.memory_space<hbm>>
      %dma_wait3A_202 = tpu.memref_squeeze %dma_wait3A_201 : memref<1x2x96xi32, #tpu.memory_space<hbm>> -> memref<2x96xi32, #tpu.memory_space<hbm>>
      %dma_wait3A_203 = arith.constant 0 : i32
      %dma_wait3A_204 = arith.constant 0 : i32
      %dma_wait3A_205 = tpu.memref_slice %arg4[%dma_wait3A_198, %dma_wait3A_203, %dma_wait3A_204] : memref<3456x2x96xi32, #tpu.memory_space<hbm>> -> memref<1x2x96xi32, #tpu.memory_space<hbm>>
      %dma_wait3A_206 = tpu.memref_squeeze %dma_wait3A_205 : memref<1x2x96xi32, #tpu.memory_space<hbm>> -> memref<2x96xi32, #tpu.memory_space<hbm>>
      tpu.wait_dma2 semaphore(%arg24 : memref<!tpu.dma_semaphore, #tpu.memory_space<semaphore_mem>>) src(%dma_wait3A_206 : memref<2x96xi32, #tpu.memory_space<hbm>>) dst(%arg14 : memref<2x96xi32, #tpu.memory_space<vmem>>)
      %add3A_207 = arith.constant 1 : i32
      %add3A_208 = arith.addi %mul3A_195, %add3A_207 : i32
      %scan3A_209 = arith.constant 0 : i32
      %scan3A_210 = arith.constant 0 : i32
      %scan3A_211 = arith.constant 6 : i32
      %scan3A_212 = arith.addi %scan3A_210, %scan3A_211 : i32
      %scan3A_213 = arith.constant 1 : i32
      scf.for %scan3A_245 = %scan3A_210 to %scan3A_212 step %scan3A_213  : i32 {
        %mul3A_246 = arith.constant 16 : i32
        %mul3A_247 = arith.muli %scan3A_245, %mul3A_246 : i32
        %get3A = arith.constant 0 : i32
        %get3A_248 = arith.index_cast %get3A : i32 to index
        %get3A_249 = arith.index_cast %mul3A_247 : i32 to index
        %get3A_250 = tpu.vector_load %arg14[%get3A_248, %get3A_249] {strides = array<i32>} : memref<2x96xi32, #tpu.memory_space<vmem>>, vector<16xi32>,
        %mul3A_251 = arith.constant 16 : i32
        %mul3A_252 = arith.muli %scan3A_245, %mul3A_251 : i32
        %get3A_253 = arith.constant 1 : i32
        %get3A_254 = arith.index_cast %get3A_253 : i32 to index
        %get3A_255 = arith.index_cast %mul3A_252 : i32 to index
        %get3A_256 = tpu.vector_load %arg14[%get3A_254, %get3A_255] {strides = array<i32>} : memref<2x96xi32, #tpu.memory_space<vmem>>, vector<16xi32>,
        %gather3A = tpu.vector_load_idx %arg11[%get3A_250] : memref<10240xf32, #tpu.memory_space<vmem>>[vector<16xi32>], vector<16xf32>,
        %gather3A_257 = tpu.vector_load_idx %arg12[%get3A_256] : memref<10240xf32, #tpu.memory_space<vmem>>[vector<16xi32>], vector<16xf32>,
        %add3A_258 = arith.addf %gather3A, %gather3A_257 : vector<16xf32>
        %ge3A = arith.constant 0.000000e+00 : f32
        %ge3A_259 = vector.broadcast %ge3A : f32 to vector<16xf32>
        %ge3A_260 = arith.cmpf oge, %add3A_258, %ge3A_259 : vector<16xf32>
        %mul3A_261 = arith.constant 2.000000e-01 : f32
        %mul3A_262 = vector.broadcast %mul3A_261 : f32 to vector<16xf32>
        %mul3A_263 = arith.mulf %mul3A_262, %add3A_258 : vector<16xf32>
        %select_n3A = arith.select %ge3A_260, %add3A_258, %mul3A_263 : vector<16xi1>, vector<16xf32>
        %add3A_264 = arith.addi %mul3A_2, %add3A_208 : i32
        %mul3A_265 = arith.constant 96 : i32
        %mul3A_266 = arith.muli %add3A_264, %mul3A_265 : i32
        %mul3A_267 = arith.constant 16 : i32
        %mul3A_268 = arith.muli %scan3A_245, %mul3A_267 : i32
        %add3A_269 = arith.addi %mul3A_266, %mul3A_268 : i32
        %add3A_270 = vector.broadcast %add3A_269 : i32 to vector<16xi32>
        %add3A_271 = arith.addi %add3A_270, %iota3A : vector<16xi32>
        %lt3A = arith.constant 330000 : i32
        %lt3A_272 = vector.broadcast %lt3A : i32 to vector<16xi32>
        %lt3A_273 = arith.cmpi slt, %add3A_271, %lt3A_272 : vector<16xi32>
        %exp3A = math.exp %select_n3A : vector<16xf32>
        %jit3A = arith.constant 0.000000e+00 : f32
        %broadcast_in_dim3A = vector.broadcast %jit3A : f32 to vector<16xf32>
        %select_n3A_274 = arith.select %lt3A_273, %exp3A, %broadcast_in_dim3A : vector<16xi1>, vector<16xf32>
        %mul3A_275 = arith.constant 16 : i32
        %mul3A_276 = arith.muli %scan3A_245, %mul3A_275 : i32
        %swap3A = arith.index_cast %mul3A_276 : i32 to index
        %swap3A_277 = tpu.vector_load %arg16[%swap3A] {strides = array<i32>} : memref<96xf32, #tpu.memory_space<vmem>>, vector<16xf32>,
        tpu.vector_store %arg16[%swap3A], %select_n3A_274 {strides = array<i32>} : memref<96xf32, #tpu.memory_space<vmem>>, vector<16xf32>,
        %add3A_278 = arith.constant 10240 : i32
        %add3A_279 = vector.broadcast %add3A_278 : i32 to vector<16xi32>
        %add3A_280 = arith.addi %get3A_250, %add3A_279 : vector<16xi32>
        %mul3A_281 = arith.constant 16 : i32
        %mul3A_282 = arith.muli %scan3A_245, %mul3A_281 : i32
        %swap3A_283 = arith.index_cast %mul3A_282 : i32 to index
        %swap3A_284 = tpu.vector_load %arg18[%swap3A_283] {strides = array<i32>} : memref<96xi32, #tpu.memory_space<vmem>>, vector<16xi32>,
        tpu.vector_store %arg18[%swap3A_283], %add3A_280 {strides = array<i32>} : memref<96xi32, #tpu.memory_space<vmem>>, vector<16xi32>,
        %mul3A_285 = arith.constant 16 : i32
        %mul3A_286 = arith.muli %scan3A_245, %mul3A_285 : i32
        %swap3A_287 = arith.index_cast %mul3A_286 : i32 to index
        %swap3A_288 = tpu.vector_load %arg20[%swap3A_287] {strides = array<i32>} : memref<96xi32, #tpu.memory_space<vmem>>, vector<16xi32>,
        tpu.vector_store %arg20[%swap3A_287], %get3A_256 {strides = array<i32>} : memref<96xi32, #tpu.memory_space<vmem>>, vector<16xi32>,
      }
      %scan3A_214 = arith.constant 6 : i32
      %dma_start3A_215 = arith.constant 0 : i32
      %dma_start3A_216 = arith.constant 0 : i32
      %dma_start3A_217 = tpu.memref_slice %arg2[%dma_start3A_215, %dma_start3A_216] : memref<30720x128xf32, #tpu.memory_space<hbm>> -> memref<30720x128xf32, #tpu.memory_space<hbm>>
      tpu.enqueue_indirect_dma source(%dma_start3A_217 : memref<30720x128xf32, #tpu.memory_space<hbm>>) target(%arg22 : memref<96x128xf32, #tpu.memory_space<vmem>>) offsets(%arg18 : memref<96xi32, #tpu.memory_space<vmem>>) semaphore(%arg26 : memref<!tpu.dma_semaphore, #tpu.memory_space<semaphore_mem>>)
      %not3A = arith.constant true
      %not3A_218 = arith.xori %eq3A_197, %not3A : i1
      %convert_element_type3A_219 = arith.extui %not3A_218 : i1 to i32
      %cond3A_220 = arith.constant 0 : i32
      %cond3A_221 = arith.cmpi ne, %convert_element_type3A_219, %cond3A_220 : i32
      scf.if %cond3A_221 {
        %add3A_245 = arith.constant 2 : i32
        %add3A_246 = arith.addi %mul3A_195, %add3A_245 : i32
        %add3A_247 = arith.addi %mul3A_2, %add3A_246 : i32
        %dma_start3A_248 = arith.constant 0 : i32
        %dma_start3A_249 = arith.constant 0 : i32
        %dma_start3A_250 = tpu.memref_slice %arg4[%add3A_247, %dma_start3A_248, %dma_start3A_249] : memref<3456x2x96xi32, #tpu.memory_space<hbm>> -> memref<1x2x96xi32, #tpu.memory_space<hbm>>
        %dma_start3A_251 = tpu.memref_squeeze %dma_start3A_250 : memref<1x2x96xi32, #tpu.memory_space<hbm>> -> memref<2x96xi32, #tpu.memory_space<hbm>>
        %dma_start3A_252 = arith.constant 0 : i32
        %dma_start3A_253 = arith.constant 0 : i32
        %dma_start3A_254 = tpu.memref_slice %arg4[%add3A_247, %dma_start3A_252, %dma_start3A_253] : memref<3456x2x96xi32, #tpu.memory_space<hbm>> -> memref<1x2x96xi32, #tpu.memory_space<hbm>>
        %dma_start3A_255 = tpu.memref_squeeze %dma_start3A_254 : memref<1x2x96xi32, #tpu.memory_space<hbm>> -> memref<2x96xi32, #tpu.memory_space<hbm>>
        tpu.enqueue_dma source(%dma_start3A_255 : memref<2x96xi32, #tpu.memory_space<hbm>>) target(%arg13 : memref<2x96xi32, #tpu.memory_space<vmem>>) target_semaphore(%arg23 : memref<!tpu.dma_semaphore, #tpu.memory_space<semaphore_mem>>)
      } else {
      }
      %dma_wait3A_222 = arith.constant 0 : i32
      %dma_wait3A_223 = arith.constant 0 : i32
      %dma_wait3A_224 = tpu.memref_slice %arg2[%dma_wait3A_222, %dma_wait3A_223] : memref<30720x128xf32, #tpu.memory_space<hbm>> -> memref<30720x128xf32, #tpu.memory_space<hbm>>
      tpu.wait_indirect_dma semaphore(%arg25 : memref<!tpu.dma_semaphore, #tpu.memory_space<semaphore_mem>>) src(%dma_wait3A_224 : memref<30720x128xf32, #tpu.memory_space<hbm>>) dst(%arg21 : memref<96x128xf32, #tpu.memory_space<vmem>>)
      "tpu.region"() ({
        %run_scoped3A_245 = tpu.sem_alloc : memref<!tpu.dma_semaphore, #tpu.memory_space<semaphore_mem>>
        %dma_start3A_246 = arith.constant 0 : i32
        %dma_start3A_247 = tpu.memref_slice %arg10[%dma_start3A_246] : memref<10240xf32, #tpu.memory_space<vmem_shared>> -> memref<10240xf32, #tpu.memory_space<vmem_shared>>
        tpu.enqueue_indirect_dma source(%arg15 : memref<96xf32, #tpu.memory_space<vmem>>) target(%dma_start3A_247 : memref<10240xf32, #tpu.memory_space<vmem_shared>>) offsets(%arg19 : memref<96xi32, #tpu.memory_space<vmem>>) semaphore(%run_scoped3A_245 : memref<!tpu.dma_semaphore, #tpu.memory_space<semaphore_mem>>) {add = true}
        %dma_wait3A_248 = arith.constant 0 : i32
        %dma_wait3A_249 = tpu.memref_slice %arg10[%dma_wait3A_248] : memref<10240xf32, #tpu.memory_space<vmem_shared>> -> memref<10240xf32, #tpu.memory_space<vmem_shared>>
        tpu.wait_indirect_dma semaphore(%run_scoped3A_245 : memref<!tpu.dma_semaphore, #tpu.memory_space<semaphore_mem>>) src(%arg15 : memref<96xf32, #tpu.memory_space<vmem>>) dst(%dma_wait3A_249 : memref<10240xf32, #tpu.memory_space<vmem_shared>>)
        tpu.yield
      }) : () -> ()
      %scan3A_225 = arith.constant 0 : i32
      %scan3A_226 = arith.constant 0 : i32
      %scan3A_227 = arith.constant 24 : i32
      %scan3A_228 = arith.addi %scan3A_226, %scan3A_227 : i32
      %scan3A_229 = arith.constant 1 : i32
      scf.for %scan3A_245 = %scan3A_226 to %scan3A_228 step %scan3A_229  : i32 {
        %mul3A_246 = arith.constant 4 : i32
        %mul3A_247 = arith.muli %scan3A_245, %mul3A_246 : i32
        %add3A_248 = arith.constant 0 : i32
        %add3A_249 = arith.addi %mul3A_247, %add3A_248 : i32
        %mul3A_250 = arith.constant 0 : i32
        %mul3A_251 = vector.broadcast %mul3A_250 : i32 to vector<16xi32>
        %mul3A_252 = arith.muli %iota3A, %mul3A_251 : vector<16xi32>
        %add3A_253 = vector.broadcast %add3A_249 : i32 to vector<16xi32>
        %add3A_254 = arith.addi %mul3A_252, %add3A_253 : vector<16xi32>
        %gather3A = tpu.vector_load_idx %arg15[%add3A_254] : memref<96xf32, #tpu.memory_space<vmem>>[vector<16xi32>], vector<16xf32>,
        %get3A = arith.index_cast %add3A_249 : i32 to index
        %get3A_255 = arith.constant 0 : index
        %get3A_256 = tpu.vector_load %arg21[%get3A, %get3A_255] {strides = array<i32>} : memref<96x128xf32, #tpu.memory_space<vmem>>, vector<16xf32>,
        %mul3A_257 = arith.mulf %get3A_256, %gather3A : vector<16xf32>
        %swap3A = arith.index_cast %add3A_249 : i32 to index
        %swap3A_258 = arith.constant 0 : index
        %swap3A_259 = tpu.vector_load %arg21[%swap3A, %swap3A_258] {strides = array<i32>} : memref<96x128xf32, #tpu.memory_space<vmem>>, vector<16xf32>,
        tpu.vector_store %arg21[%swap3A, %swap3A_258], %mul3A_257 {strides = array<i32>} : memref<96x128xf32, #tpu.memory_space<vmem>>, vector<16xf32>,
        %get3A_260 = arith.index_cast %add3A_249 : i32 to index
        %get3A_261 = arith.constant 16 : index
        %get3A_262 = tpu.vector_load %arg21[%get3A_260, %get3A_261] {strides = array<i32>} : memref<96x128xf32, #tpu.memory_space<vmem>>, vector<16xf32>,
        %mul3A_263 = arith.mulf %get3A_262, %gather3A : vector<16xf32>
        %swap3A_264 = arith.index_cast %add3A_249 : i32 to index
        %swap3A_265 = arith.constant 16 : index
        %swap3A_266 = tpu.vector_load %arg21[%swap3A_264, %swap3A_265] {strides = array<i32>} : memref<96x128xf32, #tpu.memory_space<vmem>>, vector<16xf32>,
        tpu.vector_store %arg21[%swap3A_264, %swap3A_265], %mul3A_263 {strides = array<i32>} : memref<96x128xf32, #tpu.memory_space<vmem>>, vector<16xf32>,
        %get3A_267 = arith.index_cast %add3A_249 : i32 to index
        %get3A_268 = arith.constant 32 : index
        %get3A_269 = tpu.vector_load %arg21[%get3A_267, %get3A_268] {strides = array<i32>} : memref<96x128xf32, #tpu.memory_space<vmem>>, vector<16xf32>,
        %mul3A_270 = arith.mulf %get3A_269, %gather3A : vector<16xf32>
        %swap3A_271 = arith.index_cast %add3A_249 : i32 to index
        %swap3A_272 = arith.constant 32 : index
        %swap3A_273 = tpu.vector_load %arg21[%swap3A_271, %swap3A_272] {strides = array<i32>} : memref<96x128xf32, #tpu.memory_space<vmem>>, vector<16xf32>,
        tpu.vector_store %arg21[%swap3A_271, %swap3A_272], %mul3A_270 {strides = array<i32>} : memref<96x128xf32, #tpu.memory_space<vmem>>, vector<16xf32>,
        %get3A_274 = arith.index_cast %add3A_249 : i32 to index
        %get3A_275 = arith.constant 48 : index
        %get3A_276 = tpu.vector_load %arg21[%get3A_274, %get3A_275] {strides = array<i32>} : memref<96x128xf32, #tpu.memory_space<vmem>>, vector<16xf32>,
        %mul3A_277 = arith.mulf %get3A_276, %gather3A : vector<16xf32>
        %swap3A_278 = arith.index_cast %add3A_249 : i32 to index
        %swap3A_279 = arith.constant 48 : index
        %swap3A_280 = tpu.vector_load %arg21[%swap3A_278, %swap3A_279] {strides = array<i32>} : memref<96x128xf32, #tpu.memory_space<vmem>>, vector<16xf32>,
        tpu.vector_store %arg21[%swap3A_278, %swap3A_279], %mul3A_277 {strides = array<i32>} : memref<96x128xf32, #tpu.memory_space<vmem>>, vector<16xf32>,
        %get3A_281 = arith.index_cast %add3A_249 : i32 to index
        %get3A_282 = arith.constant 64 : index
        %get3A_283 = tpu.vector_load %arg21[%get3A_281, %get3A_282] {strides = array<i32>} : memref<96x128xf32, #tpu.memory_space<vmem>>, vector<16xf32>,
        %mul3A_284 = arith.mulf %get3A_283, %gather3A : vector<16xf32>
        %swap3A_285 = arith.index_cast %add3A_249 : i32 to index
        %swap3A_286 = arith.constant 64 : index
        %swap3A_287 = tpu.vector_load %arg21[%swap3A_285, %swap3A_286] {strides = array<i32>} : memref<96x128xf32, #tpu.memory_space<vmem>>, vector<16xf32>,
        tpu.vector_store %arg21[%swap3A_285, %swap3A_286], %mul3A_284 {strides = array<i32>} : memref<96x128xf32, #tpu.memory_space<vmem>>, vector<16xf32>,
        %get3A_288 = arith.index_cast %add3A_249 : i32 to index
        %get3A_289 = arith.constant 80 : index
        %get3A_290 = tpu.vector_load %arg21[%get3A_288, %get3A_289] {strides = array<i32>} : memref<96x128xf32, #tpu.memory_space<vmem>>, vector<16xf32>,
        %mul3A_291 = arith.mulf %get3A_290, %gather3A : vector<16xf32>
        %swap3A_292 = arith.index_cast %add3A_249 : i32 to index
        %swap3A_293 = arith.constant 80 : index
        %swap3A_294 = tpu.vector_load %arg21[%swap3A_292, %swap3A_293] {strides = array<i32>} : memref<96x128xf32, #tpu.memory_space<vmem>>, vector<16xf32>,
        tpu.vector_store %arg21[%swap3A_292, %swap3A_293], %mul3A_291 {strides = array<i32>} : memref<96x128xf32, #tpu.memory_space<vmem>>, vector<16xf32>,
        %get3A_295 = arith.index_cast %add3A_249 : i32 to index
        %get3A_296 = arith.constant 96 : index
        %get3A_297 = tpu.vector_load %arg21[%get3A_295, %get3A_296] {strides = array<i32>} : memref<96x128xf32, #tpu.memory_space<vmem>>, vector<16xf32>,
        %mul3A_298 = arith.mulf %get3A_297, %gather3A : vector<16xf32>
        %swap3A_299 = arith.index_cast %add3A_249 : i32 to index
        %swap3A_300 = arith.constant 96 : index
        %swap3A_301 = tpu.vector_load %arg21[%swap3A_299, %swap3A_300] {strides = array<i32>} : memref<96x128xf32, #tpu.memory_space<vmem>>, vector<16xf32>,
        tpu.vector_store %arg21[%swap3A_299, %swap3A_300], %mul3A_298 {strides = array<i32>} : memref<96x128xf32, #tpu.memory_space<vmem>>, vector<16xf32>,
        %get3A_302 = arith.index_cast %add3A_249 : i32 to index
        %get3A_303 = arith.constant 112 : index
        %get3A_304 = tpu.vector_load %arg21[%get3A_302, %get3A_303] {strides = array<i32>} : memref<96x128xf32, #tpu.memory_space<vmem>>, vector<16xf32>,
        %mul3A_305 = arith.mulf %get3A_304, %gather3A : vector<16xf32>
        %swap3A_306 = arith.index_cast %add3A_249 : i32 to index
        %swap3A_307 = arith.constant 112 : index
        %swap3A_308 = tpu.vector_load %arg21[%swap3A_306, %swap3A_307] {strides = array<i32>} : memref<96x128xf32, #tpu.memory_space<vmem>>, vector<16xf32>,
        tpu.vector_store %arg21[%swap3A_306, %swap3A_307], %mul3A_305 {strides = array<i32>} : memref<96x128xf32, #tpu.memory_space<vmem>>, vector<16xf32>,
        %mul3A_309 = arith.constant 4 : i32
        %mul3A_310 = arith.muli %scan3A_245, %mul3A_309 : i32
        %add3A_311 = arith.constant 1 : i32
        %add3A_312 = arith.addi %mul3A_310, %add3A_311 : i32
        %mul3A_313 = arith.constant 0 : i32
        %mul3A_314 = vector.broadcast %mul3A_313 : i32 to vector<16xi32>
        %mul3A_315 = arith.muli %iota3A, %mul3A_314 : vector<16xi32>
        %add3A_316 = vector.broadcast %add3A_312 : i32 to vector<16xi32>
        %add3A_317 = arith.addi %mul3A_315, %add3A_316 : vector<16xi32>
        %gather3A_318 = tpu.vector_load_idx %arg15[%add3A_317] : memref<96xf32, #tpu.memory_space<vmem>>[vector<16xi32>], vector<16xf32>,
        %get3A_319 = arith.index_cast %add3A_312 : i32 to index
        %get3A_320 = arith.constant 0 : index
        %get3A_321 = tpu.vector_load %arg21[%get3A_319, %get3A_320] {strides = array<i32>} : memref<96x128xf32, #tpu.memory_space<vmem>>, vector<16xf32>,
        %mul3A_322 = arith.mulf %get3A_321, %gather3A_318 : vector<16xf32>
        %swap3A_323 = arith.index_cast %add3A_312 : i32 to index
        %swap3A_324 = arith.constant 0 : index
        %swap3A_325 = tpu.vector_load %arg21[%swap3A_323, %swap3A_324] {strides = array<i32>} : memref<96x128xf32, #tpu.memory_space<vmem>>, vector<16xf32>,
        tpu.vector_store %arg21[%swap3A_323, %swap3A_324], %mul3A_322 {strides = array<i32>} : memref<96x128xf32, #tpu.memory_space<vmem>>, vector<16xf32>,
        %get3A_326 = arith.index_cast %add3A_312 : i32 to index
        %get3A_327 = arith.constant 16 : index
        %get3A_328 = tpu.vector_load %arg21[%get3A_326, %get3A_327] {strides = array<i32>} : memref<96x128xf32, #tpu.memory_space<vmem>>, vector<16xf32>,
        %mul3A_329 = arith.mulf %get3A_328, %gather3A_318 : vector<16xf32>
        %swap3A_330 = arith.index_cast %add3A_312 : i32 to index
        %swap3A_331 = arith.constant 16 : index
        %swap3A_332 = tpu.vector_load %arg21[%swap3A_330, %swap3A_331] {strides = array<i32>} : memref<96x128xf32, #tpu.memory_space<vmem>>, vector<16xf32>,
        tpu.vector_store %arg21[%swap3A_330, %swap3A_331], %mul3A_329 {strides = array<i32>} : memref<96x128xf32, #tpu.memory_space<vmem>>, vector<16xf32>,
        %get3A_333 = arith.index_cast %add3A_312 : i32 to index
        %get3A_334 = arith.constant 32 : index
        %get3A_335 = tpu.vector_load %arg21[%get3A_333, %get3A_334] {strides = array<i32>} : memref<96x128xf32, #tpu.memory_space<vmem>>, vector<16xf32>,
        %mul3A_336 = arith.mulf %get3A_335, %gather3A_318 : vector<16xf32>
        %swap3A_337 = arith.index_cast %add3A_312 : i32 to index
        %swap3A_338 = arith.constant 32 : index
        %swap3A_339 = tpu.vector_load %arg21[%swap3A_337, %swap3A_338] {strides = array<i32>} : memref<96x128xf32, #tpu.memory_space<vmem>>, vector<16xf32>,
        tpu.vector_store %arg21[%swap3A_337, %swap3A_338], %mul3A_336 {strides = array<i32>} : memref<96x128xf32, #tpu.memory_space<vmem>>, vector<16xf32>,
        %get3A_340 = arith.index_cast %add3A_312 : i32 to index
        %get3A_341 = arith.constant 48 : index
        %get3A_342 = tpu.vector_load %arg21[%get3A_340, %get3A_341] {strides = array<i32>} : memref<96x128xf32, #tpu.memory_space<vmem>>, vector<16xf32>,
        %mul3A_343 = arith.mulf %get3A_342, %gather3A_318 : vector<16xf32>
        %swap3A_344 = arith.index_cast %add3A_312 : i32 to index
        %swap3A_345 = arith.constant 48 : index
        %swap3A_346 = tpu.vector_load %arg21[%swap3A_344, %swap3A_345] {strides = array<i32>} : memref<96x128xf32, #tpu.memory_space<vmem>>, vector<16xf32>,
        tpu.vector_store %arg21[%swap3A_344, %swap3A_345], %mul3A_343 {strides = array<i32>} : memref<96x128xf32, #tpu.memory_space<vmem>>, vector<16xf32>,
        %get3A_347 = arith.index_cast %add3A_312 : i32 to index
        %get3A_348 = arith.constant 64 : index
        %get3A_349 = tpu.vector_load %arg21[%get3A_347, %get3A_348] {strides = array<i32>} : memref<96x128xf32, #tpu.memory_space<vmem>>, vector<16xf32>,
        %mul3A_350 = arith.mulf %get3A_349, %gather3A_318 : vector<16xf32>
        %swap3A_351 = arith.index_cast %add3A_312 : i32 to index
        %swap3A_352 = arith.constant 64 : index
        %swap3A_353 = tpu.vector_load %arg21[%swap3A_351, %swap3A_352] {strides = array<i32>} : memref<96x128xf32, #tpu.memory_space<vmem>>, vector<16xf32>,
        tpu.vector_store %arg21[%swap3A_351, %swap3A_352], %mul3A_350 {strides = array<i32>} : memref<96x128xf32, #tpu.memory_space<vmem>>, vector<16xf32>,
        %get3A_354 = arith.index_cast %add3A_312 : i32 to index
        %get3A_355 = arith.constant 80 : index
        %get3A_356 = tpu.vector_load %arg21[%get3A_354, %get3A_355] {strides = array<i32>} : memref<96x128xf32, #tpu.memory_space<vmem>>, vector<16xf32>,
        %mul3A_357 = arith.mulf %get3A_356, %gather3A_318 : vector<16xf32>
        %swap3A_358 = arith.index_cast %add3A_312 : i32 to index
        %swap3A_359 = arith.constant 80 : index
        %swap3A_360 = tpu.vector_load %arg21[%swap3A_358, %swap3A_359] {strides = array<i32>} : memref<96x128xf32, #tpu.memory_space<vmem>>, vector<16xf32>,
        tpu.vector_store %arg21[%swap3A_358, %swap3A_359], %mul3A_357 {strides = array<i32>} : memref<96x128xf32, #tpu.memory_space<vmem>>, vector<16xf32>,
        %get3A_361 = arith.index_cast %add3A_312 : i32 to index
        %get3A_362 = arith.constant 96 : index
        %get3A_363 = tpu.vector_load %arg21[%get3A_361, %get3A_362] {strides = array<i32>} : memref<96x128xf32, #tpu.memory_space<vmem>>, vector<16xf32>,
        %mul3A_364 = arith.mulf %get3A_363, %gather3A_318 : vector<16xf32>
        %swap3A_365 = arith.index_cast %add3A_312 : i32 to index
        %swap3A_366 = arith.constant 96 : index
        %swap3A_367 = tpu.vector_load %arg21[%swap3A_365, %swap3A_366] {strides = array<i32>} : memref<96x128xf32, #tpu.memory_space<vmem>>, vector<16xf32>,
        tpu.vector_store %arg21[%swap3A_365, %swap3A_366], %mul3A_364 {strides = array<i32>} : memref<96x128xf32, #tpu.memory_space<vmem>>, vector<16xf32>,
        %get3A_368 = arith.index_cast %add3A_312 : i32 to index
        %get3A_369 = arith.constant 112 : index
        %get3A_370 = tpu.vector_load %arg21[%get3A_368, %get3A_369] {strides = array<i32>} : memref<96x128xf32, #tpu.memory_space<vmem>>, vector<16xf32>,
        %mul3A_371 = arith.mulf %get3A_370, %gather3A_318 : vector<16xf32>
        %swap3A_372 = arith.index_cast %add3A_312 : i32 to index
        %swap3A_373 = arith.constant 112 : index
        %swap3A_374 = tpu.vector_load %arg21[%swap3A_372, %swap3A_373] {strides = array<i32>} : memref<96x128xf32, #tpu.memory_space<vmem>>, vector<16xf32>,
        tpu.vector_store %arg21[%swap3A_372, %swap3A_373], %mul3A_371 {strides = array<i32>} : memref<96x128xf32, #tpu.memory_space<vmem>>, vector<16xf32>,
        %mul3A_375 = arith.constant 4 : i32
        %mul3A_376 = arith.muli %scan3A_245, %mul3A_375 : i32
        %add3A_377 = arith.constant 2 : i32
        %add3A_378 = arith.addi %mul3A_376, %add3A_377 : i32
        %mul3A_379 = arith.constant 0 : i32
        %mul3A_380 = vector.broadcast %mul3A_379 : i32 to vector<16xi32>
        %mul3A_381 = arith.muli %iota3A, %mul3A_380 : vector<16xi32>
        %add3A_382 = vector.broadcast %add3A_378 : i32 to vector<16xi32>
        %add3A_383 = arith.addi %mul3A_381, %add3A_382 : vector<16xi32>
        %gather3A_384 = tpu.vector_load_idx %arg15[%add3A_383] : memref<96xf32, #tpu.memory_space<vmem>>[vector<16xi32>], vector<16xf32>,
        %get3A_385 = arith.index_cast %add3A_378 : i32 to index
        %get3A_386 = arith.constant 0 : index
        %get3A_387 = tpu.vector_load %arg21[%get3A_385, %get3A_386] {strides = array<i32>} : memref<96x128xf32, #tpu.memory_space<vmem>>, vector<16xf32>,
        %mul3A_388 = arith.mulf %get3A_387, %gather3A_384 : vector<16xf32>
        %swap3A_389 = arith.index_cast %add3A_378 : i32 to index
        %swap3A_390 = arith.constant 0 : index
        %swap3A_391 = tpu.vector_load %arg21[%swap3A_389, %swap3A_390] {strides = array<i32>} : memref<96x128xf32, #tpu.memory_space<vmem>>, vector<16xf32>,
        tpu.vector_store %arg21[%swap3A_389, %swap3A_390], %mul3A_388 {strides = array<i32>} : memref<96x128xf32, #tpu.memory_space<vmem>>, vector<16xf32>,
        %get3A_392 = arith.index_cast %add3A_378 : i32 to index
        %get3A_393 = arith.constant 16 : index
        %get3A_394 = tpu.vector_load %arg21[%get3A_392, %get3A_393] {strides = array<i32>} : memref<96x128xf32, #tpu.memory_space<vmem>>, vector<16xf32>,
        %mul3A_395 = arith.mulf %get3A_394, %gather3A_384 : vector<16xf32>
        %swap3A_396 = arith.index_cast %add3A_378 : i32 to index
        %swap3A_397 = arith.constant 16 : index
        %swap3A_398 = tpu.vector_load %arg21[%swap3A_396, %swap3A_397] {strides = array<i32>} : memref<96x128xf32, #tpu.memory_space<vmem>>, vector<16xf32>,
        tpu.vector_store %arg21[%swap3A_396, %swap3A_397], %mul3A_395 {strides = array<i32>} : memref<96x128xf32, #tpu.memory_space<vmem>>, vector<16xf32>,
        %get3A_399 = arith.index_cast %add3A_378 : i32 to index
        %get3A_400 = arith.constant 32 : index
        %get3A_401 = tpu.vector_load %arg21[%get3A_399, %get3A_400] {strides = array<i32>} : memref<96x128xf32, #tpu.memory_space<vmem>>, vector<16xf32>,
        %mul3A_402 = arith.mulf %get3A_401, %gather3A_384 : vector<16xf32>
        %swap3A_403 = arith.index_cast %add3A_378 : i32 to index
        %swap3A_404 = arith.constant 32 : index
        %swap3A_405 = tpu.vector_load %arg21[%swap3A_403, %swap3A_404] {strides = array<i32>} : memref<96x128xf32, #tpu.memory_space<vmem>>, vector<16xf32>,
        tpu.vector_store %arg21[%swap3A_403, %swap3A_404], %mul3A_402 {strides = array<i32>} : memref<96x128xf32, #tpu.memory_space<vmem>>, vector<16xf32>,
        %get3A_406 = arith.index_cast %add3A_378 : i32 to index
        %get3A_407 = arith.constant 48 : index
        %get3A_408 = tpu.vector_load %arg21[%get3A_406, %get3A_407] {strides = array<i32>} : memref<96x128xf32, #tpu.memory_space<vmem>>, vector<16xf32>,
        %mul3A_409 = arith.mulf %get3A_408, %gather3A_384 : vector<16xf32>
        %swap3A_410 = arith.index_cast %add3A_378 : i32 to index
        %swap3A_411 = arith.constant 48 : index
        %swap3A_412 = tpu.vector_load %arg21[%swap3A_410, %swap3A_411] {strides = array<i32>} : memref<96x128xf32, #tpu.memory_space<vmem>>, vector<16xf32>,
        tpu.vector_store %arg21[%swap3A_410, %swap3A_411], %mul3A_409 {strides = array<i32>} : memref<96x128xf32, #tpu.memory_space<vmem>>, vector<16xf32>,
        %get3A_413 = arith.index_cast %add3A_378 : i32 to index
        %get3A_414 = arith.constant 64 : index
        %get3A_415 = tpu.vector_load %arg21[%get3A_413, %get3A_414] {strides = array<i32>} : memref<96x128xf32, #tpu.memory_space<vmem>>, vector<16xf32>,
        %mul3A_416 = arith.mulf %get3A_415, %gather3A_384 : vector<16xf32>
        %swap3A_417 = arith.index_cast %add3A_378 : i32 to index
        %swap3A_418 = arith.constant 64 : index
        %swap3A_419 = tpu.vector_load %arg21[%swap3A_417, %swap3A_418] {strides = array<i32>} : memref<96x128xf32, #tpu.memory_space<vmem>>, vector<16xf32>,
        tpu.vector_store %arg21[%swap3A_417, %swap3A_418], %mul3A_416 {strides = array<i32>} : memref<96x128xf32, #tpu.memory_space<vmem>>, vector<16xf32>,
        %get3A_420 = arith.index_cast %add3A_378 : i32 to index
        %get3A_421 = arith.constant 80 : index
        %get3A_422 = tpu.vector_load %arg21[%get3A_420, %get3A_421] {strides = array<i32>} : memref<96x128xf32, #tpu.memory_space<vmem>>, vector<16xf32>,
        %mul3A_423 = arith.mulf %get3A_422, %gather3A_384 : vector<16xf32>
        %swap3A_424 = arith.index_cast %add3A_378 : i32 to index
        %swap3A_425 = arith.constant 80 : index
        %swap3A_426 = tpu.vector_load %arg21[%swap3A_424, %swap3A_425] {strides = array<i32>} : memref<96x128xf32, #tpu.memory_space<vmem>>, vector<16xf32>,
        tpu.vector_store %arg21[%swap3A_424, %swap3A_425], %mul3A_423 {strides = array<i32>} : memref<96x128xf32, #tpu.memory_space<vmem>>, vector<16xf32>,
        %get3A_427 = arith.index_cast %add3A_378 : i32 to index
        %get3A_428 = arith.constant 96 : index
        %get3A_429 = tpu.vector_load %arg21[%get3A_427, %get3A_428] {strides = array<i32>} : memref<96x128xf32, #tpu.memory_space<vmem>>, vector<16xf32>,
        %mul3A_430 = arith.mulf %get3A_429, %gather3A_384 : vector<16xf32>
        %swap3A_431 = arith.index_cast %add3A_378 : i32 to index
        %swap3A_432 = arith.constant 96 : index
        %swap3A_433 = tpu.vector_load %arg21[%swap3A_431, %swap3A_432] {strides = array<i32>} : memref<96x128xf32, #tpu.memory_space<vmem>>, vector<16xf32>,
        tpu.vector_store %arg21[%swap3A_431, %swap3A_432], %mul3A_430 {strides = array<i32>} : memref<96x128xf32, #tpu.memory_space<vmem>>, vector<16xf32>,
        %get3A_434 = arith.index_cast %add3A_378 : i32 to index
        %get3A_435 = arith.constant 112 : index
        %get3A_436 = tpu.vector_load %arg21[%get3A_434, %get3A_435] {strides = array<i32>} : memref<96x128xf32, #tpu.memory_space<vmem>>, vector<16xf32>,
        %mul3A_437 = arith.mulf %get3A_436, %gather3A_384 : vector<16xf32>
        %swap3A_438 = arith.index_cast %add3A_378 : i32 to index
        %swap3A_439 = arith.constant 112 : index
        %swap3A_440 = tpu.vector_load %arg21[%swap3A_438, %swap3A_439] {strides = array<i32>} : memref<96x128xf32, #tpu.memory_space<vmem>>, vector<16xf32>,
        tpu.vector_store %arg21[%swap3A_438, %swap3A_439], %mul3A_437 {strides = array<i32>} : memref<96x128xf32, #tpu.memory_space<vmem>>, vector<16xf32>,
        %mul3A_441 = arith.constant 4 : i32
        %mul3A_442 = arith.muli %scan3A_245, %mul3A_441 : i32
        %add3A_443 = arith.constant 3 : i32
        %add3A_444 = arith.addi %mul3A_442, %add3A_443 : i32
        %mul3A_445 = arith.constant 0 : i32
        %mul3A_446 = vector.broadcast %mul3A_445 : i32 to vector<16xi32>
        %mul3A_447 = arith.muli %iota3A, %mul3A_446 : vector<16xi32>
        %add3A_448 = vector.broadcast %add3A_444 : i32 to vector<16xi32>
        %add3A_449 = arith.addi %mul3A_447, %add3A_448 : vector<16xi32>
        %gather3A_450 = tpu.vector_load_idx %arg15[%add3A_449] : memref<96xf32, #tpu.memory_space<vmem>>[vector<16xi32>], vector<16xf32>,
        %get3A_451 = arith.index_cast %add3A_444 : i32 to index
        %get3A_452 = arith.constant 0 : index
        %get3A_453 = tpu.vector_load %arg21[%get3A_451, %get3A_452] {strides = array<i32>} : memref<96x128xf32, #tpu.memory_space<vmem>>, vector<16xf32>,
        %mul3A_454 = arith.mulf %get3A_453, %gather3A_450 : vector<16xf32>
        %swap3A_455 = arith.index_cast %add3A_444 : i32 to index
        %swap3A_456 = arith.constant 0 : index
        %swap3A_457 = tpu.vector_load %arg21[%swap3A_455, %swap3A_456] {strides = array<i32>} : memref<96x128xf32, #tpu.memory_space<vmem>>, vector<16xf32>,
        tpu.vector_store %arg21[%swap3A_455, %swap3A_456], %mul3A_454 {strides = array<i32>} : memref<96x128xf32, #tpu.memory_space<vmem>>, vector<16xf32>,
        %get3A_458 = arith.index_cast %add3A_444 : i32 to index
        %get3A_459 = arith.constant 16 : index
        %get3A_460 = tpu.vector_load %arg21[%get3A_458, %get3A_459] {strides = array<i32>} : memref<96x128xf32, #tpu.memory_space<vmem>>, vector<16xf32>,
        %mul3A_461 = arith.mulf %get3A_460, %gather3A_450 : vector<16xf32>
        %swap3A_462 = arith.index_cast %add3A_444 : i32 to index
        %swap3A_463 = arith.constant 16 : index
        %swap3A_464 = tpu.vector_load %arg21[%swap3A_462, %swap3A_463] {strides = array<i32>} : memref<96x128xf32, #tpu.memory_space<vmem>>, vector<16xf32>,
        tpu.vector_store %arg21[%swap3A_462, %swap3A_463], %mul3A_461 {strides = array<i32>} : memref<96x128xf32, #tpu.memory_space<vmem>>, vector<16xf32>,
        %get3A_465 = arith.index_cast %add3A_444 : i32 to index
        %get3A_466 = arith.constant 32 : index
        %get3A_467 = tpu.vector_load %arg21[%get3A_465, %get3A_466] {strides = array<i32>} : memref<96x128xf32, #tpu.memory_space<vmem>>, vector<16xf32>,
        %mul3A_468 = arith.mulf %get3A_467, %gather3A_450 : vector<16xf32>
        %swap3A_469 = arith.index_cast %add3A_444 : i32 to index
        %swap3A_470 = arith.constant 32 : index
        %swap3A_471 = tpu.vector_load %arg21[%swap3A_469, %swap3A_470] {strides = array<i32>} : memref<96x128xf32, #tpu.memory_space<vmem>>, vector<16xf32>,
        tpu.vector_store %arg21[%swap3A_469, %swap3A_470], %mul3A_468 {strides = array<i32>} : memref<96x128xf32, #tpu.memory_space<vmem>>, vector<16xf32>,
        %get3A_472 = arith.index_cast %add3A_444 : i32 to index
        %get3A_473 = arith.constant 48 : index
        %get3A_474 = tpu.vector_load %arg21[%get3A_472, %get3A_473] {strides = array<i32>} : memref<96x128xf32, #tpu.memory_space<vmem>>, vector<16xf32>,
        %mul3A_475 = arith.mulf %get3A_474, %gather3A_450 : vector<16xf32>
        %swap3A_476 = arith.index_cast %add3A_444 : i32 to index
        %swap3A_477 = arith.constant 48 : index
        %swap3A_478 = tpu.vector_load %arg21[%swap3A_476, %swap3A_477] {strides = array<i32>} : memref<96x128xf32, #tpu.memory_space<vmem>>, vector<16xf32>,
        tpu.vector_store %arg21[%swap3A_476, %swap3A_477], %mul3A_475 {strides = array<i32>} : memref<96x128xf32, #tpu.memory_space<vmem>>, vector<16xf32>,
        %get3A_479 = arith.index_cast %add3A_444 : i32 to index
        %get3A_480 = arith.constant 64 : index
        %get3A_481 = tpu.vector_load %arg21[%get3A_479, %get3A_480] {strides = array<i32>} : memref<96x128xf32, #tpu.memory_space<vmem>>, vector<16xf32>,
        %mul3A_482 = arith.mulf %get3A_481, %gather3A_450 : vector<16xf32>
        %swap3A_483 = arith.index_cast %add3A_444 : i32 to index
        %swap3A_484 = arith.constant 64 : index
        %swap3A_485 = tpu.vector_load %arg21[%swap3A_483, %swap3A_484] {strides = array<i32>} : memref<96x128xf32, #tpu.memory_space<vmem>>, vector<16xf32>,
        tpu.vector_store %arg21[%swap3A_483, %swap3A_484], %mul3A_482 {strides = array<i32>} : memref<96x128xf32, #tpu.memory_space<vmem>>, vector<16xf32>,
        %get3A_486 = arith.index_cast %add3A_444 : i32 to index
        %get3A_487 = arith.constant 80 : index
        %get3A_488 = tpu.vector_load %arg21[%get3A_486, %get3A_487] {strides = array<i32>} : memref<96x128xf32, #tpu.memory_space<vmem>>, vector<16xf32>,
        %mul3A_489 = arith.mulf %get3A_488, %gather3A_450 : vector<16xf32>
        %swap3A_490 = arith.index_cast %add3A_444 : i32 to index
        %swap3A_491 = arith.constant 80 : index
        %swap3A_492 = tpu.vector_load %arg21[%swap3A_490, %swap3A_491] {strides = array<i32>} : memref<96x128xf32, #tpu.memory_space<vmem>>, vector<16xf32>,
        tpu.vector_store %arg21[%swap3A_490, %swap3A_491], %mul3A_489 {strides = array<i32>} : memref<96x128xf32, #tpu.memory_space<vmem>>, vector<16xf32>,
        %get3A_493 = arith.index_cast %add3A_444 : i32 to index
        %get3A_494 = arith.constant 96 : index
        %get3A_495 = tpu.vector_load %arg21[%get3A_493, %get3A_494] {strides = array<i32>} : memref<96x128xf32, #tpu.memory_space<vmem>>, vector<16xf32>,
        %mul3A_496 = arith.mulf %get3A_495, %gather3A_450 : vector<16xf32>
        %swap3A_497 = arith.index_cast %add3A_444 : i32 to index
        %swap3A_498 = arith.constant 96 : index
        %swap3A_499 = tpu.vector_load %arg21[%swap3A_497, %swap3A_498] {strides = array<i32>} : memref<96x128xf32, #tpu.memory_space<vmem>>, vector<16xf32>,
        tpu.vector_store %arg21[%swap3A_497, %swap3A_498], %mul3A_496 {strides = array<i32>} : memref<96x128xf32, #tpu.memory_space<vmem>>, vector<16xf32>,
        %get3A_500 = arith.index_cast %add3A_444 : i32 to index
        %get3A_501 = arith.constant 112 : index
        %get3A_502 = tpu.vector_load %arg21[%get3A_500, %get3A_501] {strides = array<i32>} : memref<96x128xf32, #tpu.memory_space<vmem>>, vector<16xf32>,
        %mul3A_503 = arith.mulf %get3A_502, %gather3A_450 : vector<16xf32>
        %swap3A_504 = arith.index_cast %add3A_444 : i32 to index
        %swap3A_505 = arith.constant 112 : index
        %swap3A_506 = tpu.vector_load %arg21[%swap3A_504, %swap3A_505] {strides = array<i32>} : memref<96x128xf32, #tpu.memory_space<vmem>>, vector<16xf32>,
        tpu.vector_store %arg21[%swap3A_504, %swap3A_505], %mul3A_503 {strides = array<i32>} : memref<96x128xf32, #tpu.memory_space<vmem>>, vector<16xf32>,
      }
      %scan3A_230 = arith.constant 24 : i32
      "tpu.region"() ({
        %run_scoped3A_245 = tpu.sem_alloc : memref<!tpu.dma_semaphore, #tpu.memory_space<semaphore_mem>>
        %dma_start3A_246 = arith.constant 0 : i32
        %dma_start3A_247 = arith.constant 0 : i32
        %dma_start3A_248 = tpu.memref_slice %arg9[%dma_start3A_246, %dma_start3A_247] : memref<10240x128xf32, #tpu.memory_space<vmem_shared>> -> memref<10240x128xf32, #tpu.memory_space<vmem_shared>>
        tpu.enqueue_indirect_dma source(%arg21 : memref<96x128xf32, #tpu.memory_space<vmem>>) target(%dma_start3A_248 : memref<10240x128xf32, #tpu.memory_space<vmem_shared>>) offsets(%arg19 : memref<96xi32, #tpu.memory_space<vmem>>) semaphore(%run_scoped3A_245 : memref<!tpu.dma_semaphore, #tpu.memory_space<semaphore_mem>>) {add = true}
        %dma_wait3A_249 = arith.constant 0 : i32
        %dma_wait3A_250 = arith.constant 0 : i32
        %dma_wait3A_251 = tpu.memref_slice %arg9[%dma_wait3A_249, %dma_wait3A_250] : memref<10240x128xf32, #tpu.memory_space<vmem_shared>> -> memref<10240x128xf32, #tpu.memory_space<vmem_shared>>
        tpu.wait_indirect_dma semaphore(%run_scoped3A_245 : memref<!tpu.dma_semaphore, #tpu.memory_space<semaphore_mem>>) src(%arg21 : memref<96x128xf32, #tpu.memory_space<vmem>>) dst(%dma_wait3A_251 : memref<10240x128xf32, #tpu.memory_space<vmem_shared>>)
        tpu.yield
      }) : () -> ()
      %not3A_231 = arith.constant true
      %not3A_232 = arith.xori %eq3A_197, %not3A_231 : i1
      %convert_element_type3A_233 = arith.extui %not3A_232 : i1 to i32
      %cond3A_234 = arith.constant 0 : i32
      %cond3A_235 = arith.cmpi ne, %convert_element_type3A_233, %cond3A_234 : i32
      scf.if %cond3A_235 {
        %dma_wait3A_245 = arith.constant 0 : i32
        %dma_wait3A_246 = arith.constant 0 : i32
        %dma_wait3A_247 = arith.constant 0 : i32
        %dma_wait3A_248 = tpu.memref_slice %arg4[%dma_wait3A_245, %dma_wait3A_246, %dma_wait3A_247] : memref<3456x2x96xi32, #tpu.memory_space<hbm>> -> memref<1x2x96xi32, #tpu.memory_space<hbm>>
        %dma_wait3A_249 = tpu.memref_squeeze %dma_wait3A_248 : memref<1x2x96xi32, #tpu.memory_space<hbm>> -> memref<2x96xi32, #tpu.memory_space<hbm>>
        %dma_wait3A_250 = arith.constant 0 : i32
        %dma_wait3A_251 = arith.constant 0 : i32
        %dma_wait3A_252 = tpu.memref_slice %arg4[%dma_wait3A_245, %dma_wait3A_250, %dma_wait3A_251] : memref<3456x2x96xi32, #tpu.memory_space<hbm>> -> memref<1x2x96xi32, #tpu.memory_space<hbm>>
        %dma_wait3A_253 = tpu.memref_squeeze %dma_wait3A_252 : memref<1x2x96xi32, #tpu.memory_space<hbm>> -> memref<2x96xi32, #tpu.memory_space<hbm>>
        tpu.wait_dma2 semaphore(%arg23 : memref<!tpu.dma_semaphore, #tpu.memory_space<semaphore_mem>>) src(%dma_wait3A_253 : memref<2x96xi32, #tpu.memory_space<hbm>>) dst(%arg13 : memref<2x96xi32, #tpu.memory_space<vmem>>)
        %add3A_254 = arith.constant 2 : i32
        %add3A_255 = arith.addi %mul3A_195, %add3A_254 : i32
        %scan3A_256 = arith.constant 0 : i32
        %scan3A_257 = arith.constant 0 : i32
        %scan3A_258 = arith.constant 6 : i32
        %scan3A_259 = arith.addi %scan3A_257, %scan3A_258 : i32
        %scan3A_260 = arith.constant 1 : i32
        scf.for %scan3A_276 = %scan3A_257 to %scan3A_259 step %scan3A_260  : i32 {
          %mul3A_277 = arith.constant 16 : i32
          %mul3A_278 = arith.muli %scan3A_276, %mul3A_277 : i32
          %get3A = arith.constant 0 : i32
          %get3A_279 = arith.index_cast %get3A : i32 to index
          %get3A_280 = arith.index_cast %mul3A_278 : i32 to index
          %get3A_281 = tpu.vector_load %arg13[%get3A_279, %get3A_280] {strides = array<i32>} : memref<2x96xi32, #tpu.memory_space<vmem>>, vector<16xi32>,
          %mul3A_282 = arith.constant 16 : i32
          %mul3A_283 = arith.muli %scan3A_276, %mul3A_282 : i32
          %get3A_284 = arith.constant 1 : i32
          %get3A_285 = arith.index_cast %get3A_284 : i32 to index
          %get3A_286 = arith.index_cast %mul3A_283 : i32 to index
          %get3A_287 = tpu.vector_load %arg13[%get3A_285, %get3A_286] {strides = array<i32>} : memref<2x96xi32, #tpu.memory_space<vmem>>, vector<16xi32>,
          %gather3A = tpu.vector_load_idx %arg11[%get3A_281] : memref<10240xf32, #tpu.memory_space<vmem>>[vector<16xi32>], vector<16xf32>,
          %gather3A_288 = tpu.vector_load_idx %arg12[%get3A_287] : memref<10240xf32, #tpu.memory_space<vmem>>[vector<16xi32>], vector<16xf32>,
          %add3A_289 = arith.addf %gather3A, %gather3A_288 : vector<16xf32>
          %ge3A = arith.constant 0.000000e+00 : f32
          %ge3A_290 = vector.broadcast %ge3A : f32 to vector<16xf32>
          %ge3A_291 = arith.cmpf oge, %add3A_289, %ge3A_290 : vector<16xf32>
          %mul3A_292 = arith.constant 2.000000e-01 : f32
          %mul3A_293 = vector.broadcast %mul3A_292 : f32 to vector<16xf32>
          %mul3A_294 = arith.mulf %mul3A_293, %add3A_289 : vector<16xf32>
          %select_n3A = arith.select %ge3A_291, %add3A_289, %mul3A_294 : vector<16xi1>, vector<16xf32>
          %add3A_295 = arith.addi %mul3A_2, %add3A_255 : i32
          %mul3A_296 = arith.constant 96 : i32
          %mul3A_297 = arith.muli %add3A_295, %mul3A_296 : i32
          %mul3A_298 = arith.constant 16 : i32
          %mul3A_299 = arith.muli %scan3A_276, %mul3A_298 : i32
          %add3A_300 = arith.addi %mul3A_297, %mul3A_299 : i32
          %add3A_301 = vector.broadcast %add3A_300 : i32 to vector<16xi32>
          %add3A_302 = arith.addi %add3A_301, %iota3A : vector<16xi32>
          %lt3A = arith.constant 330000 : i32
          %lt3A_303 = vector.broadcast %lt3A : i32 to vector<16xi32>
          %lt3A_304 = arith.cmpi slt, %add3A_302, %lt3A_303 : vector<16xi32>
          %exp3A = math.exp %select_n3A : vector<16xf32>
          %jit3A = arith.constant 0.000000e+00 : f32
          %broadcast_in_dim3A = vector.broadcast %jit3A : f32 to vector<16xf32>
          %select_n3A_305 = arith.select %lt3A_304, %exp3A, %broadcast_in_dim3A : vector<16xi1>, vector<16xf32>
          %mul3A_306 = arith.constant 16 : i32
          %mul3A_307 = arith.muli %scan3A_276, %mul3A_306 : i32
          %swap3A = arith.index_cast %mul3A_307 : i32 to index
          %swap3A_308 = tpu.vector_load %arg15[%swap3A] {strides = array<i32>} : memref<96xf32, #tpu.memory_space<vmem>>, vector<16xf32>,
          tpu.vector_store %arg15[%swap3A], %select_n3A_305 {strides = array<i32>} : memref<96xf32, #tpu.memory_space<vmem>>, vector<16xf32>,
          %add3A_309 = arith.constant 10240 : i32
          %add3A_310 = vector.broadcast %add3A_309 : i32 to vector<16xi32>
          %add3A_311 = arith.addi %get3A_281, %add3A_310 : vector<16xi32>
          %mul3A_312 = arith.constant 16 : i32
          %mul3A_313 = arith.muli %scan3A_276, %mul3A_312 : i32
          %swap3A_314 = arith.index_cast %mul3A_313 : i32 to index
          %swap3A_315 = tpu.vector_load %arg17[%swap3A_314] {strides = array<i32>} : memref<96xi32, #tpu.memory_space<vmem>>, vector<16xi32>,
          tpu.vector_store %arg17[%swap3A_314], %add3A_311 {strides = array<i32>} : memref<96xi32, #tpu.memory_space<vmem>>, vector<16xi32>,
          %mul3A_316 = arith.constant 16 : i32
          %mul3A_317 = arith.muli %scan3A_276, %mul3A_316 : i32
          %swap3A_318 = arith.index_cast %mul3A_317 : i32 to index
          %swap3A_319 = tpu.vector_load %arg19[%swap3A_318] {strides = array<i32>} : memref<96xi32, #tpu.memory_space<vmem>>, vector<16xi32>,
          tpu.vector_store %arg19[%swap3A_318], %get3A_287 {strides = array<i32>} : memref<96xi32, #tpu.memory_space<vmem>>, vector<16xi32>,
        }
        %scan3A_261 = arith.constant 6 : i32
        %dma_start3A_262 = arith.constant 0 : i32
        %dma_start3A_263 = arith.constant 0 : i32
        %dma_start3A_264 = tpu.memref_slice %arg2[%dma_start3A_262, %dma_start3A_263] : memref<30720x128xf32, #tpu.memory_space<hbm>> -> memref<30720x128xf32, #tpu.memory_space<hbm>>
        tpu.enqueue_indirect_dma source(%dma_start3A_264 : memref<30720x128xf32, #tpu.memory_space<hbm>>) target(%arg21 : memref<96x128xf32, #tpu.memory_space<vmem>>) offsets(%arg17 : memref<96xi32, #tpu.memory_space<vmem>>) semaphore(%arg25 : memref<!tpu.dma_semaphore, #tpu.memory_space<semaphore_mem>>)
        %add3A_265 = arith.constant 3 : i32
        %add3A_266 = arith.addi %mul3A_195, %add3A_265 : i32
        %add3A_267 = arith.addi %mul3A_2, %add3A_266 : i32
        %dma_start3A_268 = arith.constant 0 : i32
        %dma_start3A_269 = arith.constant 0 : i32
        %dma_start3A_270 = tpu.memref_slice %arg4[%add3A_267, %dma_start3A_268, %dma_start3A_269] : memref<3456x2x96xi32, #tpu.memory_space<hbm>> -> memref<1x2x96xi32, #tpu.memory_space<hbm>>
        %dma_start3A_271 = tpu.memref_squeeze %dma_start3A_270 : memref<1x2x96xi32, #tpu.memory_space<hbm>> -> memref<2x96xi32, #tpu.memory_space<hbm>>
        %dma_start3A_272 = arith.constant 0 : i32
        %dma_start3A_273 = arith.constant 0 : i32
        %dma_start3A_274 = tpu.memref_slice %arg4[%add3A_267, %dma_start3A_272, %dma_start3A_273] : memref<3456x2x96xi32, #tpu.memory_space<hbm>> -> memref<1x2x96xi32, #tpu.memory_space<hbm>>
        %dma_start3A_275 = tpu.memref_squeeze %dma_start3A_274 : memref<1x2x96xi32, #tpu.memory_space<hbm>> -> memref<2x96xi32, #tpu.memory_space<hbm>>
        tpu.enqueue_dma source(%dma_start3A_275 : memref<2x96xi32, #tpu.memory_space<hbm>>) target(%arg14 : memref<2x96xi32, #tpu.memory_space<vmem>>) target_semaphore(%arg24 : memref<!tpu.dma_semaphore, #tpu.memory_space<semaphore_mem>>)
      } else {
      }
      %dma_wait3A_236 = arith.constant 0 : i32
      %dma_wait3A_237 = arith.constant 0 : i32
      %dma_wait3A_238 = tpu.memref_slice %arg2[%dma_wait3A_236, %dma_wait3A_237] : memref<30720x128xf32, #tpu.memory_space<hbm>> -> memref<30720x128xf32, #tpu.memory_space<hbm>>
      tpu.wait_indirect_dma semaphore(%arg26 : memref<!tpu.dma_semaphore, #tpu.memory_space<semaphore_mem>>) src(%dma_wait3A_238 : memref<30720x128xf32, #tpu.memory_space<hbm>>) dst(%arg22 : memref<96x128xf32, #tpu.memory_space<vmem>>)
      "tpu.region"() ({
        %run_scoped3A_245 = tpu.sem_alloc : memref<!tpu.dma_semaphore, #tpu.memory_space<semaphore_mem>>
        %dma_start3A_246 = arith.constant 0 : i32
        %dma_start3A_247 = tpu.memref_slice %arg10[%dma_start3A_246] : memref<10240xf32, #tpu.memory_space<vmem_shared>> -> memref<10240xf32, #tpu.memory_space<vmem_shared>>
        tpu.enqueue_indirect_dma source(%arg16 : memref<96xf32, #tpu.memory_space<vmem>>) target(%dma_start3A_247 : memref<10240xf32, #tpu.memory_space<vmem_shared>>) offsets(%arg20 : memref<96xi32, #tpu.memory_space<vmem>>) semaphore(%run_scoped3A_245 : memref<!tpu.dma_semaphore, #tpu.memory_space<semaphore_mem>>) {add = true}
        %dma_wait3A_248 = arith.constant 0 : i32
        %dma_wait3A_249 = tpu.memref_slice %arg10[%dma_wait3A_248] : memref<10240xf32, #tpu.memory_space<vmem_shared>> -> memref<10240xf32, #tpu.memory_space<vmem_shared>>
        tpu.wait_indirect_dma semaphore(%run_scoped3A_245 : memref<!tpu.dma_semaphore, #tpu.memory_space<semaphore_mem>>) src(%arg16 : memref<96xf32, #tpu.memory_space<vmem>>) dst(%dma_wait3A_249 : memref<10240xf32, #tpu.memory_space<vmem_shared>>)
        tpu.yield
      }) : () -> ()
      %scan3A_239 = arith.constant 0 : i32
      %scan3A_240 = arith.constant 0 : i32
      %scan3A_241 = arith.constant 24 : i32
      %scan3A_242 = arith.addi %scan3A_240, %scan3A_241 : i32
      %scan3A_243 = arith.constant 1 : i32
      scf.for %scan3A_245 = %scan3A_240 to %scan3A_242 step %scan3A_243  : i32 {
        %mul3A_246 = arith.constant 4 : i32
        %mul3A_247 = arith.muli %scan3A_245, %mul3A_246 : i32
        %add3A_248 = arith.constant 0 : i32
        %add3A_249 = arith.addi %mul3A_247, %add3A_248 : i32
        %mul3A_250 = arith.constant 0 : i32
        %mul3A_251 = vector.broadcast %mul3A_250 : i32 to vector<16xi32>
        %mul3A_252 = arith.muli %iota3A, %mul3A_251 : vector<16xi32>
        %add3A_253 = vector.broadcast %add3A_249 : i32 to vector<16xi32>
        %add3A_254 = arith.addi %mul3A_252, %add3A_253 : vector<16xi32>
        %gather3A = tpu.vector_load_idx %arg16[%add3A_254] : memref<96xf32, #tpu.memory_space<vmem>>[vector<16xi32>], vector<16xf32>,
        %get3A = arith.index_cast %add3A_249 : i32 to index
        %get3A_255 = arith.constant 0 : index
        %get3A_256 = tpu.vector_load %arg22[%get3A, %get3A_255] {strides = array<i32>} : memref<96x128xf32, #tpu.memory_space<vmem>>, vector<16xf32>,
        %mul3A_257 = arith.mulf %get3A_256, %gather3A : vector<16xf32>
        %swap3A = arith.index_cast %add3A_249 : i32 to index
        %swap3A_258 = arith.constant 0 : index
        %swap3A_259 = tpu.vector_load %arg22[%swap3A, %swap3A_258] {strides = array<i32>} : memref<96x128xf32, #tpu.memory_space<vmem>>, vector<16xf32>,
        tpu.vector_store %arg22[%swap3A, %swap3A_258], %mul3A_257 {strides = array<i32>} : memref<96x128xf32, #tpu.memory_space<vmem>>, vector<16xf32>,
        %get3A_260 = arith.index_cast %add3A_249 : i32 to index
        %get3A_261 = arith.constant 16 : index
        %get3A_262 = tpu.vector_load %arg22[%get3A_260, %get3A_261] {strides = array<i32>} : memref<96x128xf32, #tpu.memory_space<vmem>>, vector<16xf32>,
        %mul3A_263 = arith.mulf %get3A_262, %gather3A : vector<16xf32>
        %swap3A_264 = arith.index_cast %add3A_249 : i32 to index
        %swap3A_265 = arith.constant 16 : index
        %swap3A_266 = tpu.vector_load %arg22[%swap3A_264, %swap3A_265] {strides = array<i32>} : memref<96x128xf32, #tpu.memory_space<vmem>>, vector<16xf32>,
        tpu.vector_store %arg22[%swap3A_264, %swap3A_265], %mul3A_263 {strides = array<i32>} : memref<96x128xf32, #tpu.memory_space<vmem>>, vector<16xf32>,
        %get3A_267 = arith.index_cast %add3A_249 : i32 to index
        %get3A_268 = arith.constant 32 : index
        %get3A_269 = tpu.vector_load %arg22[%get3A_267, %get3A_268] {strides = array<i32>} : memref<96x128xf32, #tpu.memory_space<vmem>>, vector<16xf32>,
        %mul3A_270 = arith.mulf %get3A_269, %gather3A : vector<16xf32>
        %swap3A_271 = arith.index_cast %add3A_249 : i32 to index
        %swap3A_272 = arith.constant 32 : index
        %swap3A_273 = tpu.vector_load %arg22[%swap3A_271, %swap3A_272] {strides = array<i32>} : memref<96x128xf32, #tpu.memory_space<vmem>>, vector<16xf32>,
        tpu.vector_store %arg22[%swap3A_271, %swap3A_272], %mul3A_270 {strides = array<i32>} : memref<96x128xf32, #tpu.memory_space<vmem>>, vector<16xf32>,
        %get3A_274 = arith.index_cast %add3A_249 : i32 to index
        %get3A_275 = arith.constant 48 : index
        %get3A_276 = tpu.vector_load %arg22[%get3A_274, %get3A_275] {strides = array<i32>} : memref<96x128xf32, #tpu.memory_space<vmem>>, vector<16xf32>,
        %mul3A_277 = arith.mulf %get3A_276, %gather3A : vector<16xf32>
        %swap3A_278 = arith.index_cast %add3A_249 : i32 to index
        %swap3A_279 = arith.constant 48 : index
        %swap3A_280 = tpu.vector_load %arg22[%swap3A_278, %swap3A_279] {strides = array<i32>} : memref<96x128xf32, #tpu.memory_space<vmem>>, vector<16xf32>,
        tpu.vector_store %arg22[%swap3A_278, %swap3A_279], %mul3A_277 {strides = array<i32>} : memref<96x128xf32, #tpu.memory_space<vmem>>, vector<16xf32>,
        %get3A_281 = arith.index_cast %add3A_249 : i32 to index
        %get3A_282 = arith.constant 64 : index
        %get3A_283 = tpu.vector_load %arg22[%get3A_281, %get3A_282] {strides = array<i32>} : memref<96x128xf32, #tpu.memory_space<vmem>>, vector<16xf32>,
        %mul3A_284 = arith.mulf %get3A_283, %gather3A : vector<16xf32>
        %swap3A_285 = arith.index_cast %add3A_249 : i32 to index
        %swap3A_286 = arith.constant 64 : index
        %swap3A_287 = tpu.vector_load %arg22[%swap3A_285, %swap3A_286] {strides = array<i32>} : memref<96x128xf32, #tpu.memory_space<vmem>>, vector<16xf32>,
        tpu.vector_store %arg22[%swap3A_285, %swap3A_286], %mul3A_284 {strides = array<i32>} : memref<96x128xf32, #tpu.memory_space<vmem>>, vector<16xf32>,
        %get3A_288 = arith.index_cast %add3A_249 : i32 to index
        %get3A_289 = arith.constant 80 : index
        %get3A_290 = tpu.vector_load %arg22[%get3A_288, %get3A_289] {strides = array<i32>} : memref<96x128xf32, #tpu.memory_space<vmem>>, vector<16xf32>,
        %mul3A_291 = arith.mulf %get3A_290, %gather3A : vector<16xf32>
        %swap3A_292 = arith.index_cast %add3A_249 : i32 to index
        %swap3A_293 = arith.constant 80 : index
        %swap3A_294 = tpu.vector_load %arg22[%swap3A_292, %swap3A_293] {strides = array<i32>} : memref<96x128xf32, #tpu.memory_space<vmem>>, vector<16xf32>,
        tpu.vector_store %arg22[%swap3A_292, %swap3A_293], %mul3A_291 {strides = array<i32>} : memref<96x128xf32, #tpu.memory_space<vmem>>, vector<16xf32>,
        %get3A_295 = arith.index_cast %add3A_249 : i32 to index
        %get3A_296 = arith.constant 96 : index
        %get3A_297 = tpu.vector_load %arg22[%get3A_295, %get3A_296] {strides = array<i32>} : memref<96x128xf32, #tpu.memory_space<vmem>>, vector<16xf32>,
        %mul3A_298 = arith.mulf %get3A_297, %gather3A : vector<16xf32>
        %swap3A_299 = arith.index_cast %add3A_249 : i32 to index
        %swap3A_300 = arith.constant 96 : index
        %swap3A_301 = tpu.vector_load %arg22[%swap3A_299, %swap3A_300] {strides = array<i32>} : memref<96x128xf32, #tpu.memory_space<vmem>>, vector<16xf32>,
        tpu.vector_store %arg22[%swap3A_299, %swap3A_300], %mul3A_298 {strides = array<i32>} : memref<96x128xf32, #tpu.memory_space<vmem>>, vector<16xf32>,
        %get3A_302 = arith.index_cast %add3A_249 : i32 to index
        %get3A_303 = arith.constant 112 : index
        %get3A_304 = tpu.vector_load %arg22[%get3A_302, %get3A_303] {strides = array<i32>} : memref<96x128xf32, #tpu.memory_space<vmem>>, vector<16xf32>,
        %mul3A_305 = arith.mulf %get3A_304, %gather3A : vector<16xf32>
        %swap3A_306 = arith.index_cast %add3A_249 : i32 to index
        %swap3A_307 = arith.constant 112 : index
        %swap3A_308 = tpu.vector_load %arg22[%swap3A_306, %swap3A_307] {strides = array<i32>} : memref<96x128xf32, #tpu.memory_space<vmem>>, vector<16xf32>,
        tpu.vector_store %arg22[%swap3A_306, %swap3A_307], %mul3A_305 {strides = array<i32>} : memref<96x128xf32, #tpu.memory_space<vmem>>, vector<16xf32>,
        %mul3A_309 = arith.constant 4 : i32
        %mul3A_310 = arith.muli %scan3A_245, %mul3A_309 : i32
        %add3A_311 = arith.constant 1 : i32
        %add3A_312 = arith.addi %mul3A_310, %add3A_311 : i32
        %mul3A_313 = arith.constant 0 : i32
        %mul3A_314 = vector.broadcast %mul3A_313 : i32 to vector<16xi32>
        %mul3A_315 = arith.muli %iota3A, %mul3A_314 : vector<16xi32>
        %add3A_316 = vector.broadcast %add3A_312 : i32 to vector<16xi32>
        %add3A_317 = arith.addi %mul3A_315, %add3A_316 : vector<16xi32>
        %gather3A_318 = tpu.vector_load_idx %arg16[%add3A_317] : memref<96xf32, #tpu.memory_space<vmem>>[vector<16xi32>], vector<16xf32>,
        %get3A_319 = arith.index_cast %add3A_312 : i32 to index
        %get3A_320 = arith.constant 0 : index
        %get3A_321 = tpu.vector_load %arg22[%get3A_319, %get3A_320] {strides = array<i32>} : memref<96x128xf32, #tpu.memory_space<vmem>>, vector<16xf32>,
        %mul3A_322 = arith.mulf %get3A_321, %gather3A_318 : vector<16xf32>
        %swap3A_323 = arith.index_cast %add3A_312 : i32 to index
        %swap3A_324 = arith.constant 0 : index
        %swap3A_325 = tpu.vector_load %arg22[%swap3A_323, %swap3A_324] {strides = array<i32>} : memref<96x128xf32, #tpu.memory_space<vmem>>, vector<16xf32>,
        tpu.vector_store %arg22[%swap3A_323, %swap3A_324], %mul3A_322 {strides = array<i32>} : memref<96x128xf32, #tpu.memory_space<vmem>>, vector<16xf32>,
        %get3A_326 = arith.index_cast %add3A_312 : i32 to index
        %get3A_327 = arith.constant 16 : index
        %get3A_328 = tpu.vector_load %arg22[%get3A_326, %get3A_327] {strides = array<i32>} : memref<96x128xf32, #tpu.memory_space<vmem>>, vector<16xf32>,
        %mul3A_329 = arith.mulf %get3A_328, %gather3A_318 : vector<16xf32>
        %swap3A_330 = arith.index_cast %add3A_312 : i32 to index
        %swap3A_331 = arith.constant 16 : index
        %swap3A_332 = tpu.vector_load %arg22[%swap3A_330, %swap3A_331] {strides = array<i32>} : memref<96x128xf32, #tpu.memory_space<vmem>>, vector<16xf32>,
        tpu.vector_store %arg22[%swap3A_330, %swap3A_331], %mul3A_329 {strides = array<i32>} : memref<96x128xf32, #tpu.memory_space<vmem>>, vector<16xf32>,
        %get3A_333 = arith.index_cast %add3A_312 : i32 to index
        %get3A_334 = arith.constant 32 : index
        %get3A_335 = tpu.vector_load %arg22[%get3A_333, %get3A_334] {strides = array<i32>} : memref<96x128xf32, #tpu.memory_space<vmem>>, vector<16xf32>,
        %mul3A_336 = arith.mulf %get3A_335, %gather3A_318 : vector<16xf32>
        %swap3A_337 = arith.index_cast %add3A_312 : i32 to index
        %swap3A_338 = arith.constant 32 : index
        %swap3A_339 = tpu.vector_load %arg22[%swap3A_337, %swap3A_338] {strides = array<i32>} : memref<96x128xf32, #tpu.memory_space<vmem>>, vector<16xf32>,
        tpu.vector_store %arg22[%swap3A_337, %swap3A_338], %mul3A_336 {strides = array<i32>} : memref<96x128xf32, #tpu.memory_space<vmem>>, vector<16xf32>,
        %get3A_340 = arith.index_cast %add3A_312 : i32 to index
        %get3A_341 = arith.constant 48 : index
        %get3A_342 = tpu.vector_load %arg22[%get3A_340, %get3A_341] {strides = array<i32>} : memref<96x128xf32, #tpu.memory_space<vmem>>, vector<16xf32>,
        %mul3A_343 = arith.mulf %get3A_342, %gather3A_318 : vector<16xf32>
        %swap3A_344 = arith.index_cast %add3A_312 : i32 to index
        %swap3A_345 = arith.constant 48 : index
        %swap3A_346 = tpu.vector_load %arg22[%swap3A_344, %swap3A_345] {strides = array<i32>} : memref<96x128xf32, #tpu.memory_space<vmem>>, vector<16xf32>,
        tpu.vector_store %arg22[%swap3A_344, %swap3A_345], %mul3A_343 {strides = array<i32>} : memref<96x128xf32, #tpu.memory_space<vmem>>, vector<16xf32>,
        %get3A_347 = arith.index_cast %add3A_312 : i32 to index
        %get3A_348 = arith.constant 64 : index
        %get3A_349 = tpu.vector_load %arg22[%get3A_347, %get3A_348] {strides = array<i32>} : memref<96x128xf32, #tpu.memory_space<vmem>>, vector<16xf32>,
        %mul3A_350 = arith.mulf %get3A_349, %gather3A_318 : vector<16xf32>
        %swap3A_351 = arith.index_cast %add3A_312 : i32 to index
        %swap3A_352 = arith.constant 64 : index
        %swap3A_353 = tpu.vector_load %arg22[%swap3A_351, %swap3A_352] {strides = array<i32>} : memref<96x128xf32, #tpu.memory_space<vmem>>, vector<16xf32>,
        tpu.vector_store %arg22[%swap3A_351, %swap3A_352], %mul3A_350 {strides = array<i32>} : memref<96x128xf32, #tpu.memory_space<vmem>>, vector<16xf32>,
        %get3A_354 = arith.index_cast %add3A_312 : i32 to index
        %get3A_355 = arith.constant 80 : index
        %get3A_356 = tpu.vector_load %arg22[%get3A_354, %get3A_355] {strides = array<i32>} : memref<96x128xf32, #tpu.memory_space<vmem>>, vector<16xf32>,
        %mul3A_357 = arith.mulf %get3A_356, %gather3A_318 : vector<16xf32>
        %swap3A_358 = arith.index_cast %add3A_312 : i32 to index
        %swap3A_359 = arith.constant 80 : index
        %swap3A_360 = tpu.vector_load %arg22[%swap3A_358, %swap3A_359] {strides = array<i32>} : memref<96x128xf32, #tpu.memory_space<vmem>>, vector<16xf32>,
        tpu.vector_store %arg22[%swap3A_358, %swap3A_359], %mul3A_357 {strides = array<i32>} : memref<96x128xf32, #tpu.memory_space<vmem>>, vector<16xf32>,
        %get3A_361 = arith.index_cast %add3A_312 : i32 to index
        %get3A_362 = arith.constant 96 : index
        %get3A_363 = tpu.vector_load %arg22[%get3A_361, %get3A_362] {strides = array<i32>} : memref<96x128xf32, #tpu.memory_space<vmem>>, vector<16xf32>,
        %mul3A_364 = arith.mulf %get3A_363, %gather3A_318 : vector<16xf32>
        %swap3A_365 = arith.index_cast %add3A_312 : i32 to index
        %swap3A_366 = arith.constant 96 : index
        %swap3A_367 = tpu.vector_load %arg22[%swap3A_365, %swap3A_366] {strides = array<i32>} : memref<96x128xf32, #tpu.memory_space<vmem>>, vector<16xf32>,
        tpu.vector_store %arg22[%swap3A_365, %swap3A_366], %mul3A_364 {strides = array<i32>} : memref<96x128xf32, #tpu.memory_space<vmem>>, vector<16xf32>,
        %get3A_368 = arith.index_cast %add3A_312 : i32 to index
        %get3A_369 = arith.constant 112 : index
        %get3A_370 = tpu.vector_load %arg22[%get3A_368, %get3A_369] {strides = array<i32>} : memref<96x128xf32, #tpu.memory_space<vmem>>, vector<16xf32>,
        %mul3A_371 = arith.mulf %get3A_370, %gather3A_318 : vector<16xf32>
        %swap3A_372 = arith.index_cast %add3A_312 : i32 to index
        %swap3A_373 = arith.constant 112 : index
        %swap3A_374 = tpu.vector_load %arg22[%swap3A_372, %swap3A_373] {strides = array<i32>} : memref<96x128xf32, #tpu.memory_space<vmem>>, vector<16xf32>,
        tpu.vector_store %arg22[%swap3A_372, %swap3A_373], %mul3A_371 {strides = array<i32>} : memref<96x128xf32, #tpu.memory_space<vmem>>, vector<16xf32>,
        %mul3A_375 = arith.constant 4 : i32
        %mul3A_376 = arith.muli %scan3A_245, %mul3A_375 : i32
        %add3A_377 = arith.constant 2 : i32
        %add3A_378 = arith.addi %mul3A_376, %add3A_377 : i32
        %mul3A_379 = arith.constant 0 : i32
        %mul3A_380 = vector.broadcast %mul3A_379 : i32 to vector<16xi32>
        %mul3A_381 = arith.muli %iota3A, %mul3A_380 : vector<16xi32>
        %add3A_382 = vector.broadcast %add3A_378 : i32 to vector<16xi32>
        %add3A_383 = arith.addi %mul3A_381, %add3A_382 : vector<16xi32>
        %gather3A_384 = tpu.vector_load_idx %arg16[%add3A_383] : memref<96xf32, #tpu.memory_space<vmem>>[vector<16xi32>], vector<16xf32>,
        %get3A_385 = arith.index_cast %add3A_378 : i32 to index
        %get3A_386 = arith.constant 0 : index
        %get3A_387 = tpu.vector_load %arg22[%get3A_385, %get3A_386] {strides = array<i32>} : memref<96x128xf32, #tpu.memory_space<vmem>>, vector<16xf32>,
        %mul3A_388 = arith.mulf %get3A_387, %gather3A_384 : vector<16xf32>
        %swap3A_389 = arith.index_cast %add3A_378 : i32 to index
        %swap3A_390 = arith.constant 0 : index
        %swap3A_391 = tpu.vector_load %arg22[%swap3A_389, %swap3A_390] {strides = array<i32>} : memref<96x128xf32, #tpu.memory_space<vmem>>, vector<16xf32>,
        tpu.vector_store %arg22[%swap3A_389, %swap3A_390], %mul3A_388 {strides = array<i32>} : memref<96x128xf32, #tpu.memory_space<vmem>>, vector<16xf32>,
        %get3A_392 = arith.index_cast %add3A_378 : i32 to index
        %get3A_393 = arith.constant 16 : index
        %get3A_394 = tpu.vector_load %arg22[%get3A_392, %get3A_393] {strides = array<i32>} : memref<96x128xf32, #tpu.memory_space<vmem>>, vector<16xf32>,
        %mul3A_395 = arith.mulf %get3A_394, %gather3A_384 : vector<16xf32>
        %swap3A_396 = arith.index_cast %add3A_378 : i32 to index
        %swap3A_397 = arith.constant 16 : index
        %swap3A_398 = tpu.vector_load %arg22[%swap3A_396, %swap3A_397] {strides = array<i32>} : memref<96x128xf32, #tpu.memory_space<vmem>>, vector<16xf32>,
        tpu.vector_store %arg22[%swap3A_396, %swap3A_397], %mul3A_395 {strides = array<i32>} : memref<96x128xf32, #tpu.memory_space<vmem>>, vector<16xf32>,
        %get3A_399 = arith.index_cast %add3A_378 : i32 to index
        %get3A_400 = arith.constant 32 : index
        %get3A_401 = tpu.vector_load %arg22[%get3A_399, %get3A_400] {strides = array<i32>} : memref<96x128xf32, #tpu.memory_space<vmem>>, vector<16xf32>,
        %mul3A_402 = arith.mulf %get3A_401, %gather3A_384 : vector<16xf32>
        %swap3A_403 = arith.index_cast %add3A_378 : i32 to index
        %swap3A_404 = arith.constant 32 : index
        %swap3A_405 = tpu.vector_load %arg22[%swap3A_403, %swap3A_404] {strides = array<i32>} : memref<96x128xf32, #tpu.memory_space<vmem>>, vector<16xf32>,
        tpu.vector_store %arg22[%swap3A_403, %swap3A_404], %mul3A_402 {strides = array<i32>} : memref<96x128xf32, #tpu.memory_space<vmem>>, vector<16xf32>,
        %get3A_406 = arith.index_cast %add3A_378 : i32 to index
        %get3A_407 = arith.constant 48 : index
        %get3A_408 = tpu.vector_load %arg22[%get3A_406, %get3A_407] {strides = array<i32>} : memref<96x128xf32, #tpu.memory_space<vmem>>, vector<16xf32>,
        %mul3A_409 = arith.mulf %get3A_408, %gather3A_384 : vector<16xf32>
        %swap3A_410 = arith.index_cast %add3A_378 : i32 to index
        %swap3A_411 = arith.constant 48 : index
        %swap3A_412 = tpu.vector_load %arg22[%swap3A_410, %swap3A_411] {strides = array<i32>} : memref<96x128xf32, #tpu.memory_space<vmem>>, vector<16xf32>,
        tpu.vector_store %arg22[%swap3A_410, %swap3A_411], %mul3A_409 {strides = array<i32>} : memref<96x128xf32, #tpu.memory_space<vmem>>, vector<16xf32>,
        %get3A_413 = arith.index_cast %add3A_378 : i32 to index
        %get3A_414 = arith.constant 64 : index
        %get3A_415 = tpu.vector_load %arg22[%get3A_413, %get3A_414] {strides = array<i32>} : memref<96x128xf32, #tpu.memory_space<vmem>>, vector<16xf32>,
        %mul3A_416 = arith.mulf %get3A_415, %gather3A_384 : vector<16xf32>
        %swap3A_417 = arith.index_cast %add3A_378 : i32 to index
        %swap3A_418 = arith.constant 64 : index
        %swap3A_419 = tpu.vector_load %arg22[%swap3A_417, %swap3A_418] {strides = array<i32>} : memref<96x128xf32, #tpu.memory_space<vmem>>, vector<16xf32>,
        tpu.vector_store %arg22[%swap3A_417, %swap3A_418], %mul3A_416 {strides = array<i32>} : memref<96x128xf32, #tpu.memory_space<vmem>>, vector<16xf32>,
        %get3A_420 = arith.index_cast %add3A_378 : i32 to index
        %get3A_421 = arith.constant 80 : index
        %get3A_422 = tpu.vector_load %arg22[%get3A_420, %get3A_421] {strides = array<i32>} : memref<96x128xf32, #tpu.memory_space<vmem>>, vector<16xf32>,
        %mul3A_423 = arith.mulf %get3A_422, %gather3A_384 : vector<16xf32>
        %swap3A_424 = arith.index_cast %add3A_378 : i32 to index
        %swap3A_425 = arith.constant 80 : index
        %swap3A_426 = tpu.vector_load %arg22[%swap3A_424, %swap3A_425] {strides = array<i32>} : memref<96x128xf32, #tpu.memory_space<vmem>>, vector<16xf32>,
        tpu.vector_store %arg22[%swap3A_424, %swap3A_425], %mul3A_423 {strides = array<i32>} : memref<96x128xf32, #tpu.memory_space<vmem>>, vector<16xf32>,
        %get3A_427 = arith.index_cast %add3A_378 : i32 to index
        %get3A_428 = arith.constant 96 : index
        %get3A_429 = tpu.vector_load %arg22[%get3A_427, %get3A_428] {strides = array<i32>} : memref<96x128xf32, #tpu.memory_space<vmem>>, vector<16xf32>,
        %mul3A_430 = arith.mulf %get3A_429, %gather3A_384 : vector<16xf32>
        %swap3A_431 = arith.index_cast %add3A_378 : i32 to index
        %swap3A_432 = arith.constant 96 : index
        %swap3A_433 = tpu.vector_load %arg22[%swap3A_431, %swap3A_432] {strides = array<i32>} : memref<96x128xf32, #tpu.memory_space<vmem>>, vector<16xf32>,
        tpu.vector_store %arg22[%swap3A_431, %swap3A_432], %mul3A_430 {strides = array<i32>} : memref<96x128xf32, #tpu.memory_space<vmem>>, vector<16xf32>,
        %get3A_434 = arith.index_cast %add3A_378 : i32 to index
        %get3A_435 = arith.constant 112 : index
        %get3A_436 = tpu.vector_load %arg22[%get3A_434, %get3A_435] {strides = array<i32>} : memref<96x128xf32, #tpu.memory_space<vmem>>, vector<16xf32>,
        %mul3A_437 = arith.mulf %get3A_436, %gather3A_384 : vector<16xf32>
        %swap3A_438 = arith.index_cast %add3A_378 : i32 to index
        %swap3A_439 = arith.constant 112 : index
        %swap3A_440 = tpu.vector_load %arg22[%swap3A_438, %swap3A_439] {strides = array<i32>} : memref<96x128xf32, #tpu.memory_space<vmem>>, vector<16xf32>,
        tpu.vector_store %arg22[%swap3A_438, %swap3A_439], %mul3A_437 {strides = array<i32>} : memref<96x128xf32, #tpu.memory_space<vmem>>, vector<16xf32>,
        %mul3A_441 = arith.constant 4 : i32
        %mul3A_442 = arith.muli %scan3A_245, %mul3A_441 : i32
        %add3A_443 = arith.constant 3 : i32
        %add3A_444 = arith.addi %mul3A_442, %add3A_443 : i32
        %mul3A_445 = arith.constant 0 : i32
        %mul3A_446 = vector.broadcast %mul3A_445 : i32 to vector<16xi32>
        %mul3A_447 = arith.muli %iota3A, %mul3A_446 : vector<16xi32>
        %add3A_448 = vector.broadcast %add3A_444 : i32 to vector<16xi32>
        %add3A_449 = arith.addi %mul3A_447, %add3A_448 : vector<16xi32>
        %gather3A_450 = tpu.vector_load_idx %arg16[%add3A_449] : memref<96xf32, #tpu.memory_space<vmem>>[vector<16xi32>], vector<16xf32>,
        %get3A_451 = arith.index_cast %add3A_444 : i32 to index
        %get3A_452 = arith.constant 0 : index
        %get3A_453 = tpu.vector_load %arg22[%get3A_451, %get3A_452] {strides = array<i32>} : memref<96x128xf32, #tpu.memory_space<vmem>>, vector<16xf32>,
        %mul3A_454 = arith.mulf %get3A_453, %gather3A_450 : vector<16xf32>
        %swap3A_455 = arith.index_cast %add3A_444 : i32 to index
        %swap3A_456 = arith.constant 0 : index
        %swap3A_457 = tpu.vector_load %arg22[%swap3A_455, %swap3A_456] {strides = array<i32>} : memref<96x128xf32, #tpu.memory_space<vmem>>, vector<16xf32>,
        tpu.vector_store %arg22[%swap3A_455, %swap3A_456], %mul3A_454 {strides = array<i32>} : memref<96x128xf32, #tpu.memory_space<vmem>>, vector<16xf32>,
        %get3A_458 = arith.index_cast %add3A_444 : i32 to index
        %get3A_459 = arith.constant 16 : index
        %get3A_460 = tpu.vector_load %arg22[%get3A_458, %get3A_459] {strides = array<i32>} : memref<96x128xf32, #tpu.memory_space<vmem>>, vector<16xf32>,
        %mul3A_461 = arith.mulf %get3A_460, %gather3A_450 : vector<16xf32>
        %swap3A_462 = arith.index_cast %add3A_444 : i32 to index
        %swap3A_463 = arith.constant 16 : index
        %swap3A_464 = tpu.vector_load %arg22[%swap3A_462, %swap3A_463] {strides = array<i32>} : memref<96x128xf32, #tpu.memory_space<vmem>>, vector<16xf32>,
        tpu.vector_store %arg22[%swap3A_462, %swap3A_463], %mul3A_461 {strides = array<i32>} : memref<96x128xf32, #tpu.memory_space<vmem>>, vector<16xf32>,
        %get3A_465 = arith.index_cast %add3A_444 : i32 to index
        %get3A_466 = arith.constant 32 : index
        %get3A_467 = tpu.vector_load %arg22[%get3A_465, %get3A_466] {strides = array<i32>} : memref<96x128xf32, #tpu.memory_space<vmem>>, vector<16xf32>,
        %mul3A_468 = arith.mulf %get3A_467, %gather3A_450 : vector<16xf32>
        %swap3A_469 = arith.index_cast %add3A_444 : i32 to index
        %swap3A_470 = arith.constant 32 : index
        %swap3A_471 = tpu.vector_load %arg22[%swap3A_469, %swap3A_470] {strides = array<i32>} : memref<96x128xf32, #tpu.memory_space<vmem>>, vector<16xf32>,
        tpu.vector_store %arg22[%swap3A_469, %swap3A_470], %mul3A_468 {strides = array<i32>} : memref<96x128xf32, #tpu.memory_space<vmem>>, vector<16xf32>,
        %get3A_472 = arith.index_cast %add3A_444 : i32 to index
        %get3A_473 = arith.constant 48 : index
        %get3A_474 = tpu.vector_load %arg22[%get3A_472, %get3A_473] {strides = array<i32>} : memref<96x128xf32, #tpu.memory_space<vmem>>, vector<16xf32>,
        %mul3A_475 = arith.mulf %get3A_474, %gather3A_450 : vector<16xf32>
        %swap3A_476 = arith.index_cast %add3A_444 : i32 to index
        %swap3A_477 = arith.constant 48 : index
        %swap3A_478 = tpu.vector_load %arg22[%swap3A_476, %swap3A_477] {strides = array<i32>} : memref<96x128xf32, #tpu.memory_space<vmem>>, vector<16xf32>,
        tpu.vector_store %arg22[%swap3A_476, %swap3A_477], %mul3A_475 {strides = array<i32>} : memref<96x128xf32, #tpu.memory_space<vmem>>, vector<16xf32>,
        %get3A_479 = arith.index_cast %add3A_444 : i32 to index
        %get3A_480 = arith.constant 64 : index
        %get3A_481 = tpu.vector_load %arg22[%get3A_479, %get3A_480] {strides = array<i32>} : memref<96x128xf32, #tpu.memory_space<vmem>>, vector<16xf32>,
        %mul3A_482 = arith.mulf %get3A_481, %gather3A_450 : vector<16xf32>
        %swap3A_483 = arith.index_cast %add3A_444 : i32 to index
        %swap3A_484 = arith.constant 64 : index
        %swap3A_485 = tpu.vector_load %arg22[%swap3A_483, %swap3A_484] {strides = array<i32>} : memref<96x128xf32, #tpu.memory_space<vmem>>, vector<16xf32>,
        tpu.vector_store %arg22[%swap3A_483, %swap3A_484], %mul3A_482 {strides = array<i32>} : memref<96x128xf32, #tpu.memory_space<vmem>>, vector<16xf32>,
        %get3A_486 = arith.index_cast %add3A_444 : i32 to index
        %get3A_487 = arith.constant 80 : index
        %get3A_488 = tpu.vector_load %arg22[%get3A_486, %get3A_487] {strides = array<i32>} : memref<96x128xf32, #tpu.memory_space<vmem>>, vector<16xf32>,
        %mul3A_489 = arith.mulf %get3A_488, %gather3A_450 : vector<16xf32>
        %swap3A_490 = arith.index_cast %add3A_444 : i32 to index
        %swap3A_491 = arith.constant 80 : index
        %swap3A_492 = tpu.vector_load %arg22[%swap3A_490, %swap3A_491] {strides = array<i32>} : memref<96x128xf32, #tpu.memory_space<vmem>>, vector<16xf32>,
        tpu.vector_store %arg22[%swap3A_490, %swap3A_491], %mul3A_489 {strides = array<i32>} : memref<96x128xf32, #tpu.memory_space<vmem>>, vector<16xf32>,
        %get3A_493 = arith.index_cast %add3A_444 : i32 to index
        %get3A_494 = arith.constant 96 : index
        %get3A_495 = tpu.vector_load %arg22[%get3A_493, %get3A_494] {strides = array<i32>} : memref<96x128xf32, #tpu.memory_space<vmem>>, vector<16xf32>,
        %mul3A_496 = arith.mulf %get3A_495, %gather3A_450 : vector<16xf32>
        %swap3A_497 = arith.index_cast %add3A_444 : i32 to index
        %swap3A_498 = arith.constant 96 : index
        %swap3A_499 = tpu.vector_load %arg22[%swap3A_497, %swap3A_498] {strides = array<i32>} : memref<96x128xf32, #tpu.memory_space<vmem>>, vector<16xf32>,
        tpu.vector_store %arg22[%swap3A_497, %swap3A_498], %mul3A_496 {strides = array<i32>} : memref<96x128xf32, #tpu.memory_space<vmem>>, vector<16xf32>,
        %get3A_500 = arith.index_cast %add3A_444 : i32 to index
        %get3A_501 = arith.constant 112 : index
        %get3A_502 = tpu.vector_load %arg22[%get3A_500, %get3A_501] {strides = array<i32>} : memref<96x128xf32, #tpu.memory_space<vmem>>, vector<16xf32>,
        %mul3A_503 = arith.mulf %get3A_502, %gather3A_450 : vector<16xf32>
        %swap3A_504 = arith.index_cast %add3A_444 : i32 to index
        %swap3A_505 = arith.constant 112 : index
        %swap3A_506 = tpu.vector_load %arg22[%swap3A_504, %swap3A_505] {strides = array<i32>} : memref<96x128xf32, #tpu.memory_space<vmem>>, vector<16xf32>,
        tpu.vector_store %arg22[%swap3A_504, %swap3A_505], %mul3A_503 {strides = array<i32>} : memref<96x128xf32, #tpu.memory_space<vmem>>, vector<16xf32>,
      }
      %scan3A_244 = arith.constant 24 : i32
      "tpu.region"() ({
        %run_scoped3A_245 = tpu.sem_alloc : memref<!tpu.dma_semaphore, #tpu.memory_space<semaphore_mem>>
        %dma_start3A_246 = arith.constant 0 : i32
        %dma_start3A_247 = arith.constant 0 : i32
        %dma_start3A_248 = tpu.memref_slice %arg9[%dma_start3A_246, %dma_start3A_247] : memref<10240x128xf32, #tpu.memory_space<vmem_shared>> -> memref<10240x128xf32, #tpu.memory_space<vmem_shared>>
        tpu.enqueue_indirect_dma source(%arg22 : memref<96x128xf32, #tpu.memory_space<vmem>>) target(%dma_start3A_248 : memref<10240x128xf32, #tpu.memory_space<vmem_shared>>) offsets(%arg20 : memref<96xi32, #tpu.memory_space<vmem>>) semaphore(%run_scoped3A_245 : memref<!tpu.dma_semaphore, #tpu.memory_space<semaphore_mem>>) {add = true}
        %dma_wait3A_249 = arith.constant 0 : i32
        %dma_wait3A_250 = arith.constant 0 : i32
        %dma_wait3A_251 = tpu.memref_slice %arg9[%dma_wait3A_249, %dma_wait3A_250] : memref<10240x128xf32, #tpu.memory_space<vmem_shared>> -> memref<10240x128xf32, #tpu.memory_space<vmem_shared>>
        tpu.wait_indirect_dma semaphore(%run_scoped3A_245 : memref<!tpu.dma_semaphore, #tpu.memory_space<semaphore_mem>>) src(%arg22 : memref<96x128xf32, #tpu.memory_space<vmem>>) dst(%dma_wait3A_251 : memref<10240x128xf32, #tpu.memory_space<vmem_shared>>)
        tpu.yield
      }) : () -> ()
    }
    %scan3A_112 = arith.constant 54 : i32
    %barrier3A_113 = arith.constant 0 : index
    tpu.barrier barrier_id(%barrier3A_113)
    %mul3A_114 = arith.constant 640 : i32
    %mul3A_115 = arith.muli %arg1, %mul3A_114 : i32
    %add3A_116 = arith.constant 2 : i32
    %add3A_117 = arith.addi %add3A_116, %arg0 : i32
    %mul3A_118 = arith.constant 640 : i32
    %mul3A_119 = arith.muli %arg1, %mul3A_118 : i32
    "tpu.region"() ({
      %run_scoped3A_193 = tpu.sem_alloc : memref<!tpu.dma_semaphore, #tpu.memory_space<semaphore_mem>>
      %dma_start3A_194 = tpu.memref_slice %arg8[%add3A_117, %mul3A_119] : memref<6x10240xf32, #tpu.memory_space<hbm>> -> memref<1x640xf32, #tpu.memory_space<hbm>>
      %dma_start3A_195 = tpu.memref_squeeze %dma_start3A_194 : memref<1x640xf32, #tpu.memory_space<hbm>> -> memref<640xf32, #tpu.memory_space<hbm>>
      %dma_start3A_196 = tpu.memref_slice %arg10[%mul3A_115] : memref<10240xf32, #tpu.memory_space<vmem_shared>> -> memref<640xf32, #tpu.memory_space<vmem_shared>>
      tpu.enqueue_dma source(%dma_start3A_196 : memref<640xf32, #tpu.memory_space<vmem_shared>>) target(%dma_start3A_195 : memref<640xf32, #tpu.memory_space<hbm>>) target_semaphore(%run_scoped3A_193 : memref<!tpu.dma_semaphore, #tpu.memory_space<semaphore_mem>>)
      %dma_wait3A_197 = tpu.memref_slice %arg8[%add3A_117, %mul3A_119] : memref<6x10240xf32, #tpu.memory_space<hbm>> -> memref<1x640xf32, #tpu.memory_space<hbm>>
      %dma_wait3A_198 = tpu.memref_squeeze %dma_wait3A_197 : memref<1x640xf32, #tpu.memory_space<hbm>> -> memref<640xf32, #tpu.memory_space<hbm>>
      %dma_wait3A_199 = tpu.memref_slice %arg10[%mul3A_115] : memref<10240xf32, #tpu.memory_space<vmem_shared>> -> memref<640xf32, #tpu.memory_space<vmem_shared>>
      tpu.wait_dma2 semaphore(%run_scoped3A_193 : memref<!tpu.dma_semaphore, #tpu.memory_space<semaphore_mem>>) src(%dma_wait3A_199 : memref<640xf32, #tpu.memory_space<vmem_shared>>) dst(%dma_wait3A_198 : memref<640xf32, #tpu.memory_space<hbm>>)
      tpu.yield
    }) : () -> ()
    %mul3A_120 = arith.constant 640 : i32
    %mul3A_121 = arith.muli %arg1, %mul3A_120 : i32
    %add3A_122 = arith.constant 2 : i32
    %add3A_123 = arith.addi %add3A_122, %arg0 : i32
    %mul3A_124 = arith.constant 640 : i32
    %mul3A_125 = arith.muli %arg1, %mul3A_124 : i32
    "tpu.region"() ({
      %run_scoped3A_193 = tpu.sem_alloc : memref<!tpu.dma_semaphore, #tpu.memory_space<semaphore_mem>>
      %dma_start3A_194 = arith.constant 0 : i32
      %dma_start3A_195 = tpu.memref_slice %arg7[%add3A_123, %mul3A_125, %dma_start3A_194] : memref<6x10240x128xf32, #tpu.memory_space<hbm>> -> memref<1x640x128xf32, #tpu.memory_space<hbm>>
      %dma_start3A_196 = tpu.memref_squeeze %dma_start3A_195 : memref<1x640x128xf32, #tpu.memory_space<hbm>> -> memref<640x128xf32, #tpu.memory_space<hbm>>
      %dma_start3A_197 = arith.constant 0 : i32
      %dma_start3A_198 = tpu.memref_slice %arg9[%mul3A_121, %dma_start3A_197] : memref<10240x128xf32, #tpu.memory_space<vmem_shared>> -> memref<640x128xf32, #tpu.memory_space<vmem_shared>>
      tpu.enqueue_dma source(%dma_start3A_198 : memref<640x128xf32, #tpu.memory_space<vmem_shared>>) target(%dma_start3A_196 : memref<640x128xf32, #tpu.memory_space<hbm>>) target_semaphore(%run_scoped3A_193 : memref<!tpu.dma_semaphore, #tpu.memory_space<semaphore_mem>>)
      %dma_wait3A_199 = arith.constant 0 : i32
      %dma_wait3A_200 = tpu.memref_slice %arg7[%add3A_123, %mul3A_125, %dma_wait3A_199] : memref<6x10240x128xf32, #tpu.memory_space<hbm>> -> memref<1x640x128xf32, #tpu.memory_space<hbm>>
      %dma_wait3A_201 = tpu.memref_squeeze %dma_wait3A_200 : memref<1x640x128xf32, #tpu.memory_space<hbm>> -> memref<640x128xf32, #tpu.memory_space<hbm>>
      %dma_wait3A_202 = arith.constant 0 : i32
      %dma_wait3A_203 = tpu.memref_slice %arg9[%mul3A_121, %dma_wait3A_202] : memref<10240x128xf32, #tpu.memory_space<vmem_shared>> -> memref<640x128xf32, #tpu.memory_space<vmem_shared>>
      tpu.wait_dma2 semaphore(%run_scoped3A_193 : memref<!tpu.dma_semaphore, #tpu.memory_space<semaphore_mem>>) src(%dma_wait3A_203 : memref<640x128xf32, #tpu.memory_space<vmem_shared>>) dst(%dma_wait3A_201 : memref<640x128xf32, #tpu.memory_space<hbm>>)
      tpu.yield
    }) : () -> ()
    %barrier3A_126 = arith.constant 0 : index
    tpu.barrier barrier_id(%barrier3A_126)
    %run_scoped3A_127 = arith.constant 2 : i32
    "tpu.region"() ({
      %run_scoped3A_193 = tpu.sem_alloc : memref<!tpu.dma_semaphore, #tpu.memory_space<semaphore_mem>>
      %dma_start3A_194 = arith.constant 0 : i32
      %dma_start3A_195 = tpu.memref_slice %arg3[%run_scoped3A_127, %dma_start3A_194] : memref<8x10240xf32, #tpu.memory_space<hbm>> -> memref<1x10240xf32, #tpu.memory_space<hbm>>
      %dma_start3A_196 = tpu.memref_squeeze %dma_start3A_195 : memref<1x10240xf32, #tpu.memory_space<hbm>> -> memref<10240xf32, #tpu.memory_space<hbm>>
      %dma_start3A_197 = arith.constant 0 : i32
      %dma_start3A_198 = tpu.memref_slice %arg3[%run_scoped3A_127, %dma_start3A_197] : memref<8x10240xf32, #tpu.memory_space<hbm>> -> memref<1x10240xf32, #tpu.memory_space<hbm>>
      %dma_start3A_199 = tpu.memref_squeeze %dma_start3A_198 : memref<1x10240xf32, #tpu.memory_space<hbm>> -> memref<10240xf32, #tpu.memory_space<hbm>>
      tpu.enqueue_dma source(%dma_start3A_199 : memref<10240xf32, #tpu.memory_space<hbm>>) target(%arg11 : memref<10240xf32, #tpu.memory_space<vmem>>) target_semaphore(%run_scoped3A_193 : memref<!tpu.dma_semaphore, #tpu.memory_space<semaphore_mem>>)
      %dma_wait3A_200 = arith.constant 0 : i32
      %dma_wait3A_201 = tpu.memref_slice %arg3[%run_scoped3A_127, %dma_wait3A_200] : memref<8x10240xf32, #tpu.memory_space<hbm>> -> memref<1x10240xf32, #tpu.memory_space<hbm>>
      %dma_wait3A_202 = tpu.memref_squeeze %dma_wait3A_201 : memref<1x10240xf32, #tpu.memory_space<hbm>> -> memref<10240xf32, #tpu.memory_space<hbm>>
      %dma_wait3A_203 = arith.constant 0 : i32
      %dma_wait3A_204 = tpu.memref_slice %arg3[%run_scoped3A_127, %dma_wait3A_203] : memref<8x10240xf32, #tpu.memory_space<hbm>> -> memref<1x10240xf32, #tpu.memory_space<hbm>>
      %dma_wait3A_205 = tpu.memref_squeeze %dma_wait3A_204 : memref<1x10240xf32, #tpu.memory_space<hbm>> -> memref<10240xf32, #tpu.memory_space<hbm>>
      tpu.wait_dma2 semaphore(%run_scoped3A_193 : memref<!tpu.dma_semaphore, #tpu.memory_space<semaphore_mem>>) src(%dma_wait3A_205 : memref<10240xf32, #tpu.memory_space<hbm>>) dst(%arg11 : memref<10240xf32, #tpu.memory_space<vmem>>)
      tpu.yield
    }) : () -> ()
    %run_scoped3A_128 = arith.constant 5 : i32
    "tpu.region"() ({
      %run_scoped3A_193 = tpu.sem_alloc : memref<!tpu.dma_semaphore, #tpu.memory_space<semaphore_mem>>
      %dma_start3A_194 = arith.constant 0 : i32
      %dma_start3A_195 = tpu.memref_slice %arg3[%run_scoped3A_128, %dma_start3A_194] : memref<8x10240xf32, #tpu.memory_space<hbm>> -> memref<1x10240xf32, #tpu.memory_space<hbm>>
      %dma_start3A_196 = tpu.memref_squeeze %dma_start3A_195 : memref<1x10240xf32, #tpu.memory_space<hbm>> -> memref<10240xf32, #tpu.memory_space<hbm>>
      %dma_start3A_197 = arith.constant 0 : i32
      %dma_start3A_198 = tpu.memref_slice %arg3[%run_scoped3A_128, %dma_start3A_197] : memref<8x10240xf32, #tpu.memory_space<hbm>> -> memref<1x10240xf32, #tpu.memory_space<hbm>>
      %dma_start3A_199 = tpu.memref_squeeze %dma_start3A_198 : memref<1x10240xf32, #tpu.memory_space<hbm>> -> memref<10240xf32, #tpu.memory_space<hbm>>
      tpu.enqueue_dma source(%dma_start3A_199 : memref<10240xf32, #tpu.memory_space<hbm>>) target(%arg12 : memref<10240xf32, #tpu.memory_space<vmem>>) target_semaphore(%run_scoped3A_193 : memref<!tpu.dma_semaphore, #tpu.memory_space<semaphore_mem>>)
      %dma_wait3A_200 = arith.constant 0 : i32
      %dma_wait3A_201 = tpu.memref_slice %arg3[%run_scoped3A_128, %dma_wait3A_200] : memref<8x10240xf32, #tpu.memory_space<hbm>> -> memref<1x10240xf32, #tpu.memory_space<hbm>>
      %dma_wait3A_202 = tpu.memref_squeeze %dma_wait3A_201 : memref<1x10240xf32, #tpu.memory_space<hbm>> -> memref<10240xf32, #tpu.memory_space<hbm>>
      %dma_wait3A_203 = arith.constant 0 : i32
      %dma_wait3A_204 = tpu.memref_slice %arg3[%run_scoped3A_128, %dma_wait3A_203] : memref<8x10240xf32, #tpu.memory_space<hbm>> -> memref<1x10240xf32, #tpu.memory_space<hbm>>
      %dma_wait3A_205 = tpu.memref_squeeze %dma_wait3A_204 : memref<1x10240xf32, #tpu.memory_space<hbm>> -> memref<10240xf32, #tpu.memory_space<hbm>>
      tpu.wait_dma2 semaphore(%run_scoped3A_193 : memref<!tpu.dma_semaphore, #tpu.memory_space<semaphore_mem>>) src(%dma_wait3A_205 : memref<10240xf32, #tpu.memory_space<hbm>>) dst(%arg12 : memref<10240xf32, #tpu.memory_space<vmem>>)
      tpu.yield
    }) : () -> ()
    %eq3A_129 = arith.constant 0 : i32
    %eq3A_130 = arith.cmpi eq, %arg1, %eq3A_129 : i32
    %convert_element_type3A_131 = arith.extui %eq3A_130 : i1 to i32
    %cond3A_132 = arith.constant 0 : i32
    %cond3A_133 = arith.cmpi ne, %convert_element_type3A_131, %cond3A_132 : i32
    scf.if %cond3A_133 {
      "tpu.region"() ({
        %run_scoped3A_193 = tpu.sem_alloc : memref<!tpu.dma_semaphore, #tpu.memory_space<semaphore_mem>>
        tpu.enqueue_dma source(%arg5 : memref<10240x128xf32, #tpu.memory_space<hbm>>) target(%arg9 : memref<10240x128xf32, #tpu.memory_space<vmem_shared>>) target_semaphore(%run_scoped3A_193 : memref<!tpu.dma_semaphore, #tpu.memory_space<semaphore_mem>>)
        tpu.wait_dma2 semaphore(%run_scoped3A_193 : memref<!tpu.dma_semaphore, #tpu.memory_space<semaphore_mem>>) src(%arg5 : memref<10240x128xf32, #tpu.memory_space<hbm>>) dst(%arg9 : memref<10240x128xf32, #tpu.memory_space<vmem_shared>>)
        tpu.yield
      }) : () -> ()
      "tpu.region"() ({
        %run_scoped3A_193 = tpu.sem_alloc : memref<!tpu.dma_semaphore, #tpu.memory_space<semaphore_mem>>
        tpu.enqueue_dma source(%arg6 : memref<10240xf32, #tpu.memory_space<hbm>>) target(%arg10 : memref<10240xf32, #tpu.memory_space<vmem_shared>>) target_semaphore(%run_scoped3A_193 : memref<!tpu.dma_semaphore, #tpu.memory_space<semaphore_mem>>)
        tpu.wait_dma2 semaphore(%run_scoped3A_193 : memref<!tpu.dma_semaphore, #tpu.memory_space<semaphore_mem>>) src(%arg6 : memref<10240xf32, #tpu.memory_space<hbm>>) dst(%arg10 : memref<10240xf32, #tpu.memory_space<vmem_shared>>)
        tpu.yield
      }) : () -> ()
    } else {
    }
    %barrier3A_134 = arith.constant 0 : index
    tpu.barrier barrier_id(%barrier3A_134)
    %add3A_135 = arith.constant 0 : i32
    %add3A_136 = arith.addi %mul3A_2, %add3A_135 : i32
    %dma_start3A_137 = arith.constant 0 : i32
    %dma_start3A_138 = arith.constant 0 : i32
    %dma_start3A_139 = tpu.memref_slice %arg4[%add3A_136, %dma_start3A_137, %dma_start3A_138] : memref<3456x2x96xi32, #tpu.memory_space<hbm>> -> memref<1x2x96xi32, #tpu.memory_space<hbm>>
    %dma_start3A_140 = tpu.memref_squeeze %dma_start3A_139 : memref<1x2x96xi32, #tpu.memory_space<hbm>> -> memref<2x96xi32, #tpu.memory_space<hbm>>
    %dma_start3A_141 = arith.constant 0 : i32
    %dma_start3A_142 = arith.constant 0 : i32
    %dma_start3A_143 = tpu.memref_slice %arg4[%add3A_136, %dma_start3A_141, %dma_start3A_142] : memref<3456x2x96xi32, #tpu.memory_space<hbm>> -> memref<1x2x96xi32, #tpu.memory_space<hbm>>
    %dma_start3A_144 = tpu.memref_squeeze %dma_start3A_143 : memref<1x2x96xi32, #tpu.memory_space<hbm>> -> memref<2x96xi32, #tpu.memory_space<hbm>>
    tpu.enqueue_dma source(%dma_start3A_144 : memref<2x96xi32, #tpu.memory_space<hbm>>) target(%arg13 : memref<2x96xi32, #tpu.memory_space<vmem>>) target_semaphore(%arg23 : memref<!tpu.dma_semaphore, #tpu.memory_space<semaphore_mem>>)
    %dma_wait3A_145 = arith.constant 0 : i32
    %dma_wait3A_146 = arith.constant 0 : i32
    %dma_wait3A_147 = arith.constant 0 : i32
    %dma_wait3A_148 = tpu.memref_slice %arg4[%dma_wait3A_145, %dma_wait3A_146, %dma_wait3A_147] : memref<3456x2x96xi32, #tpu.memory_space<hbm>> -> memref<1x2x96xi32, #tpu.memory_space<hbm>>
    %dma_wait3A_149 = tpu.memref_squeeze %dma_wait3A_148 : memref<1x2x96xi32, #tpu.memory_space<hbm>> -> memref<2x96xi32, #tpu.memory_space<hbm>>
    %dma_wait3A_150 = arith.constant 0 : i32
    %dma_wait3A_151 = arith.constant 0 : i32
    %dma_wait3A_152 = tpu.memref_slice %arg4[%dma_wait3A_145, %dma_wait3A_150, %dma_wait3A_151] : memref<3456x2x96xi32, #tpu.memory_space<hbm>> -> memref<1x2x96xi32, #tpu.memory_space<hbm>>
    %dma_wait3A_153 = tpu.memref_squeeze %dma_wait3A_152 : memref<1x2x96xi32, #tpu.memory_space<hbm>> -> memref<2x96xi32, #tpu.memory_space<hbm>>
    tpu.wait_dma2 semaphore(%arg23 : memref<!tpu.dma_semaphore, #tpu.memory_space<semaphore_mem>>) src(%dma_wait3A_153 : memref<2x96xi32, #tpu.memory_space<hbm>>) dst(%arg13 : memref<2x96xi32, #tpu.memory_space<vmem>>)
    %scan3A_154 = arith.constant 0 : i32
    %scan3A_155 = arith.constant 0 : i32
    %scan3A_156 = arith.constant 6 : i32
    %scan3A_157 = arith.addi %scan3A_155, %scan3A_156 : i32
    %scan3A_158 = arith.constant 1 : i32
    scf.for %scan3A_193 = %scan3A_155 to %scan3A_157 step %scan3A_158  : i32 {
      %mul3A_194 = arith.constant 16 : i32
      %mul3A_195 = arith.muli %scan3A_193, %mul3A_194 : i32
      %get3A = arith.constant 0 : i32
      %get3A_196 = arith.index_cast %get3A : i32 to index
      %get3A_197 = arith.index_cast %mul3A_195 : i32 to index
      %get3A_198 = tpu.vector_load %arg13[%get3A_196, %get3A_197] {strides = array<i32>} : memref<2x96xi32, #tpu.memory_space<vmem>>, vector<16xi32>,
      %mul3A_199 = arith.constant 16 : i32
      %mul3A_200 = arith.muli %scan3A_193, %mul3A_199 : i32
      %get3A_201 = arith.constant 1 : i32
      %get3A_202 = arith.index_cast %get3A_201 : i32 to index
      %get3A_203 = arith.index_cast %mul3A_200 : i32 to index
      %get3A_204 = tpu.vector_load %arg13[%get3A_202, %get3A_203] {strides = array<i32>} : memref<2x96xi32, #tpu.memory_space<vmem>>, vector<16xi32>,
      %gather3A = tpu.vector_load_idx %arg11[%get3A_198] : memref<10240xf32, #tpu.memory_space<vmem>>[vector<16xi32>], vector<16xf32>,
      %gather3A_205 = tpu.vector_load_idx %arg12[%get3A_204] : memref<10240xf32, #tpu.memory_space<vmem>>[vector<16xi32>], vector<16xf32>,
      %add3A_206 = arith.addf %gather3A, %gather3A_205 : vector<16xf32>
      %ge3A = arith.constant 0.000000e+00 : f32
      %ge3A_207 = vector.broadcast %ge3A : f32 to vector<16xf32>
      %ge3A_208 = arith.cmpf oge, %add3A_206, %ge3A_207 : vector<16xf32>
      %mul3A_209 = arith.constant 2.000000e-01 : f32
      %mul3A_210 = vector.broadcast %mul3A_209 : f32 to vector<16xf32>
      %mul3A_211 = arith.mulf %mul3A_210, %add3A_206 : vector<16xf32>
      %select_n3A = arith.select %ge3A_208, %add3A_206, %mul3A_211 : vector<16xi1>, vector<16xf32>
      %add3A_212 = arith.constant 0 : i32
      %add3A_213 = arith.addi %mul3A_2, %add3A_212 : i32
      %mul3A_214 = arith.constant 96 : i32
      %mul3A_215 = arith.muli %add3A_213, %mul3A_214 : i32
      %mul3A_216 = arith.constant 16 : i32
      %mul3A_217 = arith.muli %scan3A_193, %mul3A_216 : i32
      %add3A_218 = arith.addi %mul3A_215, %mul3A_217 : i32
      %add3A_219 = vector.broadcast %add3A_218 : i32 to vector<16xi32>
      %add3A_220 = arith.addi %add3A_219, %iota3A : vector<16xi32>
      %lt3A = arith.constant 330000 : i32
      %lt3A_221 = vector.broadcast %lt3A : i32 to vector<16xi32>
      %lt3A_222 = arith.cmpi slt, %add3A_220, %lt3A_221 : vector<16xi32>
      %exp3A = math.exp %select_n3A : vector<16xf32>
      %jit3A = arith.constant 0.000000e+00 : f32
      %broadcast_in_dim3A = vector.broadcast %jit3A : f32 to vector<16xf32>
      %select_n3A_223 = arith.select %lt3A_222, %exp3A, %broadcast_in_dim3A : vector<16xi1>, vector<16xf32>
      %mul3A_224 = arith.constant 16 : i32
      %mul3A_225 = arith.muli %scan3A_193, %mul3A_224 : i32
      %swap3A = arith.index_cast %mul3A_225 : i32 to index
      %swap3A_226 = tpu.vector_load %arg15[%swap3A] {strides = array<i32>} : memref<96xf32, #tpu.memory_space<vmem>>, vector<16xf32>,
      tpu.vector_store %arg15[%swap3A], %select_n3A_223 {strides = array<i32>} : memref<96xf32, #tpu.memory_space<vmem>>, vector<16xf32>,
      %add3A_227 = arith.constant 20480 : i32
      %add3A_228 = vector.broadcast %add3A_227 : i32 to vector<16xi32>
      %add3A_229 = arith.addi %get3A_198, %add3A_228 : vector<16xi32>
      %mul3A_230 = arith.constant 16 : i32
      %mul3A_231 = arith.muli %scan3A_193, %mul3A_230 : i32
      %swap3A_232 = arith.index_cast %mul3A_231 : i32 to index
      %swap3A_233 = tpu.vector_load %arg17[%swap3A_232] {strides = array<i32>} : memref<96xi32, #tpu.memory_space<vmem>>, vector<16xi32>,
      tpu.vector_store %arg17[%swap3A_232], %add3A_229 {strides = array<i32>} : memref<96xi32, #tpu.memory_space<vmem>>, vector<16xi32>,
      %mul3A_234 = arith.constant 16 : i32
      %mul3A_235 = arith.muli %scan3A_193, %mul3A_234 : i32
      %swap3A_236 = arith.index_cast %mul3A_235 : i32 to index
      %swap3A_237 = tpu.vector_load %arg19[%swap3A_236] {strides = array<i32>} : memref<96xi32, #tpu.memory_space<vmem>>, vector<16xi32>,
      tpu.vector_store %arg19[%swap3A_236], %get3A_204 {strides = array<i32>} : memref<96xi32, #tpu.memory_space<vmem>>, vector<16xi32>,
    }
    %scan3A_159 = arith.constant 6 : i32
    %dma_start3A_160 = arith.constant 0 : i32
    %dma_start3A_161 = arith.constant 0 : i32
    %dma_start3A_162 = tpu.memref_slice %arg2[%dma_start3A_160, %dma_start3A_161] : memref<30720x128xf32, #tpu.memory_space<hbm>> -> memref<30720x128xf32, #tpu.memory_space<hbm>>
    tpu.enqueue_indirect_dma source(%dma_start3A_162 : memref<30720x128xf32, #tpu.memory_space<hbm>>) target(%arg21 : memref<96x128xf32, #tpu.memory_space<vmem>>) offsets(%arg17 : memref<96xi32, #tpu.memory_space<vmem>>) semaphore(%arg25 : memref<!tpu.dma_semaphore, #tpu.memory_space<semaphore_mem>>)
    %add3A_163 = arith.constant 1 : i32
    %add3A_164 = arith.addi %mul3A_2, %add3A_163 : i32
    %dma_start3A_165 = arith.constant 0 : i32
    %dma_start3A_166 = arith.constant 0 : i32
    %dma_start3A_167 = tpu.memref_slice %arg4[%add3A_164, %dma_start3A_165, %dma_start3A_166] : memref<3456x2x96xi32, #tpu.memory_space<hbm>> -> memref<1x2x96xi32, #tpu.memory_space<hbm>>
    %dma_start3A_168 = tpu.memref_squeeze %dma_start3A_167 : memref<1x2x96xi32, #tpu.memory_space<hbm>> -> memref<2x96xi32, #tpu.memory_space<hbm>>
    %dma_start3A_169 = arith.constant 0 : i32
    %dma_start3A_170 = arith.constant 0 : i32
    %dma_start3A_171 = tpu.memref_slice %arg4[%add3A_164, %dma_start3A_169, %dma_start3A_170] : memref<3456x2x96xi32, #tpu.memory_space<hbm>> -> memref<1x2x96xi32, #tpu.memory_space<hbm>>
    %dma_start3A_172 = tpu.memref_squeeze %dma_start3A_171 : memref<1x2x96xi32, #tpu.memory_space<hbm>> -> memref<2x96xi32, #tpu.memory_space<hbm>>
    tpu.enqueue_dma source(%dma_start3A_172 : memref<2x96xi32, #tpu.memory_space<hbm>>) target(%arg14 : memref<2x96xi32, #tpu.memory_space<vmem>>) target_semaphore(%arg24 : memref<!tpu.dma_semaphore, #tpu.memory_space<semaphore_mem>>)
    %scan3A_173 = arith.constant 0 : i32
    %scan3A_174 = arith.constant 0 : i32
    %scan3A_175 = arith.constant 54 : i32
    %scan3A_176 = arith.addi %scan3A_174, %scan3A_175 : i32
    %scan3A_177 = arith.constant 1 : i32
    scf.for %scan3A_193 = %scan3A_174 to %scan3A_176 step %scan3A_177  : i32 {
      %mul3A_194 = arith.constant 2 : i32
      %mul3A_195 = arith.muli %mul3A_194, %scan3A_193 : i32
      %eq3A_196 = arith.constant 53 : i32
      %eq3A_197 = arith.cmpi eq, %scan3A_193, %eq3A_196 : i32
      %dma_wait3A_198 = arith.constant 0 : i32
      %dma_wait3A_199 = arith.constant 0 : i32
      %dma_wait3A_200 = arith.constant 0 : i32
      %dma_wait3A_201 = tpu.memref_slice %arg4[%dma_wait3A_198, %dma_wait3A_199, %dma_wait3A_200] : memref<3456x2x96xi32, #tpu.memory_space<hbm>> -> memref<1x2x96xi32, #tpu.memory_space<hbm>>
      %dma_wait3A_202 = tpu.memref_squeeze %dma_wait3A_201 : memref<1x2x96xi32, #tpu.memory_space<hbm>> -> memref<2x96xi32, #tpu.memory_space<hbm>>
      %dma_wait3A_203 = arith.constant 0 : i32
      %dma_wait3A_204 = arith.constant 0 : i32
      %dma_wait3A_205 = tpu.memref_slice %arg4[%dma_wait3A_198, %dma_wait3A_203, %dma_wait3A_204] : memref<3456x2x96xi32, #tpu.memory_space<hbm>> -> memref<1x2x96xi32, #tpu.memory_space<hbm>>
      %dma_wait3A_206 = tpu.memref_squeeze %dma_wait3A_205 : memref<1x2x96xi32, #tpu.memory_space<hbm>> -> memref<2x96xi32, #tpu.memory_space<hbm>>
      tpu.wait_dma2 semaphore(%arg24 : memref<!tpu.dma_semaphore, #tpu.memory_space<semaphore_mem>>) src(%dma_wait3A_206 : memref<2x96xi32, #tpu.memory_space<hbm>>) dst(%arg14 : memref<2x96xi32, #tpu.memory_space<vmem>>)
      %add3A_207 = arith.constant 1 : i32
      %add3A_208 = arith.addi %mul3A_195, %add3A_207 : i32
      %scan3A_209 = arith.constant 0 : i32
      %scan3A_210 = arith.constant 0 : i32
      %scan3A_211 = arith.constant 6 : i32
      %scan3A_212 = arith.addi %scan3A_210, %scan3A_211 : i32
      %scan3A_213 = arith.constant 1 : i32
      scf.for %scan3A_245 = %scan3A_210 to %scan3A_212 step %scan3A_213  : i32 {
        %mul3A_246 = arith.constant 16 : i32
        %mul3A_247 = arith.muli %scan3A_245, %mul3A_246 : i32
        %get3A = arith.constant 0 : i32
        %get3A_248 = arith.index_cast %get3A : i32 to index
        %get3A_249 = arith.index_cast %mul3A_247 : i32 to index
        %get3A_250 = tpu.vector_load %arg14[%get3A_248, %get3A_249] {strides = array<i32>} : memref<2x96xi32, #tpu.memory_space<vmem>>, vector<16xi32>,
        %mul3A_251 = arith.constant 16 : i32
        %mul3A_252 = arith.muli %scan3A_245, %mul3A_251 : i32
        %get3A_253 = arith.constant 1 : i32
        %get3A_254 = arith.index_cast %get3A_253 : i32 to index
        %get3A_255 = arith.index_cast %mul3A_252 : i32 to index
        %get3A_256 = tpu.vector_load %arg14[%get3A_254, %get3A_255] {strides = array<i32>} : memref<2x96xi32, #tpu.memory_space<vmem>>, vector<16xi32>,
        %gather3A = tpu.vector_load_idx %arg11[%get3A_250] : memref<10240xf32, #tpu.memory_space<vmem>>[vector<16xi32>], vector<16xf32>,
        %gather3A_257 = tpu.vector_load_idx %arg12[%get3A_256] : memref<10240xf32, #tpu.memory_space<vmem>>[vector<16xi32>], vector<16xf32>,
        %add3A_258 = arith.addf %gather3A, %gather3A_257 : vector<16xf32>
        %ge3A = arith.constant 0.000000e+00 : f32
        %ge3A_259 = vector.broadcast %ge3A : f32 to vector<16xf32>
        %ge3A_260 = arith.cmpf oge, %add3A_258, %ge3A_259 : vector<16xf32>
        %mul3A_261 = arith.constant 2.000000e-01 : f32
        %mul3A_262 = vector.broadcast %mul3A_261 : f32 to vector<16xf32>
        %mul3A_263 = arith.mulf %mul3A_262, %add3A_258 : vector<16xf32>
        %select_n3A = arith.select %ge3A_260, %add3A_258, %mul3A_263 : vector<16xi1>, vector<16xf32>
        %add3A_264 = arith.addi %mul3A_2, %add3A_208 : i32
        %mul3A_265 = arith.constant 96 : i32
        %mul3A_266 = arith.muli %add3A_264, %mul3A_265 : i32
        %mul3A_267 = arith.constant 16 : i32
        %mul3A_268 = arith.muli %scan3A_245, %mul3A_267 : i32
        %add3A_269 = arith.addi %mul3A_266, %mul3A_268 : i32
        %add3A_270 = vector.broadcast %add3A_269 : i32 to vector<16xi32>
        %add3A_271 = arith.addi %add3A_270, %iota3A : vector<16xi32>
        %lt3A = arith.constant 330000 : i32
        %lt3A_272 = vector.broadcast %lt3A : i32 to vector<16xi32>
        %lt3A_273 = arith.cmpi slt, %add3A_271, %lt3A_272 : vector<16xi32>
        %exp3A = math.exp %select_n3A : vector<16xf32>
        %jit3A = arith.constant 0.000000e+00 : f32
        %broadcast_in_dim3A = vector.broadcast %jit3A : f32 to vector<16xf32>
        %select_n3A_274 = arith.select %lt3A_273, %exp3A, %broadcast_in_dim3A : vector<16xi1>, vector<16xf32>
        %mul3A_275 = arith.constant 16 : i32
        %mul3A_276 = arith.muli %scan3A_245, %mul3A_275 : i32
        %swap3A = arith.index_cast %mul3A_276 : i32 to index
        %swap3A_277 = tpu.vector_load %arg16[%swap3A] {strides = array<i32>} : memref<96xf32, #tpu.memory_space<vmem>>, vector<16xf32>,
        tpu.vector_store %arg16[%swap3A], %select_n3A_274 {strides = array<i32>} : memref<96xf32, #tpu.memory_space<vmem>>, vector<16xf32>,
        %add3A_278 = arith.constant 20480 : i32
        %add3A_279 = vector.broadcast %add3A_278 : i32 to vector<16xi32>
        %add3A_280 = arith.addi %get3A_250, %add3A_279 : vector<16xi32>
        %mul3A_281 = arith.constant 16 : i32
        %mul3A_282 = arith.muli %scan3A_245, %mul3A_281 : i32
        %swap3A_283 = arith.index_cast %mul3A_282 : i32 to index
        %swap3A_284 = tpu.vector_load %arg18[%swap3A_283] {strides = array<i32>} : memref<96xi32, #tpu.memory_space<vmem>>, vector<16xi32>,
        tpu.vector_store %arg18[%swap3A_283], %add3A_280 {strides = array<i32>} : memref<96xi32, #tpu.memory_space<vmem>>, vector<16xi32>,
        %mul3A_285 = arith.constant 16 : i32
        %mul3A_286 = arith.muli %scan3A_245, %mul3A_285 : i32
        %swap3A_287 = arith.index_cast %mul3A_286 : i32 to index
        %swap3A_288 = tpu.vector_load %arg20[%swap3A_287] {strides = array<i32>} : memref<96xi32, #tpu.memory_space<vmem>>, vector<16xi32>,
        tpu.vector_store %arg20[%swap3A_287], %get3A_256 {strides = array<i32>} : memref<96xi32, #tpu.memory_space<vmem>>, vector<16xi32>,
      }
      %scan3A_214 = arith.constant 6 : i32
      %dma_start3A_215 = arith.constant 0 : i32
      %dma_start3A_216 = arith.constant 0 : i32
      %dma_start3A_217 = tpu.memref_slice %arg2[%dma_start3A_215, %dma_start3A_216] : memref<30720x128xf32, #tpu.memory_space<hbm>> -> memref<30720x128xf32, #tpu.memory_space<hbm>>
      tpu.enqueue_indirect_dma source(%dma_start3A_217 : memref<30720x128xf32, #tpu.memory_space<hbm>>) target(%arg22 : memref<96x128xf32, #tpu.memory_space<vmem>>) offsets(%arg18 : memref<96xi32, #tpu.memory_space<vmem>>) semaphore(%arg26 : memref<!tpu.dma_semaphore, #tpu.memory_space<semaphore_mem>>)
      %not3A = arith.constant true
      %not3A_218 = arith.xori %eq3A_197, %not3A : i1
      %convert_element_type3A_219 = arith.extui %not3A_218 : i1 to i32
      %cond3A_220 = arith.constant 0 : i32
      %cond3A_221 = arith.cmpi ne, %convert_element_type3A_219, %cond3A_220 : i32
      scf.if %cond3A_221 {
        %add3A_245 = arith.constant 2 : i32
        %add3A_246 = arith.addi %mul3A_195, %add3A_245 : i32
        %add3A_247 = arith.addi %mul3A_2, %add3A_246 : i32
        %dma_start3A_248 = arith.constant 0 : i32
        %dma_start3A_249 = arith.constant 0 : i32
        %dma_start3A_250 = tpu.memref_slice %arg4[%add3A_247, %dma_start3A_248, %dma_start3A_249] : memref<3456x2x96xi32, #tpu.memory_space<hbm>> -> memref<1x2x96xi32, #tpu.memory_space<hbm>>
        %dma_start3A_251 = tpu.memref_squeeze %dma_start3A_250 : memref<1x2x96xi32, #tpu.memory_space<hbm>> -> memref<2x96xi32, #tpu.memory_space<hbm>>
        %dma_start3A_252 = arith.constant 0 : i32
        %dma_start3A_253 = arith.constant 0 : i32
        %dma_start3A_254 = tpu.memref_slice %arg4[%add3A_247, %dma_start3A_252, %dma_start3A_253] : memref<3456x2x96xi32, #tpu.memory_space<hbm>> -> memref<1x2x96xi32, #tpu.memory_space<hbm>>
        %dma_start3A_255 = tpu.memref_squeeze %dma_start3A_254 : memref<1x2x96xi32, #tpu.memory_space<hbm>> -> memref<2x96xi32, #tpu.memory_space<hbm>>
        tpu.enqueue_dma source(%dma_start3A_255 : memref<2x96xi32, #tpu.memory_space<hbm>>) target(%arg13 : memref<2x96xi32, #tpu.memory_space<vmem>>) target_semaphore(%arg23 : memref<!tpu.dma_semaphore, #tpu.memory_space<semaphore_mem>>)
      } else {
      }
      %dma_wait3A_222 = arith.constant 0 : i32
      %dma_wait3A_223 = arith.constant 0 : i32
      %dma_wait3A_224 = tpu.memref_slice %arg2[%dma_wait3A_222, %dma_wait3A_223] : memref<30720x128xf32, #tpu.memory_space<hbm>> -> memref<30720x128xf32, #tpu.memory_space<hbm>>
      tpu.wait_indirect_dma semaphore(%arg25 : memref<!tpu.dma_semaphore, #tpu.memory_space<semaphore_mem>>) src(%dma_wait3A_224 : memref<30720x128xf32, #tpu.memory_space<hbm>>) dst(%arg21 : memref<96x128xf32, #tpu.memory_space<vmem>>)
      "tpu.region"() ({
        %run_scoped3A_245 = tpu.sem_alloc : memref<!tpu.dma_semaphore, #tpu.memory_space<semaphore_mem>>
        %dma_start3A_246 = arith.constant 0 : i32
        %dma_start3A_247 = tpu.memref_slice %arg10[%dma_start3A_246] : memref<10240xf32, #tpu.memory_space<vmem_shared>> -> memref<10240xf32, #tpu.memory_space<vmem_shared>>
        tpu.enqueue_indirect_dma source(%arg15 : memref<96xf32, #tpu.memory_space<vmem>>) target(%dma_start3A_247 : memref<10240xf32, #tpu.memory_space<vmem_shared>>) offsets(%arg19 : memref<96xi32, #tpu.memory_space<vmem>>) semaphore(%run_scoped3A_245 : memref<!tpu.dma_semaphore, #tpu.memory_space<semaphore_mem>>) {add = true}
        %dma_wait3A_248 = arith.constant 0 : i32
        %dma_wait3A_249 = tpu.memref_slice %arg10[%dma_wait3A_248] : memref<10240xf32, #tpu.memory_space<vmem_shared>> -> memref<10240xf32, #tpu.memory_space<vmem_shared>>
        tpu.wait_indirect_dma semaphore(%run_scoped3A_245 : memref<!tpu.dma_semaphore, #tpu.memory_space<semaphore_mem>>) src(%arg15 : memref<96xf32, #tpu.memory_space<vmem>>) dst(%dma_wait3A_249 : memref<10240xf32, #tpu.memory_space<vmem_shared>>)
        tpu.yield
      }) : () -> ()
      %scan3A_225 = arith.constant 0 : i32
      %scan3A_226 = arith.constant 0 : i32
      %scan3A_227 = arith.constant 24 : i32
      %scan3A_228 = arith.addi %scan3A_226, %scan3A_227 : i32
      %scan3A_229 = arith.constant 1 : i32
      scf.for %scan3A_245 = %scan3A_226 to %scan3A_228 step %scan3A_229  : i32 {
        %mul3A_246 = arith.constant 4 : i32
        %mul3A_247 = arith.muli %scan3A_245, %mul3A_246 : i32
        %add3A_248 = arith.constant 0 : i32
        %add3A_249 = arith.addi %mul3A_247, %add3A_248 : i32
        %mul3A_250 = arith.constant 0 : i32
        %mul3A_251 = vector.broadcast %mul3A_250 : i32 to vector<16xi32>
        %mul3A_252 = arith.muli %iota3A, %mul3A_251 : vector<16xi32>
        %add3A_253 = vector.broadcast %add3A_249 : i32 to vector<16xi32>
        %add3A_254 = arith.addi %mul3A_252, %add3A_253 : vector<16xi32>
        %gather3A = tpu.vector_load_idx %arg15[%add3A_254] : memref<96xf32, #tpu.memory_space<vmem>>[vector<16xi32>], vector<16xf32>,
        %get3A = arith.index_cast %add3A_249 : i32 to index
        %get3A_255 = arith.constant 0 : index
        %get3A_256 = tpu.vector_load %arg21[%get3A, %get3A_255] {strides = array<i32>} : memref<96x128xf32, #tpu.memory_space<vmem>>, vector<16xf32>,
        %mul3A_257 = arith.mulf %get3A_256, %gather3A : vector<16xf32>
        %swap3A = arith.index_cast %add3A_249 : i32 to index
        %swap3A_258 = arith.constant 0 : index
        %swap3A_259 = tpu.vector_load %arg21[%swap3A, %swap3A_258] {strides = array<i32>} : memref<96x128xf32, #tpu.memory_space<vmem>>, vector<16xf32>,
        tpu.vector_store %arg21[%swap3A, %swap3A_258], %mul3A_257 {strides = array<i32>} : memref<96x128xf32, #tpu.memory_space<vmem>>, vector<16xf32>,
        %get3A_260 = arith.index_cast %add3A_249 : i32 to index
        %get3A_261 = arith.constant 16 : index
        %get3A_262 = tpu.vector_load %arg21[%get3A_260, %get3A_261] {strides = array<i32>} : memref<96x128xf32, #tpu.memory_space<vmem>>, vector<16xf32>,
        %mul3A_263 = arith.mulf %get3A_262, %gather3A : vector<16xf32>
        %swap3A_264 = arith.index_cast %add3A_249 : i32 to index
        %swap3A_265 = arith.constant 16 : index
        %swap3A_266 = tpu.vector_load %arg21[%swap3A_264, %swap3A_265] {strides = array<i32>} : memref<96x128xf32, #tpu.memory_space<vmem>>, vector<16xf32>,
        tpu.vector_store %arg21[%swap3A_264, %swap3A_265], %mul3A_263 {strides = array<i32>} : memref<96x128xf32, #tpu.memory_space<vmem>>, vector<16xf32>,
        %get3A_267 = arith.index_cast %add3A_249 : i32 to index
        %get3A_268 = arith.constant 32 : index
        %get3A_269 = tpu.vector_load %arg21[%get3A_267, %get3A_268] {strides = array<i32>} : memref<96x128xf32, #tpu.memory_space<vmem>>, vector<16xf32>,
        %mul3A_270 = arith.mulf %get3A_269, %gather3A : vector<16xf32>
        %swap3A_271 = arith.index_cast %add3A_249 : i32 to index
        %swap3A_272 = arith.constant 32 : index
        %swap3A_273 = tpu.vector_load %arg21[%swap3A_271, %swap3A_272] {strides = array<i32>} : memref<96x128xf32, #tpu.memory_space<vmem>>, vector<16xf32>,
        tpu.vector_store %arg21[%swap3A_271, %swap3A_272], %mul3A_270 {strides = array<i32>} : memref<96x128xf32, #tpu.memory_space<vmem>>, vector<16xf32>,
        %get3A_274 = arith.index_cast %add3A_249 : i32 to index
        %get3A_275 = arith.constant 48 : index
        %get3A_276 = tpu.vector_load %arg21[%get3A_274, %get3A_275] {strides = array<i32>} : memref<96x128xf32, #tpu.memory_space<vmem>>, vector<16xf32>,
        %mul3A_277 = arith.mulf %get3A_276, %gather3A : vector<16xf32>
        %swap3A_278 = arith.index_cast %add3A_249 : i32 to index
        %swap3A_279 = arith.constant 48 : index
        %swap3A_280 = tpu.vector_load %arg21[%swap3A_278, %swap3A_279] {strides = array<i32>} : memref<96x128xf32, #tpu.memory_space<vmem>>, vector<16xf32>,
        tpu.vector_store %arg21[%swap3A_278, %swap3A_279], %mul3A_277 {strides = array<i32>} : memref<96x128xf32, #tpu.memory_space<vmem>>, vector<16xf32>,
        %get3A_281 = arith.index_cast %add3A_249 : i32 to index
        %get3A_282 = arith.constant 64 : index
        %get3A_283 = tpu.vector_load %arg21[%get3A_281, %get3A_282] {strides = array<i32>} : memref<96x128xf32, #tpu.memory_space<vmem>>, vector<16xf32>,
        %mul3A_284 = arith.mulf %get3A_283, %gather3A : vector<16xf32>
        %swap3A_285 = arith.index_cast %add3A_249 : i32 to index
        %swap3A_286 = arith.constant 64 : index
        %swap3A_287 = tpu.vector_load %arg21[%swap3A_285, %swap3A_286] {strides = array<i32>} : memref<96x128xf32, #tpu.memory_space<vmem>>, vector<16xf32>,
        tpu.vector_store %arg21[%swap3A_285, %swap3A_286], %mul3A_284 {strides = array<i32>} : memref<96x128xf32, #tpu.memory_space<vmem>>, vector<16xf32>,
        %get3A_288 = arith.index_cast %add3A_249 : i32 to index
        %get3A_289 = arith.constant 80 : index
        %get3A_290 = tpu.vector_load %arg21[%get3A_288, %get3A_289] {strides = array<i32>} : memref<96x128xf32, #tpu.memory_space<vmem>>, vector<16xf32>,
        %mul3A_291 = arith.mulf %get3A_290, %gather3A : vector<16xf32>
        %swap3A_292 = arith.index_cast %add3A_249 : i32 to index
        %swap3A_293 = arith.constant 80 : index
        %swap3A_294 = tpu.vector_load %arg21[%swap3A_292, %swap3A_293] {strides = array<i32>} : memref<96x128xf32, #tpu.memory_space<vmem>>, vector<16xf32>,
        tpu.vector_store %arg21[%swap3A_292, %swap3A_293], %mul3A_291 {strides = array<i32>} : memref<96x128xf32, #tpu.memory_space<vmem>>, vector<16xf32>,
        %get3A_295 = arith.index_cast %add3A_249 : i32 to index
        %get3A_296 = arith.constant 96 : index
        %get3A_297 = tpu.vector_load %arg21[%get3A_295, %get3A_296] {strides = array<i32>} : memref<96x128xf32, #tpu.memory_space<vmem>>, vector<16xf32>,
        %mul3A_298 = arith.mulf %get3A_297, %gather3A : vector<16xf32>
        %swap3A_299 = arith.index_cast %add3A_249 : i32 to index
        %swap3A_300 = arith.constant 96 : index
        %swap3A_301 = tpu.vector_load %arg21[%swap3A_299, %swap3A_300] {strides = array<i32>} : memref<96x128xf32, #tpu.memory_space<vmem>>, vector<16xf32>,
        tpu.vector_store %arg21[%swap3A_299, %swap3A_300], %mul3A_298 {strides = array<i32>} : memref<96x128xf32, #tpu.memory_space<vmem>>, vector<16xf32>,
        %get3A_302 = arith.index_cast %add3A_249 : i32 to index
        %get3A_303 = arith.constant 112 : index
        %get3A_304 = tpu.vector_load %arg21[%get3A_302, %get3A_303] {strides = array<i32>} : memref<96x128xf32, #tpu.memory_space<vmem>>, vector<16xf32>,
        %mul3A_305 = arith.mulf %get3A_304, %gather3A : vector<16xf32>
        %swap3A_306 = arith.index_cast %add3A_249 : i32 to index
        %swap3A_307 = arith.constant 112 : index
        %swap3A_308 = tpu.vector_load %arg21[%swap3A_306, %swap3A_307] {strides = array<i32>} : memref<96x128xf32, #tpu.memory_space<vmem>>, vector<16xf32>,
        tpu.vector_store %arg21[%swap3A_306, %swap3A_307], %mul3A_305 {strides = array<i32>} : memref<96x128xf32, #tpu.memory_space<vmem>>, vector<16xf32>,
        %mul3A_309 = arith.constant 4 : i32
        %mul3A_310 = arith.muli %scan3A_245, %mul3A_309 : i32
        %add3A_311 = arith.constant 1 : i32
        %add3A_312 = arith.addi %mul3A_310, %add3A_311 : i32
        %mul3A_313 = arith.constant 0 : i32
        %mul3A_314 = vector.broadcast %mul3A_313 : i32 to vector<16xi32>
        %mul3A_315 = arith.muli %iota3A, %mul3A_314 : vector<16xi32>
        %add3A_316 = vector.broadcast %add3A_312 : i32 to vector<16xi32>
        %add3A_317 = arith.addi %mul3A_315, %add3A_316 : vector<16xi32>
        %gather3A_318 = tpu.vector_load_idx %arg15[%add3A_317] : memref<96xf32, #tpu.memory_space<vmem>>[vector<16xi32>], vector<16xf32>,
        %get3A_319 = arith.index_cast %add3A_312 : i32 to index
        %get3A_320 = arith.constant 0 : index
        %get3A_321 = tpu.vector_load %arg21[%get3A_319, %get3A_320] {strides = array<i32>} : memref<96x128xf32, #tpu.memory_space<vmem>>, vector<16xf32>,
        %mul3A_322 = arith.mulf %get3A_321, %gather3A_318 : vector<16xf32>
        %swap3A_323 = arith.index_cast %add3A_312 : i32 to index
        %swap3A_324 = arith.constant 0 : index
        %swap3A_325 = tpu.vector_load %arg21[%swap3A_323, %swap3A_324] {strides = array<i32>} : memref<96x128xf32, #tpu.memory_space<vmem>>, vector<16xf32>,
        tpu.vector_store %arg21[%swap3A_323, %swap3A_324], %mul3A_322 {strides = array<i32>} : memref<96x128xf32, #tpu.memory_space<vmem>>, vector<16xf32>,
        %get3A_326 = arith.index_cast %add3A_312 : i32 to index
        %get3A_327 = arith.constant 16 : index
        %get3A_328 = tpu.vector_load %arg21[%get3A_326, %get3A_327] {strides = array<i32>} : memref<96x128xf32, #tpu.memory_space<vmem>>, vector<16xf32>,
        %mul3A_329 = arith.mulf %get3A_328, %gather3A_318 : vector<16xf32>
        %swap3A_330 = arith.index_cast %add3A_312 : i32 to index
        %swap3A_331 = arith.constant 16 : index
        %swap3A_332 = tpu.vector_load %arg21[%swap3A_330, %swap3A_331] {strides = array<i32>} : memref<96x128xf32, #tpu.memory_space<vmem>>, vector<16xf32>,
        tpu.vector_store %arg21[%swap3A_330, %swap3A_331], %mul3A_329 {strides = array<i32>} : memref<96x128xf32, #tpu.memory_space<vmem>>, vector<16xf32>,
        %get3A_333 = arith.index_cast %add3A_312 : i32 to index
        %get3A_334 = arith.constant 32 : index
        %get3A_335 = tpu.vector_load %arg21[%get3A_333, %get3A_334] {strides = array<i32>} : memref<96x128xf32, #tpu.memory_space<vmem>>, vector<16xf32>,
        %mul3A_336 = arith.mulf %get3A_335, %gather3A_318 : vector<16xf32>
        %swap3A_337 = arith.index_cast %add3A_312 : i32 to index
        %swap3A_338 = arith.constant 32 : index
        %swap3A_339 = tpu.vector_load %arg21[%swap3A_337, %swap3A_338] {strides = array<i32>} : memref<96x128xf32, #tpu.memory_space<vmem>>, vector<16xf32>,
        tpu.vector_store %arg21[%swap3A_337, %swap3A_338], %mul3A_336 {strides = array<i32>} : memref<96x128xf32, #tpu.memory_space<vmem>>, vector<16xf32>,
        %get3A_340 = arith.index_cast %add3A_312 : i32 to index
        %get3A_341 = arith.constant 48 : index
        %get3A_342 = tpu.vector_load %arg21[%get3A_340, %get3A_341] {strides = array<i32>} : memref<96x128xf32, #tpu.memory_space<vmem>>, vector<16xf32>,
        %mul3A_343 = arith.mulf %get3A_342, %gather3A_318 : vector<16xf32>
        %swap3A_344 = arith.index_cast %add3A_312 : i32 to index
        %swap3A_345 = arith.constant 48 : index
        %swap3A_346 = tpu.vector_load %arg21[%swap3A_344, %swap3A_345] {strides = array<i32>} : memref<96x128xf32, #tpu.memory_space<vmem>>, vector<16xf32>,
        tpu.vector_store %arg21[%swap3A_344, %swap3A_345], %mul3A_343 {strides = array<i32>} : memref<96x128xf32, #tpu.memory_space<vmem>>, vector<16xf32>,
        %get3A_347 = arith.index_cast %add3A_312 : i32 to index
        %get3A_348 = arith.constant 64 : index
        %get3A_349 = tpu.vector_load %arg21[%get3A_347, %get3A_348] {strides = array<i32>} : memref<96x128xf32, #tpu.memory_space<vmem>>, vector<16xf32>,
        %mul3A_350 = arith.mulf %get3A_349, %gather3A_318 : vector<16xf32>
        %swap3A_351 = arith.index_cast %add3A_312 : i32 to index
        %swap3A_352 = arith.constant 64 : index
        %swap3A_353 = tpu.vector_load %arg21[%swap3A_351, %swap3A_352] {strides = array<i32>} : memref<96x128xf32, #tpu.memory_space<vmem>>, vector<16xf32>,
        tpu.vector_store %arg21[%swap3A_351, %swap3A_352], %mul3A_350 {strides = array<i32>} : memref<96x128xf32, #tpu.memory_space<vmem>>, vector<16xf32>,
        %get3A_354 = arith.index_cast %add3A_312 : i32 to index
        %get3A_355 = arith.constant 80 : index
        %get3A_356 = tpu.vector_load %arg21[%get3A_354, %get3A_355] {strides = array<i32>} : memref<96x128xf32, #tpu.memory_space<vmem>>, vector<16xf32>,
        %mul3A_357 = arith.mulf %get3A_356, %gather3A_318 : vector<16xf32>
        %swap3A_358 = arith.index_cast %add3A_312 : i32 to index
        %swap3A_359 = arith.constant 80 : index
        %swap3A_360 = tpu.vector_load %arg21[%swap3A_358, %swap3A_359] {strides = array<i32>} : memref<96x128xf32, #tpu.memory_space<vmem>>, vector<16xf32>,
        tpu.vector_store %arg21[%swap3A_358, %swap3A_359], %mul3A_357 {strides = array<i32>} : memref<96x128xf32, #tpu.memory_space<vmem>>, vector<16xf32>,
        %get3A_361 = arith.index_cast %add3A_312 : i32 to index
        %get3A_362 = arith.constant 96 : index
        %get3A_363 = tpu.vector_load %arg21[%get3A_361, %get3A_362] {strides = array<i32>} : memref<96x128xf32, #tpu.memory_space<vmem>>, vector<16xf32>,
        %mul3A_364 = arith.mulf %get3A_363, %gather3A_318 : vector<16xf32>
        %swap3A_365 = arith.index_cast %add3A_312 : i32 to index
        %swap3A_366 = arith.constant 96 : index
        %swap3A_367 = tpu.vector_load %arg21[%swap3A_365, %swap3A_366] {strides = array<i32>} : memref<96x128xf32, #tpu.memory_space<vmem>>, vector<16xf32>,
        tpu.vector_store %arg21[%swap3A_365, %swap3A_366], %mul3A_364 {strides = array<i32>} : memref<96x128xf32, #tpu.memory_space<vmem>>, vector<16xf32>,
        %get3A_368 = arith.index_cast %add3A_312 : i32 to index
        %get3A_369 = arith.constant 112 : index
        %get3A_370 = tpu.vector_load %arg21[%get3A_368, %get3A_369] {strides = array<i32>} : memref<96x128xf32, #tpu.memory_space<vmem>>, vector<16xf32>,
        %mul3A_371 = arith.mulf %get3A_370, %gather3A_318 : vector<16xf32>
        %swap3A_372 = arith.index_cast %add3A_312 : i32 to index
        %swap3A_373 = arith.constant 112 : index
        %swap3A_374 = tpu.vector_load %arg21[%swap3A_372, %swap3A_373] {strides = array<i32>} : memref<96x128xf32, #tpu.memory_space<vmem>>, vector<16xf32>,
        tpu.vector_store %arg21[%swap3A_372, %swap3A_373], %mul3A_371 {strides = array<i32>} : memref<96x128xf32, #tpu.memory_space<vmem>>, vector<16xf32>,
        %mul3A_375 = arith.constant 4 : i32
        %mul3A_376 = arith.muli %scan3A_245, %mul3A_375 : i32
        %add3A_377 = arith.constant 2 : i32
        %add3A_378 = arith.addi %mul3A_376, %add3A_377 : i32
        %mul3A_379 = arith.constant 0 : i32
        %mul3A_380 = vector.broadcast %mul3A_379 : i32 to vector<16xi32>
        %mul3A_381 = arith.muli %iota3A, %mul3A_380 : vector<16xi32>
        %add3A_382 = vector.broadcast %add3A_378 : i32 to vector<16xi32>
        %add3A_383 = arith.addi %mul3A_381, %add3A_382 : vector<16xi32>
        %gather3A_384 = tpu.vector_load_idx %arg15[%add3A_383] : memref<96xf32, #tpu.memory_space<vmem>>[vector<16xi32>], vector<16xf32>,
        %get3A_385 = arith.index_cast %add3A_378 : i32 to index
        %get3A_386 = arith.constant 0 : index
        %get3A_387 = tpu.vector_load %arg21[%get3A_385, %get3A_386] {strides = array<i32>} : memref<96x128xf32, #tpu.memory_space<vmem>>, vector<16xf32>,
        %mul3A_388 = arith.mulf %get3A_387, %gather3A_384 : vector<16xf32>
        %swap3A_389 = arith.index_cast %add3A_378 : i32 to index
        %swap3A_390 = arith.constant 0 : index
        %swap3A_391 = tpu.vector_load %arg21[%swap3A_389, %swap3A_390] {strides = array<i32>} : memref<96x128xf32, #tpu.memory_space<vmem>>, vector<16xf32>,
        tpu.vector_store %arg21[%swap3A_389, %swap3A_390], %mul3A_388 {strides = array<i32>} : memref<96x128xf32, #tpu.memory_space<vmem>>, vector<16xf32>,
        %get3A_392 = arith.index_cast %add3A_378 : i32 to index
        %get3A_393 = arith.constant 16 : index
        %get3A_394 = tpu.vector_load %arg21[%get3A_392, %get3A_393] {strides = array<i32>} : memref<96x128xf32, #tpu.memory_space<vmem>>, vector<16xf32>,
        %mul3A_395 = arith.mulf %get3A_394, %gather3A_384 : vector<16xf32>
        %swap3A_396 = arith.index_cast %add3A_378 : i32 to index
        %swap3A_397 = arith.constant 16 : index
        %swap3A_398 = tpu.vector_load %arg21[%swap3A_396, %swap3A_397] {strides = array<i32>} : memref<96x128xf32, #tpu.memory_space<vmem>>, vector<16xf32>,
        tpu.vector_store %arg21[%swap3A_396, %swap3A_397], %mul3A_395 {strides = array<i32>} : memref<96x128xf32, #tpu.memory_space<vmem>>, vector<16xf32>,
        %get3A_399 = arith.index_cast %add3A_378 : i32 to index
        %get3A_400 = arith.constant 32 : index
        %get3A_401 = tpu.vector_load %arg21[%get3A_399, %get3A_400] {strides = array<i32>} : memref<96x128xf32, #tpu.memory_space<vmem>>, vector<16xf32>,
        %mul3A_402 = arith.mulf %get3A_401, %gather3A_384 : vector<16xf32>
        %swap3A_403 = arith.index_cast %add3A_378 : i32 to index
        %swap3A_404 = arith.constant 32 : index
        %swap3A_405 = tpu.vector_load %arg21[%swap3A_403, %swap3A_404] {strides = array<i32>} : memref<96x128xf32, #tpu.memory_space<vmem>>, vector<16xf32>,
        tpu.vector_store %arg21[%swap3A_403, %swap3A_404], %mul3A_402 {strides = array<i32>} : memref<96x128xf32, #tpu.memory_space<vmem>>, vector<16xf32>,
        %get3A_406 = arith.index_cast %add3A_378 : i32 to index
        %get3A_407 = arith.constant 48 : index
        %get3A_408 = tpu.vector_load %arg21[%get3A_406, %get3A_407] {strides = array<i32>} : memref<96x128xf32, #tpu.memory_space<vmem>>, vector<16xf32>,
        %mul3A_409 = arith.mulf %get3A_408, %gather3A_384 : vector<16xf32>
        %swap3A_410 = arith.index_cast %add3A_378 : i32 to index
        %swap3A_411 = arith.constant 48 : index
        %swap3A_412 = tpu.vector_load %arg21[%swap3A_410, %swap3A_411] {strides = array<i32>} : memref<96x128xf32, #tpu.memory_space<vmem>>, vector<16xf32>,
        tpu.vector_store %arg21[%swap3A_410, %swap3A_411], %mul3A_409 {strides = array<i32>} : memref<96x128xf32, #tpu.memory_space<vmem>>, vector<16xf32>,
        %get3A_413 = arith.index_cast %add3A_378 : i32 to index
        %get3A_414 = arith.constant 64 : index
        %get3A_415 = tpu.vector_load %arg21[%get3A_413, %get3A_414] {strides = array<i32>} : memref<96x128xf32, #tpu.memory_space<vmem>>, vector<16xf32>,
        %mul3A_416 = arith.mulf %get3A_415, %gather3A_384 : vector<16xf32>
        %swap3A_417 = arith.index_cast %add3A_378 : i32 to index
        %swap3A_418 = arith.constant 64 : index
        %swap3A_419 = tpu.vector_load %arg21[%swap3A_417, %swap3A_418] {strides = array<i32>} : memref<96x128xf32, #tpu.memory_space<vmem>>, vector<16xf32>,
        tpu.vector_store %arg21[%swap3A_417, %swap3A_418], %mul3A_416 {strides = array<i32>} : memref<96x128xf32, #tpu.memory_space<vmem>>, vector<16xf32>,
        %get3A_420 = arith.index_cast %add3A_378 : i32 to index
        %get3A_421 = arith.constant 80 : index
        %get3A_422 = tpu.vector_load %arg21[%get3A_420, %get3A_421] {strides = array<i32>} : memref<96x128xf32, #tpu.memory_space<vmem>>, vector<16xf32>,
        %mul3A_423 = arith.mulf %get3A_422, %gather3A_384 : vector<16xf32>
        %swap3A_424 = arith.index_cast %add3A_378 : i32 to index
        %swap3A_425 = arith.constant 80 : index
        %swap3A_426 = tpu.vector_load %arg21[%swap3A_424, %swap3A_425] {strides = array<i32>} : memref<96x128xf32, #tpu.memory_space<vmem>>, vector<16xf32>,
        tpu.vector_store %arg21[%swap3A_424, %swap3A_425], %mul3A_423 {strides = array<i32>} : memref<96x128xf32, #tpu.memory_space<vmem>>, vector<16xf32>,
        %get3A_427 = arith.index_cast %add3A_378 : i32 to index
        %get3A_428 = arith.constant 96 : index
        %get3A_429 = tpu.vector_load %arg21[%get3A_427, %get3A_428] {strides = array<i32>} : memref<96x128xf32, #tpu.memory_space<vmem>>, vector<16xf32>,
        %mul3A_430 = arith.mulf %get3A_429, %gather3A_384 : vector<16xf32>
        %swap3A_431 = arith.index_cast %add3A_378 : i32 to index
        %swap3A_432 = arith.constant 96 : index
        %swap3A_433 = tpu.vector_load %arg21[%swap3A_431, %swap3A_432] {strides = array<i32>} : memref<96x128xf32, #tpu.memory_space<vmem>>, vector<16xf32>,
        tpu.vector_store %arg21[%swap3A_431, %swap3A_432], %mul3A_430 {strides = array<i32>} : memref<96x128xf32, #tpu.memory_space<vmem>>, vector<16xf32>,
        %get3A_434 = arith.index_cast %add3A_378 : i32 to index
        %get3A_435 = arith.constant 112 : index
        %get3A_436 = tpu.vector_load %arg21[%get3A_434, %get3A_435] {strides = array<i32>} : memref<96x128xf32, #tpu.memory_space<vmem>>, vector<16xf32>,
        %mul3A_437 = arith.mulf %get3A_436, %gather3A_384 : vector<16xf32>
        %swap3A_438 = arith.index_cast %add3A_378 : i32 to index
        %swap3A_439 = arith.constant 112 : index
        %swap3A_440 = tpu.vector_load %arg21[%swap3A_438, %swap3A_439] {strides = array<i32>} : memref<96x128xf32, #tpu.memory_space<vmem>>, vector<16xf32>,
        tpu.vector_store %arg21[%swap3A_438, %swap3A_439], %mul3A_437 {strides = array<i32>} : memref<96x128xf32, #tpu.memory_space<vmem>>, vector<16xf32>,
        %mul3A_441 = arith.constant 4 : i32
        %mul3A_442 = arith.muli %scan3A_245, %mul3A_441 : i32
        %add3A_443 = arith.constant 3 : i32
        %add3A_444 = arith.addi %mul3A_442, %add3A_443 : i32
        %mul3A_445 = arith.constant 0 : i32
        %mul3A_446 = vector.broadcast %mul3A_445 : i32 to vector<16xi32>
        %mul3A_447 = arith.muli %iota3A, %mul3A_446 : vector<16xi32>
        %add3A_448 = vector.broadcast %add3A_444 : i32 to vector<16xi32>
        %add3A_449 = arith.addi %mul3A_447, %add3A_448 : vector<16xi32>
        %gather3A_450 = tpu.vector_load_idx %arg15[%add3A_449] : memref<96xf32, #tpu.memory_space<vmem>>[vector<16xi32>], vector<16xf32>,
        %get3A_451 = arith.index_cast %add3A_444 : i32 to index
        %get3A_452 = arith.constant 0 : index
        %get3A_453 = tpu.vector_load %arg21[%get3A_451, %get3A_452] {strides = array<i32>} : memref<96x128xf32, #tpu.memory_space<vmem>>, vector<16xf32>,
        %mul3A_454 = arith.mulf %get3A_453, %gather3A_450 : vector<16xf32>
        %swap3A_455 = arith.index_cast %add3A_444 : i32 to index
        %swap3A_456 = arith.constant 0 : index
        %swap3A_457 = tpu.vector_load %arg21[%swap3A_455, %swap3A_456] {strides = array<i32>} : memref<96x128xf32, #tpu.memory_space<vmem>>, vector<16xf32>,
        tpu.vector_store %arg21[%swap3A_455, %swap3A_456], %mul3A_454 {strides = array<i32>} : memref<96x128xf32, #tpu.memory_space<vmem>>, vector<16xf32>,
        %get3A_458 = arith.index_cast %add3A_444 : i32 to index
        %get3A_459 = arith.constant 16 : index
        %get3A_460 = tpu.vector_load %arg21[%get3A_458, %get3A_459] {strides = array<i32>} : memref<96x128xf32, #tpu.memory_space<vmem>>, vector<16xf32>,
        %mul3A_461 = arith.mulf %get3A_460, %gather3A_450 : vector<16xf32>
        %swap3A_462 = arith.index_cast %add3A_444 : i32 to index
        %swap3A_463 = arith.constant 16 : index
        %swap3A_464 = tpu.vector_load %arg21[%swap3A_462, %swap3A_463] {strides = array<i32>} : memref<96x128xf32, #tpu.memory_space<vmem>>, vector<16xf32>,
        tpu.vector_store %arg21[%swap3A_462, %swap3A_463], %mul3A_461 {strides = array<i32>} : memref<96x128xf32, #tpu.memory_space<vmem>>, vector<16xf32>,
        %get3A_465 = arith.index_cast %add3A_444 : i32 to index
        %get3A_466 = arith.constant 32 : index
        %get3A_467 = tpu.vector_load %arg21[%get3A_465, %get3A_466] {strides = array<i32>} : memref<96x128xf32, #tpu.memory_space<vmem>>, vector<16xf32>,
        %mul3A_468 = arith.mulf %get3A_467, %gather3A_450 : vector<16xf32>
        %swap3A_469 = arith.index_cast %add3A_444 : i32 to index
        %swap3A_470 = arith.constant 32 : index
        %swap3A_471 = tpu.vector_load %arg21[%swap3A_469, %swap3A_470] {strides = array<i32>} : memref<96x128xf32, #tpu.memory_space<vmem>>, vector<16xf32>,
        tpu.vector_store %arg21[%swap3A_469, %swap3A_470], %mul3A_468 {strides = array<i32>} : memref<96x128xf32, #tpu.memory_space<vmem>>, vector<16xf32>,
        %get3A_472 = arith.index_cast %add3A_444 : i32 to index
        %get3A_473 = arith.constant 48 : index
        %get3A_474 = tpu.vector_load %arg21[%get3A_472, %get3A_473] {strides = array<i32>} : memref<96x128xf32, #tpu.memory_space<vmem>>, vector<16xf32>,
        %mul3A_475 = arith.mulf %get3A_474, %gather3A_450 : vector<16xf32>
        %swap3A_476 = arith.index_cast %add3A_444 : i32 to index
        %swap3A_477 = arith.constant 48 : index
        %swap3A_478 = tpu.vector_load %arg21[%swap3A_476, %swap3A_477] {strides = array<i32>} : memref<96x128xf32, #tpu.memory_space<vmem>>, vector<16xf32>,
        tpu.vector_store %arg21[%swap3A_476, %swap3A_477], %mul3A_475 {strides = array<i32>} : memref<96x128xf32, #tpu.memory_space<vmem>>, vector<16xf32>,
        %get3A_479 = arith.index_cast %add3A_444 : i32 to index
        %get3A_480 = arith.constant 64 : index
        %get3A_481 = tpu.vector_load %arg21[%get3A_479, %get3A_480] {strides = array<i32>} : memref<96x128xf32, #tpu.memory_space<vmem>>, vector<16xf32>,
        %mul3A_482 = arith.mulf %get3A_481, %gather3A_450 : vector<16xf32>
        %swap3A_483 = arith.index_cast %add3A_444 : i32 to index
        %swap3A_484 = arith.constant 64 : index
        %swap3A_485 = tpu.vector_load %arg21[%swap3A_483, %swap3A_484] {strides = array<i32>} : memref<96x128xf32, #tpu.memory_space<vmem>>, vector<16xf32>,
        tpu.vector_store %arg21[%swap3A_483, %swap3A_484], %mul3A_482 {strides = array<i32>} : memref<96x128xf32, #tpu.memory_space<vmem>>, vector<16xf32>,
        %get3A_486 = arith.index_cast %add3A_444 : i32 to index
        %get3A_487 = arith.constant 80 : index
        %get3A_488 = tpu.vector_load %arg21[%get3A_486, %get3A_487] {strides = array<i32>} : memref<96x128xf32, #tpu.memory_space<vmem>>, vector<16xf32>,
        %mul3A_489 = arith.mulf %get3A_488, %gather3A_450 : vector<16xf32>
        %swap3A_490 = arith.index_cast %add3A_444 : i32 to index
        %swap3A_491 = arith.constant 80 : index
        %swap3A_492 = tpu.vector_load %arg21[%swap3A_490, %swap3A_491] {strides = array<i32>} : memref<96x128xf32, #tpu.memory_space<vmem>>, vector<16xf32>,
        tpu.vector_store %arg21[%swap3A_490, %swap3A_491], %mul3A_489 {strides = array<i32>} : memref<96x128xf32, #tpu.memory_space<vmem>>, vector<16xf32>,
        %get3A_493 = arith.index_cast %add3A_444 : i32 to index
        %get3A_494 = arith.constant 96 : index
        %get3A_495 = tpu.vector_load %arg21[%get3A_493, %get3A_494] {strides = array<i32>} : memref<96x128xf32, #tpu.memory_space<vmem>>, vector<16xf32>,
        %mul3A_496 = arith.mulf %get3A_495, %gather3A_450 : vector<16xf32>
        %swap3A_497 = arith.index_cast %add3A_444 : i32 to index
        %swap3A_498 = arith.constant 96 : index
        %swap3A_499 = tpu.vector_load %arg21[%swap3A_497, %swap3A_498] {strides = array<i32>} : memref<96x128xf32, #tpu.memory_space<vmem>>, vector<16xf32>,
        tpu.vector_store %arg21[%swap3A_497, %swap3A_498], %mul3A_496 {strides = array<i32>} : memref<96x128xf32, #tpu.memory_space<vmem>>, vector<16xf32>,
        %get3A_500 = arith.index_cast %add3A_444 : i32 to index
        %get3A_501 = arith.constant 112 : index
        %get3A_502 = tpu.vector_load %arg21[%get3A_500, %get3A_501] {strides = array<i32>} : memref<96x128xf32, #tpu.memory_space<vmem>>, vector<16xf32>,
        %mul3A_503 = arith.mulf %get3A_502, %gather3A_450 : vector<16xf32>
        %swap3A_504 = arith.index_cast %add3A_444 : i32 to index
        %swap3A_505 = arith.constant 112 : index
        %swap3A_506 = tpu.vector_load %arg21[%swap3A_504, %swap3A_505] {strides = array<i32>} : memref<96x128xf32, #tpu.memory_space<vmem>>, vector<16xf32>,
        tpu.vector_store %arg21[%swap3A_504, %swap3A_505], %mul3A_503 {strides = array<i32>} : memref<96x128xf32, #tpu.memory_space<vmem>>, vector<16xf32>,
      }
      %scan3A_230 = arith.constant 24 : i32
      "tpu.region"() ({
        %run_scoped3A_245 = tpu.sem_alloc : memref<!tpu.dma_semaphore, #tpu.memory_space<semaphore_mem>>
        %dma_start3A_246 = arith.constant 0 : i32
        %dma_start3A_247 = arith.constant 0 : i32
        %dma_start3A_248 = tpu.memref_slice %arg9[%dma_start3A_246, %dma_start3A_247] : memref<10240x128xf32, #tpu.memory_space<vmem_shared>> -> memref<10240x128xf32, #tpu.memory_space<vmem_shared>>
        tpu.enqueue_indirect_dma source(%arg21 : memref<96x128xf32, #tpu.memory_space<vmem>>) target(%dma_start3A_248 : memref<10240x128xf32, #tpu.memory_space<vmem_shared>>) offsets(%arg19 : memref<96xi32, #tpu.memory_space<vmem>>) semaphore(%run_scoped3A_245 : memref<!tpu.dma_semaphore, #tpu.memory_space<semaphore_mem>>) {add = true}
        %dma_wait3A_249 = arith.constant 0 : i32
        %dma_wait3A_250 = arith.constant 0 : i32
        %dma_wait3A_251 = tpu.memref_slice %arg9[%dma_wait3A_249, %dma_wait3A_250] : memref<10240x128xf32, #tpu.memory_space<vmem_shared>> -> memref<10240x128xf32, #tpu.memory_space<vmem_shared>>
        tpu.wait_indirect_dma semaphore(%run_scoped3A_245 : memref<!tpu.dma_semaphore, #tpu.memory_space<semaphore_mem>>) src(%arg21 : memref<96x128xf32, #tpu.memory_space<vmem>>) dst(%dma_wait3A_251 : memref<10240x128xf32, #tpu.memory_space<vmem_shared>>)
        tpu.yield
      }) : () -> ()
      %not3A_231 = arith.constant true
      %not3A_232 = arith.xori %eq3A_197, %not3A_231 : i1
      %convert_element_type3A_233 = arith.extui %not3A_232 : i1 to i32
      %cond3A_234 = arith.constant 0 : i32
      %cond3A_235 = arith.cmpi ne, %convert_element_type3A_233, %cond3A_234 : i32
      scf.if %cond3A_235 {
        %dma_wait3A_245 = arith.constant 0 : i32
        %dma_wait3A_246 = arith.constant 0 : i32
        %dma_wait3A_247 = arith.constant 0 : i32
        %dma_wait3A_248 = tpu.memref_slice %arg4[%dma_wait3A_245, %dma_wait3A_246, %dma_wait3A_247] : memref<3456x2x96xi32, #tpu.memory_space<hbm>> -> memref<1x2x96xi32, #tpu.memory_space<hbm>>
        %dma_wait3A_249 = tpu.memref_squeeze %dma_wait3A_248 : memref<1x2x96xi32, #tpu.memory_space<hbm>> -> memref<2x96xi32, #tpu.memory_space<hbm>>
        %dma_wait3A_250 = arith.constant 0 : i32
        %dma_wait3A_251 = arith.constant 0 : i32
        %dma_wait3A_252 = tpu.memref_slice %arg4[%dma_wait3A_245, %dma_wait3A_250, %dma_wait3A_251] : memref<3456x2x96xi32, #tpu.memory_space<hbm>> -> memref<1x2x96xi32, #tpu.memory_space<hbm>>
        %dma_wait3A_253 = tpu.memref_squeeze %dma_wait3A_252 : memref<1x2x96xi32, #tpu.memory_space<hbm>> -> memref<2x96xi32, #tpu.memory_space<hbm>>
        tpu.wait_dma2 semaphore(%arg23 : memref<!tpu.dma_semaphore, #tpu.memory_space<semaphore_mem>>) src(%dma_wait3A_253 : memref<2x96xi32, #tpu.memory_space<hbm>>) dst(%arg13 : memref<2x96xi32, #tpu.memory_space<vmem>>)
        %add3A_254 = arith.constant 2 : i32
        %add3A_255 = arith.addi %mul3A_195, %add3A_254 : i32
        %scan3A_256 = arith.constant 0 : i32
        %scan3A_257 = arith.constant 0 : i32
        %scan3A_258 = arith.constant 6 : i32
        %scan3A_259 = arith.addi %scan3A_257, %scan3A_258 : i32
        %scan3A_260 = arith.constant 1 : i32
        scf.for %scan3A_276 = %scan3A_257 to %scan3A_259 step %scan3A_260  : i32 {
          %mul3A_277 = arith.constant 16 : i32
          %mul3A_278 = arith.muli %scan3A_276, %mul3A_277 : i32
          %get3A = arith.constant 0 : i32
          %get3A_279 = arith.index_cast %get3A : i32 to index
          %get3A_280 = arith.index_cast %mul3A_278 : i32 to index
          %get3A_281 = tpu.vector_load %arg13[%get3A_279, %get3A_280] {strides = array<i32>} : memref<2x96xi32, #tpu.memory_space<vmem>>, vector<16xi32>,
          %mul3A_282 = arith.constant 16 : i32
          %mul3A_283 = arith.muli %scan3A_276, %mul3A_282 : i32
          %get3A_284 = arith.constant 1 : i32
          %get3A_285 = arith.index_cast %get3A_284 : i32 to index
          %get3A_286 = arith.index_cast %mul3A_283 : i32 to index
          %get3A_287 = tpu.vector_load %arg13[%get3A_285, %get3A_286] {strides = array<i32>} : memref<2x96xi32, #tpu.memory_space<vmem>>, vector<16xi32>,
          %gather3A = tpu.vector_load_idx %arg11[%get3A_281] : memref<10240xf32, #tpu.memory_space<vmem>>[vector<16xi32>], vector<16xf32>,
          %gather3A_288 = tpu.vector_load_idx %arg12[%get3A_287] : memref<10240xf32, #tpu.memory_space<vmem>>[vector<16xi32>], vector<16xf32>,
          %add3A_289 = arith.addf %gather3A, %gather3A_288 : vector<16xf32>
          %ge3A = arith.constant 0.000000e+00 : f32
          %ge3A_290 = vector.broadcast %ge3A : f32 to vector<16xf32>
          %ge3A_291 = arith.cmpf oge, %add3A_289, %ge3A_290 : vector<16xf32>
          %mul3A_292 = arith.constant 2.000000e-01 : f32
          %mul3A_293 = vector.broadcast %mul3A_292 : f32 to vector<16xf32>
          %mul3A_294 = arith.mulf %mul3A_293, %add3A_289 : vector<16xf32>
          %select_n3A = arith.select %ge3A_291, %add3A_289, %mul3A_294 : vector<16xi1>, vector<16xf32>
          %add3A_295 = arith.addi %mul3A_2, %add3A_255 : i32
          %mul3A_296 = arith.constant 96 : i32
          %mul3A_297 = arith.muli %add3A_295, %mul3A_296 : i32
          %mul3A_298 = arith.constant 16 : i32
          %mul3A_299 = arith.muli %scan3A_276, %mul3A_298 : i32
          %add3A_300 = arith.addi %mul3A_297, %mul3A_299 : i32
          %add3A_301 = vector.broadcast %add3A_300 : i32 to vector<16xi32>
          %add3A_302 = arith.addi %add3A_301, %iota3A : vector<16xi32>
          %lt3A = arith.constant 330000 : i32
          %lt3A_303 = vector.broadcast %lt3A : i32 to vector<16xi32>
          %lt3A_304 = arith.cmpi slt, %add3A_302, %lt3A_303 : vector<16xi32>
          %exp3A = math.exp %select_n3A : vector<16xf32>
          %jit3A = arith.constant 0.000000e+00 : f32
          %broadcast_in_dim3A = vector.broadcast %jit3A : f32 to vector<16xf32>
          %select_n3A_305 = arith.select %lt3A_304, %exp3A, %broadcast_in_dim3A : vector<16xi1>, vector<16xf32>
          %mul3A_306 = arith.constant 16 : i32
          %mul3A_307 = arith.muli %scan3A_276, %mul3A_306 : i32
          %swap3A = arith.index_cast %mul3A_307 : i32 to index
          %swap3A_308 = tpu.vector_load %arg15[%swap3A] {strides = array<i32>} : memref<96xf32, #tpu.memory_space<vmem>>, vector<16xf32>,
          tpu.vector_store %arg15[%swap3A], %select_n3A_305 {strides = array<i32>} : memref<96xf32, #tpu.memory_space<vmem>>, vector<16xf32>,
          %add3A_309 = arith.constant 20480 : i32
          %add3A_310 = vector.broadcast %add3A_309 : i32 to vector<16xi32>
          %add3A_311 = arith.addi %get3A_281, %add3A_310 : vector<16xi32>
          %mul3A_312 = arith.constant 16 : i32
          %mul3A_313 = arith.muli %scan3A_276, %mul3A_312 : i32
          %swap3A_314 = arith.index_cast %mul3A_313 : i32 to index
          %swap3A_315 = tpu.vector_load %arg17[%swap3A_314] {strides = array<i32>} : memref<96xi32, #tpu.memory_space<vmem>>, vector<16xi32>,
          tpu.vector_store %arg17[%swap3A_314], %add3A_311 {strides = array<i32>} : memref<96xi32, #tpu.memory_space<vmem>>, vector<16xi32>,
          %mul3A_316 = arith.constant 16 : i32
          %mul3A_317 = arith.muli %scan3A_276, %mul3A_316 : i32
          %swap3A_318 = arith.index_cast %mul3A_317 : i32 to index
          %swap3A_319 = tpu.vector_load %arg19[%swap3A_318] {strides = array<i32>} : memref<96xi32, #tpu.memory_space<vmem>>, vector<16xi32>,
          tpu.vector_store %arg19[%swap3A_318], %get3A_287 {strides = array<i32>} : memref<96xi32, #tpu.memory_space<vmem>>, vector<16xi32>,
        }
        %scan3A_261 = arith.constant 6 : i32
        %dma_start3A_262 = arith.constant 0 : i32
        %dma_start3A_263 = arith.constant 0 : i32
        %dma_start3A_264 = tpu.memref_slice %arg2[%dma_start3A_262, %dma_start3A_263] : memref<30720x128xf32, #tpu.memory_space<hbm>> -> memref<30720x128xf32, #tpu.memory_space<hbm>>
        tpu.enqueue_indirect_dma source(%dma_start3A_264 : memref<30720x128xf32, #tpu.memory_space<hbm>>) target(%arg21 : memref<96x128xf32, #tpu.memory_space<vmem>>) offsets(%arg17 : memref<96xi32, #tpu.memory_space<vmem>>) semaphore(%arg25 : memref<!tpu.dma_semaphore, #tpu.memory_space<semaphore_mem>>)
        %add3A_265 = arith.constant 3 : i32
        %add3A_266 = arith.addi %mul3A_195, %add3A_265 : i32
        %add3A_267 = arith.addi %mul3A_2, %add3A_266 : i32
        %dma_start3A_268 = arith.constant 0 : i32
        %dma_start3A_269 = arith.constant 0 : i32
        %dma_start3A_270 = tpu.memref_slice %arg4[%add3A_267, %dma_start3A_268, %dma_start3A_269] : memref<3456x2x96xi32, #tpu.memory_space<hbm>> -> memref<1x2x96xi32, #tpu.memory_space<hbm>>
        %dma_start3A_271 = tpu.memref_squeeze %dma_start3A_270 : memref<1x2x96xi32, #tpu.memory_space<hbm>> -> memref<2x96xi32, #tpu.memory_space<hbm>>
        %dma_start3A_272 = arith.constant 0 : i32
        %dma_start3A_273 = arith.constant 0 : i32
        %dma_start3A_274 = tpu.memref_slice %arg4[%add3A_267, %dma_start3A_272, %dma_start3A_273] : memref<3456x2x96xi32, #tpu.memory_space<hbm>> -> memref<1x2x96xi32, #tpu.memory_space<hbm>>
        %dma_start3A_275 = tpu.memref_squeeze %dma_start3A_274 : memref<1x2x96xi32, #tpu.memory_space<hbm>> -> memref<2x96xi32, #tpu.memory_space<hbm>>
        tpu.enqueue_dma source(%dma_start3A_275 : memref<2x96xi32, #tpu.memory_space<hbm>>) target(%arg14 : memref<2x96xi32, #tpu.memory_space<vmem>>) target_semaphore(%arg24 : memref<!tpu.dma_semaphore, #tpu.memory_space<semaphore_mem>>)
      } else {
      }
      %dma_wait3A_236 = arith.constant 0 : i32
      %dma_wait3A_237 = arith.constant 0 : i32
      %dma_wait3A_238 = tpu.memref_slice %arg2[%dma_wait3A_236, %dma_wait3A_237] : memref<30720x128xf32, #tpu.memory_space<hbm>> -> memref<30720x128xf32, #tpu.memory_space<hbm>>
      tpu.wait_indirect_dma semaphore(%arg26 : memref<!tpu.dma_semaphore, #tpu.memory_space<semaphore_mem>>) src(%dma_wait3A_238 : memref<30720x128xf32, #tpu.memory_space<hbm>>) dst(%arg22 : memref<96x128xf32, #tpu.memory_space<vmem>>)
      "tpu.region"() ({
        %run_scoped3A_245 = tpu.sem_alloc : memref<!tpu.dma_semaphore, #tpu.memory_space<semaphore_mem>>
        %dma_start3A_246 = arith.constant 0 : i32
        %dma_start3A_247 = tpu.memref_slice %arg10[%dma_start3A_246] : memref<10240xf32, #tpu.memory_space<vmem_shared>> -> memref<10240xf32, #tpu.memory_space<vmem_shared>>
        tpu.enqueue_indirect_dma source(%arg16 : memref<96xf32, #tpu.memory_space<vmem>>) target(%dma_start3A_247 : memref<10240xf32, #tpu.memory_space<vmem_shared>>) offsets(%arg20 : memref<96xi32, #tpu.memory_space<vmem>>) semaphore(%run_scoped3A_245 : memref<!tpu.dma_semaphore, #tpu.memory_space<semaphore_mem>>) {add = true}
        %dma_wait3A_248 = arith.constant 0 : i32
        %dma_wait3A_249 = tpu.memref_slice %arg10[%dma_wait3A_248] : memref<10240xf32, #tpu.memory_space<vmem_shared>> -> memref<10240xf32, #tpu.memory_space<vmem_shared>>
        tpu.wait_indirect_dma semaphore(%run_scoped3A_245 : memref<!tpu.dma_semaphore, #tpu.memory_space<semaphore_mem>>) src(%arg16 : memref<96xf32, #tpu.memory_space<vmem>>) dst(%dma_wait3A_249 : memref<10240xf32, #tpu.memory_space<vmem_shared>>)
        tpu.yield
      }) : () -> ()
      %scan3A_239 = arith.constant 0 : i32
      %scan3A_240 = arith.constant 0 : i32
      %scan3A_241 = arith.constant 24 : i32
      %scan3A_242 = arith.addi %scan3A_240, %scan3A_241 : i32
      %scan3A_243 = arith.constant 1 : i32
      scf.for %scan3A_245 = %scan3A_240 to %scan3A_242 step %scan3A_243  : i32 {
        %mul3A_246 = arith.constant 4 : i32
        %mul3A_247 = arith.muli %scan3A_245, %mul3A_246 : i32
        %add3A_248 = arith.constant 0 : i32
        %add3A_249 = arith.addi %mul3A_247, %add3A_248 : i32
        %mul3A_250 = arith.constant 0 : i32
        %mul3A_251 = vector.broadcast %mul3A_250 : i32 to vector<16xi32>
        %mul3A_252 = arith.muli %iota3A, %mul3A_251 : vector<16xi32>
        %add3A_253 = vector.broadcast %add3A_249 : i32 to vector<16xi32>
        %add3A_254 = arith.addi %mul3A_252, %add3A_253 : vector<16xi32>
        %gather3A = tpu.vector_load_idx %arg16[%add3A_254] : memref<96xf32, #tpu.memory_space<vmem>>[vector<16xi32>], vector<16xf32>,
        %get3A = arith.index_cast %add3A_249 : i32 to index
        %get3A_255 = arith.constant 0 : index
        %get3A_256 = tpu.vector_load %arg22[%get3A, %get3A_255] {strides = array<i32>} : memref<96x128xf32, #tpu.memory_space<vmem>>, vector<16xf32>,
        %mul3A_257 = arith.mulf %get3A_256, %gather3A : vector<16xf32>
        %swap3A = arith.index_cast %add3A_249 : i32 to index
        %swap3A_258 = arith.constant 0 : index
        %swap3A_259 = tpu.vector_load %arg22[%swap3A, %swap3A_258] {strides = array<i32>} : memref<96x128xf32, #tpu.memory_space<vmem>>, vector<16xf32>,
        tpu.vector_store %arg22[%swap3A, %swap3A_258], %mul3A_257 {strides = array<i32>} : memref<96x128xf32, #tpu.memory_space<vmem>>, vector<16xf32>,
        %get3A_260 = arith.index_cast %add3A_249 : i32 to index
        %get3A_261 = arith.constant 16 : index
        %get3A_262 = tpu.vector_load %arg22[%get3A_260, %get3A_261] {strides = array<i32>} : memref<96x128xf32, #tpu.memory_space<vmem>>, vector<16xf32>,
        %mul3A_263 = arith.mulf %get3A_262, %gather3A : vector<16xf32>
        %swap3A_264 = arith.index_cast %add3A_249 : i32 to index
        %swap3A_265 = arith.constant 16 : index
        %swap3A_266 = tpu.vector_load %arg22[%swap3A_264, %swap3A_265] {strides = array<i32>} : memref<96x128xf32, #tpu.memory_space<vmem>>, vector<16xf32>,
        tpu.vector_store %arg22[%swap3A_264, %swap3A_265], %mul3A_263 {strides = array<i32>} : memref<96x128xf32, #tpu.memory_space<vmem>>, vector<16xf32>,
        %get3A_267 = arith.index_cast %add3A_249 : i32 to index
        %get3A_268 = arith.constant 32 : index
        %get3A_269 = tpu.vector_load %arg22[%get3A_267, %get3A_268] {strides = array<i32>} : memref<96x128xf32, #tpu.memory_space<vmem>>, vector<16xf32>,
        %mul3A_270 = arith.mulf %get3A_269, %gather3A : vector<16xf32>
        %swap3A_271 = arith.index_cast %add3A_249 : i32 to index
        %swap3A_272 = arith.constant 32 : index
        %swap3A_273 = tpu.vector_load %arg22[%swap3A_271, %swap3A_272] {strides = array<i32>} : memref<96x128xf32, #tpu.memory_space<vmem>>, vector<16xf32>,
        tpu.vector_store %arg22[%swap3A_271, %swap3A_272], %mul3A_270 {strides = array<i32>} : memref<96x128xf32, #tpu.memory_space<vmem>>, vector<16xf32>,
        %get3A_274 = arith.index_cast %add3A_249 : i32 to index
        %get3A_275 = arith.constant 48 : index
        %get3A_276 = tpu.vector_load %arg22[%get3A_274, %get3A_275] {strides = array<i32>} : memref<96x128xf32, #tpu.memory_space<vmem>>, vector<16xf32>,
        %mul3A_277 = arith.mulf %get3A_276, %gather3A : vector<16xf32>
        %swap3A_278 = arith.index_cast %add3A_249 : i32 to index
        %swap3A_279 = arith.constant 48 : index
        %swap3A_280 = tpu.vector_load %arg22[%swap3A_278, %swap3A_279] {strides = array<i32>} : memref<96x128xf32, #tpu.memory_space<vmem>>, vector<16xf32>,
        tpu.vector_store %arg22[%swap3A_278, %swap3A_279], %mul3A_277 {strides = array<i32>} : memref<96x128xf32, #tpu.memory_space<vmem>>, vector<16xf32>,
        %get3A_281 = arith.index_cast %add3A_249 : i32 to index
        %get3A_282 = arith.constant 64 : index
        %get3A_283 = tpu.vector_load %arg22[%get3A_281, %get3A_282] {strides = array<i32>} : memref<96x128xf32, #tpu.memory_space<vmem>>, vector<16xf32>,
        %mul3A_284 = arith.mulf %get3A_283, %gather3A : vector<16xf32>
        %swap3A_285 = arith.index_cast %add3A_249 : i32 to index
        %swap3A_286 = arith.constant 64 : index
        %swap3A_287 = tpu.vector_load %arg22[%swap3A_285, %swap3A_286] {strides = array<i32>} : memref<96x128xf32, #tpu.memory_space<vmem>>, vector<16xf32>,
        tpu.vector_store %arg22[%swap3A_285, %swap3A_286], %mul3A_284 {strides = array<i32>} : memref<96x128xf32, #tpu.memory_space<vmem>>, vector<16xf32>,
        %get3A_288 = arith.index_cast %add3A_249 : i32 to index
        %get3A_289 = arith.constant 80 : index
        %get3A_290 = tpu.vector_load %arg22[%get3A_288, %get3A_289] {strides = array<i32>} : memref<96x128xf32, #tpu.memory_space<vmem>>, vector<16xf32>,
        %mul3A_291 = arith.mulf %get3A_290, %gather3A : vector<16xf32>
        %swap3A_292 = arith.index_cast %add3A_249 : i32 to index
        %swap3A_293 = arith.constant 80 : index
        %swap3A_294 = tpu.vector_load %arg22[%swap3A_292, %swap3A_293] {strides = array<i32>} : memref<96x128xf32, #tpu.memory_space<vmem>>, vector<16xf32>,
        tpu.vector_store %arg22[%swap3A_292, %swap3A_293], %mul3A_291 {strides = array<i32>} : memref<96x128xf32, #tpu.memory_space<vmem>>, vector<16xf32>,
        %get3A_295 = arith.index_cast %add3A_249 : i32 to index
        %get3A_296 = arith.constant 96 : index
        %get3A_297 = tpu.vector_load %arg22[%get3A_295, %get3A_296] {strides = array<i32>} : memref<96x128xf32, #tpu.memory_space<vmem>>, vector<16xf32>,
        %mul3A_298 = arith.mulf %get3A_297, %gather3A : vector<16xf32>
        %swap3A_299 = arith.index_cast %add3A_249 : i32 to index
        %swap3A_300 = arith.constant 96 : index
        %swap3A_301 = tpu.vector_load %arg22[%swap3A_299, %swap3A_300] {strides = array<i32>} : memref<96x128xf32, #tpu.memory_space<vmem>>, vector<16xf32>,
        tpu.vector_store %arg22[%swap3A_299, %swap3A_300], %mul3A_298 {strides = array<i32>} : memref<96x128xf32, #tpu.memory_space<vmem>>, vector<16xf32>,
        %get3A_302 = arith.index_cast %add3A_249 : i32 to index
        %get3A_303 = arith.constant 112 : index
        %get3A_304 = tpu.vector_load %arg22[%get3A_302, %get3A_303] {strides = array<i32>} : memref<96x128xf32, #tpu.memory_space<vmem>>, vector<16xf32>,
        %mul3A_305 = arith.mulf %get3A_304, %gather3A : vector<16xf32>
        %swap3A_306 = arith.index_cast %add3A_249 : i32 to index
        %swap3A_307 = arith.constant 112 : index
        %swap3A_308 = tpu.vector_load %arg22[%swap3A_306, %swap3A_307] {strides = array<i32>} : memref<96x128xf32, #tpu.memory_space<vmem>>, vector<16xf32>,
        tpu.vector_store %arg22[%swap3A_306, %swap3A_307], %mul3A_305 {strides = array<i32>} : memref<96x128xf32, #tpu.memory_space<vmem>>, vector<16xf32>,
        %mul3A_309 = arith.constant 4 : i32
        %mul3A_310 = arith.muli %scan3A_245, %mul3A_309 : i32
        %add3A_311 = arith.constant 1 : i32
        %add3A_312 = arith.addi %mul3A_310, %add3A_311 : i32
        %mul3A_313 = arith.constant 0 : i32
        %mul3A_314 = vector.broadcast %mul3A_313 : i32 to vector<16xi32>
        %mul3A_315 = arith.muli %iota3A, %mul3A_314 : vector<16xi32>
        %add3A_316 = vector.broadcast %add3A_312 : i32 to vector<16xi32>
        %add3A_317 = arith.addi %mul3A_315, %add3A_316 : vector<16xi32>
        %gather3A_318 = tpu.vector_load_idx %arg16[%add3A_317] : memref<96xf32, #tpu.memory_space<vmem>>[vector<16xi32>], vector<16xf32>,
        %get3A_319 = arith.index_cast %add3A_312 : i32 to index
        %get3A_320 = arith.constant 0 : index
        %get3A_321 = tpu.vector_load %arg22[%get3A_319, %get3A_320] {strides = array<i32>} : memref<96x128xf32, #tpu.memory_space<vmem>>, vector<16xf32>,
        %mul3A_322 = arith.mulf %get3A_321, %gather3A_318 : vector<16xf32>
        %swap3A_323 = arith.index_cast %add3A_312 : i32 to index
        %swap3A_324 = arith.constant 0 : index
        %swap3A_325 = tpu.vector_load %arg22[%swap3A_323, %swap3A_324] {strides = array<i32>} : memref<96x128xf32, #tpu.memory_space<vmem>>, vector<16xf32>,
        tpu.vector_store %arg22[%swap3A_323, %swap3A_324], %mul3A_322 {strides = array<i32>} : memref<96x128xf32, #tpu.memory_space<vmem>>, vector<16xf32>,
        %get3A_326 = arith.index_cast %add3A_312 : i32 to index
        %get3A_327 = arith.constant 16 : index
        %get3A_328 = tpu.vector_load %arg22[%get3A_326, %get3A_327] {strides = array<i32>} : memref<96x128xf32, #tpu.memory_space<vmem>>, vector<16xf32>,
        %mul3A_329 = arith.mulf %get3A_328, %gather3A_318 : vector<16xf32>
        %swap3A_330 = arith.index_cast %add3A_312 : i32 to index
        %swap3A_331 = arith.constant 16 : index
        %swap3A_332 = tpu.vector_load %arg22[%swap3A_330, %swap3A_331] {strides = array<i32>} : memref<96x128xf32, #tpu.memory_space<vmem>>, vector<16xf32>,
        tpu.vector_store %arg22[%swap3A_330, %swap3A_331], %mul3A_329 {strides = array<i32>} : memref<96x128xf32, #tpu.memory_space<vmem>>, vector<16xf32>,
        %get3A_333 = arith.index_cast %add3A_312 : i32 to index
        %get3A_334 = arith.constant 32 : index
        %get3A_335 = tpu.vector_load %arg22[%get3A_333, %get3A_334] {strides = array<i32>} : memref<96x128xf32, #tpu.memory_space<vmem>>, vector<16xf32>,
        %mul3A_336 = arith.mulf %get3A_335, %gather3A_318 : vector<16xf32>
        %swap3A_337 = arith.index_cast %add3A_312 : i32 to index
        %swap3A_338 = arith.constant 32 : index
        %swap3A_339 = tpu.vector_load %arg22[%swap3A_337, %swap3A_338] {strides = array<i32>} : memref<96x128xf32, #tpu.memory_space<vmem>>, vector<16xf32>,
        tpu.vector_store %arg22[%swap3A_337, %swap3A_338], %mul3A_336 {strides = array<i32>} : memref<96x128xf32, #tpu.memory_space<vmem>>, vector<16xf32>,
        %get3A_340 = arith.index_cast %add3A_312 : i32 to index
        %get3A_341 = arith.constant 48 : index
        %get3A_342 = tpu.vector_load %arg22[%get3A_340, %get3A_341] {strides = array<i32>} : memref<96x128xf32, #tpu.memory_space<vmem>>, vector<16xf32>,
        %mul3A_343 = arith.mulf %get3A_342, %gather3A_318 : vector<16xf32>
        %swap3A_344 = arith.index_cast %add3A_312 : i32 to index
        %swap3A_345 = arith.constant 48 : index
        %swap3A_346 = tpu.vector_load %arg22[%swap3A_344, %swap3A_345] {strides = array<i32>} : memref<96x128xf32, #tpu.memory_space<vmem>>, vector<16xf32>,
        tpu.vector_store %arg22[%swap3A_344, %swap3A_345], %mul3A_343 {strides = array<i32>} : memref<96x128xf32, #tpu.memory_space<vmem>>, vector<16xf32>,
        %get3A_347 = arith.index_cast %add3A_312 : i32 to index
        %get3A_348 = arith.constant 64 : index
        %get3A_349 = tpu.vector_load %arg22[%get3A_347, %get3A_348] {strides = array<i32>} : memref<96x128xf32, #tpu.memory_space<vmem>>, vector<16xf32>,
        %mul3A_350 = arith.mulf %get3A_349, %gather3A_318 : vector<16xf32>
        %swap3A_351 = arith.index_cast %add3A_312 : i32 to index
        %swap3A_352 = arith.constant 64 : index
        %swap3A_353 = tpu.vector_load %arg22[%swap3A_351, %swap3A_352] {strides = array<i32>} : memref<96x128xf32, #tpu.memory_space<vmem>>, vector<16xf32>,
        tpu.vector_store %arg22[%swap3A_351, %swap3A_352], %mul3A_350 {strides = array<i32>} : memref<96x128xf32, #tpu.memory_space<vmem>>, vector<16xf32>,
        %get3A_354 = arith.index_cast %add3A_312 : i32 to index
        %get3A_355 = arith.constant 80 : index
        %get3A_356 = tpu.vector_load %arg22[%get3A_354, %get3A_355] {strides = array<i32>} : memref<96x128xf32, #tpu.memory_space<vmem>>, vector<16xf32>,
        %mul3A_357 = arith.mulf %get3A_356, %gather3A_318 : vector<16xf32>
        %swap3A_358 = arith.index_cast %add3A_312 : i32 to index
        %swap3A_359 = arith.constant 80 : index
        %swap3A_360 = tpu.vector_load %arg22[%swap3A_358, %swap3A_359] {strides = array<i32>} : memref<96x128xf32, #tpu.memory_space<vmem>>, vector<16xf32>,
        tpu.vector_store %arg22[%swap3A_358, %swap3A_359], %mul3A_357 {strides = array<i32>} : memref<96x128xf32, #tpu.memory_space<vmem>>, vector<16xf32>,
        %get3A_361 = arith.index_cast %add3A_312 : i32 to index
        %get3A_362 = arith.constant 96 : index
        %get3A_363 = tpu.vector_load %arg22[%get3A_361, %get3A_362] {strides = array<i32>} : memref<96x128xf32, #tpu.memory_space<vmem>>, vector<16xf32>,
        %mul3A_364 = arith.mulf %get3A_363, %gather3A_318 : vector<16xf32>
        %swap3A_365 = arith.index_cast %add3A_312 : i32 to index
        %swap3A_366 = arith.constant 96 : index
        %swap3A_367 = tpu.vector_load %arg22[%swap3A_365, %swap3A_366] {strides = array<i32>} : memref<96x128xf32, #tpu.memory_space<vmem>>, vector<16xf32>,
        tpu.vector_store %arg22[%swap3A_365, %swap3A_366], %mul3A_364 {strides = array<i32>} : memref<96x128xf32, #tpu.memory_space<vmem>>, vector<16xf32>,
        %get3A_368 = arith.index_cast %add3A_312 : i32 to index
        %get3A_369 = arith.constant 112 : index
        %get3A_370 = tpu.vector_load %arg22[%get3A_368, %get3A_369] {strides = array<i32>} : memref<96x128xf32, #tpu.memory_space<vmem>>, vector<16xf32>,
        %mul3A_371 = arith.mulf %get3A_370, %gather3A_318 : vector<16xf32>
        %swap3A_372 = arith.index_cast %add3A_312 : i32 to index
        %swap3A_373 = arith.constant 112 : index
        %swap3A_374 = tpu.vector_load %arg22[%swap3A_372, %swap3A_373] {strides = array<i32>} : memref<96x128xf32, #tpu.memory_space<vmem>>, vector<16xf32>,
        tpu.vector_store %arg22[%swap3A_372, %swap3A_373], %mul3A_371 {strides = array<i32>} : memref<96x128xf32, #tpu.memory_space<vmem>>, vector<16xf32>,
        %mul3A_375 = arith.constant 4 : i32
        %mul3A_376 = arith.muli %scan3A_245, %mul3A_375 : i32
        %add3A_377 = arith.constant 2 : i32
        %add3A_378 = arith.addi %mul3A_376, %add3A_377 : i32
        %mul3A_379 = arith.constant 0 : i32
        %mul3A_380 = vector.broadcast %mul3A_379 : i32 to vector<16xi32>
        %mul3A_381 = arith.muli %iota3A, %mul3A_380 : vector<16xi32>
        %add3A_382 = vector.broadcast %add3A_378 : i32 to vector<16xi32>
        %add3A_383 = arith.addi %mul3A_381, %add3A_382 : vector<16xi32>
        %gather3A_384 = tpu.vector_load_idx %arg16[%add3A_383] : memref<96xf32, #tpu.memory_space<vmem>>[vector<16xi32>], vector<16xf32>,
        %get3A_385 = arith.index_cast %add3A_378 : i32 to index
        %get3A_386 = arith.constant 0 : index
        %get3A_387 = tpu.vector_load %arg22[%get3A_385, %get3A_386] {strides = array<i32>} : memref<96x128xf32, #tpu.memory_space<vmem>>, vector<16xf32>,
        %mul3A_388 = arith.mulf %get3A_387, %gather3A_384 : vector<16xf32>
        %swap3A_389 = arith.index_cast %add3A_378 : i32 to index
        %swap3A_390 = arith.constant 0 : index
        %swap3A_391 = tpu.vector_load %arg22[%swap3A_389, %swap3A_390] {strides = array<i32>} : memref<96x128xf32, #tpu.memory_space<vmem>>, vector<16xf32>,
        tpu.vector_store %arg22[%swap3A_389, %swap3A_390], %mul3A_388 {strides = array<i32>} : memref<96x128xf32, #tpu.memory_space<vmem>>, vector<16xf32>,
        %get3A_392 = arith.index_cast %add3A_378 : i32 to index
        %get3A_393 = arith.constant 16 : index
        %get3A_394 = tpu.vector_load %arg22[%get3A_392, %get3A_393] {strides = array<i32>} : memref<96x128xf32, #tpu.memory_space<vmem>>, vector<16xf32>,
        %mul3A_395 = arith.mulf %get3A_394, %gather3A_384 : vector<16xf32>
        %swap3A_396 = arith.index_cast %add3A_378 : i32 to index
        %swap3A_397 = arith.constant 16 : index
        %swap3A_398 = tpu.vector_load %arg22[%swap3A_396, %swap3A_397] {strides = array<i32>} : memref<96x128xf32, #tpu.memory_space<vmem>>, vector<16xf32>,
        tpu.vector_store %arg22[%swap3A_396, %swap3A_397], %mul3A_395 {strides = array<i32>} : memref<96x128xf32, #tpu.memory_space<vmem>>, vector<16xf32>,
        %get3A_399 = arith.index_cast %add3A_378 : i32 to index
        %get3A_400 = arith.constant 32 : index
        %get3A_401 = tpu.vector_load %arg22[%get3A_399, %get3A_400] {strides = array<i32>} : memref<96x128xf32, #tpu.memory_space<vmem>>, vector<16xf32>,
        %mul3A_402 = arith.mulf %get3A_401, %gather3A_384 : vector<16xf32>
        %swap3A_403 = arith.index_cast %add3A_378 : i32 to index
        %swap3A_404 = arith.constant 32 : index
        %swap3A_405 = tpu.vector_load %arg22[%swap3A_403, %swap3A_404] {strides = array<i32>} : memref<96x128xf32, #tpu.memory_space<vmem>>, vector<16xf32>,
        tpu.vector_store %arg22[%swap3A_403, %swap3A_404], %mul3A_402 {strides = array<i32>} : memref<96x128xf32, #tpu.memory_space<vmem>>, vector<16xf32>,
        %get3A_406 = arith.index_cast %add3A_378 : i32 to index
        %get3A_407 = arith.constant 48 : index
        %get3A_408 = tpu.vector_load %arg22[%get3A_406, %get3A_407] {strides = array<i32>} : memref<96x128xf32, #tpu.memory_space<vmem>>, vector<16xf32>,
        %mul3A_409 = arith.mulf %get3A_408, %gather3A_384 : vector<16xf32>
        %swap3A_410 = arith.index_cast %add3A_378 : i32 to index
        %swap3A_411 = arith.constant 48 : index
        %swap3A_412 = tpu.vector_load %arg22[%swap3A_410, %swap3A_411] {strides = array<i32>} : memref<96x128xf32, #tpu.memory_space<vmem>>, vector<16xf32>,
        tpu.vector_store %arg22[%swap3A_410, %swap3A_411], %mul3A_409 {strides = array<i32>} : memref<96x128xf32, #tpu.memory_space<vmem>>, vector<16xf32>,
        %get3A_413 = arith.index_cast %add3A_378 : i32 to index
        %get3A_414 = arith.constant 64 : index
        %get3A_415 = tpu.vector_load %arg22[%get3A_413, %get3A_414] {strides = array<i32>} : memref<96x128xf32, #tpu.memory_space<vmem>>, vector<16xf32>,
        %mul3A_416 = arith.mulf %get3A_415, %gather3A_384 : vector<16xf32>
        %swap3A_417 = arith.index_cast %add3A_378 : i32 to index
        %swap3A_418 = arith.constant 64 : index
        %swap3A_419 = tpu.vector_load %arg22[%swap3A_417, %swap3A_418] {strides = array<i32>} : memref<96x128xf32, #tpu.memory_space<vmem>>, vector<16xf32>,
        tpu.vector_store %arg22[%swap3A_417, %swap3A_418], %mul3A_416 {strides = array<i32>} : memref<96x128xf32, #tpu.memory_space<vmem>>, vector<16xf32>,
        %get3A_420 = arith.index_cast %add3A_378 : i32 to index
        %get3A_421 = arith.constant 80 : index
        %get3A_422 = tpu.vector_load %arg22[%get3A_420, %get3A_421] {strides = array<i32>} : memref<96x128xf32, #tpu.memory_space<vmem>>, vector<16xf32>,
        %mul3A_423 = arith.mulf %get3A_422, %gather3A_384 : vector<16xf32>
        %swap3A_424 = arith.index_cast %add3A_378 : i32 to index
        %swap3A_425 = arith.constant 80 : index
        %swap3A_426 = tpu.vector_load %arg22[%swap3A_424, %swap3A_425] {strides = array<i32>} : memref<96x128xf32, #tpu.memory_space<vmem>>, vector<16xf32>,
        tpu.vector_store %arg22[%swap3A_424, %swap3A_425], %mul3A_423 {strides = array<i32>} : memref<96x128xf32, #tpu.memory_space<vmem>>, vector<16xf32>,
        %get3A_427 = arith.index_cast %add3A_378 : i32 to index
        %get3A_428 = arith.constant 96 : index
        %get3A_429 = tpu.vector_load %arg22[%get3A_427, %get3A_428] {strides = array<i32>} : memref<96x128xf32, #tpu.memory_space<vmem>>, vector<16xf32>,
        %mul3A_430 = arith.mulf %get3A_429, %gather3A_384 : vector<16xf32>
        %swap3A_431 = arith.index_cast %add3A_378 : i32 to index
        %swap3A_432 = arith.constant 96 : index
        %swap3A_433 = tpu.vector_load %arg22[%swap3A_431, %swap3A_432] {strides = array<i32>} : memref<96x128xf32, #tpu.memory_space<vmem>>, vector<16xf32>,
        tpu.vector_store %arg22[%swap3A_431, %swap3A_432], %mul3A_430 {strides = array<i32>} : memref<96x128xf32, #tpu.memory_space<vmem>>, vector<16xf32>,
        %get3A_434 = arith.index_cast %add3A_378 : i32 to index
        %get3A_435 = arith.constant 112 : index
        %get3A_436 = tpu.vector_load %arg22[%get3A_434, %get3A_435] {strides = array<i32>} : memref<96x128xf32, #tpu.memory_space<vmem>>, vector<16xf32>,
        %mul3A_437 = arith.mulf %get3A_436, %gather3A_384 : vector<16xf32>
        %swap3A_438 = arith.index_cast %add3A_378 : i32 to index
        %swap3A_439 = arith.constant 112 : index
        %swap3A_440 = tpu.vector_load %arg22[%swap3A_438, %swap3A_439] {strides = array<i32>} : memref<96x128xf32, #tpu.memory_space<vmem>>, vector<16xf32>,
        tpu.vector_store %arg22[%swap3A_438, %swap3A_439], %mul3A_437 {strides = array<i32>} : memref<96x128xf32, #tpu.memory_space<vmem>>, vector<16xf32>,
        %mul3A_441 = arith.constant 4 : i32
        %mul3A_442 = arith.muli %scan3A_245, %mul3A_441 : i32
        %add3A_443 = arith.constant 3 : i32
        %add3A_444 = arith.addi %mul3A_442, %add3A_443 : i32
        %mul3A_445 = arith.constant 0 : i32
        %mul3A_446 = vector.broadcast %mul3A_445 : i32 to vector<16xi32>
        %mul3A_447 = arith.muli %iota3A, %mul3A_446 : vector<16xi32>
        %add3A_448 = vector.broadcast %add3A_444 : i32 to vector<16xi32>
        %add3A_449 = arith.addi %mul3A_447, %add3A_448 : vector<16xi32>
        %gather3A_450 = tpu.vector_load_idx %arg16[%add3A_449] : memref<96xf32, #tpu.memory_space<vmem>>[vector<16xi32>], vector<16xf32>,
        %get3A_451 = arith.index_cast %add3A_444 : i32 to index
        %get3A_452 = arith.constant 0 : index
        %get3A_453 = tpu.vector_load %arg22[%get3A_451, %get3A_452] {strides = array<i32>} : memref<96x128xf32, #tpu.memory_space<vmem>>, vector<16xf32>,
        %mul3A_454 = arith.mulf %get3A_453, %gather3A_450 : vector<16xf32>
        %swap3A_455 = arith.index_cast %add3A_444 : i32 to index
        %swap3A_456 = arith.constant 0 : index
        %swap3A_457 = tpu.vector_load %arg22[%swap3A_455, %swap3A_456] {strides = array<i32>} : memref<96x128xf32, #tpu.memory_space<vmem>>, vector<16xf32>,
        tpu.vector_store %arg22[%swap3A_455, %swap3A_456], %mul3A_454 {strides = array<i32>} : memref<96x128xf32, #tpu.memory_space<vmem>>, vector<16xf32>,
        %get3A_458 = arith.index_cast %add3A_444 : i32 to index
        %get3A_459 = arith.constant 16 : index
        %get3A_460 = tpu.vector_load %arg22[%get3A_458, %get3A_459] {strides = array<i32>} : memref<96x128xf32, #tpu.memory_space<vmem>>, vector<16xf32>,
        %mul3A_461 = arith.mulf %get3A_460, %gather3A_450 : vector<16xf32>
        %swap3A_462 = arith.index_cast %add3A_444 : i32 to index
        %swap3A_463 = arith.constant 16 : index
        %swap3A_464 = tpu.vector_load %arg22[%swap3A_462, %swap3A_463] {strides = array<i32>} : memref<96x128xf32, #tpu.memory_space<vmem>>, vector<16xf32>,
        tpu.vector_store %arg22[%swap3A_462, %swap3A_463], %mul3A_461 {strides = array<i32>} : memref<96x128xf32, #tpu.memory_space<vmem>>, vector<16xf32>,
        %get3A_465 = arith.index_cast %add3A_444 : i32 to index
        %get3A_466 = arith.constant 32 : index
        %get3A_467 = tpu.vector_load %arg22[%get3A_465, %get3A_466] {strides = array<i32>} : memref<96x128xf32, #tpu.memory_space<vmem>>, vector<16xf32>,
        %mul3A_468 = arith.mulf %get3A_467, %gather3A_450 : vector<16xf32>
        %swap3A_469 = arith.index_cast %add3A_444 : i32 to index
        %swap3A_470 = arith.constant 32 : index
        %swap3A_471 = tpu.vector_load %arg22[%swap3A_469, %swap3A_470] {strides = array<i32>} : memref<96x128xf32, #tpu.memory_space<vmem>>, vector<16xf32>,
        tpu.vector_store %arg22[%swap3A_469, %swap3A_470], %mul3A_468 {strides = array<i32>} : memref<96x128xf32, #tpu.memory_space<vmem>>, vector<16xf32>,
        %get3A_472 = arith.index_cast %add3A_444 : i32 to index
        %get3A_473 = arith.constant 48 : index
        %get3A_474 = tpu.vector_load %arg22[%get3A_472, %get3A_473] {strides = array<i32>} : memref<96x128xf32, #tpu.memory_space<vmem>>, vector<16xf32>,
        %mul3A_475 = arith.mulf %get3A_474, %gather3A_450 : vector<16xf32>
        %swap3A_476 = arith.index_cast %add3A_444 : i32 to index
        %swap3A_477 = arith.constant 48 : index
        %swap3A_478 = tpu.vector_load %arg22[%swap3A_476, %swap3A_477] {strides = array<i32>} : memref<96x128xf32, #tpu.memory_space<vmem>>, vector<16xf32>,
        tpu.vector_store %arg22[%swap3A_476, %swap3A_477], %mul3A_475 {strides = array<i32>} : memref<96x128xf32, #tpu.memory_space<vmem>>, vector<16xf32>,
        %get3A_479 = arith.index_cast %add3A_444 : i32 to index
        %get3A_480 = arith.constant 64 : index
        %get3A_481 = tpu.vector_load %arg22[%get3A_479, %get3A_480] {strides = array<i32>} : memref<96x128xf32, #tpu.memory_space<vmem>>, vector<16xf32>,
        %mul3A_482 = arith.mulf %get3A_481, %gather3A_450 : vector<16xf32>
        %swap3A_483 = arith.index_cast %add3A_444 : i32 to index
        %swap3A_484 = arith.constant 64 : index
        %swap3A_485 = tpu.vector_load %arg22[%swap3A_483, %swap3A_484] {strides = array<i32>} : memref<96x128xf32, #tpu.memory_space<vmem>>, vector<16xf32>,
        tpu.vector_store %arg22[%swap3A_483, %swap3A_484], %mul3A_482 {strides = array<i32>} : memref<96x128xf32, #tpu.memory_space<vmem>>, vector<16xf32>,
        %get3A_486 = arith.index_cast %add3A_444 : i32 to index
        %get3A_487 = arith.constant 80 : index
        %get3A_488 = tpu.vector_load %arg22[%get3A_486, %get3A_487] {strides = array<i32>} : memref<96x128xf32, #tpu.memory_space<vmem>>, vector<16xf32>,
        %mul3A_489 = arith.mulf %get3A_488, %gather3A_450 : vector<16xf32>
        %swap3A_490 = arith.index_cast %add3A_444 : i32 to index
        %swap3A_491 = arith.constant 80 : index
        %swap3A_492 = tpu.vector_load %arg22[%swap3A_490, %swap3A_491] {strides = array<i32>} : memref<96x128xf32, #tpu.memory_space<vmem>>, vector<16xf32>,
        tpu.vector_store %arg22[%swap3A_490, %swap3A_491], %mul3A_489 {strides = array<i32>} : memref<96x128xf32, #tpu.memory_space<vmem>>, vector<16xf32>,
        %get3A_493 = arith.index_cast %add3A_444 : i32 to index
        %get3A_494 = arith.constant 96 : index
        %get3A_495 = tpu.vector_load %arg22[%get3A_493, %get3A_494] {strides = array<i32>} : memref<96x128xf32, #tpu.memory_space<vmem>>, vector<16xf32>,
        %mul3A_496 = arith.mulf %get3A_495, %gather3A_450 : vector<16xf32>
        %swap3A_497 = arith.index_cast %add3A_444 : i32 to index
        %swap3A_498 = arith.constant 96 : index
        %swap3A_499 = tpu.vector_load %arg22[%swap3A_497, %swap3A_498] {strides = array<i32>} : memref<96x128xf32, #tpu.memory_space<vmem>>, vector<16xf32>,
        tpu.vector_store %arg22[%swap3A_497, %swap3A_498], %mul3A_496 {strides = array<i32>} : memref<96x128xf32, #tpu.memory_space<vmem>>, vector<16xf32>,
        %get3A_500 = arith.index_cast %add3A_444 : i32 to index
        %get3A_501 = arith.constant 112 : index
        %get3A_502 = tpu.vector_load %arg22[%get3A_500, %get3A_501] {strides = array<i32>} : memref<96x128xf32, #tpu.memory_space<vmem>>, vector<16xf32>,
        %mul3A_503 = arith.mulf %get3A_502, %gather3A_450 : vector<16xf32>
        %swap3A_504 = arith.index_cast %add3A_444 : i32 to index
        %swap3A_505 = arith.constant 112 : index
        %swap3A_506 = tpu.vector_load %arg22[%swap3A_504, %swap3A_505] {strides = array<i32>} : memref<96x128xf32, #tpu.memory_space<vmem>>, vector<16xf32>,
        tpu.vector_store %arg22[%swap3A_504, %swap3A_505], %mul3A_503 {strides = array<i32>} : memref<96x128xf32, #tpu.memory_space<vmem>>, vector<16xf32>,
      }
      %scan3A_244 = arith.constant 24 : i32
      "tpu.region"() ({
        %run_scoped3A_245 = tpu.sem_alloc : memref<!tpu.dma_semaphore, #tpu.memory_space<semaphore_mem>>
        %dma_start3A_246 = arith.constant 0 : i32
        %dma_start3A_247 = arith.constant 0 : i32
        %dma_start3A_248 = tpu.memref_slice %arg9[%dma_start3A_246, %dma_start3A_247] : memref<10240x128xf32, #tpu.memory_space<vmem_shared>> -> memref<10240x128xf32, #tpu.memory_space<vmem_shared>>
        tpu.enqueue_indirect_dma source(%arg22 : memref<96x128xf32, #tpu.memory_space<vmem>>) target(%dma_start3A_248 : memref<10240x128xf32, #tpu.memory_space<vmem_shared>>) offsets(%arg20 : memref<96xi32, #tpu.memory_space<vmem>>) semaphore(%run_scoped3A_245 : memref<!tpu.dma_semaphore, #tpu.memory_space<semaphore_mem>>) {add = true}
        %dma_wait3A_249 = arith.constant 0 : i32
        %dma_wait3A_250 = arith.constant 0 : i32
        %dma_wait3A_251 = tpu.memref_slice %arg9[%dma_wait3A_249, %dma_wait3A_250] : memref<10240x128xf32, #tpu.memory_space<vmem_shared>> -> memref<10240x128xf32, #tpu.memory_space<vmem_shared>>
        tpu.wait_indirect_dma semaphore(%run_scoped3A_245 : memref<!tpu.dma_semaphore, #tpu.memory_space<semaphore_mem>>) src(%arg22 : memref<96x128xf32, #tpu.memory_space<vmem>>) dst(%dma_wait3A_251 : memref<10240x128xf32, #tpu.memory_space<vmem_shared>>)
        tpu.yield
      }) : () -> ()
    }
    %scan3A_178 = arith.constant 54 : i32
    %barrier3A_179 = arith.constant 0 : index
    tpu.barrier barrier_id(%barrier3A_179)
    %mul3A_180 = arith.constant 640 : i32
    %mul3A_181 = arith.muli %arg1, %mul3A_180 : i32
    %add3A_182 = arith.constant 4 : i32
    %add3A_183 = arith.addi %add3A_182, %arg0 : i32
    %mul3A_184 = arith.constant 640 : i32
    %mul3A_185 = arith.muli %arg1, %mul3A_184 : i32
    "tpu.region"() ({
      %run_scoped3A_193 = tpu.sem_alloc : memref<!tpu.dma_semaphore, #tpu.memory_space<semaphore_mem>>
      %dma_start3A_194 = tpu.memref_slice %arg8[%add3A_183, %mul3A_185] : memref<6x10240xf32, #tpu.memory_space<hbm>> -> memref<1x640xf32, #tpu.memory_space<hbm>>
      %dma_start3A_195 = tpu.memref_squeeze %dma_start3A_194 : memref<1x640xf32, #tpu.memory_space<hbm>> -> memref<640xf32, #tpu.memory_space<hbm>>
      %dma_start3A_196 = tpu.memref_slice %arg10[%mul3A_181] : memref<10240xf32, #tpu.memory_space<vmem_shared>> -> memref<640xf32, #tpu.memory_space<vmem_shared>>
      tpu.enqueue_dma source(%dma_start3A_196 : memref<640xf32, #tpu.memory_space<vmem_shared>>) target(%dma_start3A_195 : memref<640xf32, #tpu.memory_space<hbm>>) target_semaphore(%run_scoped3A_193 : memref<!tpu.dma_semaphore, #tpu.memory_space<semaphore_mem>>)
      %dma_wait3A_197 = tpu.memref_slice %arg8[%add3A_183, %mul3A_185] : memref<6x10240xf32, #tpu.memory_space<hbm>> -> memref<1x640xf32, #tpu.memory_space<hbm>>
      %dma_wait3A_198 = tpu.memref_squeeze %dma_wait3A_197 : memref<1x640xf32, #tpu.memory_space<hbm>> -> memref<640xf32, #tpu.memory_space<hbm>>
      %dma_wait3A_199 = tpu.memref_slice %arg10[%mul3A_181] : memref<10240xf32, #tpu.memory_space<vmem_shared>> -> memref<640xf32, #tpu.memory_space<vmem_shared>>
      tpu.wait_dma2 semaphore(%run_scoped3A_193 : memref<!tpu.dma_semaphore, #tpu.memory_space<semaphore_mem>>) src(%dma_wait3A_199 : memref<640xf32, #tpu.memory_space<vmem_shared>>) dst(%dma_wait3A_198 : memref<640xf32, #tpu.memory_space<hbm>>)
      tpu.yield
    }) : () -> ()
    %mul3A_186 = arith.constant 640 : i32
    %mul3A_187 = arith.muli %arg1, %mul3A_186 : i32
    %add3A_188 = arith.constant 4 : i32
    %add3A_189 = arith.addi %add3A_188, %arg0 : i32
    %mul3A_190 = arith.constant 640 : i32
    %mul3A_191 = arith.muli %arg1, %mul3A_190 : i32
    "tpu.region"() ({
      %run_scoped3A_193 = tpu.sem_alloc : memref<!tpu.dma_semaphore, #tpu.memory_space<semaphore_mem>>
      %dma_start3A_194 = arith.constant 0 : i32
      %dma_start3A_195 = tpu.memref_slice %arg7[%add3A_189, %mul3A_191, %dma_start3A_194] : memref<6x10240x128xf32, #tpu.memory_space<hbm>> -> memref<1x640x128xf32, #tpu.memory_space<hbm>>
      %dma_start3A_196 = tpu.memref_squeeze %dma_start3A_195 : memref<1x640x128xf32, #tpu.memory_space<hbm>> -> memref<640x128xf32, #tpu.memory_space<hbm>>
      %dma_start3A_197 = arith.constant 0 : i32
      %dma_start3A_198 = tpu.memref_slice %arg9[%mul3A_187, %dma_start3A_197] : memref<10240x128xf32, #tpu.memory_space<vmem_shared>> -> memref<640x128xf32, #tpu.memory_space<vmem_shared>>
      tpu.enqueue_dma source(%dma_start3A_198 : memref<640x128xf32, #tpu.memory_space<vmem_shared>>) target(%dma_start3A_196 : memref<640x128xf32, #tpu.memory_space<hbm>>) target_semaphore(%run_scoped3A_193 : memref<!tpu.dma_semaphore, #tpu.memory_space<semaphore_mem>>)
      %dma_wait3A_199 = arith.constant 0 : i32
      %dma_wait3A_200 = tpu.memref_slice %arg7[%add3A_189, %mul3A_191, %dma_wait3A_199] : memref<6x10240x128xf32, #tpu.memory_space<hbm>> -> memref<1x640x128xf32, #tpu.memory_space<hbm>>
      %dma_wait3A_201 = tpu.memref_squeeze %dma_wait3A_200 : memref<1x640x128xf32, #tpu.memory_space<hbm>> -> memref<640x128xf32, #tpu.memory_space<hbm>>
      %dma_wait3A_202 = arith.constant 0 : i32
      %dma_wait3A_203 = tpu.memref_slice %arg9[%mul3A_187, %dma_wait3A_202] : memref<10240x128xf32, #tpu.memory_space<vmem_shared>> -> memref<640x128xf32, #tpu.memory_space<vmem_shared>>
      tpu.wait_dma2 semaphore(%run_scoped3A_193 : memref<!tpu.dma_semaphore, #tpu.memory_space<semaphore_mem>>) src(%dma_wait3A_203 : memref<640x128xf32, #tpu.memory_space<vmem_shared>>) dst(%dma_wait3A_201 : memref<640x128xf32, #tpu.memory_space<hbm>>)
      tpu.yield
    }) : () -> ()
    %barrier3A_192 = arith.constant 0 : index
    tpu.barrier barrier_id(%barrier3A_192)
    return
  }
}

module attributes {stable_mosaic.version = 14 : i64} {
  func.func @_pre_body(%arg0: i32, %arg1: memref<1024x128xf32, #tpu.memory_space<vmem>>, %arg2: memref<128x128xf32, #tpu.memory_space<vmem>>, %arg3: memref<1x128xf32, #tpu.memory_space<vmem>>, %arg4: memref<3x128x128xf32, #tpu.memory_space<vmem>>, %arg5: memref<3x128xf32, #tpu.memory_space<vmem>>, %arg6: memref<3x128xf32, #tpu.memory_space<vmem>>, %arg7: memref<1024x128xf32, #tpu.memory_space<vmem>>, %arg8: memref<3x1024x128xf32, #tpu.memory_space<vmem>>, %arg9: memref<1024x8xf32, #tpu.memory_space<vmem>>) attributes {dimension_semantics = [#tpu.dimension_semantics<arbitrary>], iteration_bounds = array<i64: 10>, scalar_prefetch = 0 : i64, scratch_operands = 0 : i64, tpu.core_type = #tpu.core_type<tc>, window_params = [{transform_indices = @transform_0, window_bounds = array<i64: 1024, 128>}, {pipeline_mode = #tpu.pipeline_mode<synchronous>, transform_indices = @transform_1, window_bounds = array<i64: 128, 128>}, {pipeline_mode = #tpu.pipeline_mode<synchronous>, transform_indices = @transform_2, window_bounds = array<i64: 1, 128>}, {pipeline_mode = #tpu.pipeline_mode<synchronous>, transform_indices = @transform_3, window_bounds = array<i64: 3, 128, 128>}, {pipeline_mode = #tpu.pipeline_mode<synchronous>, transform_indices = @transform_4, window_bounds = array<i64: 3, 128>}, {pipeline_mode = #tpu.pipeline_mode<synchronous>, transform_indices = @transform_5, window_bounds = array<i64: 3, 128>}, {transform_indices = @transform_6, window_bounds = array<i64: 1024, 128>}, {transform_indices = @transform_7, window_bounds = array<i64: 3, 1024, 128>}, {transform_indices = @transform_8, window_bounds = array<i64: 1024, 8>}]} {
    %get3A = arith.constant 0 : index
    %get3A_0 = arith.constant 0 : index
    %get3A_1 = vector.load %arg1[%get3A, %get3A_0] : memref<1024x128xf32, #tpu.memory_space<vmem>>, vector<1024x128xf32>
    %get3A_2 = arith.constant 0 : index
    %get3A_3 = arith.constant 0 : index
    %get3A_4 = vector.load %arg2[%get3A_2, %get3A_3] : memref<128x128xf32, #tpu.memory_space<vmem>>, vector<128x128xf32>
    %transpose3A = tpu.transpose %get3A_4, [1, 0] : vector<128x128xf32> -> vector<128x128xf32>
    %dot_general3A = arith.constant dense<0.000000e+00> : vector<1024x128xf32>
    %dot_general3A_5 = tpu.matmul %get3A_1, %transpose3A, %dot_general3A {dimension_numbers = #tpu.dot_dimension_numbers<[1], [0], [0], [1], [0, 0, 1, 1], [], []>, transpose_lhs_hint = false} : vector<1024x128xf32>, vector<128x128xf32>, vector<1024x128xf32> -> vector<1024x128xf32>
    %get3A_6 = arith.constant 0 : index
    %get3A_7 = arith.constant 0 : index
    %get3A_8 = vector.load %arg3[%get3A_6, %get3A_7] : memref<1x128xf32, #tpu.memory_space<vmem>>, vector<1x128xf32>
    %add3A = vector.broadcast %get3A_8 : vector<1x128xf32> to vector<1024x128xf32>
    %add3A_9 = arith.addf %dot_general3A_5, %add3A : vector<1024x128xf32>
    %swap3A = arith.constant 0 : index
    %swap3A_10 = arith.constant 0 : index
    %swap3A_11 = vector.load %arg7[%swap3A, %swap3A_10] : memref<1024x128xf32, #tpu.memory_space<vmem>>, vector<1024x128xf32>
    tpu.vector_store %arg7[%swap3A, %swap3A_10], %add3A_9 {strides = array<i32>} : memref<1024x128xf32, #tpu.memory_space<vmem>>, vector<1024x128xf32>,
    %get3A_12 = arith.constant 0 : index
    %get3A_13 = arith.constant 0 : index
    %get3A_14 = arith.constant 0 : index
    %get3A_15 = vector.load %arg4[%get3A_12, %get3A_13, %get3A_14] : memref<3x128x128xf32, #tpu.memory_space<vmem>>, vector<1x128x128xf32>
    %get3A_16 = vector.shape_cast %get3A_15 : vector<1x128x128xf32> to vector<128x128xf32>
    %transpose3A_17 = tpu.transpose %get3A_16, [1, 0] : vector<128x128xf32> -> vector<128x128xf32>
    %dot_general3A_18 = arith.constant dense<0.000000e+00> : vector<1024x128xf32>
    %dot_general3A_19 = tpu.matmul %add3A_9, %transpose3A_17, %dot_general3A_18 {dimension_numbers = #tpu.dot_dimension_numbers<[1], [0], [0], [1], [0, 0, 1, 1], [], []>, transpose_lhs_hint = false} : vector<1024x128xf32>, vector<128x128xf32>, vector<1024x128xf32> -> vector<1024x128xf32>
    %swap3A_20 = arith.constant 0 : index
    %swap3A_21 = arith.constant 0 : index
    %swap3A_22 = arith.constant 0 : index
    %swap3A_23 = vector.load %arg8[%swap3A_20, %swap3A_21, %swap3A_22] : memref<3x1024x128xf32, #tpu.memory_space<vmem>>, vector<1x1024x128xf32>
    %swap3A_24 = vector.shape_cast %swap3A_23 : vector<1x1024x128xf32> to vector<1024x128xf32>
    %swap3A_25 = vector.shape_cast %dot_general3A_19 : vector<1024x128xf32> to vector<1x1024x128xf32>
    tpu.vector_store %arg8[%swap3A_20, %swap3A_21, %swap3A_22], %swap3A_25 {strides = array<i32>} : memref<3x1024x128xf32, #tpu.memory_space<vmem>>, vector<1x1024x128xf32>,
    %get3A_26 = arith.constant 1 : index
    %get3A_27 = arith.constant 0 : index
    %get3A_28 = arith.constant 0 : index
    %get3A_29 = vector.load %arg4[%get3A_26, %get3A_27, %get3A_28] : memref<3x128x128xf32, #tpu.memory_space<vmem>>, vector<1x128x128xf32>
    %get3A_30 = vector.shape_cast %get3A_29 : vector<1x128x128xf32> to vector<128x128xf32>
    %transpose3A_31 = tpu.transpose %get3A_30, [1, 0] : vector<128x128xf32> -> vector<128x128xf32>
    %dot_general3A_32 = arith.constant dense<0.000000e+00> : vector<1024x128xf32>
    %dot_general3A_33 = tpu.matmul %add3A_9, %transpose3A_31, %dot_general3A_32 {dimension_numbers = #tpu.dot_dimension_numbers<[1], [0], [0], [1], [0, 0, 1, 1], [], []>, transpose_lhs_hint = false} : vector<1024x128xf32>, vector<128x128xf32>, vector<1024x128xf32> -> vector<1024x128xf32>
    %swap3A_34 = arith.constant 1 : index
    %swap3A_35 = arith.constant 0 : index
    %swap3A_36 = arith.constant 0 : index
    %swap3A_37 = vector.load %arg8[%swap3A_34, %swap3A_35, %swap3A_36] : memref<3x1024x128xf32, #tpu.memory_space<vmem>>, vector<1x1024x128xf32>
    %swap3A_38 = vector.shape_cast %swap3A_37 : vector<1x1024x128xf32> to vector<1024x128xf32>
    %swap3A_39 = vector.shape_cast %dot_general3A_33 : vector<1024x128xf32> to vector<1x1024x128xf32>
    tpu.vector_store %arg8[%swap3A_34, %swap3A_35, %swap3A_36], %swap3A_39 {strides = array<i32>} : memref<3x1024x128xf32, #tpu.memory_space<vmem>>, vector<1x1024x128xf32>,
    %get3A_40 = arith.constant 2 : index
    %get3A_41 = arith.constant 0 : index
    %get3A_42 = arith.constant 0 : index
    %get3A_43 = vector.load %arg4[%get3A_40, %get3A_41, %get3A_42] : memref<3x128x128xf32, #tpu.memory_space<vmem>>, vector<1x128x128xf32>
    %get3A_44 = vector.shape_cast %get3A_43 : vector<1x128x128xf32> to vector<128x128xf32>
    %transpose3A_45 = tpu.transpose %get3A_44, [1, 0] : vector<128x128xf32> -> vector<128x128xf32>
    %dot_general3A_46 = arith.constant dense<0.000000e+00> : vector<1024x128xf32>
    %dot_general3A_47 = tpu.matmul %add3A_9, %transpose3A_45, %dot_general3A_46 {dimension_numbers = #tpu.dot_dimension_numbers<[1], [0], [0], [1], [0, 0, 1, 1], [], []>, transpose_lhs_hint = false} : vector<1024x128xf32>, vector<128x128xf32>, vector<1024x128xf32> -> vector<1024x128xf32>
    %swap3A_48 = arith.constant 2 : index
    %swap3A_49 = arith.constant 0 : index
    %swap3A_50 = arith.constant 0 : index
    %swap3A_51 = vector.load %arg8[%swap3A_48, %swap3A_49, %swap3A_50] : memref<3x1024x128xf32, #tpu.memory_space<vmem>>, vector<1x1024x128xf32>
    %swap3A_52 = vector.shape_cast %swap3A_51 : vector<1x1024x128xf32> to vector<1024x128xf32>
    %swap3A_53 = vector.shape_cast %dot_general3A_47 : vector<1024x128xf32> to vector<1x1024x128xf32>
    tpu.vector_store %arg8[%swap3A_48, %swap3A_49, %swap3A_50], %swap3A_53 {strides = array<i32>} : memref<3x1024x128xf32, #tpu.memory_space<vmem>>, vector<1x1024x128xf32>,
    %get3A_54 = arith.constant 0 : index
    %get3A_55 = arith.constant 0 : index
    %get3A_56 = vector.load %arg5[%get3A_54, %get3A_55] : memref<3x128xf32, #tpu.memory_space<vmem>>, vector<1x128xf32>
    %get3A_57 = arith.constant 0 : index
    %get3A_58 = arith.constant 0 : index
    %get3A_59 = arith.constant 0 : index
    %get3A_60 = vector.load %arg4[%get3A_57, %get3A_58, %get3A_59] : memref<3x128x128xf32, #tpu.memory_space<vmem>>, vector<1x128x128xf32>
    %get3A_61 = vector.shape_cast %get3A_60 : vector<1x128x128xf32> to vector<128x128xf32>
    %dot_general3A_62 = arith.constant dense<0.000000e+00> : vector<1x128xf32>
    %dot_general3A_63 = tpu.matmul %get3A_56, %get3A_61, %dot_general3A_62 {dimension_numbers = #tpu.dot_dimension_numbers<[1], [0], [0], [1], [0, 0, 1, 1], [], []>, transpose_lhs_hint = false} : vector<1x128xf32>, vector<128x128xf32>, vector<1x128xf32> -> vector<1x128xf32>
    %get3A_64 = arith.constant 1 : index
    %get3A_65 = arith.constant 0 : index
    %get3A_66 = vector.load %arg5[%get3A_64, %get3A_65] : memref<3x128xf32, #tpu.memory_space<vmem>>, vector<1x128xf32>
    %get3A_67 = arith.constant 1 : index
    %get3A_68 = arith.constant 0 : index
    %get3A_69 = arith.constant 0 : index
    %get3A_70 = vector.load %arg4[%get3A_67, %get3A_68, %get3A_69] : memref<3x128x128xf32, #tpu.memory_space<vmem>>, vector<1x128x128xf32>
    %get3A_71 = vector.shape_cast %get3A_70 : vector<1x128x128xf32> to vector<128x128xf32>
    %dot_general3A_72 = arith.constant dense<0.000000e+00> : vector<1x128xf32>
    %dot_general3A_73 = tpu.matmul %get3A_66, %get3A_71, %dot_general3A_72 {dimension_numbers = #tpu.dot_dimension_numbers<[1], [0], [0], [1], [0, 0, 1, 1], [], []>, transpose_lhs_hint = false} : vector<1x128xf32>, vector<128x128xf32>, vector<1x128xf32> -> vector<1x128xf32>
    %get3A_74 = arith.constant 2 : index
    %get3A_75 = arith.constant 0 : index
    %get3A_76 = vector.load %arg5[%get3A_74, %get3A_75] : memref<3x128xf32, #tpu.memory_space<vmem>>, vector<1x128xf32>
    %get3A_77 = arith.constant 2 : index
    %get3A_78 = arith.constant 0 : index
    %get3A_79 = arith.constant 0 : index
    %get3A_80 = vector.load %arg4[%get3A_77, %get3A_78, %get3A_79] : memref<3x128x128xf32, #tpu.memory_space<vmem>>, vector<1x128x128xf32>
    %get3A_81 = vector.shape_cast %get3A_80 : vector<1x128x128xf32> to vector<128x128xf32>
    %dot_general3A_82 = arith.constant dense<0.000000e+00> : vector<1x128xf32>
    %dot_general3A_83 = tpu.matmul %get3A_76, %get3A_81, %dot_general3A_82 {dimension_numbers = #tpu.dot_dimension_numbers<[1], [0], [0], [1], [0, 0, 1, 1], [], []>, transpose_lhs_hint = false} : vector<1x128xf32>, vector<128x128xf32>, vector<1x128xf32> -> vector<1x128xf32>
    %get3A_84 = arith.constant 0 : index
    %get3A_85 = arith.constant 0 : index
    %get3A_86 = vector.load %arg6[%get3A_84, %get3A_85] : memref<3x128xf32, #tpu.memory_space<vmem>>, vector<1x128xf32>
    %get3A_87 = arith.constant 0 : index
    %get3A_88 = arith.constant 0 : index
    %get3A_89 = arith.constant 0 : index
    %get3A_90 = vector.load %arg4[%get3A_87, %get3A_88, %get3A_89] : memref<3x128x128xf32, #tpu.memory_space<vmem>>, vector<1x128x128xf32>
    %get3A_91 = vector.shape_cast %get3A_90 : vector<1x128x128xf32> to vector<128x128xf32>
    %dot_general3A_92 = arith.constant dense<0.000000e+00> : vector<1x128xf32>
    %dot_general3A_93 = tpu.matmul %get3A_86, %get3A_91, %dot_general3A_92 {dimension_numbers = #tpu.dot_dimension_numbers<[1], [0], [0], [1], [0, 0, 1, 1], [], []>, transpose_lhs_hint = false} : vector<1x128xf32>, vector<128x128xf32>, vector<1x128xf32> -> vector<1x128xf32>
    %get3A_94 = arith.constant 1 : index
    %get3A_95 = arith.constant 0 : index
    %get3A_96 = vector.load %arg6[%get3A_94, %get3A_95] : memref<3x128xf32, #tpu.memory_space<vmem>>, vector<1x128xf32>
    %get3A_97 = arith.constant 1 : index
    %get3A_98 = arith.constant 0 : index
    %get3A_99 = arith.constant 0 : index
    %get3A_100 = vector.load %arg4[%get3A_97, %get3A_98, %get3A_99] : memref<3x128x128xf32, #tpu.memory_space<vmem>>, vector<1x128x128xf32>
    %get3A_101 = vector.shape_cast %get3A_100 : vector<1x128x128xf32> to vector<128x128xf32>
    %dot_general3A_102 = arith.constant dense<0.000000e+00> : vector<1x128xf32>
    %dot_general3A_103 = tpu.matmul %get3A_96, %get3A_101, %dot_general3A_102 {dimension_numbers = #tpu.dot_dimension_numbers<[1], [0], [0], [1], [0, 0, 1, 1], [], []>, transpose_lhs_hint = false} : vector<1x128xf32>, vector<128x128xf32>, vector<1x128xf32> -> vector<1x128xf32>
    %get3A_104 = arith.constant 2 : index
    %get3A_105 = arith.constant 0 : index
    %get3A_106 = vector.load %arg6[%get3A_104, %get3A_105] : memref<3x128xf32, #tpu.memory_space<vmem>>, vector<1x128xf32>
    %get3A_107 = arith.constant 2 : index
    %get3A_108 = arith.constant 0 : index
    %get3A_109 = arith.constant 0 : index
    %get3A_110 = vector.load %arg4[%get3A_107, %get3A_108, %get3A_109] : memref<3x128x128xf32, #tpu.memory_space<vmem>>, vector<1x128x128xf32>
    %get3A_111 = vector.shape_cast %get3A_110 : vector<1x128x128xf32> to vector<128x128xf32>
    %dot_general3A_112 = arith.constant dense<0.000000e+00> : vector<1x128xf32>
    %dot_general3A_113 = tpu.matmul %get3A_106, %get3A_111, %dot_general3A_112 {dimension_numbers = #tpu.dot_dimension_numbers<[1], [0], [0], [1], [0, 0, 1, 1], [], []>, transpose_lhs_hint = false} : vector<1x128xf32>, vector<128x128xf32>, vector<1x128xf32> -> vector<1x128xf32>
    %broadcast_in_dim3A = arith.constant 0.000000e+00 : f32
    %broadcast_in_dim3A_114 = vector.broadcast %broadcast_in_dim3A : f32 to vector<2x128xf32>
    %concatenate3A = tpu.concatenate %dot_general3A_63, %dot_general3A_73, %dot_general3A_83, %dot_general3A_93, %dot_general3A_103, %dot_general3A_113, %broadcast_in_dim3A_114 in 0 : vector<1x128xf32>, vector<1x128xf32>, vector<1x128xf32>, vector<1x128xf32>, vector<1x128xf32>, vector<1x128xf32>, vector<2x128xf32> -> vector<8x128xf32>
    %dot_general3A_115 = arith.constant dense<0.000000e+00> : vector<1024x8xf32>
    %dot_general3A_116 = tpu.matmul %add3A_9, %concatenate3A, %dot_general3A_115 {dimension_numbers = #tpu.dot_dimension_numbers<[1], [1], [0], [0], [0, 0, 1, 0], [], []>, transpose_lhs_hint = false} : vector<1024x128xf32>, vector<8x128xf32>, vector<1024x8xf32> -> vector<1024x8xf32>
    %swap3A_117 = arith.constant 0 : index
    %swap3A_118 = arith.constant 0 : index
    %swap3A_119 = vector.load %arg9[%swap3A_117, %swap3A_118] : memref<1024x8xf32, #tpu.memory_space<vmem>>, vector<1024x8xf32>
    tpu.vector_store %arg9[%swap3A_117, %swap3A_118], %dot_general3A_116 {strides = array<i32>} : memref<1024x8xf32, #tpu.memory_space<vmem>>, vector<1024x8xf32>,
    return
  }
  func.func @transform_0(%arg0: i32) -> (i32, i32) {
    %c0_i32 = arith.constant 0 : i32
    %c0_i32_0 = arith.constant 0 : i32
    return %arg0, %c0_i32 : i32, i32
  }
  func.func @transform_1(%arg0: i32) -> (i32, i32) {
    %c0_i32 = arith.constant 0 : i32
    %c0_i32_0 = arith.constant 0 : i32
    %c0_i32_1 = arith.constant 0 : i32
    return %c0_i32, %c0_i32_0 : i32, i32
  }
  func.func @transform_2(%arg0: i32) -> (i32, i32) {
    %c0_i32 = arith.constant 0 : i32
    %c0_i32_0 = arith.constant 0 : i32
    %c0_i32_1 = arith.constant 0 : i32
    return %c0_i32, %c0_i32_0 : i32, i32
  }
  func.func @transform_3(%arg0: i32) -> (i32, i32, i32) {
    %c0_i32 = arith.constant 0 : i32
    %c0_i32_0 = arith.constant 0 : i32
    %c0_i32_1 = arith.constant 0 : i32
    %c0_i32_2 = arith.constant 0 : i32
    return %c0_i32, %c0_i32_0, %c0_i32_1 : i32, i32, i32
  }
  func.func @transform_4(%arg0: i32) -> (i32, i32) {
    %c0_i32 = arith.constant 0 : i32
    %c0_i32_0 = arith.constant 0 : i32
    %c0_i32_1 = arith.constant 0 : i32
    return %c0_i32, %c0_i32_0 : i32, i32
  }
  func.func @transform_5(%arg0: i32) -> (i32, i32) {
    %c0_i32 = arith.constant 0 : i32
    %c0_i32_0 = arith.constant 0 : i32
    %c0_i32_1 = arith.constant 0 : i32
    return %c0_i32, %c0_i32_0 : i32, i32
  }
  func.func @transform_6(%arg0: i32) -> (i32, i32) {
    %c0_i32 = arith.constant 0 : i32
    %c0_i32_0 = arith.constant 0 : i32
    return %arg0, %c0_i32 : i32, i32
  }
  func.func @transform_7(%arg0: i32) -> (i32, i32, i32) {
    %c0_i32 = arith.constant 0 : i32
    %c0_i32_0 = arith.constant 0 : i32
    %c0_i32_1 = arith.constant 0 : i32
    return %c0_i32, %arg0, %c0_i32_0 : i32, i32, i32
  }
  func.func @transform_8(%arg0: i32) -> (i32, i32) {
    %c0_i32 = arith.constant 0 : i32
    %c0_i32_0 = arith.constant 0 : i32
    return %arg0, %c0_i32 : i32, i32
  }
}

module attributes {stable_mosaic.version = 14 : i64} {
  func.func @_post_body(%arg0: i32, %arg1: memref<6x1024x128xf32, #tpu.memory_space<vmem>>, %arg2: memref<6x1024xf32, #tpu.memory_space<vmem>>, %arg3: memref<1024x128xf32, #tpu.memory_space<vmem>>, %arg4: memref<3x128xf32, #tpu.memory_space<vmem>>, %arg5: memref<3x512x256xf32, #tpu.memory_space<vmem>>, %arg6: memref<3x512x128xf32, #tpu.memory_space<vmem>>, %arg7: memref<128x128xf32, #tpu.memory_space<vmem>>, %arg8: memref<1x128xf32, #tpu.memory_space<vmem>>, %arg9: memref<1024x128xf32, #tpu.memory_space<vmem>>) attributes {dimension_semantics = [#tpu.dimension_semantics<arbitrary>], iteration_bounds = array<i64: 10>, scalar_prefetch = 0 : i64, scratch_operands = 0 : i64, tpu.core_type = #tpu.core_type<tc>, window_params = [{transform_indices = @transform_0, window_bounds = array<i64: 6, 1024, 128>}, {transform_indices = @transform_1, window_bounds = array<i64: 6, 1024>}, {transform_indices = @transform_2, window_bounds = array<i64: 1024, 128>}, {pipeline_mode = #tpu.pipeline_mode<synchronous>, transform_indices = @transform_3, window_bounds = array<i64: 3, 128>}, {pipeline_mode = #tpu.pipeline_mode<synchronous>, transform_indices = @transform_4, window_bounds = array<i64: 3, 512, 256>}, {pipeline_mode = #tpu.pipeline_mode<synchronous>, transform_indices = @transform_5, window_bounds = array<i64: 3, 512, 128>}, {pipeline_mode = #tpu.pipeline_mode<synchronous>, transform_indices = @transform_6, window_bounds = array<i64: 128, 128>}, {pipeline_mode = #tpu.pipeline_mode<synchronous>, transform_indices = @transform_7, window_bounds = array<i64: 1, 128>}, {transform_indices = @transform_8, window_bounds = array<i64: 1024, 128>}]} {
    %get3A = arith.constant 0 : index
    %get3A_0 = arith.constant 0 : index
    %get3A_1 = vector.load %arg3[%get3A, %get3A_0] : memref<1024x128xf32, #tpu.memory_space<vmem>>, vector<1024x128xf32>
    %broadcast_in_dim3A = arith.constant 0.000000e+00 : f32
    %broadcast_in_dim3A_2 = vector.broadcast %broadcast_in_dim3A : f32 to vector<1024x128xf32>
    %broadcast_in_dim3A_3 = arith.constant 0.000000e+00 : f32
    %broadcast_in_dim3A_4 = vector.broadcast %broadcast_in_dim3A_3 : f32 to vector<1024x128xf32>
    %get3A_5 = arith.constant 0 : index
    %get3A_6 = arith.constant 0 : index
    %get3A_7 = vector.load %arg2[%get3A_5, %get3A_6] : memref<6x1024xf32, #tpu.memory_space<vmem>>, vector<2x1024xf32>
    %reduce_sum3A = arith.constant dense<0.000000e+00> : vector<1024xf32>
    %reduce_sum3A_8 = vector.multi_reduction <add>, %get3A_7, %reduce_sum3A [0] : vector<2x1024xf32> to vector<1024xf32>
    %add3A = arith.constant 1.000000e-16 : f32
    %add3A_9 = vector.broadcast %add3A : f32 to vector<1024xf32>
    %add3A_10 = arith.addf %reduce_sum3A_8, %add3A_9 : vector<1024xf32>
    %get3A_11 = arith.constant 0 : index
    %get3A_12 = arith.constant 0 : index
    %get3A_13 = arith.constant 0 : index
    %get3A_14 = vector.load %arg1[%get3A_11, %get3A_12, %get3A_13] : memref<6x1024x128xf32, #tpu.memory_space<vmem>>, vector<1x1024x128xf32>
    %get3A_15 = vector.shape_cast %get3A_14 : vector<1x1024x128xf32> to vector<1024x128xf32>
    %get3A_16 = arith.constant 1 : index
    %get3A_17 = arith.constant 0 : index
    %get3A_18 = arith.constant 0 : index
    %get3A_19 = vector.load %arg1[%get3A_16, %get3A_17, %get3A_18] : memref<6x1024x128xf32, #tpu.memory_space<vmem>>, vector<1x1024x128xf32>
    %get3A_20 = vector.shape_cast %get3A_19 : vector<1x1024x128xf32> to vector<1024x128xf32>
    %add3A_21 = arith.addf %get3A_15, %get3A_20 : vector<1024x128xf32>
    %broadcast_in_dim3A_22 = vector.shape_cast %add3A_10 : vector<1024xf32> to vector<1024x1xf32>
    %div3A = vector.broadcast %broadcast_in_dim3A_22 : vector<1024x1xf32> to vector<1024x128xf32>
    %div3A_23 = arith.divf %add3A_21, %div3A : vector<1024x128xf32>
    %get3A_24 = arith.constant 0 : index
    %get3A_25 = arith.constant 0 : index
    %get3A_26 = vector.load %arg4[%get3A_24, %get3A_25] : memref<3x128xf32, #tpu.memory_space<vmem>>, vector<1x128xf32>
    %add3A_27 = vector.broadcast %get3A_26 : vector<1x128xf32> to vector<1024x128xf32>
    %add3A_28 = arith.addf %div3A_23, %add3A_27 : vector<1024x128xf32>
    %tanh3A = math.tanh %add3A_28 : vector<1024x128xf32>
    %concatenate3A = tpu.concatenate %tanh3A, %get3A_1 in 1 : vector<1024x128xf32>, vector<1024x128xf32> -> vector<1024x256xf32>
    %get3A_29 = arith.constant 0 : index
    %get3A_30 = arith.constant 0 : index
    %get3A_31 = arith.constant 0 : index
    %get3A_32 = vector.load %arg5[%get3A_29, %get3A_30, %get3A_31] : memref<3x512x256xf32, #tpu.memory_space<vmem>>, vector<1x512x256xf32>
    %get3A_33 = vector.shape_cast %get3A_32 : vector<1x512x256xf32> to vector<512x256xf32>
    %transpose3A = tpu.transpose %get3A_33, [1, 0] : vector<512x256xf32> -> vector<256x512xf32>
    %dot_general3A = arith.constant dense<0.000000e+00> : vector<1024x512xf32>
    %dot_general3A_34 = tpu.matmul %concatenate3A, %transpose3A, %dot_general3A {dimension_numbers = #tpu.dot_dimension_numbers<[1], [0], [0], [1], [0, 0, 1, 1], [], []>, transpose_lhs_hint = false} : vector<1024x256xf32>, vector<256x512xf32>, vector<1024x512xf32> -> vector<1024x512xf32>
    %get3A_35 = arith.constant 0 : index
    %get3A_36 = arith.constant 0 : index
    %get3A_37 = arith.constant 0 : index
    %get3A_38 = vector.load %arg6[%get3A_35, %get3A_36, %get3A_37] : memref<3x512x128xf32, #tpu.memory_space<vmem>>, vector<1x512x128xf32>
    %get3A_39 = vector.shape_cast %get3A_38 : vector<1x512x128xf32> to vector<512x128xf32>
    %transpose3A_40 = tpu.transpose %get3A_39, [1, 0] : vector<512x128xf32> -> vector<128x512xf32>
    %dot_general3A_41 = arith.constant dense<0.000000e+00> : vector<1024x512xf32>
    %dot_general3A_42 = tpu.matmul %broadcast_in_dim3A_2, %transpose3A_40, %dot_general3A_41 {dimension_numbers = #tpu.dot_dimension_numbers<[1], [0], [0], [1], [0, 0, 1, 1], [], []>, transpose_lhs_hint = false} : vector<1024x128xf32>, vector<128x512xf32>, vector<1024x512xf32> -> vector<1024x512xf32>
    %add3A_43 = arith.addf %dot_general3A_34, %dot_general3A_42 : vector<1024x512xf32>
    %slice3A = vector.extract_strided_slice %add3A_43 {offsets = [0, 0], sizes = [1024, 128], strides = [1, 1]} : vector<1024x512xf32> to vector<1024x128xf32>
    %logistic3A = arith.negf %slice3A : vector<1024x128xf32>
    %logistic3A_44 = math.exp %logistic3A : vector<1024x128xf32>
    %logistic3A_45 = arith.constant 1.000000e+00 : f32
    %logistic3A_46 = vector.broadcast %logistic3A_45 : f32 to vector<1024x128xf32>
    %logistic3A_47 = arith.addf %logistic3A_46, %logistic3A_44 : vector<1024x128xf32>
    %logistic3A_48 = arith.divf %logistic3A_46, %logistic3A_47 : vector<1024x128xf32>
    %slice3A_49 = vector.extract_strided_slice %add3A_43 {offsets = [0, 128], sizes = [1024, 128], strides = [1, 1]} : vector<1024x512xf32> to vector<1024x128xf32>
    %logistic3A_50 = arith.negf %slice3A_49 : vector<1024x128xf32>
    %logistic3A_51 = math.exp %logistic3A_50 : vector<1024x128xf32>
    %logistic3A_52 = arith.constant 1.000000e+00 : f32
    %logistic3A_53 = vector.broadcast %logistic3A_52 : f32 to vector<1024x128xf32>
    %logistic3A_54 = arith.addf %logistic3A_53, %logistic3A_51 : vector<1024x128xf32>
    %logistic3A_55 = arith.divf %logistic3A_53, %logistic3A_54 : vector<1024x128xf32>
    %slice3A_56 = vector.extract_strided_slice %add3A_43 {offsets = [0, 256], sizes = [1024, 128], strides = [1, 1]} : vector<1024x512xf32> to vector<1024x128xf32>
    %tanh3A_57 = math.tanh %slice3A_56 : vector<1024x128xf32>
    %slice3A_58 = vector.extract_strided_slice %add3A_43 {offsets = [0, 384], sizes = [1024, 128], strides = [1, 1]} : vector<1024x512xf32> to vector<1024x128xf32>
    %logistic3A_59 = arith.negf %slice3A_58 : vector<1024x128xf32>
    %logistic3A_60 = math.exp %logistic3A_59 : vector<1024x128xf32>
    %logistic3A_61 = arith.constant 1.000000e+00 : f32
    %logistic3A_62 = vector.broadcast %logistic3A_61 : f32 to vector<1024x128xf32>
    %logistic3A_63 = arith.addf %logistic3A_62, %logistic3A_60 : vector<1024x128xf32>
    %logistic3A_64 = arith.divf %logistic3A_62, %logistic3A_63 : vector<1024x128xf32>
    %mul3A = arith.mulf %logistic3A_55, %broadcast_in_dim3A_4 : vector<1024x128xf32>
    %mul3A_65 = arith.mulf %logistic3A_48, %tanh3A_57 : vector<1024x128xf32>
    %add3A_66 = arith.addf %mul3A, %mul3A_65 : vector<1024x128xf32>
    %tanh3A_67 = math.tanh %add3A_66 : vector<1024x128xf32>
    %mul3A_68 = arith.mulf %logistic3A_64, %tanh3A_67 : vector<1024x128xf32>
    %get3A_69 = arith.constant 2 : index
    %get3A_70 = arith.constant 0 : index
    %get3A_71 = vector.load %arg2[%get3A_69, %get3A_70] : memref<6x1024xf32, #tpu.memory_space<vmem>>, vector<2x1024xf32>
    %reduce_sum3A_72 = arith.constant dense<0.000000e+00> : vector<1024xf32>
    %reduce_sum3A_73 = vector.multi_reduction <add>, %get3A_71, %reduce_sum3A_72 [0] : vector<2x1024xf32> to vector<1024xf32>
    %add3A_74 = arith.constant 1.000000e-16 : f32
    %add3A_75 = vector.broadcast %add3A_74 : f32 to vector<1024xf32>
    %add3A_76 = arith.addf %reduce_sum3A_73, %add3A_75 : vector<1024xf32>
    %get3A_77 = arith.constant 2 : index
    %get3A_78 = arith.constant 0 : index
    %get3A_79 = arith.constant 0 : index
    %get3A_80 = vector.load %arg1[%get3A_77, %get3A_78, %get3A_79] : memref<6x1024x128xf32, #tpu.memory_space<vmem>>, vector<1x1024x128xf32>
    %get3A_81 = vector.shape_cast %get3A_80 : vector<1x1024x128xf32> to vector<1024x128xf32>
    %get3A_82 = arith.constant 3 : index
    %get3A_83 = arith.constant 0 : index
    %get3A_84 = arith.constant 0 : index
    %get3A_85 = vector.load %arg1[%get3A_82, %get3A_83, %get3A_84] : memref<6x1024x128xf32, #tpu.memory_space<vmem>>, vector<1x1024x128xf32>
    %get3A_86 = vector.shape_cast %get3A_85 : vector<1x1024x128xf32> to vector<1024x128xf32>
    %add3A_87 = arith.addf %get3A_81, %get3A_86 : vector<1024x128xf32>
    %broadcast_in_dim3A_88 = vector.shape_cast %add3A_76 : vector<1024xf32> to vector<1024x1xf32>
    %div3A_89 = vector.broadcast %broadcast_in_dim3A_88 : vector<1024x1xf32> to vector<1024x128xf32>
    %div3A_90 = arith.divf %add3A_87, %div3A_89 : vector<1024x128xf32>
    %get3A_91 = arith.constant 1 : index
    %get3A_92 = arith.constant 0 : index
    %get3A_93 = vector.load %arg4[%get3A_91, %get3A_92] : memref<3x128xf32, #tpu.memory_space<vmem>>, vector<1x128xf32>
    %add3A_94 = vector.broadcast %get3A_93 : vector<1x128xf32> to vector<1024x128xf32>
    %add3A_95 = arith.addf %div3A_90, %add3A_94 : vector<1024x128xf32>
    %tanh3A_96 = math.tanh %add3A_95 : vector<1024x128xf32>
    %concatenate3A_97 = tpu.concatenate %tanh3A_96, %mul3A_68 in 1 : vector<1024x128xf32>, vector<1024x128xf32> -> vector<1024x256xf32>
    %get3A_98 = arith.constant 1 : index
    %get3A_99 = arith.constant 0 : index
    %get3A_100 = arith.constant 0 : index
    %get3A_101 = vector.load %arg5[%get3A_98, %get3A_99, %get3A_100] : memref<3x512x256xf32, #tpu.memory_space<vmem>>, vector<1x512x256xf32>
    %get3A_102 = vector.shape_cast %get3A_101 : vector<1x512x256xf32> to vector<512x256xf32>
    %transpose3A_103 = tpu.transpose %get3A_102, [1, 0] : vector<512x256xf32> -> vector<256x512xf32>
    %dot_general3A_104 = arith.constant dense<0.000000e+00> : vector<1024x512xf32>
    %dot_general3A_105 = tpu.matmul %concatenate3A_97, %transpose3A_103, %dot_general3A_104 {dimension_numbers = #tpu.dot_dimension_numbers<[1], [0], [0], [1], [0, 0, 1, 1], [], []>, transpose_lhs_hint = false} : vector<1024x256xf32>, vector<256x512xf32>, vector<1024x512xf32> -> vector<1024x512xf32>
    %get3A_106 = arith.constant 1 : index
    %get3A_107 = arith.constant 0 : index
    %get3A_108 = arith.constant 0 : index
    %get3A_109 = vector.load %arg6[%get3A_106, %get3A_107, %get3A_108] : memref<3x512x128xf32, #tpu.memory_space<vmem>>, vector<1x512x128xf32>
    %get3A_110 = vector.shape_cast %get3A_109 : vector<1x512x128xf32> to vector<512x128xf32>
    %transpose3A_111 = tpu.transpose %get3A_110, [1, 0] : vector<512x128xf32> -> vector<128x512xf32>
    %dot_general3A_112 = arith.constant dense<0.000000e+00> : vector<1024x512xf32>
    %dot_general3A_113 = tpu.matmul %mul3A_68, %transpose3A_111, %dot_general3A_112 {dimension_numbers = #tpu.dot_dimension_numbers<[1], [0], [0], [1], [0, 0, 1, 1], [], []>, transpose_lhs_hint = false} : vector<1024x128xf32>, vector<128x512xf32>, vector<1024x512xf32> -> vector<1024x512xf32>
    %add3A_114 = arith.addf %dot_general3A_105, %dot_general3A_113 : vector<1024x512xf32>
    %slice3A_115 = vector.extract_strided_slice %add3A_114 {offsets = [0, 0], sizes = [1024, 128], strides = [1, 1]} : vector<1024x512xf32> to vector<1024x128xf32>
    %logistic3A_116 = arith.negf %slice3A_115 : vector<1024x128xf32>
    %logistic3A_117 = math.exp %logistic3A_116 : vector<1024x128xf32>
    %logistic3A_118 = arith.constant 1.000000e+00 : f32
    %logistic3A_119 = vector.broadcast %logistic3A_118 : f32 to vector<1024x128xf32>
    %logistic3A_120 = arith.addf %logistic3A_119, %logistic3A_117 : vector<1024x128xf32>
    %logistic3A_121 = arith.divf %logistic3A_119, %logistic3A_120 : vector<1024x128xf32>
    %slice3A_122 = vector.extract_strided_slice %add3A_114 {offsets = [0, 128], sizes = [1024, 128], strides = [1, 1]} : vector<1024x512xf32> to vector<1024x128xf32>
    %logistic3A_123 = arith.negf %slice3A_122 : vector<1024x128xf32>
    %logistic3A_124 = math.exp %logistic3A_123 : vector<1024x128xf32>
    %logistic3A_125 = arith.constant 1.000000e+00 : f32
    %logistic3A_126 = vector.broadcast %logistic3A_125 : f32 to vector<1024x128xf32>
    %logistic3A_127 = arith.addf %logistic3A_126, %logistic3A_124 : vector<1024x128xf32>
    %logistic3A_128 = arith.divf %logistic3A_126, %logistic3A_127 : vector<1024x128xf32>
    %slice3A_129 = vector.extract_strided_slice %add3A_114 {offsets = [0, 256], sizes = [1024, 128], strides = [1, 1]} : vector<1024x512xf32> to vector<1024x128xf32>
    %tanh3A_130 = math.tanh %slice3A_129 : vector<1024x128xf32>
    %slice3A_131 = vector.extract_strided_slice %add3A_114 {offsets = [0, 384], sizes = [1024, 128], strides = [1, 1]} : vector<1024x512xf32> to vector<1024x128xf32>
    %logistic3A_132 = arith.negf %slice3A_131 : vector<1024x128xf32>
    %logistic3A_133 = math.exp %logistic3A_132 : vector<1024x128xf32>
    %logistic3A_134 = arith.constant 1.000000e+00 : f32
    %logistic3A_135 = vector.broadcast %logistic3A_134 : f32 to vector<1024x128xf32>
    %logistic3A_136 = arith.addf %logistic3A_135, %logistic3A_133 : vector<1024x128xf32>
    %logistic3A_137 = arith.divf %logistic3A_135, %logistic3A_136 : vector<1024x128xf32>
    %mul3A_138 = arith.mulf %logistic3A_128, %add3A_66 : vector<1024x128xf32>
    %mul3A_139 = arith.mulf %logistic3A_121, %tanh3A_130 : vector<1024x128xf32>
    %add3A_140 = arith.addf %mul3A_138, %mul3A_139 : vector<1024x128xf32>
    %tanh3A_141 = math.tanh %add3A_140 : vector<1024x128xf32>
    %mul3A_142 = arith.mulf %logistic3A_137, %tanh3A_141 : vector<1024x128xf32>
    %get3A_143 = arith.constant 4 : index
    %get3A_144 = arith.constant 0 : index
    %get3A_145 = vector.load %arg2[%get3A_143, %get3A_144] : memref<6x1024xf32, #tpu.memory_space<vmem>>, vector<2x1024xf32>
    %reduce_sum3A_146 = arith.constant dense<0.000000e+00> : vector<1024xf32>
    %reduce_sum3A_147 = vector.multi_reduction <add>, %get3A_145, %reduce_sum3A_146 [0] : vector<2x1024xf32> to vector<1024xf32>
    %add3A_148 = arith.constant 1.000000e-16 : f32
    %add3A_149 = vector.broadcast %add3A_148 : f32 to vector<1024xf32>
    %add3A_150 = arith.addf %reduce_sum3A_147, %add3A_149 : vector<1024xf32>
    %get3A_151 = arith.constant 4 : index
    %get3A_152 = arith.constant 0 : index
    %get3A_153 = arith.constant 0 : index
    %get3A_154 = vector.load %arg1[%get3A_151, %get3A_152, %get3A_153] : memref<6x1024x128xf32, #tpu.memory_space<vmem>>, vector<1x1024x128xf32>
    %get3A_155 = vector.shape_cast %get3A_154 : vector<1x1024x128xf32> to vector<1024x128xf32>
    %get3A_156 = arith.constant 5 : index
    %get3A_157 = arith.constant 0 : index
    %get3A_158 = arith.constant 0 : index
    %get3A_159 = vector.load %arg1[%get3A_156, %get3A_157, %get3A_158] : memref<6x1024x128xf32, #tpu.memory_space<vmem>>, vector<1x1024x128xf32>
    %get3A_160 = vector.shape_cast %get3A_159 : vector<1x1024x128xf32> to vector<1024x128xf32>
    %add3A_161 = arith.addf %get3A_155, %get3A_160 : vector<1024x128xf32>
    %broadcast_in_dim3A_162 = vector.shape_cast %add3A_150 : vector<1024xf32> to vector<1024x1xf32>
    %div3A_163 = vector.broadcast %broadcast_in_dim3A_162 : vector<1024x1xf32> to vector<1024x128xf32>
    %div3A_164 = arith.divf %add3A_161, %div3A_163 : vector<1024x128xf32>
    %get3A_165 = arith.constant 2 : index
    %get3A_166 = arith.constant 0 : index
    %get3A_167 = vector.load %arg4[%get3A_165, %get3A_166] : memref<3x128xf32, #tpu.memory_space<vmem>>, vector<1x128xf32>
    %add3A_168 = vector.broadcast %get3A_167 : vector<1x128xf32> to vector<1024x128xf32>
    %add3A_169 = arith.addf %div3A_164, %add3A_168 : vector<1024x128xf32>
    %tanh3A_170 = math.tanh %add3A_169 : vector<1024x128xf32>
    %concatenate3A_171 = tpu.concatenate %tanh3A_170, %mul3A_142 in 1 : vector<1024x128xf32>, vector<1024x128xf32> -> vector<1024x256xf32>
    %get3A_172 = arith.constant 2 : index
    %get3A_173 = arith.constant 0 : index
    %get3A_174 = arith.constant 0 : index
    %get3A_175 = vector.load %arg5[%get3A_172, %get3A_173, %get3A_174] : memref<3x512x256xf32, #tpu.memory_space<vmem>>, vector<1x512x256xf32>
    %get3A_176 = vector.shape_cast %get3A_175 : vector<1x512x256xf32> to vector<512x256xf32>
    %transpose3A_177 = tpu.transpose %get3A_176, [1, 0] : vector<512x256xf32> -> vector<256x512xf32>
    %dot_general3A_178 = arith.constant dense<0.000000e+00> : vector<1024x512xf32>
    %dot_general3A_179 = tpu.matmul %concatenate3A_171, %transpose3A_177, %dot_general3A_178 {dimension_numbers = #tpu.dot_dimension_numbers<[1], [0], [0], [1], [0, 0, 1, 1], [], []>, transpose_lhs_hint = false} : vector<1024x256xf32>, vector<256x512xf32>, vector<1024x512xf32> -> vector<1024x512xf32>
    %get3A_180 = arith.constant 2 : index
    %get3A_181 = arith.constant 0 : index
    %get3A_182 = arith.constant 0 : index
    %get3A_183 = vector.load %arg6[%get3A_180, %get3A_181, %get3A_182] : memref<3x512x128xf32, #tpu.memory_space<vmem>>, vector<1x512x128xf32>
    %get3A_184 = vector.shape_cast %get3A_183 : vector<1x512x128xf32> to vector<512x128xf32>
    %transpose3A_185 = tpu.transpose %get3A_184, [1, 0] : vector<512x128xf32> -> vector<128x512xf32>
    %dot_general3A_186 = arith.constant dense<0.000000e+00> : vector<1024x512xf32>
    %dot_general3A_187 = tpu.matmul %mul3A_142, %transpose3A_185, %dot_general3A_186 {dimension_numbers = #tpu.dot_dimension_numbers<[1], [0], [0], [1], [0, 0, 1, 1], [], []>, transpose_lhs_hint = false} : vector<1024x128xf32>, vector<128x512xf32>, vector<1024x512xf32> -> vector<1024x512xf32>
    %add3A_188 = arith.addf %dot_general3A_179, %dot_general3A_187 : vector<1024x512xf32>
    %slice3A_189 = vector.extract_strided_slice %add3A_188 {offsets = [0, 0], sizes = [1024, 128], strides = [1, 1]} : vector<1024x512xf32> to vector<1024x128xf32>
    %logistic3A_190 = arith.negf %slice3A_189 : vector<1024x128xf32>
    %logistic3A_191 = math.exp %logistic3A_190 : vector<1024x128xf32>
    %logistic3A_192 = arith.constant 1.000000e+00 : f32
    %logistic3A_193 = vector.broadcast %logistic3A_192 : f32 to vector<1024x128xf32>
    %logistic3A_194 = arith.addf %logistic3A_193, %logistic3A_191 : vector<1024x128xf32>
    %logistic3A_195 = arith.divf %logistic3A_193, %logistic3A_194 : vector<1024x128xf32>
    %slice3A_196 = vector.extract_strided_slice %add3A_188 {offsets = [0, 128], sizes = [1024, 128], strides = [1, 1]} : vector<1024x512xf32> to vector<1024x128xf32>
    %logistic3A_197 = arith.negf %slice3A_196 : vector<1024x128xf32>
    %logistic3A_198 = math.exp %logistic3A_197 : vector<1024x128xf32>
    %logistic3A_199 = arith.constant 1.000000e+00 : f32
    %logistic3A_200 = vector.broadcast %logistic3A_199 : f32 to vector<1024x128xf32>
    %logistic3A_201 = arith.addf %logistic3A_200, %logistic3A_198 : vector<1024x128xf32>
    %logistic3A_202 = arith.divf %logistic3A_200, %logistic3A_201 : vector<1024x128xf32>
    %slice3A_203 = vector.extract_strided_slice %add3A_188 {offsets = [0, 256], sizes = [1024, 128], strides = [1, 1]} : vector<1024x512xf32> to vector<1024x128xf32>
    %tanh3A_204 = math.tanh %slice3A_203 : vector<1024x128xf32>
    %slice3A_205 = vector.extract_strided_slice %add3A_188 {offsets = [0, 384], sizes = [1024, 128], strides = [1, 1]} : vector<1024x512xf32> to vector<1024x128xf32>
    %logistic3A_206 = arith.negf %slice3A_205 : vector<1024x128xf32>
    %logistic3A_207 = math.exp %logistic3A_206 : vector<1024x128xf32>
    %logistic3A_208 = arith.constant 1.000000e+00 : f32
    %logistic3A_209 = vector.broadcast %logistic3A_208 : f32 to vector<1024x128xf32>
    %logistic3A_210 = arith.addf %logistic3A_209, %logistic3A_207 : vector<1024x128xf32>
    %logistic3A_211 = arith.divf %logistic3A_209, %logistic3A_210 : vector<1024x128xf32>
    %mul3A_212 = arith.mulf %logistic3A_202, %add3A_140 : vector<1024x128xf32>
    %mul3A_213 = arith.mulf %logistic3A_195, %tanh3A_204 : vector<1024x128xf32>
    %add3A_214 = arith.addf %mul3A_212, %mul3A_213 : vector<1024x128xf32>
    %tanh3A_215 = math.tanh %add3A_214 : vector<1024x128xf32>
    %mul3A_216 = arith.mulf %logistic3A_211, %tanh3A_215 : vector<1024x128xf32>
    %get3A_217 = arith.constant 0 : index
    %get3A_218 = arith.constant 0 : index
    %get3A_219 = vector.load %arg7[%get3A_217, %get3A_218] : memref<128x128xf32, #tpu.memory_space<vmem>>, vector<128x128xf32>
    %transpose3A_220 = tpu.transpose %get3A_219, [1, 0] : vector<128x128xf32> -> vector<128x128xf32>
    %dot_general3A_221 = arith.constant dense<0.000000e+00> : vector<1024x128xf32>
    %dot_general3A_222 = tpu.matmul %mul3A_216, %transpose3A_220, %dot_general3A_221 {dimension_numbers = #tpu.dot_dimension_numbers<[1], [0], [0], [1], [0, 0, 1, 1], [], []>, transpose_lhs_hint = false} : vector<1024x128xf32>, vector<128x128xf32>, vector<1024x128xf32> -> vector<1024x128xf32>
    %get3A_223 = arith.constant 0 : index
    %get3A_224 = arith.constant 0 : index
    %get3A_225 = vector.load %arg8[%get3A_223, %get3A_224] : memref<1x128xf32, #tpu.memory_space<vmem>>, vector<1x128xf32>
    %add3A_226 = vector.broadcast %get3A_225 : vector<1x128xf32> to vector<1024x128xf32>
    %add3A_227 = arith.addf %dot_general3A_222, %add3A_226 : vector<1024x128xf32>
    %swap3A = arith.constant 0 : index
    %swap3A_228 = arith.constant 0 : index
    %swap3A_229 = vector.load %arg9[%swap3A, %swap3A_228] : memref<1024x128xf32, #tpu.memory_space<vmem>>, vector<1024x128xf32>
    tpu.vector_store %arg9[%swap3A, %swap3A_228], %add3A_227 {strides = array<i32>} : memref<1024x128xf32, #tpu.memory_space<vmem>>, vector<1024x128xf32>,
    return
  }
  func.func @transform_0(%arg0: i32) -> (i32, i32, i32) {
    %c0_i32 = arith.constant 0 : i32
    %c0_i32_0 = arith.constant 0 : i32
    %c0_i32_1 = arith.constant 0 : i32
    return %c0_i32, %arg0, %c0_i32_0 : i32, i32, i32
  }
  func.func @transform_1(%arg0: i32) -> (i32, i32) {
    %c0_i32 = arith.constant 0 : i32
    %c0_i32_0 = arith.constant 0 : i32
    return %c0_i32, %arg0 : i32, i32
  }
  func.func @transform_2(%arg0: i32) -> (i32, i32) {
    %c0_i32 = arith.constant 0 : i32
    %c0_i32_0 = arith.constant 0 : i32
    return %arg0, %c0_i32 : i32, i32
  }
  func.func @transform_3(%arg0: i32) -> (i32, i32) {
    %c0_i32 = arith.constant 0 : i32
    %c0_i32_0 = arith.constant 0 : i32
    %c0_i32_1 = arith.constant 0 : i32
    return %c0_i32, %c0_i32_0 : i32, i32
  }
  func.func @transform_4(%arg0: i32) -> (i32, i32, i32) {
    %c0_i32 = arith.constant 0 : i32
    %c0_i32_0 = arith.constant 0 : i32
    %c0_i32_1 = arith.constant 0 : i32
    %c0_i32_2 = arith.constant 0 : i32
    return %c0_i32, %c0_i32_0, %c0_i32_1 : i32, i32, i32
  }
  func.func @transform_5(%arg0: i32) -> (i32, i32, i32) {
    %c0_i32 = arith.constant 0 : i32
    %c0_i32_0 = arith.constant 0 : i32
    %c0_i32_1 = arith.constant 0 : i32
    %c0_i32_2 = arith.constant 0 : i32
    return %c0_i32, %c0_i32_0, %c0_i32_1 : i32, i32, i32
  }
  func.func @transform_6(%arg0: i32) -> (i32, i32) {
    %c0_i32 = arith.constant 0 : i32
    %c0_i32_0 = arith.constant 0 : i32
    %c0_i32_1 = arith.constant 0 : i32
    return %c0_i32, %c0_i32_0 : i32, i32
  }
  func.func @transform_7(%arg0: i32) -> (i32, i32) {
    %c0_i32 = arith.constant 0 : i32
    %c0_i32_0 = arith.constant 0 : i32
    %c0_i32_1 = arith.constant 0 : i32
    return %c0_i32, %c0_i32_0 : i32, i32
  }
  func.func @transform_8(%arg0: i32) -> (i32, i32) {
    %c0_i32 = arith.constant 0 : i32
    %c0_i32_0 = arith.constant 0 : i32
    return %arg0, %c0_i32 : i32, i32
  }
}

</mosaic_0001>

<sc_bundles>
// kernel: kernel.5.cloned.1.call-start
scs
__scs_entry_jumppad:
0x0: {  	(pc) =	sbr.rel $0x88, $3  }
0x1: {  	(tag) =	ssettag $0x0;
	lr =	simm.s32 $0x1  }
0x2: {  	[smem:$0x3F95] =	sst lr;
	_ =	strace $0xD0000000  }
0x3: {  	_ = 	snop  }
0x4: {  	_ = 	snop  }
0x5: {  	_ = 	snop  }
0x6: {  	_ = 	snop  }
0x7: {  	_ = 	snop  }
__scs_overlays_trampoline_lowered:
0x8: {  	[smem:$0x3FA4] =	sst s0  }
0x9: {  	[smem:$0x3FA5] =	sst s1  }
0xa: {  	[smem:$0x3FA6] =	sst s2  }
0xb: {  	[smem:$0x3FA7] =	sst s3  }
0xc: {  	[smem:$0x3FA8] =	sst s4  }
0xd: {  	[smem:$0x3FA9] =	sst s5  }
0xe: {  	[smem:$0x3FAA] =	sst s6  }
0xf: {  	[smem:$0x3FAB] =	sst s7  }
0x10: {  	[smem:$0x3FAC] =	sst s8  }
0x11: {  	[smem:$0x3FAD] =	sst s9;
	s0 =	simm.s32 @!p0 $0x0  }
0x12: {  	s1 =	sld [smem:$0x3F93];
	s0 =	simm.s32 @p0 $0x1  }
0x13: {  	[smem:$0x3FAE] =	sst s0;
	s0 =	simm.s32 @!p1 $0x0  }
0x14: {  	s2 =	sld [smem:$0x3F92];
	s0 =	simm.s32 @p1 $0x1  }
0x15: {  	[smem:$0x3FAF] =	sst s0;
	s0 =	simm.s32 @!p2 $0x0  }
0x16: {  	s3 =	sld [smem:$0x3FDB];
	s0 =	simm.s32 @p2 $0x1  }
0x17: {  	s4 =	simm.s32 $0x1BF5;
	[smem:$0x3FB1] =	sst s0  }
0x18: {  	s0 =	sld [smem:$0x3F94];
	_ =	swait.ge [sflag:s4], $0x0  }
0x19: {  	s7 =	sld [smem:$0x3F95]  }
0x1a: {  	s8 =	sadd.s32 $0xFFFFE003, lr  }
0x1b: {  	s9 =	sadd.s32 $0xFFFFFEF7, lr;
	s5 =	simm.s32 $0xFFFFFFFF;
	p2 =	slt.u32 s8, $0xFFFFF086  }
0x1c: {  	p1 =	slt.u32 s9, $0xF7A;
	s5 =	simm.s32 @!p2 $0x0  }
0x1d: {  	s5 =	simm.s32 @p1 $0x1;
	p0 =	seq.s32 s7, s2  }
0x1e: {  	s7 =	smul.u32 @!p0 $0xF7A, s2;
	p2 =	seq.s32 @!p0 s5, $0x0  }
0x1f: {  	s9 =	smul.u32 $0xF7A, s1;
	s8 =	simm.s32 @!p0 $0x1BF5;
	p2 =	por !p2, p0  }
0x20: {  	[sflag:s8] =	ssyncset.s32 @!p0 $0xFFFFF086;
	s6 =	sadd.s32 @!p0 s3, s7;
	s7 =	simm.s32 @!p0 $0x108  }
0x21: {  	s3 =	sadd.s32 s3, s9;
	s6 =	sadd.s32 @!p0 $0x88, s6;
	s7 =	simm.s32 @p2 $0x1082  }
0x22: {  	[simem:s7], [sflag:s8] =	dma.local @!p0 [hbm:s6], $0xF7A  }
0x23: {  	s9 =	sor.u32 $0xD0000000, s2;
	s6 =	simm.s32 $0x108;
	_ =	swait.ge @!p0 [sflag:s8], $0x0  }
0x24: {  	s3 =	sadd.s32 $0x88, s3;
	s6 =	simm.s32 @!p1 $0x1082;
	[sflag:s4] =	ssyncset.s32 $0xFFFFF086  }
0x25: {  	[simem:s6], [sflag:s4] =	dma.local [hbm:s3], $0xF7A  }
0x26: {  	[smem:$0x3F95] =	sst s1;
	(tag) =	ssettag s2;
	_ =	strace s9  }
0x27: {  	s1 =	sld [smem:$0x3FA5]  }
0x28: {  	s2 =	sld [smem:$0x3FA6]  }
0x29: {  	s4 =	sld [smem:$0x3FA8]  }
0x2a: {  	p0 =	seq.s32 s5, $0x0;
	s5 =	sld [smem:$0x3FA9]  }
0x2b: {  	s6 =	sld [smem:$0x3FAA]  }
0x2c: {  	s7 =	sld [smem:$0x3FAB]  }
0x2d: {  	s3 =	simm.s32 $0x108;
	s8 =	sld [smem:$0x3FAC]  }
0x2e: {  	s3 =	simm.s32 @!p0 $0x1082;
	s9 =	sld [smem:$0x3FAD]  }
0x2f: {  	lr =	sadd.s32 s0, s3;
	s0 =	sld [smem:$0x3FA4]  }
0x30: {  	s3 =	sld [smem:$0x3FA7]  }
0x31: {  	[smem:$0x3FB0] =	sst s10  }
0x32: {  	s10 =	sld [smem:$0x3FAE];
	_ =	sdelay $0x3  }
0x33: {  	p0 =	seq.s32 s10, $0x1;
	s10 =	sld [smem:$0x3FB0];
	_ =	sdelay $0x3  }
0x34: {  	[smem:$0x3FB0] =	sst s10  }
0x35: {  	s10 =	sld [smem:$0x3FAF];
	_ =	sdelay $0x3  }
0x36: {  	p1 =	seq.s32 s10, $0x1;
	s10 =	sld [smem:$0x3FB0];
	_ =	sdelay $0x3  }
0x37: {  	[smem:$0x3FB0] =	sst s10  }
0x38: {  	s10 =	sld [smem:$0x3FB1]  }
0x39: {  	_ = 	snop;
	(pc) =	sbr.ind lr, $3  }
0x3a: {  	_ = 	snop  }
0x3b: {  	_ = 	snop  }
0x3c: {  	p2 =	seq.s32 s10, $0x1;
	s10 =	sld [smem:$0x3FB0]  }
0x3d: {  	_ =	shalt  }
0x3e: {  	_ =	shalt  }
0x3f: {  	_ =	shalt  }
0x40: {  	_ =	shalt  }
0x41: {  	_ =	shalt  }
0x42: {  	_ =	shalt  }
0x43: {  	_ =	shalt  }
0x44: {  	_ =	shalt  }
0x45: {  	_ =	shalt  }
0x46: {  	_ =	shalt  }
0x47: {  	_ =	shalt  }
0x48: {  	_ =	shalt  }
0x49: {  	_ =	shalt  }
0x4a: {  	_ =	shalt  }
0x4b: {  	_ =	shalt  }
0x4c: {  	_ =	shalt  }
0x4d: {  	_ =	shalt  }
0x4e: {  	_ =	shalt  }
0x4f: {  	_ =	shalt  }
0x50: {  	_ =	shalt  }
0x51: {  	_ =	shalt  }
0x52: {  	_ =	shalt  }
0x53: {  	_ =	shalt  }
0x54: {  	_ =	shalt  }
0x55: {  	_ =	shalt  }
0x56: {  	_ =	shalt  }
0x57: {  	_ =	shalt  }
0x58: {  	_ =	shalt  }
0x59: {  	_ =	shalt  }
0x5a: {  	_ =	shalt  }
0x5b: {  	_ =	shalt  }
0x5c: {  	_ =	shalt  }
0x5d: {  	_ =	shalt  }
0x5e: {  	_ =	shalt  }
0x5f: {  	_ =	shalt  }
0x60: {  	_ =	shalt  }
0x61: {  	_ =	shalt  }
0x62: {  	_ =	shalt  }
0x63: {  	_ =	shalt  }
0x64: {  	_ =	shalt  }
0x65: {  	_ =	shalt  }
0x66: {  	_ =	shalt  }
0x67: {  	_ =	shalt  }
0x68: {  	_ =	shalt  }
0x69: {  	_ =	shalt  }
0x6a: {  	_ =	shalt  }
0x6b: {  	_ =	shalt  }
0x6c: {  	_ =	shalt  }
0x6d: {  	_ =	shalt  }
0x6e: {  	_ =	shalt  }
0x6f: {  	_ =	shalt  }
0x70: {  	_ =	shalt  }
0x71: {  	_ =	shalt  }
0x72: {  	_ =	shalt  }
0x73: {  	_ =	shalt  }
0x74: {  	_ =	shalt  }
0x75: {  	_ =	shalt  }
0x76: {  	_ =	shalt  }
0x77: {  	_ =	shalt  }
0x78: {  	_ =	shalt  }
0x79: {  	_ =	shalt  }
0x7a: {  	_ =	shalt  }
0x7b: {  	_ =	shalt  }
0x7c: {  	_ =	shalt  }
0x7d: {  	_ =	shalt  }
0x7e: {  	_ =	shalt  }
0x7f: {  	_ =	shalt  }
0x80: {  	_ =	shalt  }
0x81: {  	_ =	shalt  }
0x82: {  	_ =	shalt  }
0x83: {  	_ =	shalt  }
0x84: {  	_ =	shalt  }
0x85: {  	_ =	shalt  }
0x86: {  	_ =	shalt  }
0x87: {  	_ =	shalt  }
.Lfunc_end0:
.L_simem_size_0:
called_computation_lowered:
.L_overlay_start_0:
0x88: {  	s2 =	sld [smem:$0x3FD9]  }
0x89: {  	s3 =	sld [smem:$0x3FFE];
	_ =	sdelay $0x1  }
0x8a: {  	s1 =	srdreg.scid  }
0x8b: {  	s0 =	sand.u32 $0x1, s1  }
0x8c: {  	s17 =	sshll.u32 s0, $0xA;
	s2 =	sadd.s32 s3, s2  }
0x8d: {  	s2 =	sadd.s32 s2, s17  }
0x8e: {  	[smem:$0x3FBC] =	sst s2  }
0x8f: {  	_ = 	snop  }
0x90: {  	s2 =	sld [smem:$0x3FD0];
	(tm) =	ssettm $0x1  }
0x91: {  	s18 =	sld [smem:$0x3FFB];
	_ =	sdelay $0x3  }
0x92: {  	_ =	strace s18  }
0x93: {  	s3 =	sld [smem:$0x3FFC];
	_ =	sdelay $0x3  }
0x94: {  	_ =	strace s3  }
0x95: {  	s3 =	sld [smem:$0x3FFD];
	_ =	sdelay $0x3  }
0x96: {  	_ =	strace s3  }
0x97: {  	_ =	strace $0x8FFFFFFF  }
0x98: {  	s19 =	sld [smem:$0x3FDB];
	_ =	sdelay $0x1  }
0x99: {  	s4 =	simm.s32 $_scs_section_size  }
0x9a: {  	s5 =	simm.s32 $_size__tile_overlayer_lowered;
	s6 =	simm.s32 $_tile_overlayer_lowered  }
0x9b: {  	s22 =	simm.s32 $0x1BFF;
	s21 =	sshll.u32 s6, $0x1;
	s3 =	sadd.s32 s4, s19  }
0x9c: {  	s7 =	simm.s32 $0x0;
	s20 =	sshll.u32 s5, $0x1;
	s5 =	sadd.s32 s21, s3  }
0x9d: {  	[timem:s7], [sflag:s22] =	dma.local [hbm:s5], s20  }
0x9e: {  	_ =	swait.ge [sflag:s22], s20  }
0x9f: {  	s4 =	ssub.s32 $0x0, s20;
	[sflag:s22] =	ssyncset.done $0x0  }
0xa0: {  	[sflag:s22] =	ssyncadd.s32 s4;
	_ =	sdelay $0x1  }
0xa1: {  	s23 =	simm.s32 $0x1B8B  }
0xa2: {  	_ =	swait.ge [sflag:s23], $0x1  }
0xa3: {  	[sflag:s23] =	ssyncset.done $0x0  }
0xa4: {  	s25 =	simm.s32 $0x1B8E;
	s24 =	sld [smem:$0x3FFE];
	[sflag:s23] =	ssyncadd.s32 $0xFFFFFFFF  }
0xa5: {  	s26 =	simm.s32 $execute0_lowered;
	[smem:$0x3FD2] =	sst s25  }
0xa6: {  	s5 =	sshll.u32 s26, $0x1;
	_ =	strace $0x80000046;
	[dreg:$0x1] =	wrdreg $0xFFFFFFFF  }
0xa7: {  	s28 =	simm.s32 $_size_execute0_lowered;
	s3 =	sadd.s32 s3, s5;
	[dreg:$0x0] =	wrdreg $0x0  }
0xa8: {  	s5 =	sshll.u32 s28, $0x1;
	[dreg:$0x2] =	wrdreg s3  }
0xa9: {  	[dreg:$0x3] =	wrdreg s5  }
0xaa: {  	[dreg:$0x4] =	wrdreg $0xC0  }
0xab: {  	_ =	task [dreg:s7], $0x5FFFF  }
0xac: {  	[dreg:$0x1] =	wrdreg $0xFFFFFFFF  }
0xad: {  	[dreg:$0x0] =	wrdreg $0x60  }
0xae: {  	[dreg:$0x2] =	wrdreg s24  }
0xaf: {  	[dreg:$0x3] =	wrdreg s2  }
0xb0: {  	[dreg:$0x4] =	wrdreg $0x0  }
0xb1: {  	[dreg:$0x5] =	wrdreg $0x140000  }
0xb2: {  	[dreg:$0x6] =	wrdreg $0x9  }
0xb3: {  	_ =	task.clear_ibuf [dreg:s7], $0x7FFFF;
	_ =	strace $0x90000046  }
0xb4: {  	s29 =	simm.s32 $0x9;
	_ =	strace $0x80000048  }
0xb5: {  	_ =	swait.ge [sflag:s29], $0x1  }
0xb6: {  	[sflag:s29] =	ssyncadd.s32 $0xFFFFFFFF  }
0xb7: {  	_ =	strace $0x90000048  }
0xb8: {  	_ =	sfence  }
0xb9: {  	s30 =	sld [smem:$0x0];
	_ =	sdelay $0x2  }
0xba: {  	s31 =	sshll.u32 s1, $0xD;
	s1 =	sshrl.u32 s1, $0x2  }
0xbb: {  	s3 =	sand.u32 $0x4000, s31;
	s1 =	sadd.s32 s1, s30  }
0xbc: {  	s0 =	sor.u32 s3, s0;
	s1 =	sshll.u32 s1, $0x11  }
0xbd: {  	s0 =	sor.u32 s1, s0  }
0xbe: {  	s0 =	sadd.s32 $0x8F2B, s0  }
0xbf: {  	[sflag:s0] =	ssyncadd.remote.s32 $0x1  }
0xc0: {  	_ =	sfence.sel $0xFFFF  }
0xc1: {  	[dreg:$0x0] =	wrdreg $0xFFFFFFFF;
	(pc) =	sbr.abs _section_cstart, $3  }
0xc2: {  	[dreg:$0x1] =	wrdreg $0xFFFFFFFF  }
0xc3: {  	_ =	task.clear_ibuf [dreg:s7], $0x2FFFF;
	_ =	strace $0x9FFFFFFF  }
0xc4: {  	(tm) =	ssettm $0x7FFFFFFF  }
0xc5: {  	_ =	shalt  }
tec
execute0_lowered:
.L_overlay_start_1:
0x0: {  	(tag) =	ssettag $0x1  }
0x1: {  	s0 =	rddreg [dreg:$0x0]  }
0x2: {  	s1 =	rddreg [dreg:$0x1]  }
0x3: {  	s2 =	rddreg [dreg:$0x2]  }
0x4: {  	s3 =	rddreg [dreg:$0x3];
	s4 =	simm.s32 $0x0;
	s7 =	srdreg.scid  }
0x5: {  	s28 =	simm.s32 $0x4;
	[smem:$0x7FF] =	sst s4;
	s4 =	stileid.u32  }
0x6: {  	s5 =	sadd.s32 $0x2000, s0;
	s17 =	sadd.s32 $0x7A000, s0;
	s11 =	smul.u32 $0x1400, s4  }
0x7: {  	s18 =	sadd.s32 $0x7CE00, s0;
	s7 =	sand.u32 $0x1, s7;
	s21 =	smul.u32 $0x14000, s4  }
0x8: {  	s19 =	sadd.s32 $0x7C800, s0;
	s6 =	sadd.s32 $0xA7600, s0;
	s15 =	smul.u32 $0x140000, s7  }
0x9: {  	_ =	strace $0x80000047;
	[dreg:$0x5] =	wrdreg s17;
	s17 =	smul.u32 $0xA00, s4  }
0xa: {  	s8 =	sadd.s32 $0xA4E00, s0;
	[dreg:$0x6] =	wrdreg s18;
	s26 =	smul.u32 $0x5100, s4  }
0xb: {  	[dreg:$0x7] =	wrdreg s19;
	s9 =	sshll.u32 s4, $0x1;
	s29 =	smul.u32 $0x2880, s7  }
0xc: {  	s10 =	ssub.s32 $0x2, s7;
	s14 =	sshll.u32 s7, $0x7;
	s31 =	smul.u32 $0xD8, s4  }
0xd: {  	s16 =	sor.u32 $0x2, s7;
	s23 =	sor.u32 $0x4, s7;
	s18 =	smul.u32 $0x6C, s7  }
0xe: {  	s19 =	sadd.s32 $0x7A030, s0;
	p0 =	sne.s32 s4, $0x0;
	s9 =	sor.u32 s7, s9  }
0xf: {  	s12 =	sshrl.u32 s10, $0x1;
	s22 =	sshll.u32 s16, $0x7;
	s16 =	smul.u32 $0x140000, s16  }
0x10: {  	s25 =	sshll.u32 s23, $0x7;
	[dreg:$0xe] =	wrdreg s19;
	s13 =	smul.u32 $0x6C, s9  }
0x11: {  	s10 =	ssub.s32 s10, s12;
	s20 =	sor.u32 s14, s11;
	s9 =	smul.u32 $0xD80, s9  }
0x12: {  	s15 =	sadd.s32 s21, s15;
	s14 =	simm.s32 $0x60;
	s12 =	sshrl.u32 s20, $0x3  }
0x13: {  	s15 =	sshrl.u32 s15, $0x3;
	s24 =	sadd.s32 s21, s16;
	s20 =	sadd.s32 s29, s26  }
0x14: {  	s26 =	smax.u32 s10, $0x1;
	s10 =	simm.s32 $0x5;
	s16 =	simm.s32 $0x19780  }
0x15: {  	s12 =	sadd.s32 s8, s12;
	s15 =	sadd.s32 s6, s15;
	[dreg:$0xf] =	wrdreg s20  }
0x16: {  	s9 =	sadd.s32 s1, s9;
	s19 =	sor.u32 $0x2, s13;
	[dreg:$0x17] =	wrdreg s26  }
0x17: {  	s20 =	sor.u32 $0x3, s13;
	s13 =	simm.s32 $0x1;
	[dreg:$0x8] =	wrdreg s12  }
0x18: {  	s26 =	simm.s32 $0x19480;
	s12 =	sor.u32 s11, s22;
	[dreg:$0x9] =	wrdreg s15  }
0x19: {  	s15 =	sshrl.u32 s24, $0x3;
	s11 =	sor.u32 s11, s25;
	s22 =	sshrl.u32 s17, $0x2  }
0x1a: {  	s24 =	sadd.s32 $0x7A040, s0;
	s25 =	sadd.s32 $0x7A020, s0;
	[dreg:$0x10] =	wrdreg s9  }
0x1b: {  	s12 =	sshrl.u32 s12, $0x3;
	s11 =	sshrl.u32 s11, $0x3;
	[dreg:$0x14] =	wrdreg s24  }
0x1c: {  	s15 =	sadd.s32 s6, s15;
	[dreg:$0x15] =	wrdreg s25;
	s24 =	simm.s32 $0x1C780  }
0x1d: {  	s25 =	simm.s32 $0x19680;
	s12 =	sadd.s32 s8, s12;
	[dreg:$0xc] =	wrdreg s15  }
0x1e: {  	s8 =	sadd.s32 s8, s11;
	s11 =	simm.s32 $0x16A80;
	[dreg:$0xa] =	wrdreg s12  }
0x1f: {  	s15 =	simm.s32 $0x19580;
	s12 =	smul.u32 $0x140000, s23;
	[dreg:$0xb] =	wrdreg s8  }
0x20: {  	s8 =	sadd.s32 s22, s3;
	s23 =	sadd.s32 $0x7A010, s0;
	s0 =	sadd.s32 $0x7A050, s0  }
0x21: {  	s22 =	simm.s32 $0x2;
	[dreg:$0x11] =	wrdreg s8;
	s12 =	sadd.s32 s21, s12  }
0x22: {  	[dreg:$0x13] =	wrdreg s23;
	s21 =	smul.u32 $0x50000, s4;
	s30 =	sshrl.u32 s12, $0x3  }
0x23: {  	[dreg:$0x16] =	wrdreg s0;
	s23 =	simm.s32 $0x19600;
	s6 =	sadd.s32 s6, s30  }
0x24: {  	s7 =	sshrl.u32 s21, $0x2;
	[dreg:$0xd] =	wrdreg s6;
	s6 =	sadd.s32 s18, s31  }
0x25: {  	s8 =	simm.s32 $0x0;
	s7 =	sadd.s32 s7, s2;
	s6 =	smul.u32 $0x60, s6  }
0x26: {  	s4 =	simm.s32 $0x80;
	s31 =	sadd.s32 $0x20, s9;
	[dreg:$0x12] =	wrdreg s7  }
0x27: {  	s12 =	simm.s32 $0x19700;
	[dreg:$0x1a] =	wrdreg s31;
	s29 =	sor.u32 $0x60, s6  }
0x28: {  	s21 =	simm.s32 $0x19380;
	s30 =	sadd.s32 $0xC0, s6;
	[dreg:$0x18] =	wrdreg s29  }
0x29: {  	s7 =	simm.s32 $0x19500;
	s6 =	simm.s32 $0x14280;
	[dreg:$0x19] =	wrdreg s30  }
.LBB2_1:
0x2a: {  	[dreg:$0x1b] =	wrdreg s8  }
0x2b: {  	s0 =	rddreg [dreg:$0x5];
	s31 =	simm.s32 $0x400  }
0x2c: {  	[tilespmem:s6], [sflag:$0x5] =	stream.strided.gather [hbm4b:s0+s4], $0x2800, s31, s4, $0x38;
	[tilespmem:$0x1F780] =	vst v63  }
0x2d: {  	_ =	swait.ge [sflag:s10], $0x2800  }
0x2e: {  	[sflag:s10] =	ssyncset.done $0x0  }
0x2f: {  	s9 =	rddreg [dreg:$0xe];
	[sflag:s10] =	ssyncadd.s32 $0xFFFFD800  }
0x30: {  	[tilespmem:s11], [sflag:$0x5] =	stream.strided.gather [hbm4b:s9+s4], $0x2800, s31, s4, $0x38;
	[tilespmem:$0x1F780] =	vst v63  }
0x31: {  	s8 =	sshrl.u32 @!p0 s2, $0x3;
	_ =	swait.ge [sflag:s10], $0x2800  }
0x32: {  	[dreg:$0x1f] =	wrdreg s8;
	[sflag:s10] =	ssyncset.done $0x0  }
0x33: {  	s0 =	simm.s32 @!p0 $0x1C05;
	s4 =	rddreg [dreg:$0x6];
	[sflag:s10] =	ssyncadd.s32 $0xFFFFD800  }
0x34: {  	[spmem:s8], [sflag:s0] =	dma.local @!p0 [hbm:s4], $0x28000  }
0x35: {  	s8 =	simm.s32 @!p0 $0x5  }
0x36: {  	_ =	swait.ge @!p0 [sflag:s8], $0x28000  }
0x37: {  	s9 =	sshrl.u32 @!p0 s3, $0x3;
	[sflag:s8] =	ssyncset.done @!p0 $0x0;
	s4 =	rddreg [dreg:$0x7]  }
0x38: {  	[smem:$0x7FD] =	sst s9;
	[sflag:s8] =	ssyncadd.s32 @!p0 $0xFFFD8000  }
0x39: {  	[spmem:s9], [sflag:s0] =	dma.local @!p0 [hbm:s4], $0x500  }
0x3a: {  	_ =	swait.ge @!p0 [sflag:s8], $0x500  }
0x3b: {  	[sflag:s8] =	ssyncset.done @!p0 $0x0  }
0x3c: {  	[sflag:s8] =	ssyncadd.s32 @!p0 $0xFFFFFB00  }
0x3d: {  	[bflag:$0x0] =	sbarrier.arrive $0xFFFF  }
0x3e: {  	s17 =	simm.s32 $0x0;
	s29 =	simm.s32 $0x19280;
	s18 =	rddreg [dreg:$0x10]  }
0x3f: {  	[tilespmem:s29], [sflag:$0x1] =	stream.linear.gather [hbm4b:s18+s17], $0x100, $0x38;
	[tilespmem:$0x1F780] =	vst v63  }
0x40: {  	_ =	swait.ge [sflag:s13], $0x100  }
0x41: {  	[sflag:s13] =	ssyncset.done $0x0  }
0x42: {  	s30 =	simm.s32 $0x0;
	[sflag:s13] =	ssyncadd.s32 $0xFFFFFF00  }
0x43: {  	v0 =	vld [tilespmem:s30+$0x19280]  }
0x44: {  	v1 =	vld [tilespmem:s30+$0x19300];
	_ =	sdelay $0x6  }
0x45: {  	v2 =	vld.idx.msk [tilespmem:v0+s6+$0x0], $0xffff  }
0x46: {  	v3 =	vld.idx.msk [tilespmem:v1+s11+$0x0], $0xffff;
	_ =	sdelay $0x4  }
0x47: {  	v2 =	vadd.f32 v3, v2;
	_ =	sdelay $0x1  }
0x48: {  	v3 =	vmul.f32 $2.000000030e-01, v2  }
0x49: {  	vm0 =	vge.f32 v2, $0.0e+00  }
0x4a: {  	v2 =	vsel vm0, v2, v3  }
0x4b: {  	v2 =	vmul.f32 $1.442695020e+00, v2;
	_ =	sdelay $0x1  }
0x4c: {  	(erf) = vpow2.f32 v2;
	_ =	sdelay $0x1  }
0x4d: {  	[tilespmem:s30+$0x19680] =	vst v1  }
0x4e: {  	s0 =	simm.s32 $0x10;
	[tilespmem:s30+$0x19580] =	vst v0  }
0x4f: {  	v0 =	vld [tilespmem:s0+$0x19280]  }
0x50: {  	v1 =	vld [tilespmem:s0+$0x19300];
	_ =	sdelay $0x2  }
0x51: {  	s31 =	rddreg [dreg:$0xf]  }
0x52: {  	p1 =	slt.u32 s31, $0x50910;
	v2 =	vpop (erf)  }
0x53: {  	v2 =	vpsel !p1, $0x0, v2  }
0x54: {  	[tilespmem:s30+$0x19480] =	vst v2  }
0x55: {  	v2 =	vld.idx.msk [tilespmem:v0+s6+$0x0], $0xffff  }
0x56: {  	v3 =	vld.idx.msk [tilespmem:v1+s11+$0x0], $0xffff;
	_ =	sdelay $0x4  }
0x57: {  	v2 =	vadd.f32 v3, v2;
	_ =	sdelay $0x1  }
0x58: {  	v3 =	vmul.f32 $2.000000030e-01, v2  }
0x59: {  	vm15 =	vge.f32 v2, $0.0e+00  }
0x5a: {  	v2 =	vsel vm15, v2, v3  }
0x5b: {  	[tilespmem:s0+$0x19680] =	vst v1;
	v1 =	vmul.f32 $1.442695020e+00, v2;
	_ =	sdelay $0x1  }
0x5c: {  	(erf) = vpow2.f32 v1;
	_ =	sdelay $0x2  }
0x5d: {  	s17 =	simm.s32 $0x20;
	[tilespmem:s0+$0x19580] =	vst v0  }
0x5e: {  	s9 =	simm.s32 $0xC0;
	s8 =	smov.u32 s31;
	v0 =	vld [tilespmem:s17+$0x19280]  }
.LBB2_2:
0x5f: {  	p2 =	sne.s32 s9, $0x140;
	v1 =	vld [tilespmem:s17+$0x19300];
	_ =	sdelay $0x2  }
0x60: {  	s8 =	sadd.s32 $0x10, s8  }
0x61: {  	p3 =	slt.u32 s8, $0x50910;
	v2 =	vpop (erf)  }
0x62: {  	v2 =	vpsel !p3, $0x0, v2  }
0x63: {  	[tilespmem:s0+$0x19480] =	vst v2;
	s0 =	smov.u32 s17  }
0x64: {  	v2 =	vld.idx.msk [tilespmem:v0+s6+$0x0], $0xffff  }
0x65: {  	v3 =	vld.idx.msk [tilespmem:v1+s11+$0x0], $0xffff;
	[tilespmem:s0+$0x19680] =	vst v1  }
0x66: {  	[tilespmem:s0+$0x19580] =	vst v0;
	_ =	sdelay $0x4  }
0x67: {  	v0 =	vadd.f32 v3, v2;
	_ =	sdelay $0x1  }
0x68: {  	v1 =	vmul.f32 $2.000000030e-01, v0  }
0x69: {  	vm0 =	vge.f32 v0, $0.0e+00  }
0x6a: {  	v0 =	vsel vm0, v0, v1  }
0x6b: {  	v0 =	vmul.f32 $1.442695020e+00, v0;
	_ =	sdelay $0x1  }
.Ltmp0:
0x6c: {  	(erf) = vpow2.f32 v0;
	(pc) =	sbr.rel @p2 .LBB2_2-.Ltmp0, $3  }
0x6d: {  	_ =	sdelay $0x1  }
0x6e: {  	s17 =	sshra.s32 s9, $0x2  }
0x6f: {  	s9 =	sadd.s32 $0x40, s9;
	v0 =	vld [tilespmem:s17+$0x19280]  }
0x70: {  	_ = 	snop  }
0x71: {  	v1 =	vld [tilespmem:s17+$0x19300];
	_ =	sdelay $0x2  }
0x72: {  	s8 =	sadd.s32 $0x10, s8  }
0x73: {  	p2 =	slt.u32 s8, $0x50910;
	v2 =	vpop (erf)  }
0x74: {  	v2 =	vpsel !p2, $0x0, v2  }
0x75: {  	[tilespmem:s0+$0x19480] =	vst v2  }
0x76: {  	v2 =	vld.idx.msk [tilespmem:v0+s6+$0x0], $0xffff  }
0x77: {  	v3 =	vld.idx.msk [tilespmem:v1+s11+$0x0], $0xffff;
	_ =	sdelay $0x4  }
0x78: {  	v2 =	vadd.f32 v3, v2;
	_ =	sdelay $0x1  }
0x79: {  	v3 =	vmul.f32 $2.000000030e-01, v2  }
0x7a: {  	vm0 =	vge.f32 v2, $0.0e+00  }
0x7b: {  	v2 =	vsel vm0, v2, v3  }
0x7c: {  	v2 =	vmul.f32 $1.442695020e+00, v2;
	_ =	sdelay $0x1  }
0x7d: {  	(erf) = vpow2.f32 v2;
	_ =	sdelay $0x7  }
0x7e: {  	s31 =	sadd.s32 $0x10, s8  }
0x7f: {  	p6 =	slt.u32 s31, $0x50910;
	[tilespmem:s17+$0x19680] =	vst v1;
	v62 =	vpop (erf)  }
0x80: {  	s4 =	rddreg [dreg:$0x1a];
	[tilespmem:s17+$0x19580] =	vst v0;
	v63 =	vpsel !p6, $0x0, v62  }
0x81: {  	s9 =	rddreg [dreg:$0x19];
	[tilespmem:s17+$0x19480] =	vst v63  }
0x82: {  	[tilespmem:s16], [sflag:$0x3] =	stream.indirect.gather [hbm4b:s5+s14], $0x80, s15, s14, $0xb8;
	[tilespmem:$0x1F780] =	vst v63  }
0x83: {  	s0 =	simm.s32 $0x0;
	s17 =	rddreg [dreg:$0x18]  }
0x84: {  	[tilespmem:s21], [sflag:$0x2] =	stream.linear.gather [hbm4b:s4+s0], $0x100, $0x38;
	[tilespmem:$0x1F780] =	vst v63  }
.LBB2_4:
0x85: {  	_ =	swait.ge [sflag:s22], $0x100  }
0x86: {  	[sflag:s22] =	ssyncset.done $0x0  }
0x87: {  	s18 =	simm.s32 $0x0;
	[sflag:s22] =	ssyncadd.s32 $0xFFFFFF00  }
0x88: {  	v0 =	vld [tilespmem:s18+$0x19380]  }
0x89: {  	v1 =	vld [tilespmem:s18+$0x19400];
	_ =	sdelay $0x6  }
0x8a: {  	v2 =	vld.idx.msk [tilespmem:v0+s6+$0x0], $0xffff  }
0x8b: {  	v3 =	vld.idx.msk [tilespmem:v1+s11+$0x0], $0xffff;
	_ =	sdelay $0x4  }
0x8c: {  	v2 =	vadd.f32 v3, v2;
	_ =	sdelay $0x1  }
0x8d: {  	v3 =	vmul.f32 $2.000000030e-01, v2  }
0x8e: {  	vm0 =	vge.f32 v2, $0.0e+00  }
0x8f: {  	v2 =	vsel vm0, v2, v3  }
0x90: {  	v2 =	vmul.f32 $1.442695020e+00, v2;
	_ =	sdelay $0x1  }
0x91: {  	(erf) = vpow2.f32 v2;
	_ =	sdelay $0x1  }
0x92: {  	[tilespmem:s18+$0x19700] =	vst v1  }
0x93: {  	s8 =	simm.s32 $0x10;
	[tilespmem:s18+$0x19600] =	vst v0  }
0x94: {  	v0 =	vld [tilespmem:s8+$0x19380]  }
0x95: {  	v1 =	vld [tilespmem:s8+$0x19400];
	_ =	sdelay $0x3  }
0x96: {  	p2 =	slt.u32 s17, $0x50910;
	v2 =	vpop (erf)  }
0x97: {  	v2 =	vpsel !p2, $0x0, v2  }
0x98: {  	[tilespmem:s18+$0x19500] =	vst v2  }
0x99: {  	v2 =	vld.idx.msk [tilespmem:v0+s6+$0x0], $0xffff  }
0x9a: {  	v3 =	vld.idx.msk [tilespmem:v1+s11+$0x0], $0xffff;
	_ =	sdelay $0x4  }
0x9b: {  	v2 =	vadd.f32 v3, v2;
	_ =	sdelay $0x1  }
0x9c: {  	v3 =	vmul.f32 $2.000000030e-01, v2  }
0x9d: {  	vm15 =	vge.f32 v2, $0.0e+00  }
0x9e: {  	v2 =	vsel vm15, v2, v3  }
0x9f: {  	[tilespmem:s8+$0x19700] =	vst v1;
	v1 =	vmul.f32 $1.442695020e+00, v2;
	_ =	sdelay $0x1  }
0xa0: {  	(erf) = vpow2.f32 v1;
	_ =	sdelay $0x2  }
0xa1: {  	s31 =	simm.s32 $0x20;
	[tilespmem:s8+$0x19600] =	vst v0  }
0xa2: {  	s30 =	simm.s32 $0xC0;
	s29 =	smov.u32 s17;
	s18 =	sshll.u32 s0, $0x1;
	v0 =	vld [tilespmem:s31+$0x19380]  }
.LBB2_5:
0xa3: {  	p2 =	sne.s32 s30, $0x140;
	v1 =	vld [tilespmem:s31+$0x19400];
	_ =	sdelay $0x2  }
0xa4: {  	s29 =	sadd.s32 $0x10, s29  }
0xa5: {  	p3 =	slt.u32 s29, $0x50910;
	v2 =	vpop (erf)  }
0xa6: {  	v2 =	vpsel !p3, $0x0, v2  }
0xa7: {  	[tilespmem:s8+$0x19500] =	vst v2;
	s8 =	smov.u32 s31  }
0xa8: {  	v2 =	vld.idx.msk [tilespmem:v0+s6+$0x0], $0xffff  }
0xa9: {  	v3 =	vld.idx.msk [tilespmem:v1+s11+$0x0], $0xffff;
	[tilespmem:s8+$0x19700] =	vst v1  }
0xaa: {  	[tilespmem:s8+$0x19600] =	vst v0;
	_ =	sdelay $0x4  }
0xab: {  	v0 =	vadd.f32 v3, v2;
	_ =	sdelay $0x1  }
0xac: {  	v1 =	vmul.f32 $2.000000030e-01, v0  }
0xad: {  	vm0 =	vge.f32 v0, $0.0e+00  }
0xae: {  	v0 =	vsel vm0, v0, v1  }
0xaf: {  	v0 =	vmul.f32 $1.442695020e+00, v0;
	_ =	sdelay $0x1  }
.Ltmp1:
0xb0: {  	(erf) = vpow2.f32 v0;
	(pc) =	sbr.rel @p2 .LBB2_5-.Ltmp1, $3  }
0xb1: {  	_ =	sdelay $0x1  }
0xb2: {  	s31 =	sshra.s32 s30, $0x2  }
0xb3: {  	s30 =	sadd.s32 $0x40, s30;
	v0 =	vld [tilespmem:s31+$0x19380]  }
0xb4: {  	_ = 	snop  }
0xb5: {  	v1 =	vld [tilespmem:s31+$0x19400];
	_ =	sdelay $0x2  }
0xb6: {  	s29 =	sadd.s32 $0x10, s29  }
0xb7: {  	p2 =	slt.u32 s29, $0x50910;
	v2 =	vpop (erf)  }
0xb8: {  	v2 =	vpsel !p2, $0x0, v2  }
0xb9: {  	[tilespmem:s8+$0x19500] =	vst v2  }
0xba: {  	v2 =	vld.idx.msk [tilespmem:v0+s6+$0x0], $0xffff  }
0xbb: {  	v3 =	vld.idx.msk [tilespmem:v1+s11+$0x0], $0xffff;
	_ =	sdelay $0x4  }
0xbc: {  	v2 =	vadd.f32 v3, v2;
	_ =	sdelay $0x1  }
0xbd: {  	v3 =	vmul.f32 $2.000000030e-01, v2  }
0xbe: {  	vm0 =	vge.f32 v2, $0.0e+00  }
0xbf: {  	v2 =	vsel vm0, v2, v3  }
0xc0: {  	v2 =	vmul.f32 $1.442695020e+00, v2;
	_ =	sdelay $0x1  }
0xc1: {  	(erf) = vpow2.f32 v2;
	_ =	sdelay $0x7  }
0xc2: {  	s4 =	sadd.s32 $0x10, s29;
	p2 =	seq.s32 s0, $0x35  }
0xc3: {  	p6 =	slt.u32 s4, $0x50910;
	s8 =	sadd.s32 @!p2 s18, s19;
	[tilespmem:s31+$0x19700] =	vst v1;
	v1 =	vpop (erf)  }
0xc4: {  	s8 =	sshll.u32 @!p2 s8, $0x5;
	[tilespmem:s31+$0x19600] =	vst v0;
	v0 =	vpsel !p6, $0x0, v1  }
0xc5: {  	s8 =	sand.u32 @!p2 $0x1FFFFFC0, s8;
	[tilespmem:s31+$0x19500] =	vst v0  }
0xc6: {  	[tilespmem:s24], [sflag:$0x4] =	stream.indirect.gather [hbm4b:s5+s14], $0x80, s23, s14, $0xb8;
	[tilespmem:$0x1F780] =	vst v63  }
0xc7: {  	s29 =	simm.s32 @!p2 $0x0;
	s30 =	simm.s32 @!p2 $0x19280;
	s8 =	sadd.s32 @!p2 s1, s8  }
0xc8: {  	[tilespmem:s30], [sflag:$0x1] =	stream.linear.gather @!p2 [hbm4b:s8+s29], $0x100, $0x38;
	[tilespmem:$0x1F780] =	vst v63  }
0xc9: {  	s4 =	simm.s32 $0x0;
	s29 =	simm.s32 $0x3  }
0xca: {  	v0 =	vmov s4;
	_ =	swait.ge [sflag:s29], $0x3000  }
0xcb: {  	v0 =	vand.u32 $0xFFFFFFFC, v0;
	[sflag:s29] =	ssyncset.done $0x0  }
0xcc: {  	v0 =	vbroadcast v0, $0x0;
	[sflag:s29] =	ssyncadd.s32 $0xFFFFD000  }
0xcd: {  	[spmem:s3] =	stream.indirect.scatter.add.f32 [tilespmem:s26], [sflag:$0x5], $0x1, s25, s14, $0xb8;
	[tilespmem:$0x1F780] =	vst v63  }
0xce: {  	_ =	swait.ge [sflag:s10], $0x60  }
0xcf: {  	[sflag:s10] =	ssyncset.done $0x0  }
0xd0: {  	s31 =	simm.s32 $0x19880;
	[sflag:s10] =	ssyncadd.s32 $0xFFFFFFA0  }
0xd1: {  	v2 =	vld [tilespmem:s31+$0xFFFFFF70]  }
0xd2: {  	v0 =	vld.idx.msk [tilespmem:v0+s26+$0x0], $0xffff  }
0xd3: {  	v3 =	vld [tilespmem:s31+$0xFFFFFF00]  }
0xd4: {  	v4 =	vld [tilespmem:s31+$0xFFFFFF20]  }
0xd5: {  	v5 =	vld [tilespmem:s31+$0xFFFFFF30]  }
0xd6: {  	v1 =	vld [tilespmem:s31+$0xFFFFFF50]  }
0xd7: {  	v7 =	vld [tilespmem:s31+$0xFFFFFF10];
	v2 =	vmul.f32 v2, v0  }
0xd8: {  	s4 =	simm.s32 $0x1;
	v6 =	vld [tilespmem:s31+$0xFFFFFF60];
	v3 =	vmul.f32 v3, v0  }
0xd9: {  	v8 =	vld [tilespmem:s31+$0xFFFFFF40];
	v4 =	vmul.f32 v4, v0;
	[tilespmem:s31+$0xFFFFFF70] =	vst v2;
	v2 =	vmov s4  }
0xda: {  	v5 =	vmul.f32 v5, v0;
	[tilespmem:s31+$0xFFFFFF00] =	vst v3;
	v2 =	vand.u32 $0xFFFFFFFD, v2  }
0xdb: {  	v1 =	vmul.f32 v1, v0;
	[tilespmem:s31+$0xFFFFFF20] =	vst v4;
	v2 =	vbroadcast v2, $0x0  }
0xdc: {  	v3 =	vmul.f32 v7, v0;
	[tilespmem:s31+$0xFFFFFF30] =	vst v5  }
0xdd: {  	v4 =	vmul.f32 v6, v0;
	[tilespmem:s31+$0xFFFFFF50] =	vst v1  }
0xde: {  	v0 =	vmul.f32 v8, v0;
	[tilespmem:s31+$0xFFFFFF10] =	vst v3  }
0xdf: {  	[tilespmem:s31+$0xFFFFFF60] =	vst v4  }
0xe0: {  	[tilespmem:s31+$0xFFFFFF40] =	vst v0;
	v0 =	vld [tilespmem:s31+$0xFFFFFF80]  }
0xe1: {  	v2 =	vld.idx.msk [tilespmem:v2+s26+$0x0], $0xffff  }
0xe2: {  	v1 =	vld [tilespmem:s31+$0xFFFFFFA0]  }
0xe3: {  	v3 =	vld [tilespmem:s31+$0xFFFFFF90]  }
0xe4: {  	v4 =	vld [tilespmem:s31+$0xFFFFFFD0]  }
0xe5: {  	v5 =	vld [tilespmem:s31+$0xFFFFFFE0]  }
0xe6: {  	v6 =	vld [tilespmem:s31+$0xFFFFFFF0];
	v0 =	vmul.f32 v0, v2  }
0xe7: {  	v7 =	vld [tilespmem:s31+$0xFFFFFFB0];
	s4 =	simm.s32 $0x2;
	v1 =	vmul.f32 v1, v2  }
0xe8: {  	v8 =	vld [tilespmem:s31+$0xFFFFFFC0];
	v3 =	vmul.f32 v3, v2;
	[tilespmem:s31+$0xFFFFFF80] =	vst v0;
	v0 =	vmov s4  }
0xe9: {  	v4 =	vmul.f32 v4, v2;
	[tilespmem:s31+$0xFFFFFFA0] =	vst v1;
	v0 =	vand.u32 $0xFFFFFFFE, v0  }
0xea: {  	v1 =	vmul.f32 v5, v2;
	[tilespmem:s31+$0xFFFFFF90] =	vst v3;
	v3 =	vbroadcast v0, $0x0  }
0xeb: {  	v5 =	vmul.f32 v6, v2;
	[tilespmem:s31+$0xFFFFFFD0] =	vst v4;
	v6 =	vld [tilespmem:s31+$0x30]  }
0xec: {  	v4 =	vmul.f32 v7, v2;
	v0 =	vld [tilespmem:s31+$0x40];
	[tilespmem:s31+$0xFFFFFFE0] =	vst v1  }
0xed: {  	v2 =	vmul.f32 v8, v2;
	v1 =	vld [tilespmem:s31+$0x70];
	[tilespmem:s31+$0xFFFFFFF0] =	vst v5  }
0xee: {  	[tilespmem:s31+$0xFFFFFFB0] =	vst v4;
	v4 =	vld [tilespmem:s31+$0x20]  }
0xef: {  	[tilespmem:s31+$0xFFFFFFC0] =	vst v2;
	v5 =	vld [tilespmem:s31+$0x0]  }
0xf0: {  	v2 =	vld.idx.msk [tilespmem:v3+s26+$0x0], $0xffff  }
0xf1: {  	s30 =	simm.s32 $0x7;
	s8 =	simm.s32 $0x19880;
	v3 =	vld [tilespmem:s31+$0x10]  }
.LBB2_7:
0xf2: {  	p3 =	sne.s32 s30, $0x5F  }
0xf3: {  	v7 =	vld [tilespmem:s31+$0x50];
	s8 =	sadd.s32 $0x200, s8;
	s4 =	smov.u32 s30;
	s30 =	sadd.s32 $0x4, s30  }
0xf4: {  	v8 =	vld [tilespmem:s31+$0x60];
	_ =	sdelay $0x1  }
0xf5: {  	v5 =	vmul.f32 v5, v2;
	v3 =	vmul.f32 v3, v2  }
0xf6: {  	v4 =	vmul.f32 v4, v2;
	v6 =	vmul.f32 v6, v2  }
0xf7: {  	v0 =	vmul.f32 v0, v2;
	v1 =	vmul.f32 v1, v2;
	[tilespmem:s31+$0x0] =	vst v5  }
0xf8: {  	[tilespmem:s31+$0x20] =	vst v4;
	v4 =	vmul.f32 v7, v2;
	v2 =	vmul.f32 v8, v2  }
0xf9: {  	[tilespmem:s31+$0x30] =	vst v6;
	v5 =	vld [tilespmem:s31+$0x80]  }
0xfa: {  	[tilespmem:s31+$0x60] =	vst v2;
	v2 =	vmov s29;
	v6 =	vld [tilespmem:s31+$0xD0];
	s29 =	smov.u32 s4  }
0xfb: {  	[tilespmem:s31+$0x50] =	vst v4;
	v4 =	vld [tilespmem:s31+$0xE0]  }
0xfc: {  	[tilespmem:s31+$0x40] =	vst v0;
	v7 =	vld [tilespmem:s31+$0xB0]  }
0xfd: {  	v0 =	vld [tilespmem:s8+$0x40];
	[tilespmem:s31+$0x70] =	vst v1  }
0xfe: {  	v1 =	vld [tilespmem:s8+$0x70];
	[tilespmem:s31+$0x10] =	vst v3  }
0xff: {  	v2 =	vld.idx.msk [tilespmem:v2+s26+$0x0], $0xffff  }
0x100: {  	v3 =	vld [tilespmem:s31+$0x90]  }
0x101: {  	v8 =	vld [tilespmem:s31+$0xA0]  }
0x102: {  	v9 =	vld [tilespmem:s31+$0xC0]  }
0x103: {  	v10 =	vld [tilespmem:s31+$0xF0];
	_ =	sdelay $0x1  }
0x104: {  	v5 =	vmul.f32 v5, v2;
	v3 =	vmul.f32 v3, v2  }
0x105: {  	s4 =	sadd.s32 $0xFFFFFFFD, s29;
	v7 =	vmul.f32 v7, v2;
	v8 =	vmul.f32 v8, v2  }
0x106: {  	v11 =	vmov s4;
	v6 =	vmul.f32 v6, v2;
	[tilespmem:s31+$0x80] =	vst v5;
	v5 =	vmul.f32 v9, v2  }
0x107: {  	v9 =	vand.u32 $0xFFFFFFFC, v11;
	[tilespmem:s31+$0x90] =	vst v3;
	v3 =	vmul.f32 v4, v2;
	v2 =	vmul.f32 v10, v2  }
0x108: {  	v4 =	vbroadcast v9, $0x0;
	[tilespmem:s31+$0xA0] =	vst v8  }
0x109: {  	[tilespmem:s31+$0xD0] =	vst v6  }
0x10a: {  	v6 =	vld [tilespmem:s8+$0xFFFFFF50];
	[tilespmem:s31+$0xB0] =	vst v7  }
0x10b: {  	v7 =	vld [tilespmem:s8+$0xFFFFFF30];
	[tilespmem:s31+$0xC0] =	vst v5  }
0x10c: {  	v5 =	vld [tilespmem:s8+$0xFFFFFF60];
	[tilespmem:s31+$0xE0] =	vst v3  }
0x10d: {  	v3 =	vld [tilespmem:s8+$0xFFFFFF70];
	[tilespmem:s31+$0xF0] =	vst v2;
	s31 =	smov.u32 s8  }
0x10e: {  	v2 =	vld.idx.msk [tilespmem:v4+s26+$0x0], $0xffff  }
0x10f: {  	v4 =	vld [tilespmem:s8+$0xFFFFFF00]  }
0x110: {  	v8 =	vld [tilespmem:s8+$0xFFFFFF20]  }
0x111: {  	v9 =	vld [tilespmem:s8+$0xFFFFFF10]  }
0x112: {  	v10 =	vld [tilespmem:s8+$0xFFFFFF40];
	_ =	sdelay $0x1  }
0x113: {  	v3 =	vmul.f32 v3, v2;
	v4 =	vmul.f32 v4, v2  }
0x114: {  	s4 =	sadd.s32 $0xFFFFFFFE, s29;
	v5 =	vmul.f32 v5, v2;
	v8 =	vmul.f32 v8, v2  }
0x115: {  	v7 =	vmul.f32 v7, v2;
	v9 =	vmul.f32 v9, v2;
	[tilespmem:s8+$0xFFFFFF70] =	vst v3;
	v3 =	vmov s4  }
0x116: {  	[tilespmem:s8+$0xFFFFFF00] =	vst v4;
	v4 =	vmul.f32 v10, v2;
	v2 =	vmul.f32 v6, v2;
	v3 =	vand.u32 $0xFFFFFFFD, v3  }
0x117: {  	[tilespmem:s8+$0xFFFFFF20] =	vst v8;
	v3 =	vbroadcast v3, $0x0  }
0x118: {  	[tilespmem:s8+$0xFFFFFF30] =	vst v7  }
0x119: {  	[tilespmem:s8+$0xFFFFFF50] =	vst v2;
	v2 =	vld [tilespmem:s8+$0xFFFFFFF0]  }
0x11a: {  	[tilespmem:s8+$0xFFFFFF10] =	vst v9;
	v6 =	vld [tilespmem:s8+$0xFFFFFFD0]  }
0x11b: {  	[tilespmem:s8+$0xFFFFFF60] =	vst v5;
	v5 =	vld [tilespmem:s8+$0xFFFFFFB0]  }
0x11c: {  	[tilespmem:s8+$0xFFFFFF40] =	vst v4;
	v4 =	vld [tilespmem:s8+$0xFFFFFF90]  }
0x11d: {  	v3 =	vld.idx.msk [tilespmem:v3+s26+$0x0], $0xffff  }
0x11e: {  	v7 =	vld [tilespmem:s8+$0xFFFFFF80]  }
0x11f: {  	v8 =	vld [tilespmem:s8+$0xFFFFFFA0]  }
0x120: {  	v9 =	vld [tilespmem:s8+$0xFFFFFFC0]  }
0x121: {  	v10 =	vld [tilespmem:s8+$0xFFFFFFE0];
	_ =	sdelay $0x1  }
0x122: {  	v4 =	vmul.f32 v4, v3;
	v7 =	vmul.f32 v7, v3  }
0x123: {  	s4 =	sadd.s32 $0xFFFFFFFF, s29;
	v5 =	vmul.f32 v5, v3;
	v8 =	vmul.f32 v8, v3  }
0x124: {  	v6 =	vmul.f32 v6, v3;
	[tilespmem:s8+$0xFFFFFF80] =	vst v7;
	v7 =	vmul.f32 v9, v3;
	v9 =	vmov s4  }
0x125: {  	v2 =	vmul.f32 v2, v3;
	[tilespmem:s8+$0xFFFFFFA0] =	vst v8;
	v8 =	vmul.f32 v10, v3;
	v3 =	vand.u32 $0xFFFFFFFE, v9  }
0x126: {  	[tilespmem:s8+$0xFFFFFF90] =	vst v4;
	v3 =	vbroadcast v3, $0x0  }
0x127: {  	[tilespmem:s8+$0xFFFFFFD0] =	vst v6  }
0x128: {  	[tilespmem:s8+$0xFFFFFFE0] =	vst v8  }
0x129: {  	[tilespmem:s8+$0xFFFFFFB0] =	vst v5  }
.Ltmp2:
0x12a: {  	[tilespmem:s8+$0xFFFFFFF0] =	vst v2;
	v4 =	vld [tilespmem:s8+$0x20];
	(pc) =	sbr.rel @p3 .LBB2_7-.Ltmp2, $4  }
0x12b: {  	[tilespmem:s8+$0xFFFFFFC0] =	vst v7;
	v5 =	vld [tilespmem:s8+$0x0]  }
0x12c: {  	v2 =	vld.idx.msk [tilespmem:v3+s26+$0x0], $0xffff  }
0x12d: {  	v3 =	vld [tilespmem:s8+$0x10]  }
0x12e: {  	v6 =	vld [tilespmem:s8+$0x30]  }
0x12f: {  	_ =	sdelay $0x1  }
0x130: {  	v5 =	vmul.f32 v5, v2  }
0x131: {  	v7 =	vld [tilespmem:s31+$0x60];
	v4 =	vmul.f32 v4, v2  }
0x132: {  	v8 =	vld [tilespmem:s31+$0x50];
	v0 =	vmul.f32 v0, v2;
	[tilespmem:s31+$0x0] =	vst v5  }
0x133: {  	v1 =	vmul.f32 v1, v2;
	[tilespmem:s31+$0x20] =	vst v4  }
0x134: {  	v53 =	vmul.f32 v3, v2;
	[tilespmem:s31+$0x40] =	vst v0  }
0x135: {  	v52 =	vmov s29;
	v6 =	vmul.f32 v6, v2;
	[tilespmem:s31+$0x70] =	vst v1  }
0x136: {  	v49 =	vmul.f32 v7, v2;
	[tilespmem:s31+$0x10] =	vst v53  }
0x137: {  	v50 =	vmul.f32 v8, v2;
	[tilespmem:s31+$0x30] =	vst v6  }
0x138: {  	[tilespmem:s31+$0x60] =	vst v49  }
0x139: {  	v51 =	vld [tilespmem:s31+$0x80];
	[tilespmem:s31+$0x50] =	vst v50  }
0x13a: {  	v0 =	vld.idx.msk [tilespmem:v52+s26+$0x0], $0xffff  }
0x13b: {  	v54 =	vld [tilespmem:s31+$0x90]  }
0x13c: {  	v55 =	vld [tilespmem:s31+$0xA0]  }
0x13d: {  	v56 =	vld [tilespmem:s31+$0xD0]  }
0x13e: {  	v57 =	vld [tilespmem:s31+$0xB0]  }
0x13f: {  	v58 =	vld [tilespmem:s31+$0xC0];
	v6 =	vmul.f32 v51, v0  }
0x140: {  	v59 =	vld [tilespmem:s31+$0xE0];
	v1 =	vmul.f32 v54, v0  }
0x141: {  	v60 =	vld [tilespmem:s31+$0xF0];
	v2 =	vmul.f32 v55, v0;
	[tilespmem:s31+$0x80] =	vst v6  }
0x142: {  	v3 =	vmul.f32 v56, v0;
	[tilespmem:s31+$0x90] =	vst v1  }
0x143: {  	v61 =	vmul.f32 v57, v0;
	[tilespmem:s31+$0xA0] =	vst v2  }
0x144: {  	v62 =	vmul.f32 v58, v0;
	[tilespmem:s31+$0xD0] =	vst v3  }
0x145: {  	v63 =	vmul.f32 v59, v0;
	[tilespmem:s31+$0xB0] =	vst v61  }
0x146: {  	v0 =	vmul.f32 v60, v0;
	[tilespmem:s31+$0xC0] =	vst v62  }
0x147: {  	[tilespmem:s31+$0xE0] =	vst v63  }
.Ltmp3:
0x148: {  	[tilespmem:s31+$0xF0] =	vst v0;
	(pc) =	sbr.rel @p2 .LBB2_12-.Ltmp3, $4  }
0x149: {  	[spmem:s2] =	stream.indirect.scatter.add.f32 [tilespmem:s16], [sflag:$0x5], $0x80, s25, s14, $0xb8;
	[tilespmem:$0x1F780] =	vst v63  }
0x14a: {  	_ =	swait.ge [sflag:s10], $0x3000  }
0x14b: {  	[sflag:s10] =	ssyncset.done $0x0  }
0x14c: {  	[sflag:s10] =	ssyncadd.s32 $0xFFFFD000  }
0x14d: {  	_ =	swait.ge [sflag:s13], $0x100  }
0x14e: {  	[sflag:s13] =	ssyncset.done $0x0  }
0x14f: {  	s4 =	simm.s32 $0x0;
	[sflag:s13] =	ssyncadd.s32 $0xFFFFFF00  }
0x150: {  	v0 =	vld [tilespmem:s4+$0x19280]  }
0x151: {  	v1 =	vld [tilespmem:s4+$0x19300];
	_ =	sdelay $0x6  }
0x152: {  	v2 =	vld.idx.msk [tilespmem:v0+s6+$0x0], $0xffff  }
0x153: {  	v3 =	vld.idx.msk [tilespmem:v1+s11+$0x0], $0xffff;
	_ =	sdelay $0x4  }
0x154: {  	v2 =	vadd.f32 v3, v2;
	_ =	sdelay $0x1  }
0x155: {  	v3 =	vmul.f32 $2.000000030e-01, v2  }
0x156: {  	vm0 =	vge.f32 v2, $0.0e+00  }
0x157: {  	v2 =	vsel vm0, v2, v3  }
0x158: {  	v2 =	vmul.f32 $1.442695020e+00, v2;
	_ =	sdelay $0x1  }
0x159: {  	(erf) = vpow2.f32 v2;
	_ =	sdelay $0x1  }
0x15a: {  	[tilespmem:s4+$0x19680] =	vst v1  }
0x15b: {  	s8 =	simm.s32 $0x10;
	[tilespmem:s4+$0x19580] =	vst v0  }
0x15c: {  	v0 =	vld [tilespmem:s8+$0x19280]  }
0x15d: {  	v1 =	vld [tilespmem:s8+$0x19300];
	_ =	sdelay $0x3  }
0x15e: {  	p2 =	slt.u32 s9, $0x50910;
	v2 =	vpop (erf)  }
0x15f: {  	v2 =	vpsel !p2, $0x0, v2  }
0x160: {  	[tilespmem:s4+$0x19480] =	vst v2  }
0x161: {  	v2 =	vld.idx.msk [tilespmem:v0+s6+$0x0], $0xffff  }
0x162: {  	v3 =	vld.idx.msk [tilespmem:v1+s11+$0x0], $0xffff;
	_ =	sdelay $0x4  }
0x163: {  	v2 =	vadd.f32 v3, v2;
	_ =	sdelay $0x1  }
0x164: {  	v3 =	vmul.f32 $2.000000030e-01, v2  }
0x165: {  	vm15 =	vge.f32 v2, $0.0e+00  }
0x166: {  	v2 =	vsel vm15, v2, v3  }
0x167: {  	[tilespmem:s8+$0x19680] =	vst v1;
	v1 =	vmul.f32 $1.442695020e+00, v2;
	_ =	sdelay $0x1  }
0x168: {  	(erf) = vpow2.f32 v1;
	_ =	sdelay $0x2  }
0x169: {  	s31 =	simm.s32 $0x20;
	[tilespmem:s8+$0x19580] =	vst v0  }
0x16a: {  	s30 =	simm.s32 $0xC0;
	s29 =	smov.u32 s9;
	v0 =	vld [tilespmem:s31+$0x19280]  }
.LBB2_10:
0x16b: {  	p2 =	sne.s32 s30, $0x140;
	v1 =	vld [tilespmem:s31+$0x19300];
	_ =	sdelay $0x2  }
0x16c: {  	s29 =	sadd.s32 $0x10, s29  }
0x16d: {  	p3 =	slt.u32 s29, $0x50910;
	v2 =	vpop (erf)  }
0x16e: {  	v2 =	vpsel !p3, $0x0, v2  }
0x16f: {  	[tilespmem:s8+$0x19480] =	vst v2;
	s8 =	smov.u32 s31  }
0x170: {  	v2 =	vld.idx.msk [tilespmem:v0+s6+$0x0], $0xffff  }
0x171: {  	v3 =	vld.idx.msk [tilespmem:v1+s11+$0x0], $0xffff;
	[tilespmem:s8+$0x19680] =	vst v1  }
0x172: {  	[tilespmem:s8+$0x19580] =	vst v0;
	_ =	sdelay $0x4  }
0x173: {  	v0 =	vadd.f32 v3, v2;
	_ =	sdelay $0x1  }
0x174: {  	v1 =	vmul.f32 $2.000000030e-01, v0  }
0x175: {  	vm0 =	vge.f32 v0, $0.0e+00  }
0x176: {  	v0 =	vsel vm0, v0, v1  }
0x177: {  	v0 =	vmul.f32 $1.442695020e+00, v0;
	_ =	sdelay $0x1  }
.Ltmp4:
0x178: {  	(erf) = vpow2.f32 v0;
	(pc) =	sbr.rel @p2 .LBB2_10-.Ltmp4, $3  }
0x179: {  	_ =	sdelay $0x1  }
0x17a: {  	s31 =	sshra.s32 s30, $0x2  }
0x17b: {  	s30 =	sadd.s32 $0x40, s30;
	v0 =	vld [tilespmem:s31+$0x19280]  }
0x17c: {  	_ = 	snop  }
0x17d: {  	v1 =	vld [tilespmem:s31+$0x19300];
	_ =	sdelay $0x2  }
0x17e: {  	s4 =	sadd.s32 $0x10, s29  }
0x17f: {  	p2 =	slt.u32 s4, $0x50910;
	v2 =	vpop (erf)  }
0x180: {  	v2 =	vpsel !p2, $0x0, v2  }
0x181: {  	[tilespmem:s8+$0x19480] =	vst v2  }
0x182: {  	v2 =	vld.idx.msk [tilespmem:v0+s6+$0x0], $0xffff  }
0x183: {  	v3 =	vld.idx.msk [tilespmem:v1+s11+$0x0], $0xffff;
	_ =	sdelay $0x4  }
0x184: {  	v2 =	vadd.f32 v3, v2;
	_ =	sdelay $0x1  }
0x185: {  	v3 =	vmul.f32 $2.000000030e-01, v2  }
0x186: {  	vm0 =	vge.f32 v2, $0.0e+00  }
0x187: {  	v2 =	vsel vm0, v2, v3  }
0x188: {  	v2 =	vmul.f32 $1.442695020e+00, v2;
	_ =	sdelay $0x1  }
0x189: {  	(erf) = vpow2.f32 v2;
	_ =	sdelay $0x7  }
0x18a: {  	s4 =	sadd.s32 $0x10, s4  }
0x18b: {  	s30 =	sadd.s32 s18, s20;
	p6 =	slt.u32 s4, $0x50910;
	[tilespmem:s31+$0x19680] =	vst v1;
	v62 =	vpop (erf)  }
0x18c: {  	s4 =	sshll.u32 s30, $0x5;
	[tilespmem:s31+$0x19580] =	vst v0;
	v63 =	vpsel !p6, $0x0, v62  }
0x18d: {  	s4 =	sand.u32 $0x1FFFFFE0, s4;
	[tilespmem:s31+$0x19480] =	vst v63  }
0x18e: {  	[tilespmem:s16], [sflag:$0x3] =	stream.indirect.gather [hbm4b:s5+s14], $0x80, s15, s14, $0xb8;
	[tilespmem:$0x1F780] =	vst v63  }
0x18f: {  	s4 =	sadd.s32 s1, s4;
	s31 =	simm.s32 $0x0  }
0x190: {  	[tilespmem:s21], [sflag:$0x2] =	stream.linear.gather [hbm4b:s4+s31], $0x100, $0x38;
	[tilespmem:$0x1F780] =	vst v63  }
.LBB2_12:
0x191: {  	s4 =	simm.s32 $0x0  }
0x192: {  	_ =	swait.ge [sflag:s28], $0x3000;
	v0 =	vmov s4  }
0x193: {  	[sflag:s28] =	ssyncset.done $0x0;
	v0 =	vand.u32 $0xFFFFFFFC, v0  }
0x194: {  	[sflag:s28] =	ssyncadd.s32 $0xFFFFD000;
	v0 =	vbroadcast v0, $0x0  }
0x195: {  	[spmem:s3] =	stream.indirect.scatter.add.f32 [tilespmem:s7], [sflag:$0x5], $0x1, s12, s14, $0xb8;
	[tilespmem:$0x1F780] =	vst v63  }
0x196: {  	_ =	swait.ge [sflag:s10], $0x60  }
0x197: {  	[sflag:s10] =	ssyncset.done $0x0  }
0x198: {  	s18 =	simm.s32 $0x1C880;
	[sflag:s10] =	ssyncadd.s32 $0xFFFFFFA0  }
0x199: {  	v2 =	vld [tilespmem:s18+$0xFFFFFF70]  }
0x19a: {  	v0 =	vld.idx.msk [tilespmem:v0+s7+$0x0], $0xffff  }
0x19b: {  	v3 =	vld [tilespmem:s18+$0xFFFFFF00]  }
0x19c: {  	v4 =	vld [tilespmem:s18+$0xFFFFFF20]  }
0x19d: {  	v5 =	vld [tilespmem:s18+$0xFFFFFF30]  }
0x19e: {  	v1 =	vld [tilespmem:s18+$0xFFFFFF50]  }
0x19f: {  	v7 =	vld [tilespmem:s18+$0xFFFFFF10];
	v2 =	vmul.f32 v2, v0  }
0x1a0: {  	s8 =	simm.s32 $0x1;
	v6 =	vld [tilespmem:s18+$0xFFFFFF60];
	v3 =	vmul.f32 v3, v0  }
0x1a1: {  	v8 =	vld [tilespmem:s18+$0xFFFFFF40];
	v4 =	vmul.f32 v4, v0;
	[tilespmem:s18+$0xFFFFFF70] =	vst v2;
	v2 =	vmov s8  }
0x1a2: {  	v5 =	vmul.f32 v5, v0;
	[tilespmem:s18+$0xFFFFFF00] =	vst v3;
	v2 =	vand.u32 $0xFFFFFFFD, v2  }
0x1a3: {  	v1 =	vmul.f32 v1, v0;
	[tilespmem:s18+$0xFFFFFF20] =	vst v4;
	v2 =	vbroadcast v2, $0x0  }
0x1a4: {  	v3 =	vmul.f32 v7, v0;
	[tilespmem:s18+$0xFFFFFF30] =	vst v5  }
0x1a5: {  	v4 =	vmul.f32 v6, v0;
	[tilespmem:s18+$0xFFFFFF50] =	vst v1  }
0x1a6: {  	v0 =	vmul.f32 v8, v0;
	[tilespmem:s18+$0xFFFFFF10] =	vst v3  }
0x1a7: {  	[tilespmem:s18+$0xFFFFFF60] =	vst v4  }
0x1a8: {  	[tilespmem:s18+$0xFFFFFF40] =	vst v0;
	v0 =	vld [tilespmem:s18+$0xFFFFFF80]  }
0x1a9: {  	v2 =	vld.idx.msk [tilespmem:v2+s7+$0x0], $0xffff  }
0x1aa: {  	v1 =	vld [tilespmem:s18+$0xFFFFFFA0]  }
0x1ab: {  	v3 =	vld [tilespmem:s18+$0xFFFFFF90]  }
0x1ac: {  	v4 =	vld [tilespmem:s18+$0xFFFFFFD0]  }
0x1ad: {  	v5 =	vld [tilespmem:s18+$0xFFFFFFE0]  }
0x1ae: {  	v6 =	vld [tilespmem:s18+$0xFFFFFFF0];
	v0 =	vmul.f32 v0, v2  }
0x1af: {  	s31 =	simm.s32 $0x2;
	v7 =	vld [tilespmem:s18+$0xFFFFFFB0];
	v1 =	vmul.f32 v1, v2  }
0x1b0: {  	v8 =	vld [tilespmem:s18+$0xFFFFFFC0];
	v3 =	vmul.f32 v3, v2;
	[tilespmem:s18+$0xFFFFFF80] =	vst v0;
	v0 =	vmov s31  }
0x1b1: {  	v4 =	vmul.f32 v4, v2;
	[tilespmem:s18+$0xFFFFFFA0] =	vst v1;
	v0 =	vand.u32 $0xFFFFFFFE, v0  }
0x1b2: {  	v1 =	vmul.f32 v5, v2;
	[tilespmem:s18+$0xFFFFFF90] =	vst v3;
	v3 =	vbroadcast v0, $0x0  }
0x1b3: {  	v5 =	vmul.f32 v6, v2;
	[tilespmem:s18+$0xFFFFFFD0] =	vst v4;
	v6 =	vld [tilespmem:s18+$0x30]  }
0x1b4: {  	v4 =	vmul.f32 v7, v2;
	v0 =	vld [tilespmem:s18+$0x40];
	[tilespmem:s18+$0xFFFFFFE0] =	vst v1  }
0x1b5: {  	v2 =	vmul.f32 v8, v2;
	v1 =	vld [tilespmem:s18+$0x70];
	[tilespmem:s18+$0xFFFFFFF0] =	vst v5  }
0x1b6: {  	[tilespmem:s18+$0xFFFFFFB0] =	vst v4;
	v4 =	vld [tilespmem:s18+$0x20]  }
0x1b7: {  	[tilespmem:s18+$0xFFFFFFC0] =	vst v2;
	v5 =	vld [tilespmem:s18+$0x0]  }
0x1b8: {  	v2 =	vld.idx.msk [tilespmem:v3+s7+$0x0], $0xffff  }
0x1b9: {  	s29 =	simm.s32 $0x3;
	s30 =	simm.s32 $0x7;
	s8 =	simm.s32 $0x1C880;
	v3 =	vld [tilespmem:s18+$0x10]  }
.LBB2_13:
0x1ba: {  	p2 =	sne.s32 s30, $0x5F  }
0x1bb: {  	v7 =	vld [tilespmem:s18+$0x50];
	s8 =	sadd.s32 $0x200, s8;
	s4 =	smov.u32 s30;
	s30 =	sadd.s32 $0x4, s30  }
0x1bc: {  	v8 =	vld [tilespmem:s18+$0x60];
	_ =	sdelay $0x1  }
0x1bd: {  	v5 =	vmul.f32 v5, v2;
	v3 =	vmul.f32 v3, v2  }
0x1be: {  	v4 =	vmul.f32 v4, v2;
	v6 =	vmul.f32 v6, v2  }
0x1bf: {  	v0 =	vmul.f32 v0, v2;
	v1 =	vmul.f32 v1, v2;
	[tilespmem:s18+$0x0] =	vst v5  }
0x1c0: {  	[tilespmem:s18+$0x20] =	vst v4;
	v4 =	vmul.f32 v7, v2;
	v2 =	vmul.f32 v8, v2  }
0x1c1: {  	[tilespmem:s18+$0x30] =	vst v6;
	v5 =	vld [tilespmem:s18+$0x80]  }
0x1c2: {  	[tilespmem:s18+$0x60] =	vst v2;
	v2 =	vmov s29;
	v6 =	vld [tilespmem:s18+$0xD0];
	s29 =	smov.u32 s4  }
0x1c3: {  	[tilespmem:s18+$0x50] =	vst v4;
	v4 =	vld [tilespmem:s18+$0xE0]  }
0x1c4: {  	[tilespmem:s18+$0x40] =	vst v0;
	v7 =	vld [tilespmem:s18+$0xB0]  }
0x1c5: {  	v0 =	vld [tilespmem:s8+$0x40];
	[tilespmem:s18+$0x70] =	vst v1  }
0x1c6: {  	v1 =	vld [tilespmem:s8+$0x70];
	[tilespmem:s18+$0x10] =	vst v3  }
0x1c7: {  	v2 =	vld.idx.msk [tilespmem:v2+s7+$0x0], $0xffff  }
0x1c8: {  	v3 =	vld [tilespmem:s18+$0x90]  }
0x1c9: {  	v8 =	vld [tilespmem:s18+$0xA0]  }
0x1ca: {  	v9 =	vld [tilespmem:s18+$0xC0]  }
0x1cb: {  	v10 =	vld [tilespmem:s18+$0xF0];
	_ =	sdelay $0x1  }
0x1cc: {  	v5 =	vmul.f32 v5, v2;
	v3 =	vmul.f32 v3, v2  }
0x1cd: {  	s4 =	sadd.s32 $0xFFFFFFFD, s29;
	v7 =	vmul.f32 v7, v2;
	v8 =	vmul.f32 v8, v2  }
0x1ce: {  	v11 =	vmov s4;
	v6 =	vmul.f32 v6, v2;
	[tilespmem:s18+$0x80] =	vst v5;
	v5 =	vmul.f32 v9, v2  }
0x1cf: {  	v9 =	vand.u32 $0xFFFFFFFC, v11;
	[tilespmem:s18+$0x90] =	vst v3;
	v3 =	vmul.f32 v4, v2;
	v2 =	vmul.f32 v10, v2  }
0x1d0: {  	v4 =	vbroadcast v9, $0x0;
	[tilespmem:s18+$0xA0] =	vst v8  }
0x1d1: {  	[tilespmem:s18+$0xD0] =	vst v6  }
0x1d2: {  	v6 =	vld [tilespmem:s8+$0xFFFFFF50];
	[tilespmem:s18+$0xB0] =	vst v7  }
0x1d3: {  	v7 =	vld [tilespmem:s8+$0xFFFFFF30];
	[tilespmem:s18+$0xC0] =	vst v5  }
0x1d4: {  	v5 =	vld [tilespmem:s8+$0xFFFFFF60];
	[tilespmem:s18+$0xE0] =	vst v3  }
0x1d5: {  	v3 =	vld [tilespmem:s8+$0xFFFFFF70];
	[tilespmem:s18+$0xF0] =	vst v2;
	s18 =	smov.u32 s8  }
0x1d6: {  	v2 =	vld.idx.msk [tilespmem:v4+s7+$0x0], $0xffff  }
0x1d7: {  	v4 =	vld [tilespmem:s8+$0xFFFFFF00]  }
0x1d8: {  	v8 =	vld [tilespmem:s8+$0xFFFFFF20]  }
0x1d9: {  	v9 =	vld [tilespmem:s8+$0xFFFFFF10]  }
0x1da: {  	v10 =	vld [tilespmem:s8+$0xFFFFFF40];
	_ =	sdelay $0x1  }
0x1db: {  	v3 =	vmul.f32 v3, v2;
	v4 =	vmul.f32 v4, v2  }
0x1dc: {  	s4 =	sadd.s32 $0xFFFFFFFE, s29;
	v5 =	vmul.f32 v5, v2;
	v8 =	vmul.f32 v8, v2  }
0x1dd: {  	v7 =	vmul.f32 v7, v2;
	v9 =	vmul.f32 v9, v2;
	[tilespmem:s8+$0xFFFFFF70] =	vst v3;
	v3 =	vmov s4  }
0x1de: {  	[tilespmem:s8+$0xFFFFFF00] =	vst v4;
	v4 =	vmul.f32 v10, v2;
	v2 =	vmul.f32 v6, v2;
	v3 =	vand.u32 $0xFFFFFFFD, v3  }
0x1df: {  	[tilespmem:s8+$0xFFFFFF20] =	vst v8;
	v3 =	vbroadcast v3, $0x0  }
0x1e0: {  	[tilespmem:s8+$0xFFFFFF30] =	vst v7  }
0x1e1: {  	[tilespmem:s8+$0xFFFFFF50] =	vst v2;
	v2 =	vld [tilespmem:s8+$0xFFFFFFF0]  }
0x1e2: {  	[tilespmem:s8+$0xFFFFFF10] =	vst v9;
	v6 =	vld [tilespmem:s8+$0xFFFFFFD0]  }
0x1e3: {  	[tilespmem:s8+$0xFFFFFF60] =	vst v5;
	v5 =	vld [tilespmem:s8+$0xFFFFFFB0]  }
0x1e4: {  	[tilespmem:s8+$0xFFFFFF40] =	vst v4;
	v4 =	vld [tilespmem:s8+$0xFFFFFF90]  }
0x1e5: {  	v3 =	vld.idx.msk [tilespmem:v3+s7+$0x0], $0xffff  }
0x1e6: {  	v7 =	vld [tilespmem:s8+$0xFFFFFF80]  }
0x1e7: {  	v8 =	vld [tilespmem:s8+$0xFFFFFFA0]  }
0x1e8: {  	v9 =	vld [tilespmem:s8+$0xFFFFFFC0]  }
0x1e9: {  	v10 =	vld [tilespmem:s8+$0xFFFFFFE0];
	_ =	sdelay $0x1  }
0x1ea: {  	v4 =	vmul.f32 v4, v3;
	v7 =	vmul.f32 v7, v3  }
0x1eb: {  	s4 =	sadd.s32 $0xFFFFFFFF, s29;
	v5 =	vmul.f32 v5, v3;
	v8 =	vmul.f32 v8, v3  }
0x1ec: {  	v6 =	vmul.f32 v6, v3;
	[tilespmem:s8+$0xFFFFFF80] =	vst v7;
	v7 =	vmul.f32 v9, v3;
	v9 =	vmov s4  }
0x1ed: {  	v2 =	vmul.f32 v2, v3;
	[tilespmem:s8+$0xFFFFFFA0] =	vst v8;
	v8 =	vmul.f32 v10, v3;
	v3 =	vand.u32 $0xFFFFFFFE, v9  }
0x1ee: {  	[tilespmem:s8+$0xFFFFFF90] =	vst v4;
	v3 =	vbroadcast v3, $0x0  }
0x1ef: {  	[tilespmem:s8+$0xFFFFFFD0] =	vst v6  }
0x1f0: {  	[tilespmem:s8+$0xFFFFFFE0] =	vst v8  }
0x1f1: {  	[tilespmem:s8+$0xFFFFFFB0] =	vst v5  }
.Ltmp5:
0x1f2: {  	[tilespmem:s8+$0xFFFFFFF0] =	vst v2;
	v4 =	vld [tilespmem:s8+$0x20];
	(pc) =	sbr.rel @p2 .LBB2_13-.Ltmp5, $4  }
0x1f3: {  	[tilespmem:s8+$0xFFFFFFC0] =	vst v7;
	v5 =	vld [tilespmem:s8+$0x0]  }
0x1f4: {  	v2 =	vld.idx.msk [tilespmem:v3+s7+$0x0], $0xffff  }
0x1f5: {  	v3 =	vld [tilespmem:s8+$0x10]  }
0x1f6: {  	v6 =	vld [tilespmem:s8+$0x30]  }
0x1f7: {  	_ =	sdelay $0x1  }
0x1f8: {  	v5 =	vmul.f32 v5, v2  }
0x1f9: {  	v7 =	vld [tilespmem:s18+$0x60];
	v4 =	vmul.f32 v4, v2  }
0x1fa: {  	v8 =	vld [tilespmem:s18+$0x50];
	v0 =	vmul.f32 v0, v2;
	[tilespmem:s18+$0x0] =	vst v5  }
0x1fb: {  	v1 =	vmul.f32 v1, v2;
	[tilespmem:s18+$0x20] =	vst v4  }
0x1fc: {  	v53 =	vmul.f32 v3, v2;
	[tilespmem:s18+$0x40] =	vst v0  }
0x1fd: {  	v52 =	vmov s29;
	v6 =	vmul.f32 v6, v2;
	[tilespmem:s18+$0x70] =	vst v1  }
0x1fe: {  	v49 =	vmul.f32 v7, v2;
	[tilespmem:s18+$0x10] =	vst v53  }
0x1ff: {  	v50 =	vmul.f32 v8, v2;
	[tilespmem:s18+$0x30] =	vst v6  }
0x200: {  	[tilespmem:s18+$0x60] =	vst v49  }
0x201: {  	v51 =	vld [tilespmem:s18+$0x80];
	[tilespmem:s18+$0x50] =	vst v50  }
0x202: {  	v0 =	vld.idx.msk [tilespmem:v52+s7+$0x0], $0xffff  }
0x203: {  	v54 =	vld [tilespmem:s18+$0x90]  }
0x204: {  	v55 =	vld [tilespmem:s18+$0xA0]  }
0x205: {  	v56 =	vld [tilespmem:s18+$0xD0]  }
0x206: {  	v57 =	vld [tilespmem:s18+$0xB0]  }
0x207: {  	v58 =	vld [tilespmem:s18+$0xC0];
	v6 =	vmul.f32 v51, v0  }
0x208: {  	v59 =	vld [tilespmem:s18+$0xE0];
	v1 =	vmul.f32 v54, v0  }
0x209: {  	v60 =	vld [tilespmem:s18+$0xF0];
	v2 =	vmul.f32 v55, v0;
	[tilespmem:s18+$0x80] =	vst v6  }
0x20a: {  	v3 =	vmul.f32 v56, v0;
	[tilespmem:s18+$0x90] =	vst v1  }
0x20b: {  	v61 =	vmul.f32 v57, v0;
	[tilespmem:s18+$0xA0] =	vst v2  }
0x20c: {  	v62 =	vmul.f32 v58, v0;
	[tilespmem:s18+$0xD0] =	vst v3  }
0x20d: {  	v63 =	vmul.f32 v59, v0;
	[tilespmem:s18+$0xB0] =	vst v61  }
0x20e: {  	s0 =	sadd.s32 $0x1, s0;
	v0 =	vmul.f32 v60, v0;
	[tilespmem:s18+$0xC0] =	vst v62  }
0x20f: {  	p2 =	sne.s32 s0, $0x36;
	[tilespmem:s18+$0xE0] =	vst v63  }
.Ltmp6:
0x210: {  	[tilespmem:s18+$0xF0] =	vst v0;
	(pc) =	sbr.rel @p2 .LBB2_4-.Ltmp6, $4  }
0x211: {  	[spmem:s2] =	stream.indirect.scatter.add.f32 [tilespmem:s24], [sflag:$0x5], $0x80, s12, s14, $0xb8;
	[tilespmem:$0x1F780] =	vst v63  }
0x212: {  	_ =	swait.ge [sflag:s10], $0x3000  }
0x213: {  	[sflag:s10] =	ssyncset.done $0x0  }
0x214: {  	s17 =	sadd.s32 $0xC0, s17;
	s9 =	sadd.s32 $0xC0, s9;
	[sflag:s10] =	ssyncadd.s32 $0xFFFFD000  }
0x215: {  	[bflag:$0x0] =	sbarrier.arrive $0xFFFF  }
0x216: {  	s0 =	stileid.u32;
	s4 =	simm.s32 $0x80;
	s30 =	rddreg [dreg:$0x11]  }
0x217: {  	s0 =	sshll.u32 s0, $0x6;
	s31 =	rddreg [dreg:$0x8];
	s17 =	sshrl.u32 s30, $0x3  }
0x218: {  	s8 =	simm.s32 $0x10;
	s9 =	sor.u32 $0x1C05, s0;
	[dreg:$0x1d] =	wrdreg s17  }
0x219: {  	[hbm:s31@s4], [sflag:s9] =	dma.strided [spmem:s17@s8], $0x50, s13, $0x10   }
0x21a: {  	_ =	swait.ge [sflag:s10], $0x50  }
0x21b: {  	s17 =	rddreg [dreg:$0x12]  }
0x21c: {  	[sflag:s10] =	ssyncset.done $0x0;
	s29 =	rddreg [dreg:$0x9];
	s18 =	sshrl.u32 s17, $0x3  }
0x21d: {  	[sflag:s10] =	ssyncadd.s32 $0xFFFFFFB0;
	[dreg:$0x1e] =	wrdreg s18  }
0x21e: {  	[hbm:s29], [sflag:s9] =	dma.local [spmem:s18], $0x2800  }
0x21f: {  	_ =	swait.ge [sflag:s10], $0x2800  }
0x220: {  	[sflag:s10] =	ssyncset.done $0x0  }
0x221: {  	[sflag:s10] =	ssyncadd.s32 $0xFFFFD800  }
0x222: {  	[bflag:$0x0] =	sbarrier.arrive $0xFFFF  }
0x223: {  	s31 =	simm.s32 $0x400;
	s30 =	rddreg [dreg:$0x13]  }
0x224: {  	[tilespmem:s6], [sflag:$0x5] =	stream.strided.gather [hbm4b:s30+s4], $0x2800, s31, s4, $0x38;
	[tilespmem:$0x1F780] =	vst v63  }
0x225: {  	_ =	swait.ge [sflag:s10], $0x2800  }
0x226: {  	[sflag:s10] =	ssyncset.done $0x0  }
0x227: {  	s17 =	rddreg [dreg:$0x14];
	[sflag:s10] =	ssyncadd.s32 $0xFFFFD800  }
0x228: {  	[tilespmem:s11], [sflag:$0x5] =	stream.strided.gather [hbm4b:s17+s4], $0x2800, s31, s4, $0x38;
	[tilespmem:$0x1F780] =	vst v63  }
0x229: {  	_ =	swait.ge [sflag:s10], $0x2800  }
0x22a: {  	[sflag:s10] =	ssyncset.done $0x0;
	s0 =	rddreg [dreg:$0x6]  }
0x22b: {  	s4 =	rddreg [dreg:$0x1f];
	[sflag:s10] =	ssyncadd.s32 $0xFFFFD800  }
0x22c: {  	[spmem:s4], [sflag:s9] =	dma.local @!p0 [hbm:s0], $0x28000  }
0x22d: {  	s0 =	simm.s32 @!p0 $0x5  }
0x22e: {  	_ =	swait.ge @!p0 [sflag:s0], $0x28000  }
0x22f: {  	s8 =	sld [smem:$0x7FD]  }
0x230: {  	[dreg:$0x1c] =	wrdreg s9;
	[sflag:s0] =	ssyncset.done @!p0 $0x0  }
0x231: {  	s4 =	rddreg [dreg:$0x7];
	[sflag:s0] =	ssyncadd.s32 @!p0 $0xFFFD8000  }
0x232: {  	[spmem:s8], [sflag:s9] =	dma.local @!p0 [hbm:s4], $0x500  }
0x233: {  	_ =	swait.ge @!p0 [sflag:s0], $0x500  }
0x234: {  	[sflag:s0] =	ssyncset.done @!p0 $0x0  }
0x235: {  	[sflag:s0] =	ssyncadd.s32 @!p0 $0xFFFFFB00  }
0x236: {  	[bflag:$0x0] =	sbarrier.arrive $0xFFFF  }
0x237: {  	s18 =	simm.s32 $0x0;
	s30 =	simm.s32 $0x19280;
	s29 =	rddreg [dreg:$0x10]  }
0x238: {  	[tilespmem:s30], [sflag:$0x1] =	stream.linear.gather [hbm4b:s29+s18], $0x100, $0x38;
	[tilespmem:$0x1F780] =	vst v63  }
0x239: {  	_ =	swait.ge [sflag:s13], $0x100  }
0x23a: {  	[sflag:s13] =	ssyncset.done $0x0  }
0x23b: {  	s31 =	simm.s32 $0x0;
	[sflag:s13] =	ssyncadd.s32 $0xFFFFFF00  }
0x23c: {  	v0 =	vld [tilespmem:s31+$0x19280]  }
0x23d: {  	v1 =	vld [tilespmem:s31+$0x19300];
	_ =	sdelay $0x6  }
0x23e: {  	v2 =	vld.idx.msk [tilespmem:v0+s6+$0x0], $0xffff  }
0x23f: {  	v3 =	vld.idx.msk [tilespmem:v1+s11+$0x0], $0xffff;
	_ =	sdelay $0x4  }
0x240: {  	v2 =	vadd.f32 v3, v2;
	_ =	sdelay $0x1  }
0x241: {  	v3 =	vmul.f32 $2.000000030e-01, v2  }
0x242: {  	vm0 =	vge.f32 v2, $0.0e+00  }
0x243: {  	v2 =	vsel vm0, v2, v3  }
0x244: {  	v2 =	vmul.f32 $1.442695020e+00, v2;
	_ =	sdelay $0x1  }
0x245: {  	(erf) = vpow2.f32 v2;
	_ =	sdelay $0x1  }
0x246: {  	v0 =	vadd.s32 $0x2800, v0;
	[tilespmem:s31+$0x19680] =	vst v1  }
0x247: {  	s0 =	simm.s32 $0x10;
	[tilespmem:s31+$0x19580] =	vst v0  }
0x248: {  	v0 =	vld [tilespmem:s0+$0x19280]  }
0x249: {  	v1 =	vld [tilespmem:s0+$0x19300];
	_ =	sdelay $0x3  }
0x24a: {  	v2 =	vpop (erf)  }
0x24b: {  	v2 =	vpsel !p1, $0x0, v2  }
0x24c: {  	[tilespmem:s31+$0x19480] =	vst v2  }
0x24d: {  	v2 =	vld.idx.msk [tilespmem:v0+s6+$0x0], $0xffff  }
0x24e: {  	v3 =	vld.idx.msk [tilespmem:v1+s11+$0x0], $0xffff;
	_ =	sdelay $0x4  }
0x24f: {  	v2 =	vadd.f32 v3, v2;
	_ =	sdelay $0x1  }
0x250: {  	v3 =	vmul.f32 $2.000000030e-01, v2  }
0x251: {  	vm15 =	vge.f32 v2, $0.0e+00  }
0x252: {  	v2 =	vsel vm15, v2, v3  }
0x253: {  	[tilespmem:s0+$0x19680] =	vst v1;
	v1 =	vmul.f32 $1.442695020e+00, v2;
	_ =	sdelay $0x1  }
0x254: {  	(erf) = vpow2.f32 v1;
	_ =	sdelay $0x1  }
0x255: {  	v0 =	vadd.s32 $0x2800, v0  }
0x256: {  	s17 =	simm.s32 $0x20;
	[tilespmem:s0+$0x19580] =	vst v0  }
0x257: {  	s9 =	simm.s32 $0xC0;
	s8 =	rddreg [dreg:$0xf];
	v0 =	vld [tilespmem:s17+$0x19280]  }
.LBB2_16:
0x258: {  	p2 =	sne.s32 s9, $0x140;
	v1 =	vld [tilespmem:s17+$0x19300];
	_ =	sdelay $0x2  }
0x259: {  	s8 =	sadd.s32 $0x10, s8  }
0x25a: {  	p3 =	slt.u32 s8, $0x50910;
	v2 =	vpop (erf)  }
0x25b: {  	v2 =	vpsel !p3, $0x0, v2  }
0x25c: {  	[tilespmem:s0+$0x19480] =	vst v2;
	s0 =	smov.u32 s17  }
0x25d: {  	v2 =	vld.idx.msk [tilespmem:v0+s6+$0x0], $0xffff  }
0x25e: {  	v0 =	vadd.s32 $0x2800, v0;
	v3 =	vld.idx.msk [tilespmem:v1+s11+$0x0], $0xffff;
	[tilespmem:s0+$0x19680] =	vst v1  }
0x25f: {  	[tilespmem:s0+$0x19580] =	vst v0;
	_ =	sdelay $0x4  }
0x260: {  	v0 =	vadd.f32 v3, v2;
	_ =	sdelay $0x1  }
0x261: {  	v1 =	vmul.f32 $2.000000030e-01, v0  }
0x262: {  	vm0 =	vge.f32 v0, $0.0e+00  }
0x263: {  	v0 =	vsel vm0, v0, v1  }
0x264: {  	v0 =	vmul.f32 $1.442695020e+00, v0;
	_ =	sdelay $0x1  }
.Ltmp7:
0x265: {  	(erf) = vpow2.f32 v0;
	(pc) =	sbr.rel @p2 .LBB2_16-.Ltmp7, $3  }
0x266: {  	_ =	sdelay $0x1  }
0x267: {  	s17 =	sshra.s32 s9, $0x2  }
0x268: {  	s9 =	sadd.s32 $0x40, s9;
	v0 =	vld [tilespmem:s17+$0x19280]  }
0x269: {  	_ = 	snop  }
0x26a: {  	v1 =	vld [tilespmem:s17+$0x19300];
	_ =	sdelay $0x2  }
0x26b: {  	s4 =	sadd.s32 $0x10, s8  }
0x26c: {  	p2 =	slt.u32 s4, $0x50910;
	v2 =	vpop (erf)  }
0x26d: {  	v2 =	vpsel !p2, $0x0, v2  }
0x26e: {  	[tilespmem:s0+$0x19480] =	vst v2  }
0x26f: {  	v2 =	vld.idx.msk [tilespmem:v0+s6+$0x0], $0xffff  }
0x270: {  	v3 =	vld.idx.msk [tilespmem:v1+s11+$0x0], $0xffff;
	_ =	sdelay $0x4  }
0x271: {  	v2 =	vadd.f32 v3, v2;
	_ =	sdelay $0x1  }
0x272: {  	v3 =	vmul.f32 $2.000000030e-01, v2  }
0x273: {  	vm0 =	vge.f32 v2, $0.0e+00  }
0x274: {  	v2 =	vsel vm0, v2, v3  }
0x275: {  	v2 =	vmul.f32 $1.442695020e+00, v2;
	_ =	sdelay $0x1  }
0x276: {  	(erf) = vpow2.f32 v2;
	_ =	sdelay $0x7  }
0x277: {  	s29 =	sadd.s32 $0x10, s4  }
0x278: {  	p6 =	slt.u32 s29, $0x50910;
	v61 =	vadd.s32 $0x2800, v0;
	[tilespmem:s17+$0x19680] =	vst v1;
	v62 =	vpop (erf)  }
0x279: {  	s30 =	rddreg [dreg:$0x1a];
	[tilespmem:s17+$0x19580] =	vst v61;
	v63 =	vpsel !p6, $0x0, v62  }
0x27a: {  	s31 =	rddreg [dreg:$0x18];
	[tilespmem:s17+$0x19480] =	vst v63  }
0x27b: {  	[tilespmem:s16], [sflag:$0x3] =	stream.indirect.gather [hbm4b:s5+s14], $0x80, s15, s14, $0xb8;
	[tilespmem:$0x1F780] =	vst v63  }
0x27c: {  	s0 =	rddreg [dreg:$0x19];
	s17 =	simm.s32 $0x0  }
0x27d: {  	[tilespmem:s21], [sflag:$0x2] =	stream.linear.gather [hbm4b:s30+s17], $0x100, $0x38;
	[tilespmem:$0x1F780] =	vst v63  }
.LBB2_18:
0x27e: {  	_ =	swait.ge [sflag:s22], $0x100  }
0x27f: {  	[sflag:s22] =	ssyncset.done $0x0  }
0x280: {  	s4 =	simm.s32 $0x0;
	[sflag:s22] =	ssyncadd.s32 $0xFFFFFF00  }
0x281: {  	v0 =	vld [tilespmem:s4+$0x19380]  }
0x282: {  	v1 =	vld [tilespmem:s4+$0x19400];
	_ =	sdelay $0x6  }
0x283: {  	v2 =	vld.idx.msk [tilespmem:v0+s6+$0x0], $0xffff  }
0x284: {  	v3 =	vld.idx.msk [tilespmem:v1+s11+$0x0], $0xffff;
	_ =	sdelay $0x4  }
0x285: {  	v2 =	vadd.f32 v3, v2;
	_ =	sdelay $0x1  }
0x286: {  	v3 =	vmul.f32 $2.000000030e-01, v2  }
0x287: {  	vm0 =	vge.f32 v2, $0.0e+00  }
0x288: {  	v2 =	vsel vm0, v2, v3  }
0x289: {  	v2 =	vmul.f32 $1.442695020e+00, v2;
	_ =	sdelay $0x1  }
0x28a: {  	(erf) = vpow2.f32 v2;
	_ =	sdelay $0x1  }
0x28b: {  	v0 =	vadd.s32 $0x2800, v0;
	[tilespmem:s4+$0x19700] =	vst v1  }
0x28c: {  	s8 =	simm.s32 $0x10;
	[tilespmem:s4+$0x19600] =	vst v0  }
0x28d: {  	v0 =	vld [tilespmem:s8+$0x19380]  }
0x28e: {  	v1 =	vld [tilespmem:s8+$0x19400];
	_ =	sdelay $0x3  }
0x28f: {  	p2 =	slt.u32 s31, $0x50910;
	v2 =	vpop (erf)  }
0x290: {  	v2 =	vpsel !p2, $0x0, v2  }
0x291: {  	[tilespmem:s4+$0x19500] =	vst v2  }
0x292: {  	v2 =	vld.idx.msk [tilespmem:v0+s6+$0x0], $0xffff  }
0x293: {  	v3 =	vld.idx.msk [tilespmem:v1+s11+$0x0], $0xffff;
	_ =	sdelay $0x4  }
0x294: {  	v2 =	vadd.f32 v3, v2;
	_ =	sdelay $0x1  }
0x295: {  	v3 =	vmul.f32 $2.000000030e-01, v2  }
0x296: {  	vm15 =	vge.f32 v2, $0.0e+00  }
0x297: {  	v2 =	vsel vm15, v2, v3  }
0x298: {  	[tilespmem:s8+$0x19700] =	vst v1;
	v1 =	vmul.f32 $1.442695020e+00, v2;
	_ =	sdelay $0x1  }
0x299: {  	(erf) = vpow2.f32 v1;
	_ =	sdelay $0x1  }
0x29a: {  	v0 =	vadd.s32 $0x2800, v0  }
0x29b: {  	s30 =	simm.s32 $0x20;
	[tilespmem:s8+$0x19600] =	vst v0  }
0x29c: {  	s18 =	sshll.u32 s17, $0x1;
	s29 =	simm.s32 $0xC0;
	s9 =	smov.u32 s31;
	v0 =	vld [tilespmem:s30+$0x19380]  }
.LBB2_19:
0x29d: {  	p2 =	sne.s32 s29, $0x140;
	v1 =	vld [tilespmem:s30+$0x19400];
	_ =	sdelay $0x2  }
0x29e: {  	s9 =	sadd.s32 $0x10, s9  }
0x29f: {  	p3 =	slt.u32 s9, $0x50910;
	v2 =	vpop (erf)  }
0x2a0: {  	v2 =	vpsel !p3, $0x0, v2  }
0x2a1: {  	[tilespmem:s8+$0x19500] =	vst v2;
	s8 =	smov.u32 s30  }
0x2a2: {  	v2 =	vld.idx.msk [tilespmem:v0+s6+$0x0], $0xffff  }
0x2a3: {  	v0 =	vadd.s32 $0x2800, v0;
	v3 =	vld.idx.msk [tilespmem:v1+s11+$0x0], $0xffff;
	[tilespmem:s8+$0x19700] =	vst v1  }
0x2a4: {  	[tilespmem:s8+$0x19600] =	vst v0;
	_ =	sdelay $0x4  }
0x2a5: {  	v0 =	vadd.f32 v3, v2;
	_ =	sdelay $0x1  }
0x2a6: {  	v1 =	vmul.f32 $2.000000030e-01, v0  }
0x2a7: {  	vm0 =	vge.f32 v0, $0.0e+00  }
0x2a8: {  	v0 =	vsel vm0, v0, v1  }
0x2a9: {  	v0 =	vmul.f32 $1.442695020e+00, v0;
	_ =	sdelay $0x1  }
.Ltmp8:
0x2aa: {  	(erf) = vpow2.f32 v0;
	(pc) =	sbr.rel @p2 .LBB2_19-.Ltmp8, $3  }
0x2ab: {  	_ =	sdelay $0x1  }
0x2ac: {  	s30 =	sshra.s32 s29, $0x2  }
0x2ad: {  	s29 =	sadd.s32 $0x40, s29;
	v0 =	vld [tilespmem:s30+$0x19380]  }
0x2ae: {  	_ = 	snop  }
0x2af: {  	v1 =	vld [tilespmem:s30+$0x19400];
	_ =	sdelay $0x2  }
0x2b0: {  	s4 =	sadd.s32 $0x10, s9  }
0x2b1: {  	p2 =	slt.u32 s4, $0x50910;
	v2 =	vpop (erf)  }
0x2b2: {  	v2 =	vpsel !p2, $0x0, v2  }
0x2b3: {  	[tilespmem:s8+$0x19500] =	vst v2  }
0x2b4: {  	v2 =	vld.idx.msk [tilespmem:v0+s6+$0x0], $0xffff  }
0x2b5: {  	v3 =	vld.idx.msk [tilespmem:v1+s11+$0x0], $0xffff;
	_ =	sdelay $0x4  }
0x2b6: {  	v2 =	vadd.f32 v3, v2;
	_ =	sdelay $0x1  }
0x2b7: {  	v3 =	vmul.f32 $2.000000030e-01, v2  }
0x2b8: {  	vm0 =	vge.f32 v2, $0.0e+00  }
0x2b9: {  	v2 =	vsel vm0, v2, v3  }
0x2ba: {  	v2 =	vmul.f32 $1.442695020e+00, v2;
	_ =	sdelay $0x1  }
0x2bb: {  	(erf) = vpow2.f32 v2;
	_ =	sdelay $0x7  }
0x2bc: {  	s4 =	sadd.s32 $0x10, s4;
	p2 =	seq.s32 s17, $0x35  }
0x2bd: {  	p6 =	slt.u32 s4, $0x50910;
	s4 =	sadd.s32 @!p2 s18, s19;
	v0 =	vadd.s32 $0x2800, v0;
	[tilespmem:s30+$0x19700] =	vst v1;
	v1 =	vpop (erf)  }
0x2be: {  	s4 =	sshll.u32 @!p2 s4, $0x5;
	[tilespmem:s30+$0x19600] =	vst v0;
	v0 =	vpsel !p6, $0x0, v1  }
0x2bf: {  	s4 =	sand.u32 @!p2 $0x1FFFFFC0, s4;
	[tilespmem:s30+$0x19500] =	vst v0  }
0x2c0: {  	[tilespmem:s24], [sflag:$0x4] =	stream.indirect.gather [hbm4b:s5+s14], $0x80, s23, s14, $0xb8;
	[tilespmem:$0x1F780] =	vst v63  }
0x2c1: {  	s8 =	simm.s32 @!p2 $0x0;
	s9 =	simm.s32 @!p2 $0x19280;
	s4 =	sadd.s32 @!p2 s1, s4  }
0x2c2: {  	[tilespmem:s9], [sflag:$0x1] =	stream.linear.gather @!p2 [hbm4b:s4+s8], $0x100, $0x38;
	[tilespmem:$0x1F780] =	vst v63  }
0x2c3: {  	s30 =	simm.s32 $0x3;
	s9 =	simm.s32 $0x0  }
0x2c4: {  	_ =	swait.ge [sflag:s30], $0x3000;
	v0 =	vmov s9  }
0x2c5: {  	[sflag:s30] =	ssyncset.done $0x0;
	v0 =	vand.u32 $0xFFFFFFFC, v0  }
0x2c6: {  	[sflag:s30] =	ssyncadd.s32 $0xFFFFD000;
	v0 =	vbroadcast v0, $0x0  }
0x2c7: {  	[spmem:s3] =	stream.indirect.scatter.add.f32 [tilespmem:s26], [sflag:$0x5], $0x1, s25, s14, $0xb8;
	[tilespmem:$0x1F780] =	vst v63  }
0x2c8: {  	_ =	swait.ge [sflag:s10], $0x60  }
0x2c9: {  	[sflag:s10] =	ssyncset.done $0x0  }
0x2ca: {  	s29 =	simm.s32 $0x19880;
	[sflag:s10] =	ssyncadd.s32 $0xFFFFFFA0  }
0x2cb: {  	v2 =	vld [tilespmem:s29+$0xFFFFFF70]  }
0x2cc: {  	v0 =	vld.idx.msk [tilespmem:v0+s26+$0x0], $0xffff  }
0x2cd: {  	v3 =	vld [tilespmem:s29+$0xFFFFFF00]  }
0x2ce: {  	v4 =	vld [tilespmem:s29+$0xFFFFFF20]  }
0x2cf: {  	v5 =	vld [tilespmem:s29+$0xFFFFFF30]  }
0x2d0: {  	v1 =	vld [tilespmem:s29+$0xFFFFFF50]  }
0x2d1: {  	v7 =	vld [tilespmem:s29+$0xFFFFFF10];
	v2 =	vmul.f32 v2, v0  }
0x2d2: {  	s8 =	simm.s32 $0x1;
	v6 =	vld [tilespmem:s29+$0xFFFFFF60];
	v3 =	vmul.f32 v3, v0  }
0x2d3: {  	v8 =	vld [tilespmem:s29+$0xFFFFFF40];
	v4 =	vmul.f32 v4, v0;
	[tilespmem:s29+$0xFFFFFF70] =	vst v2;
	v2 =	vmov s8  }
0x2d4: {  	v5 =	vmul.f32 v5, v0;
	[tilespmem:s29+$0xFFFFFF00] =	vst v3;
	v2 =	vand.u32 $0xFFFFFFFD, v2  }
0x2d5: {  	v1 =	vmul.f32 v1, v0;
	[tilespmem:s29+$0xFFFFFF20] =	vst v4;
	v2 =	vbroadcast v2, $0x0  }
0x2d6: {  	v3 =	vmul.f32 v7, v0;
	[tilespmem:s29+$0xFFFFFF30] =	vst v5  }
0x2d7: {  	v4 =	vmul.f32 v6, v0;
	[tilespmem:s29+$0xFFFFFF50] =	vst v1  }
0x2d8: {  	v0 =	vmul.f32 v8, v0;
	[tilespmem:s29+$0xFFFFFF10] =	vst v3  }
0x2d9: {  	[tilespmem:s29+$0xFFFFFF60] =	vst v4  }
0x2da: {  	[tilespmem:s29+$0xFFFFFF40] =	vst v0;
	v0 =	vld [tilespmem:s29+$0xFFFFFF80]  }
0x2db: {  	v2 =	vld.idx.msk [tilespmem:v2+s26+$0x0], $0xffff  }
0x2dc: {  	v1 =	vld [tilespmem:s29+$0xFFFFFFA0]  }
0x2dd: {  	v3 =	vld [tilespmem:s29+$0xFFFFFF90]  }
0x2de: {  	v4 =	vld [tilespmem:s29+$0xFFFFFFD0]  }
0x2df: {  	v5 =	vld [tilespmem:s29+$0xFFFFFFE0]  }
0x2e0: {  	v6 =	vld [tilespmem:s29+$0xFFFFFFF0];
	v0 =	vmul.f32 v0, v2  }
0x2e1: {  	s9 =	simm.s32 $0x2;
	v7 =	vld [tilespmem:s29+$0xFFFFFFB0];
	v1 =	vmul.f32 v1, v2  }
0x2e2: {  	v8 =	vld [tilespmem:s29+$0xFFFFFFC0];
	v3 =	vmul.f32 v3, v2;
	[tilespmem:s29+$0xFFFFFF80] =	vst v0;
	v0 =	vmov s9  }
0x2e3: {  	v4 =	vmul.f32 v4, v2;
	[tilespmem:s29+$0xFFFFFFA0] =	vst v1;
	v0 =	vand.u32 $0xFFFFFFFE, v0  }
0x2e4: {  	v1 =	vmul.f32 v5, v2;
	[tilespmem:s29+$0xFFFFFF90] =	vst v3;
	v3 =	vbroadcast v0, $0x0  }
0x2e5: {  	v5 =	vmul.f32 v6, v2;
	[tilespmem:s29+$0xFFFFFFD0] =	vst v4;
	v6 =	vld [tilespmem:s29+$0x30]  }
0x2e6: {  	v4 =	vmul.f32 v7, v2;
	v0 =	vld [tilespmem:s29+$0x40];
	[tilespmem:s29+$0xFFFFFFE0] =	vst v1  }
0x2e7: {  	v2 =	vmul.f32 v8, v2;
	v1 =	vld [tilespmem:s29+$0x70];
	[tilespmem:s29+$0xFFFFFFF0] =	vst v5  }
0x2e8: {  	[tilespmem:s29+$0xFFFFFFB0] =	vst v4;
	v4 =	vld [tilespmem:s29+$0x20]  }
0x2e9: {  	[tilespmem:s29+$0xFFFFFFC0] =	vst v2;
	v5 =	vld [tilespmem:s29+$0x0]  }
0x2ea: {  	v2 =	vld.idx.msk [tilespmem:v3+s26+$0x0], $0xffff  }
0x2eb: {  	s8 =	simm.s32 $0x7;
	s9 =	simm.s32 $0x19880;
	v3 =	vld [tilespmem:s29+$0x10]  }
.LBB2_21:
0x2ec: {  	p3 =	sne.s32 s8, $0x5F  }
0x2ed: {  	v7 =	vld [tilespmem:s29+$0x50];
	s9 =	sadd.s32 $0x200, s9;
	s4 =	smov.u32 s8;
	s8 =	sadd.s32 $0x4, s8  }
0x2ee: {  	v8 =	vld [tilespmem:s29+$0x60];
	_ =	sdelay $0x1  }
0x2ef: {  	v5 =	vmul.f32 v5, v2;
	v3 =	vmul.f32 v3, v2  }
0x2f0: {  	v4 =	vmul.f32 v4, v2;
	v6 =	vmul.f32 v6, v2  }
0x2f1: {  	v0 =	vmul.f32 v0, v2;
	v1 =	vmul.f32 v1, v2;
	[tilespmem:s29+$0x0] =	vst v5  }
0x2f2: {  	[tilespmem:s29+$0x20] =	vst v4;
	v4 =	vmul.f32 v7, v2;
	v2 =	vmul.f32 v8, v2  }
0x2f3: {  	[tilespmem:s29+$0x30] =	vst v6;
	v5 =	vld [tilespmem:s29+$0x80]  }
0x2f4: {  	[tilespmem:s29+$0x60] =	vst v2;
	v2 =	vmov s30;
	v6 =	vld [tilespmem:s29+$0xD0];
	s30 =	smov.u32 s4  }
0x2f5: {  	[tilespmem:s29+$0x50] =	vst v4;
	v4 =	vld [tilespmem:s29+$0xE0]  }
0x2f6: {  	[tilespmem:s29+$0x40] =	vst v0;
	v7 =	vld [tilespmem:s29+$0xB0]  }
0x2f7: {  	v0 =	vld [tilespmem:s9+$0x40];
	[tilespmem:s29+$0x70] =	vst v1  }
0x2f8: {  	v1 =	vld [tilespmem:s9+$0x70];
	[tilespmem:s29+$0x10] =	vst v3  }
0x2f9: {  	v2 =	vld.idx.msk [tilespmem:v2+s26+$0x0], $0xffff  }
0x2fa: {  	v3 =	vld [tilespmem:s29+$0x90]  }
0x2fb: {  	v8 =	vld [tilespmem:s29+$0xA0]  }
0x2fc: {  	v9 =	vld [tilespmem:s29+$0xC0]  }
0x2fd: {  	v10 =	vld [tilespmem:s29+$0xF0];
	_ =	sdelay $0x1  }
0x2fe: {  	v5 =	vmul.f32 v5, v2;
	v3 =	vmul.f32 v3, v2  }
0x2ff: {  	s4 =	sadd.s32 $0xFFFFFFFD, s30;
	v7 =	vmul.f32 v7, v2;
	v8 =	vmul.f32 v8, v2  }
0x300: {  	v11 =	vmov s4;
	v6 =	vmul.f32 v6, v2;
	[tilespmem:s29+$0x80] =	vst v5;
	v5 =	vmul.f32 v9, v2  }
0x301: {  	v9 =	vand.u32 $0xFFFFFFFC, v11;
	[tilespmem:s29+$0x90] =	vst v3;
	v3 =	vmul.f32 v4, v2;
	v2 =	vmul.f32 v10, v2  }
0x302: {  	v4 =	vbroadcast v9, $0x0;
	[tilespmem:s29+$0xA0] =	vst v8  }
0x303: {  	[tilespmem:s29+$0xD0] =	vst v6  }
0x304: {  	v6 =	vld [tilespmem:s9+$0xFFFFFF50];
	[tilespmem:s29+$0xB0] =	vst v7  }
0x305: {  	v7 =	vld [tilespmem:s9+$0xFFFFFF30];
	[tilespmem:s29+$0xC0] =	vst v5  }
0x306: {  	v5 =	vld [tilespmem:s9+$0xFFFFFF60];
	[tilespmem:s29+$0xE0] =	vst v3  }
0x307: {  	v3 =	vld [tilespmem:s9+$0xFFFFFF70];
	[tilespmem:s29+$0xF0] =	vst v2;
	s29 =	smov.u32 s9  }
0x308: {  	v2 =	vld.idx.msk [tilespmem:v4+s26+$0x0], $0xffff  }
0x309: {  	v4 =	vld [tilespmem:s9+$0xFFFFFF00]  }
0x30a: {  	v8 =	vld [tilespmem:s9+$0xFFFFFF20]  }
0x30b: {  	v9 =	vld [tilespmem:s9+$0xFFFFFF10]  }
0x30c: {  	v10 =	vld [tilespmem:s9+$0xFFFFFF40];
	_ =	sdelay $0x1  }
0x30d: {  	v3 =	vmul.f32 v3, v2;
	v4 =	vmul.f32 v4, v2  }
0x30e: {  	s4 =	sadd.s32 $0xFFFFFFFE, s30;
	v5 =	vmul.f32 v5, v2;
	v8 =	vmul.f32 v8, v2  }
0x30f: {  	v7 =	vmul.f32 v7, v2;
	v9 =	vmul.f32 v9, v2;
	[tilespmem:s9+$0xFFFFFF70] =	vst v3;
	v3 =	vmov s4  }
0x310: {  	[tilespmem:s9+$0xFFFFFF00] =	vst v4;
	v4 =	vmul.f32 v10, v2;
	v2 =	vmul.f32 v6, v2;
	v3 =	vand.u32 $0xFFFFFFFD, v3  }
0x311: {  	[tilespmem:s9+$0xFFFFFF20] =	vst v8;
	v3 =	vbroadcast v3, $0x0  }
0x312: {  	[tilespmem:s9+$0xFFFFFF30] =	vst v7  }
0x313: {  	[tilespmem:s9+$0xFFFFFF50] =	vst v2;
	v2 =	vld [tilespmem:s9+$0xFFFFFFF0]  }
0x314: {  	[tilespmem:s9+$0xFFFFFF10] =	vst v9;
	v6 =	vld [tilespmem:s9+$0xFFFFFFD0]  }
0x315: {  	[tilespmem:s9+$0xFFFFFF60] =	vst v5;
	v5 =	vld [tilespmem:s9+$0xFFFFFFB0]  }
0x316: {  	[tilespmem:s9+$0xFFFFFF40] =	vst v4;
	v4 =	vld [tilespmem:s9+$0xFFFFFF90]  }
0x317: {  	v3 =	vld.idx.msk [tilespmem:v3+s26+$0x0], $0xffff  }
0x318: {  	v7 =	vld [tilespmem:s9+$0xFFFFFF80]  }
0x319: {  	v8 =	vld [tilespmem:s9+$0xFFFFFFA0]  }
0x31a: {  	v9 =	vld [tilespmem:s9+$0xFFFFFFC0]  }
0x31b: {  	v10 =	vld [tilespmem:s9+$0xFFFFFFE0];
	_ =	sdelay $0x1  }
0x31c: {  	v4 =	vmul.f32 v4, v3;
	v7 =	vmul.f32 v7, v3  }
0x31d: {  	s4 =	sadd.s32 $0xFFFFFFFF, s30;
	v5 =	vmul.f32 v5, v3;
	v8 =	vmul.f32 v8, v3  }
0x31e: {  	v6 =	vmul.f32 v6, v3;
	[tilespmem:s9+$0xFFFFFF80] =	vst v7;
	v7 =	vmul.f32 v9, v3;
	v9 =	vmov s4  }
0x31f: {  	v2 =	vmul.f32 v2, v3;
	[tilespmem:s9+$0xFFFFFFA0] =	vst v8;
	v8 =	vmul.f32 v10, v3;
	v3 =	vand.u32 $0xFFFFFFFE, v9  }
0x320: {  	[tilespmem:s9+$0xFFFFFF90] =	vst v4;
	v3 =	vbroadcast v3, $0x0  }
0x321: {  	[tilespmem:s9+$0xFFFFFFD0] =	vst v6  }
0x322: {  	[tilespmem:s9+$0xFFFFFFE0] =	vst v8  }
0x323: {  	[tilespmem:s9+$0xFFFFFFB0] =	vst v5  }
.Ltmp9:
0x324: {  	[tilespmem:s9+$0xFFFFFFF0] =	vst v2;
	v4 =	vld [tilespmem:s9+$0x20];
	(pc) =	sbr.rel @p3 .LBB2_21-.Ltmp9, $4  }
0x325: {  	[tilespmem:s9+$0xFFFFFFC0] =	vst v7;
	v5 =	vld [tilespmem:s9+$0x0]  }
0x326: {  	v2 =	vld.idx.msk [tilespmem:v3+s26+$0x0], $0xffff  }
0x327: {  	v3 =	vld [tilespmem:s9+$0x10]  }
0x328: {  	v6 =	vld [tilespmem:s9+$0x30]  }
0x329: {  	_ =	sdelay $0x1  }
0x32a: {  	v5 =	vmul.f32 v5, v2  }
0x32b: {  	v7 =	vld [tilespmem:s29+$0x60];
	v4 =	vmul.f32 v4, v2  }
0x32c: {  	v8 =	vld [tilespmem:s29+$0x50];
	v0 =	vmul.f32 v0, v2;
	[tilespmem:s29+$0x0] =	vst v5  }
0x32d: {  	v1 =	vmul.f32 v1, v2;
	[tilespmem:s29+$0x20] =	vst v4  }
0x32e: {  	v53 =	vmul.f32 v3, v2;
	[tilespmem:s29+$0x40] =	vst v0  }
0x32f: {  	v52 =	vmov s30;
	v6 =	vmul.f32 v6, v2;
	[tilespmem:s29+$0x70] =	vst v1  }
0x330: {  	v49 =	vmul.f32 v7, v2;
	[tilespmem:s29+$0x10] =	vst v53  }
0x331: {  	v50 =	vmul.f32 v8, v2;
	[tilespmem:s29+$0x30] =	vst v6  }
0x332: {  	[tilespmem:s29+$0x60] =	vst v49  }
0x333: {  	v51 =	vld [tilespmem:s29+$0x80];
	[tilespmem:s29+$0x50] =	vst v50  }
0x334: {  	v0 =	vld.idx.msk [tilespmem:v52+s26+$0x0], $0xffff  }
0x335: {  	v54 =	vld [tilespmem:s29+$0x90]  }
0x336: {  	v55 =	vld [tilespmem:s29+$0xA0]  }
0x337: {  	v56 =	vld [tilespmem:s29+$0xD0]  }
0x338: {  	v57 =	vld [tilespmem:s29+$0xB0]  }
0x339: {  	v58 =	vld [tilespmem:s29+$0xC0];
	v6 =	vmul.f32 v51, v0  }
0x33a: {  	v59 =	vld [tilespmem:s29+$0xE0];
	v1 =	vmul.f32 v54, v0  }
0x33b: {  	v60 =	vld [tilespmem:s29+$0xF0];
	v2 =	vmul.f32 v55, v0;
	[tilespmem:s29+$0x80] =	vst v6  }
0x33c: {  	v3 =	vmul.f32 v56, v0;
	[tilespmem:s29+$0x90] =	vst v1  }
0x33d: {  	v61 =	vmul.f32 v57, v0;
	[tilespmem:s29+$0xA0] =	vst v2  }
0x33e: {  	v62 =	vmul.f32 v58, v0;
	[tilespmem:s29+$0xD0] =	vst v3  }
0x33f: {  	v63 =	vmul.f32 v59, v0;
	[tilespmem:s29+$0xB0] =	vst v61  }
0x340: {  	v0 =	vmul.f32 v60, v0;
	[tilespmem:s29+$0xC0] =	vst v62  }
0x341: {  	[tilespmem:s29+$0xE0] =	vst v63  }
.Ltmp10:
0x342: {  	[tilespmem:s29+$0xF0] =	vst v0;
	(pc) =	sbr.rel @p2 .LBB2_26-.Ltmp10, $4  }
0x343: {  	[spmem:s2] =	stream.indirect.scatter.add.f32 [tilespmem:s16], [sflag:$0x5], $0x80, s25, s14, $0xb8;
	[tilespmem:$0x1F780] =	vst v63  }
0x344: {  	_ =	swait.ge [sflag:s10], $0x3000  }
0x345: {  	[sflag:s10] =	ssyncset.done $0x0  }
0x346: {  	[sflag:s10] =	ssyncadd.s32 $0xFFFFD000  }
0x347: {  	_ =	swait.ge [sflag:s13], $0x100  }
0x348: {  	[sflag:s13] =	ssyncset.done $0x0  }
0x349: {  	s4 =	simm.s32 $0x0;
	[sflag:s13] =	ssyncadd.s32 $0xFFFFFF00  }
0x34a: {  	v0 =	vld [tilespmem:s4+$0x19280]  }
0x34b: {  	v1 =	vld [tilespmem:s4+$0x19300];
	_ =	sdelay $0x6  }
0x34c: {  	v2 =	vld.idx.msk [tilespmem:v0+s6+$0x0], $0xffff  }
0x34d: {  	v3 =	vld.idx.msk [tilespmem:v1+s11+$0x0], $0xffff;
	_ =	sdelay $0x4  }
0x34e: {  	v2 =	vadd.f32 v3, v2;
	_ =	sdelay $0x1  }
0x34f: {  	v3 =	vmul.f32 $2.000000030e-01, v2  }
0x350: {  	vm0 =	vge.f32 v2, $0.0e+00  }
0x351: {  	v2 =	vsel vm0, v2, v3  }
0x352: {  	v2 =	vmul.f32 $1.442695020e+00, v2;
	_ =	sdelay $0x1  }
0x353: {  	(erf) = vpow2.f32 v2;
	_ =	sdelay $0x1  }
0x354: {  	v0 =	vadd.s32 $0x2800, v0;
	[tilespmem:s4+$0x19680] =	vst v1  }
0x355: {  	s8 =	simm.s32 $0x10;
	[tilespmem:s4+$0x19580] =	vst v0  }
0x356: {  	v0 =	vld [tilespmem:s8+$0x19280]  }
0x357: {  	v1 =	vld [tilespmem:s8+$0x19300];
	_ =	sdelay $0x3  }
0x358: {  	p2 =	slt.u32 s0, $0x50910;
	v2 =	vpop (erf)  }
0x359: {  	v2 =	vpsel !p2, $0x0, v2  }
0x35a: {  	[tilespmem:s4+$0x19480] =	vst v2  }
0x35b: {  	v2 =	vld.idx.msk [tilespmem:v0+s6+$0x0], $0xffff  }
0x35c: {  	v3 =	vld.idx.msk [tilespmem:v1+s11+$0x0], $0xffff;
	_ =	sdelay $0x4  }
0x35d: {  	v2 =	vadd.f32 v3, v2;
	_ =	sdelay $0x1  }
0x35e: {  	v3 =	vmul.f32 $2.000000030e-01, v2  }
0x35f: {  	vm15 =	vge.f32 v2, $0.0e+00  }
0x360: {  	v2 =	vsel vm15, v2, v3  }
0x361: {  	[tilespmem:s8+$0x19680] =	vst v1;
	v1 =	vmul.f32 $1.442695020e+00, v2;
	_ =	sdelay $0x1  }
0x362: {  	(erf) = vpow2.f32 v1;
	_ =	sdelay $0x1  }
0x363: {  	v0 =	vadd.s32 $0x2800, v0  }
0x364: {  	s30 =	simm.s32 $0x20;
	[tilespmem:s8+$0x19580] =	vst v0  }
0x365: {  	s29 =	simm.s32 $0xC0;
	s9 =	smov.u32 s0;
	v0 =	vld [tilespmem:s30+$0x19280]  }
.LBB2_24:
0x366: {  	p2 =	sne.s32 s29, $0x140;
	v1 =	vld [tilespmem:s30+$0x19300];
	_ =	sdelay $0x2  }
0x367: {  	s9 =	sadd.s32 $0x10, s9  }
0x368: {  	p3 =	slt.u32 s9, $0x50910;
	v2 =	vpop (erf)  }
0x369: {  	v2 =	vpsel !p3, $0x0, v2  }
0x36a: {  	[tilespmem:s8+$0x19480] =	vst v2;
	s8 =	smov.u32 s30  }
0x36b: {  	v2 =	vld.idx.msk [tilespmem:v0+s6+$0x0], $0xffff  }
0x36c: {  	v0 =	vadd.s32 $0x2800, v0;
	v3 =	vld.idx.msk [tilespmem:v1+s11+$0x0], $0xffff;
	[tilespmem:s8+$0x19680] =	vst v1  }
0x36d: {  	[tilespmem:s8+$0x19580] =	vst v0;
	_ =	sdelay $0x4  }
0x36e: {  	v0 =	vadd.f32 v3, v2;
	_ =	sdelay $0x1  }
0x36f: {  	v1 =	vmul.f32 $2.000000030e-01, v0  }
0x370: {  	vm0 =	vge.f32 v0, $0.0e+00  }
0x371: {  	v0 =	vsel vm0, v0, v1  }
0x372: {  	v0 =	vmul.f32 $1.442695020e+00, v0;
	_ =	sdelay $0x1  }
.Ltmp11:
0x373: {  	(erf) = vpow2.f32 v0;
	(pc) =	sbr.rel @p2 .LBB2_24-.Ltmp11, $3  }
0x374: {  	_ =	sdelay $0x1  }
0x375: {  	s30 =	sshra.s32 s29, $0x2  }
0x376: {  	s29 =	sadd.s32 $0x40, s29;
	v0 =	vld [tilespmem:s30+$0x19280]  }
0x377: {  	_ = 	snop  }
0x378: {  	v1 =	vld [tilespmem:s30+$0x19300];
	_ =	sdelay $0x2  }
0x379: {  	s4 =	sadd.s32 $0x10, s9  }
0x37a: {  	p2 =	slt.u32 s4, $0x50910;
	v2 =	vpop (erf)  }
0x37b: {  	v2 =	vpsel !p2, $0x0, v2  }
0x37c: {  	[tilespmem:s8+$0x19480] =	vst v2  }
0x37d: {  	v2 =	vld.idx.msk [tilespmem:v0+s6+$0x0], $0xffff  }
0x37e: {  	v3 =	vld.idx.msk [tilespmem:v1+s11+$0x0], $0xffff;
	_ =	sdelay $0x4  }
0x37f: {  	v2 =	vadd.f32 v3, v2;
	_ =	sdelay $0x1  }
0x380: {  	v3 =	vmul.f32 $2.000000030e-01, v2  }
0x381: {  	vm0 =	vge.f32 v2, $0.0e+00  }
0x382: {  	v2 =	vsel vm0, v2, v3  }
0x383: {  	v2 =	vmul.f32 $1.442695020e+00, v2;
	_ =	sdelay $0x1  }
0x384: {  	(erf) = vpow2.f32 v2;
	_ =	sdelay $0x7  }
0x385: {  	s4 =	sadd.s32 $0x10, s4  }
0x386: {  	s29 =	sadd.s32 s18, s20;
	p6 =	slt.u32 s4, $0x50910;
	v61 =	vadd.s32 $0x2800, v0;
	[tilespmem:s30+$0x19680] =	vst v1;
	v62 =	vpop (erf)  }
0x387: {  	s4 =	sshll.u32 s29, $0x5;
	[tilespmem:s30+$0x19580] =	vst v61;
	v63 =	vpsel !p6, $0x0, v62  }
0x388: {  	s4 =	sand.u32 $0x1FFFFFE0, s4;
	[tilespmem:s30+$0x19480] =	vst v63  }
0x389: {  	[tilespmem:s16], [sflag:$0x3] =	stream.indirect.gather [hbm4b:s5+s14], $0x80, s15, s14, $0xb8;
	[tilespmem:$0x1F780] =	vst v63  }
0x38a: {  	s4 =	sadd.s32 s1, s4;
	s30 =	simm.s32 $0x0  }
0x38b: {  	[tilespmem:s21], [sflag:$0x2] =	stream.linear.gather [hbm4b:s4+s30], $0x100, $0x38;
	[tilespmem:$0x1F780] =	vst v63  }
.LBB2_26:
0x38c: {  	s4 =	simm.s32 $0x0  }
0x38d: {  	_ =	swait.ge [sflag:s28], $0x3000;
	v0 =	vmov s4  }
0x38e: {  	[sflag:s28] =	ssyncset.done $0x0;
	v0 =	vand.u32 $0xFFFFFFFC, v0  }
0x38f: {  	[sflag:s28] =	ssyncadd.s32 $0xFFFFD000;
	v0 =	vbroadcast v0, $0x0  }
0x390: {  	[spmem:s3] =	stream.indirect.scatter.add.f32 [tilespmem:s7], [sflag:$0x5], $0x1, s12, s14, $0xb8;
	[tilespmem:$0x1F780] =	vst v63  }
0x391: {  	_ =	swait.ge [sflag:s10], $0x60  }
0x392: {  	[sflag:s10] =	ssyncset.done $0x0  }
0x393: {  	s18 =	simm.s32 $0x1C880;
	[sflag:s10] =	ssyncadd.s32 $0xFFFFFFA0  }
0x394: {  	v2 =	vld [tilespmem:s18+$0xFFFFFF70]  }
0x395: {  	v0 =	vld.idx.msk [tilespmem:v0+s7+$0x0], $0xffff  }
0x396: {  	v3 =	vld [tilespmem:s18+$0xFFFFFF00]  }
0x397: {  	v4 =	vld [tilespmem:s18+$0xFFFFFF20]  }
0x398: {  	v5 =	vld [tilespmem:s18+$0xFFFFFF30]  }
0x399: {  	v1 =	vld [tilespmem:s18+$0xFFFFFF50]  }
0x39a: {  	v7 =	vld [tilespmem:s18+$0xFFFFFF10];
	v2 =	vmul.f32 v2, v0  }
0x39b: {  	s9 =	simm.s32 $0x1;
	v6 =	vld [tilespmem:s18+$0xFFFFFF60];
	v3 =	vmul.f32 v3, v0  }
0x39c: {  	v8 =	vld [tilespmem:s18+$0xFFFFFF40];
	v4 =	vmul.f32 v4, v0;
	[tilespmem:s18+$0xFFFFFF70] =	vst v2;
	v2 =	vmov s9  }
0x39d: {  	v5 =	vmul.f32 v5, v0;
	[tilespmem:s18+$0xFFFFFF00] =	vst v3;
	v2 =	vand.u32 $0xFFFFFFFD, v2  }
0x39e: {  	v1 =	vmul.f32 v1, v0;
	[tilespmem:s18+$0xFFFFFF20] =	vst v4;
	v2 =	vbroadcast v2, $0x0  }
0x39f: {  	v3 =	vmul.f32 v7, v0;
	[tilespmem:s18+$0xFFFFFF30] =	vst v5  }
0x3a0: {  	v4 =	vmul.f32 v6, v0;
	[tilespmem:s18+$0xFFFFFF50] =	vst v1  }
0x3a1: {  	v0 =	vmul.f32 v8, v0;
	[tilespmem:s18+$0xFFFFFF10] =	vst v3  }
0x3a2: {  	[tilespmem:s18+$0xFFFFFF60] =	vst v4  }
0x3a3: {  	[tilespmem:s18+$0xFFFFFF40] =	vst v0;
	v0 =	vld [tilespmem:s18+$0xFFFFFF80]  }
0x3a4: {  	v2 =	vld.idx.msk [tilespmem:v2+s7+$0x0], $0xffff  }
0x3a5: {  	v1 =	vld [tilespmem:s18+$0xFFFFFFA0]  }
0x3a6: {  	v3 =	vld [tilespmem:s18+$0xFFFFFF90]  }
0x3a7: {  	v4 =	vld [tilespmem:s18+$0xFFFFFFD0]  }
0x3a8: {  	v5 =	vld [tilespmem:s18+$0xFFFFFFE0]  }
0x3a9: {  	v6 =	vld [tilespmem:s18+$0xFFFFFFF0];
	v0 =	vmul.f32 v0, v2  }
0x3aa: {  	s30 =	simm.s32 $0x2;
	v7 =	vld [tilespmem:s18+$0xFFFFFFB0];
	v1 =	vmul.f32 v1, v2  }
0x3ab: {  	v8 =	vld [tilespmem:s18+$0xFFFFFFC0];
	v3 =	vmul.f32 v3, v2;
	[tilespmem:s18+$0xFFFFFF80] =	vst v0;
	v0 =	vmov s30  }
0x3ac: {  	v4 =	vmul.f32 v4, v2;
	[tilespmem:s18+$0xFFFFFFA0] =	vst v1;
	v0 =	vand.u32 $0xFFFFFFFE, v0  }
0x3ad: {  	v1 =	vmul.f32 v5, v2;
	[tilespmem:s18+$0xFFFFFF90] =	vst v3;
	v3 =	vbroadcast v0, $0x0  }
0x3ae: {  	v5 =	vmul.f32 v6, v2;
	[tilespmem:s18+$0xFFFFFFD0] =	vst v4;
	v6 =	vld [tilespmem:s18+$0x30]  }
0x3af: {  	v4 =	vmul.f32 v7, v2;
	v0 =	vld [tilespmem:s18+$0x40];
	[tilespmem:s18+$0xFFFFFFE0] =	vst v1  }
0x3b0: {  	v2 =	vmul.f32 v8, v2;
	v1 =	vld [tilespmem:s18+$0x70];
	[tilespmem:s18+$0xFFFFFFF0] =	vst v5  }
0x3b1: {  	[tilespmem:s18+$0xFFFFFFB0] =	vst v4;
	v4 =	vld [tilespmem:s18+$0x20]  }
0x3b2: {  	[tilespmem:s18+$0xFFFFFFC0] =	vst v2;
	v5 =	vld [tilespmem:s18+$0x0]  }
0x3b3: {  	v2 =	vld.idx.msk [tilespmem:v3+s7+$0x0], $0xffff  }
0x3b4: {  	s29 =	simm.s32 $0x3;
	s8 =	simm.s32 $0x7;
	s9 =	simm.s32 $0x1C880;
	v3 =	vld [tilespmem:s18+$0x10]  }
.LBB2_27:
0x3b5: {  	p2 =	sne.s32 s8, $0x5F  }
0x3b6: {  	v7 =	vld [tilespmem:s18+$0x50];
	s9 =	sadd.s32 $0x200, s9;
	s4 =	smov.u32 s8;
	s8 =	sadd.s32 $0x4, s8  }
0x3b7: {  	v8 =	vld [tilespmem:s18+$0x60];
	_ =	sdelay $0x1  }
0x3b8: {  	v5 =	vmul.f32 v5, v2;
	v3 =	vmul.f32 v3, v2  }
0x3b9: {  	v4 =	vmul.f32 v4, v2;
	v6 =	vmul.f32 v6, v2  }
0x3ba: {  	v0 =	vmul.f32 v0, v2;
	v1 =	vmul.f32 v1, v2;
	[tilespmem:s18+$0x0] =	vst v5  }
0x3bb: {  	[tilespmem:s18+$0x20] =	vst v4;
	v4 =	vmul.f32 v7, v2;
	v2 =	vmul.f32 v8, v2  }
0x3bc: {  	[tilespmem:s18+$0x30] =	vst v6;
	v5 =	vld [tilespmem:s18+$0x80]  }
0x3bd: {  	[tilespmem:s18+$0x60] =	vst v2;
	v2 =	vmov s29;
	v6 =	vld [tilespmem:s18+$0xD0];
	s29 =	smov.u32 s4  }
0x3be: {  	[tilespmem:s18+$0x50] =	vst v4;
	v4 =	vld [tilespmem:s18+$0xE0]  }
0x3bf: {  	[tilespmem:s18+$0x40] =	vst v0;
	v7 =	vld [tilespmem:s18+$0xB0]  }
0x3c0: {  	v0 =	vld [tilespmem:s9+$0x40];
	[tilespmem:s18+$0x70] =	vst v1  }
0x3c1: {  	v1 =	vld [tilespmem:s9+$0x70];
	[tilespmem:s18+$0x10] =	vst v3  }
0x3c2: {  	v2 =	vld.idx.msk [tilespmem:v2+s7+$0x0], $0xffff  }
0x3c3: {  	v3 =	vld [tilespmem:s18+$0x90]  }
0x3c4: {  	v8 =	vld [tilespmem:s18+$0xA0]  }
0x3c5: {  	v9 =	vld [tilespmem:s18+$0xC0]  }
0x3c6: {  	v10 =	vld [tilespmem:s18+$0xF0];
	_ =	sdelay $0x1  }
0x3c7: {  	v5 =	vmul.f32 v5, v2;
	v3 =	vmul.f32 v3, v2  }
0x3c8: {  	s4 =	sadd.s32 $0xFFFFFFFD, s29;
	v7 =	vmul.f32 v7, v2;
	v8 =	vmul.f32 v8, v2  }
0x3c9: {  	v11 =	vmov s4;
	v6 =	vmul.f32 v6, v2;
	[tilespmem:s18+$0x80] =	vst v5;
	v5 =	vmul.f32 v9, v2  }
0x3ca: {  	v9 =	vand.u32 $0xFFFFFFFC, v11;
	[tilespmem:s18+$0x90] =	vst v3;
	v3 =	vmul.f32 v4, v2;
	v2 =	vmul.f32 v10, v2  }
0x3cb: {  	v4 =	vbroadcast v9, $0x0;
	[tilespmem:s18+$0xA0] =	vst v8  }
0x3cc: {  	[tilespmem:s18+$0xD0] =	vst v6  }
0x3cd: {  	v6 =	vld [tilespmem:s9+$0xFFFFFF50];
	[tilespmem:s18+$0xB0] =	vst v7  }
0x3ce: {  	v7 =	vld [tilespmem:s9+$0xFFFFFF30];
	[tilespmem:s18+$0xC0] =	vst v5  }
0x3cf: {  	v5 =	vld [tilespmem:s9+$0xFFFFFF60];
	[tilespmem:s18+$0xE0] =	vst v3  }
0x3d0: {  	v3 =	vld [tilespmem:s9+$0xFFFFFF70];
	[tilespmem:s18+$0xF0] =	vst v2;
	s18 =	smov.u32 s9  }
0x3d1: {  	v2 =	vld.idx.msk [tilespmem:v4+s7+$0x0], $0xffff  }
0x3d2: {  	v4 =	vld [tilespmem:s9+$0xFFFFFF00]  }
0x3d3: {  	v8 =	vld [tilespmem:s9+$0xFFFFFF20]  }
0x3d4: {  	v9 =	vld [tilespmem:s9+$0xFFFFFF10]  }
0x3d5: {  	v10 =	vld [tilespmem:s9+$0xFFFFFF40];
	_ =	sdelay $0x1  }
0x3d6: {  	v3 =	vmul.f32 v3, v2;
	v4 =	vmul.f32 v4, v2  }
0x3d7: {  	s4 =	sadd.s32 $0xFFFFFFFE, s29;
	v5 =	vmul.f32 v5, v2;
	v8 =	vmul.f32 v8, v2  }
0x3d8: {  	v7 =	vmul.f32 v7, v2;
	v9 =	vmul.f32 v9, v2;
	[tilespmem:s9+$0xFFFFFF70] =	vst v3;
	v3 =	vmov s4  }
0x3d9: {  	[tilespmem:s9+$0xFFFFFF00] =	vst v4;
	v4 =	vmul.f32 v10, v2;
	v2 =	vmul.f32 v6, v2;
	v3 =	vand.u32 $0xFFFFFFFD, v3  }
0x3da: {  	[tilespmem:s9+$0xFFFFFF20] =	vst v8;
	v3 =	vbroadcast v3, $0x0  }
0x3db: {  	[tilespmem:s9+$0xFFFFFF30] =	vst v7  }
0x3dc: {  	[tilespmem:s9+$0xFFFFFF50] =	vst v2;
	v2 =	vld [tilespmem:s9+$0xFFFFFFF0]  }
0x3dd: {  	[tilespmem:s9+$0xFFFFFF10] =	vst v9;
	v6 =	vld [tilespmem:s9+$0xFFFFFFD0]  }
0x3de: {  	[tilespmem:s9+$0xFFFFFF60] =	vst v5;
	v5 =	vld [tilespmem:s9+$0xFFFFFFB0]  }
0x3df: {  	[tilespmem:s9+$0xFFFFFF40] =	vst v4;
	v4 =	vld [tilespmem:s9+$0xFFFFFF90]  }
0x3e0: {  	v3 =	vld.idx.msk [tilespmem:v3+s7+$0x0], $0xffff  }
0x3e1: {  	v7 =	vld [tilespmem:s9+$0xFFFFFF80]  }
0x3e2: {  	v8 =	vld [tilespmem:s9+$0xFFFFFFA0]  }
0x3e3: {  	v9 =	vld [tilespmem:s9+$0xFFFFFFC0]  }
0x3e4: {  	v10 =	vld [tilespmem:s9+$0xFFFFFFE0];
	_ =	sdelay $0x1  }
0x3e5: {  	v4 =	vmul.f32 v4, v3;
	v7 =	vmul.f32 v7, v3  }
0x3e6: {  	s4 =	sadd.s32 $0xFFFFFFFF, s29;
	v5 =	vmul.f32 v5, v3;
	v8 =	vmul.f32 v8, v3  }
0x3e7: {  	v6 =	vmul.f32 v6, v3;
	[tilespmem:s9+$0xFFFFFF80] =	vst v7;
	v7 =	vmul.f32 v9, v3;
	v9 =	vmov s4  }
0x3e8: {  	v2 =	vmul.f32 v2, v3;
	[tilespmem:s9+$0xFFFFFFA0] =	vst v8;
	v8 =	vmul.f32 v10, v3;
	v3 =	vand.u32 $0xFFFFFFFE, v9  }
0x3e9: {  	[tilespmem:s9+$0xFFFFFF90] =	vst v4;
	v3 =	vbroadcast v3, $0x0  }
0x3ea: {  	[tilespmem:s9+$0xFFFFFFD0] =	vst v6  }
0x3eb: {  	[tilespmem:s9+$0xFFFFFFE0] =	vst v8  }
0x3ec: {  	[tilespmem:s9+$0xFFFFFFB0] =	vst v5  }
.Ltmp12:
0x3ed: {  	[tilespmem:s9+$0xFFFFFFF0] =	vst v2;
	v4 =	vld [tilespmem:s9+$0x20];
	(pc) =	sbr.rel @p2 .LBB2_27-.Ltmp12, $4  }
0x3ee: {  	[tilespmem:s9+$0xFFFFFFC0] =	vst v7;
	v5 =	vld [tilespmem:s9+$0x0]  }
0x3ef: {  	v2 =	vld.idx.msk [tilespmem:v3+s7+$0x0], $0xffff  }
0x3f0: {  	v3 =	vld [tilespmem:s9+$0x10]  }
0x3f1: {  	v6 =	vld [tilespmem:s9+$0x30]  }
0x3f2: {  	_ =	sdelay $0x1  }
0x3f3: {  	v5 =	vmul.f32 v5, v2  }
0x3f4: {  	v7 =	vld [tilespmem:s18+$0x60];
	v4 =	vmul.f32 v4, v2  }
0x3f5: {  	v8 =	vld [tilespmem:s18+$0x50];
	v0 =	vmul.f32 v0, v2;
	[tilespmem:s18+$0x0] =	vst v5  }
0x3f6: {  	v1 =	vmul.f32 v1, v2;
	[tilespmem:s18+$0x20] =	vst v4  }
0x3f7: {  	v53 =	vmul.f32 v3, v2;
	[tilespmem:s18+$0x40] =	vst v0  }
0x3f8: {  	v52 =	vmov s29;
	v6 =	vmul.f32 v6, v2;
	[tilespmem:s18+$0x70] =	vst v1  }
0x3f9: {  	v49 =	vmul.f32 v7, v2;
	[tilespmem:s18+$0x10] =	vst v53  }
0x3fa: {  	v50 =	vmul.f32 v8, v2;
	[tilespmem:s18+$0x30] =	vst v6  }
0x3fb: {  	[tilespmem:s18+$0x60] =	vst v49  }
0x3fc: {  	v51 =	vld [tilespmem:s18+$0x80];
	[tilespmem:s18+$0x50] =	vst v50  }
0x3fd: {  	v0 =	vld.idx.msk [tilespmem:v52+s7+$0x0], $0xffff  }
0x3fe: {  	v54 =	vld [tilespmem:s18+$0x90]  }
0x3ff: {  	v55 =	vld [tilespmem:s18+$0xA0]  }
0x400: {  	v56 =	vld [tilespmem:s18+$0xD0]  }
0x401: {  	v57 =	vld [tilespmem:s18+$0xB0]  }
0x402: {  	v58 =	vld [tilespmem:s18+$0xC0];
	v6 =	vmul.f32 v51, v0  }
0x403: {  	v59 =	vld [tilespmem:s18+$0xE0];
	v1 =	vmul.f32 v54, v0  }
0x404: {  	v60 =	vld [tilespmem:s18+$0xF0];
	v2 =	vmul.f32 v55, v0;
	[tilespmem:s18+$0x80] =	vst v6  }
0x405: {  	v3 =	vmul.f32 v56, v0;
	[tilespmem:s18+$0x90] =	vst v1  }
0x406: {  	v61 =	vmul.f32 v57, v0;
	[tilespmem:s18+$0xA0] =	vst v2  }
0x407: {  	v62 =	vmul.f32 v58, v0;
	[tilespmem:s18+$0xD0] =	vst v3  }
0x408: {  	v63 =	vmul.f32 v59, v0;
	[tilespmem:s18+$0xB0] =	vst v61  }
0x409: {  	s17 =	sadd.s32 $0x1, s17;
	v0 =	vmul.f32 v60, v0;
	[tilespmem:s18+$0xC0] =	vst v62  }
0x40a: {  	p2 =	sne.s32 s17, $0x36;
	[tilespmem:s18+$0xE0] =	vst v63  }
.Ltmp13:
0x40b: {  	[tilespmem:s18+$0xF0] =	vst v0;
	(pc) =	sbr.rel @p2 .LBB2_18-.Ltmp13, $4  }
0x40c: {  	[spmem:s2] =	stream.indirect.scatter.add.f32 [tilespmem:s24], [sflag:$0x5], $0x80, s12, s14, $0xb8;
	[tilespmem:$0x1F780] =	vst v63  }
0x40d: {  	_ =	swait.ge [sflag:s10], $0x3000  }
0x40e: {  	[sflag:s10] =	ssyncset.done $0x0  }
0x40f: {  	s31 =	sadd.s32 $0xC0, s31;
	s0 =	sadd.s32 $0xC0, s0;
	[sflag:s10] =	ssyncadd.s32 $0xFFFFD000  }
0x410: {  	[bflag:$0x0] =	sbarrier.arrive $0xFFFF  }
0x411: {  	s0 =	rddreg [dreg:$0xa]  }
0x412: {  	s9 =	rddreg [dreg:$0x1c]  }
0x413: {  	s4 =	simm.s32 $0x80;
	s8 =	simm.s32 $0x10;
	s17 =	rddreg [dreg:$0x1d]  }
0x414: {  	[hbm:s0@s4], [sflag:s9] =	dma.strided [spmem:s17@s8], $0x50, s13, $0x10   }
0x415: {  	_ =	swait.ge [sflag:s10], $0x50  }
0x416: {  	[sflag:s10] =	ssyncset.done $0x0;
	s18 =	rddreg [dreg:$0xc]  }
0x417: {  	s29 =	rddreg [dreg:$0x1e];
	[sflag:s10] =	ssyncadd.s32 $0xFFFFFFB0  }
0x418: {  	[hbm:s18], [sflag:s9] =	dma.local [spmem:s29], $0x2800  }
0x419: {  	_ =	swait.ge [sflag:s10], $0x2800  }
0x41a: {  	[sflag:s10] =	ssyncset.done $0x0  }
0x41b: {  	[sflag:s10] =	ssyncadd.s32 $0xFFFFD800  }
0x41c: {  	[bflag:$0x0] =	sbarrier.arrive $0xFFFF  }
0x41d: {  	s31 =	simm.s32 $0x400;
	s30 =	rddreg [dreg:$0x15]  }
0x41e: {  	[tilespmem:s6], [sflag:$0x5] =	stream.strided.gather [hbm4b:s30+s4], $0x2800, s31, s4, $0x38;
	[tilespmem:$0x1F780] =	vst v63  }
0x41f: {  	_ =	swait.ge [sflag:s10], $0x2800  }
0x420: {  	[sflag:s10] =	ssyncset.done $0x0  }
0x421: {  	s17 =	rddreg [dreg:$0x16];
	[sflag:s10] =	ssyncadd.s32 $0xFFFFD800  }
0x422: {  	[tilespmem:s11], [sflag:$0x5] =	stream.strided.gather [hbm4b:s17+s4], $0x2800, s31, s4, $0x38;
	[tilespmem:$0x1F780] =	vst v63  }
0x423: {  	_ =	swait.ge [sflag:s10], $0x2800  }
0x424: {  	[sflag:s10] =	ssyncset.done $0x0;
	s0 =	rddreg [dreg:$0x6]  }
0x425: {  	s4 =	rddreg [dreg:$0x1f];
	[sflag:s10] =	ssyncadd.s32 $0xFFFFD800  }
0x426: {  	[spmem:s4], [sflag:s9] =	dma.local @!p0 [hbm:s0], $0x28000  }
0x427: {  	s0 =	simm.s32 @!p0 $0x5  }
0x428: {  	_ =	swait.ge @!p0 [sflag:s0], $0x28000  }
0x429: {  	s8 =	sld [smem:$0x7FD]  }
0x42a: {  	[sflag:s0] =	ssyncset.done @!p0 $0x0  }
0x42b: {  	s4 =	rddreg [dreg:$0x7];
	[sflag:s0] =	ssyncadd.s32 @!p0 $0xFFFD8000  }
0x42c: {  	[spmem:s8], [sflag:s9] =	dma.local @!p0 [hbm:s4], $0x500  }
0x42d: {  	_ =	swait.ge @!p0 [sflag:s0], $0x500  }
0x42e: {  	[sflag:s0] =	ssyncset.done @!p0 $0x0  }
0x42f: {  	[sflag:s0] =	ssyncadd.s32 @!p0 $0xFFFFFB00  }
0x430: {  	[bflag:$0x0] =	sbarrier.arrive $0xFFFF  }
0x431: {  	s18 =	simm.s32 $0x0;
	s30 =	simm.s32 $0x19280;
	s29 =	rddreg [dreg:$0x10]  }
0x432: {  	[tilespmem:s30], [sflag:$0x1] =	stream.linear.gather [hbm4b:s29+s18], $0x100, $0x38;
	[tilespmem:$0x1F780] =	vst v63  }
0x433: {  	_ =	swait.ge [sflag:s13], $0x100  }
0x434: {  	[sflag:s13] =	ssyncset.done $0x0  }
0x435: {  	s31 =	simm.s32 $0x0;
	[sflag:s13] =	ssyncadd.s32 $0xFFFFFF00  }
0x436: {  	v0 =	vld [tilespmem:s31+$0x19280]  }
0x437: {  	v1 =	vld [tilespmem:s31+$0x19300];
	_ =	sdelay $0x6  }
0x438: {  	v2 =	vld.idx.msk [tilespmem:v0+s6+$0x0], $0xffff  }
0x439: {  	v3 =	vld.idx.msk [tilespmem:v1+s11+$0x0], $0xffff;
	_ =	sdelay $0x4  }
0x43a: {  	v2 =	vadd.f32 v3, v2;
	_ =	sdelay $0x1  }
0x43b: {  	v3 =	vmul.f32 $2.000000030e-01, v2  }
0x43c: {  	vm0 =	vge.f32 v2, $0.0e+00  }
0x43d: {  	v2 =	vsel vm0, v2, v3  }
0x43e: {  	v2 =	vmul.f32 $1.442695020e+00, v2;
	_ =	sdelay $0x1  }
0x43f: {  	(erf) = vpow2.f32 v2;
	_ =	sdelay $0x1  }
0x440: {  	v0 =	vadd.s32 $0x5000, v0;
	[tilespmem:s31+$0x19680] =	vst v1  }
0x441: {  	s0 =	simm.s32 $0x10;
	[tilespmem:s31+$0x19580] =	vst v0  }
0x442: {  	v0 =	vld [tilespmem:s0+$0x19280]  }
0x443: {  	v1 =	vld [tilespmem:s0+$0x19300];
	_ =	sdelay $0x3  }
0x444: {  	v2 =	vpop (erf)  }
0x445: {  	v2 =	vpsel !p1, $0x0, v2  }
0x446: {  	[tilespmem:s31+$0x19480] =	vst v2  }
0x447: {  	v2 =	vld.idx.msk [tilespmem:v0+s6+$0x0], $0xffff  }
0x448: {  	v3 =	vld.idx.msk [tilespmem:v1+s11+$0x0], $0xffff;
	_ =	sdelay $0x4  }
0x449: {  	v2 =	vadd.f32 v3, v2;
	_ =	sdelay $0x1  }
0x44a: {  	v3 =	vmul.f32 $2.000000030e-01, v2  }
0x44b: {  	vm15 =	vge.f32 v2, $0.0e+00  }
0x44c: {  	v2 =	vsel vm15, v2, v3  }
0x44d: {  	[tilespmem:s0+$0x19680] =	vst v1;
	v1 =	vmul.f32 $1.442695020e+00, v2;
	_ =	sdelay $0x1  }
0x44e: {  	(erf) = vpow2.f32 v1;
	_ =	sdelay $0x1  }
0x44f: {  	v0 =	vadd.s32 $0x5000, v0  }
0x450: {  	s17 =	simm.s32 $0x20;
	[tilespmem:s0+$0x19580] =	vst v0  }
0x451: {  	s9 =	simm.s32 $0xC0;
	s8 =	rddreg [dreg:$0xf];
	v0 =	vld [tilespmem:s17+$0x19280]  }
.LBB2_30:
0x452: {  	p1 =	sne.s32 s9, $0x140;
	v1 =	vld [tilespmem:s17+$0x19300];
	_ =	sdelay $0x2  }
0x453: {  	s8 =	sadd.s32 $0x10, s8  }
0x454: {  	p2 =	slt.u32 s8, $0x50910;
	v2 =	vpop (erf)  }
0x455: {  	v2 =	vpsel !p2, $0x0, v2  }
0x456: {  	[tilespmem:s0+$0x19480] =	vst v2;
	s0 =	smov.u32 s17  }
0x457: {  	v2 =	vld.idx.msk [tilespmem:v0+s6+$0x0], $0xffff  }
0x458: {  	v0 =	vadd.s32 $0x5000, v0;
	v3 =	vld.idx.msk [tilespmem:v1+s11+$0x0], $0xffff;
	[tilespmem:s0+$0x19680] =	vst v1  }
0x459: {  	[tilespmem:s0+$0x19580] =	vst v0;
	_ =	sdelay $0x4  }
0x45a: {  	v0 =	vadd.f32 v3, v2;
	_ =	sdelay $0x1  }
0x45b: {  	v1 =	vmul.f32 $2.000000030e-01, v0  }
0x45c: {  	vm0 =	vge.f32 v0, $0.0e+00  }
0x45d: {  	v0 =	vsel vm0, v0, v1  }
0x45e: {  	v0 =	vmul.f32 $1.442695020e+00, v0;
	_ =	sdelay $0x1  }
.Ltmp14:
0x45f: {  	(erf) = vpow2.f32 v0;
	(pc) =	sbr.rel @p1 .LBB2_30-.Ltmp14, $3  }
0x460: {  	_ =	sdelay $0x1  }
0x461: {  	s17 =	sshra.s32 s9, $0x2  }
0x462: {  	s9 =	sadd.s32 $0x40, s9;
	v0 =	vld [tilespmem:s17+$0x19280]  }
0x463: {  	_ = 	snop  }
0x464: {  	v1 =	vld [tilespmem:s17+$0x19300];
	_ =	sdelay $0x2  }
0x465: {  	s4 =	sadd.s32 $0x10, s8  }
0x466: {  	p1 =	slt.u32 s4, $0x50910;
	v2 =	vpop (erf)  }
0x467: {  	v2 =	vpsel !p1, $0x0, v2  }
0x468: {  	[tilespmem:s0+$0x19480] =	vst v2  }
0x469: {  	v2 =	vld.idx.msk [tilespmem:v0+s6+$0x0], $0xffff  }
0x46a: {  	v3 =	vld.idx.msk [tilespmem:v1+s11+$0x0], $0xffff;
	_ =	sdelay $0x4  }
0x46b: {  	v2 =	vadd.f32 v3, v2;
	_ =	sdelay $0x1  }
0x46c: {  	v3 =	vmul.f32 $2.000000030e-01, v2  }
0x46d: {  	vm0 =	vge.f32 v2, $0.0e+00  }
0x46e: {  	v2 =	vsel vm0, v2, v3  }
0x46f: {  	v2 =	vmul.f32 $1.442695020e+00, v2;
	_ =	sdelay $0x1  }
0x470: {  	(erf) = vpow2.f32 v2;
	_ =	sdelay $0x7  }
0x471: {  	s30 =	sadd.s32 $0x10, s4  }
0x472: {  	p6 =	slt.u32 s30, $0x50910;
	v61 =	vadd.s32 $0x5000, v0;
	[tilespmem:s17+$0x19680] =	vst v1;
	v62 =	vpop (erf)  }
0x473: {  	s31 =	rddreg [dreg:$0x1a];
	[tilespmem:s17+$0x19580] =	vst v61;
	v63 =	vpsel !p6, $0x0, v62  }
0x474: {  	s29 =	rddreg [dreg:$0x18];
	[tilespmem:s17+$0x19480] =	vst v63  }
0x475: {  	[tilespmem:s16], [sflag:$0x3] =	stream.indirect.gather [hbm4b:s5+s14], $0x80, s15, s14, $0xb8;
	[tilespmem:$0x1F780] =	vst v63  }
0x476: {  	s0 =	rddreg [dreg:$0x19];
	s17 =	simm.s32 $0x0  }
0x477: {  	[tilespmem:s21], [sflag:$0x2] =	stream.linear.gather [hbm4b:s31+s17], $0x100, $0x38;
	[tilespmem:$0x1F780] =	vst v63  }
.LBB2_32:
0x478: {  	_ =	swait.ge [sflag:s22], $0x100  }
0x479: {  	[sflag:s22] =	ssyncset.done $0x0  }
0x47a: {  	s4 =	simm.s32 $0x0;
	[sflag:s22] =	ssyncadd.s32 $0xFFFFFF00  }
0x47b: {  	v0 =	vld [tilespmem:s4+$0x19380]  }
0x47c: {  	v1 =	vld [tilespmem:s4+$0x19400];
	_ =	sdelay $0x6  }
0x47d: {  	v2 =	vld.idx.msk [tilespmem:v0+s6+$0x0], $0xffff  }
0x47e: {  	v3 =	vld.idx.msk [tilespmem:v1+s11+$0x0], $0xffff;
	_ =	sdelay $0x4  }
0x47f: {  	v2 =	vadd.f32 v3, v2;
	_ =	sdelay $0x1  }
0x480: {  	v3 =	vmul.f32 $2.000000030e-01, v2  }
0x481: {  	vm0 =	vge.f32 v2, $0.0e+00  }
0x482: {  	v2 =	vsel vm0, v2, v3  }
0x483: {  	v2 =	vmul.f32 $1.442695020e+00, v2;
	_ =	sdelay $0x1  }
0x484: {  	(erf) = vpow2.f32 v2;
	_ =	sdelay $0x1  }
0x485: {  	v0 =	vadd.s32 $0x5000, v0;
	[tilespmem:s4+$0x19700] =	vst v1  }
0x486: {  	s8 =	simm.s32 $0x10;
	[tilespmem:s4+$0x19600] =	vst v0  }
0x487: {  	v0 =	vld [tilespmem:s8+$0x19380]  }
0x488: {  	v1 =	vld [tilespmem:s8+$0x19400];
	_ =	sdelay $0x3  }
0x489: {  	p1 =	slt.u32 s29, $0x50910;
	v2 =	vpop (erf)  }
0x48a: {  	v2 =	vpsel !p1, $0x0, v2  }
0x48b: {  	[tilespmem:s4+$0x19500] =	vst v2  }
0x48c: {  	v2 =	vld.idx.msk [tilespmem:v0+s6+$0x0], $0xffff  }
0x48d: {  	v3 =	vld.idx.msk [tilespmem:v1+s11+$0x0], $0xffff;
	_ =	sdelay $0x4  }
0x48e: {  	v2 =	vadd.f32 v3, v2;
	_ =	sdelay $0x1  }
0x48f: {  	v3 =	vmul.f32 $2.000000030e-01, v2  }
0x490: {  	vm15 =	vge.f32 v2, $0.0e+00  }
0x491: {  	v2 =	vsel vm15, v2, v3  }
0x492: {  	[tilespmem:s8+$0x19700] =	vst v1;
	v1 =	vmul.f32 $1.442695020e+00, v2;
	_ =	sdelay $0x1  }
0x493: {  	(erf) = vpow2.f32 v1;
	_ =	sdelay $0x1  }
0x494: {  	v0 =	vadd.s32 $0x5000, v0  }
0x495: {  	s31 =	simm.s32 $0x20;
	[tilespmem:s8+$0x19600] =	vst v0  }
0x496: {  	s18 =	sshll.u32 s17, $0x1;
	s30 =	simm.s32 $0xC0;
	s9 =	smov.u32 s29;
	v0 =	vld [tilespmem:s31+$0x19380]  }
.LBB2_33:
0x497: {  	p1 =	sne.s32 s30, $0x140;
	v1 =	vld [tilespmem:s31+$0x19400];
	_ =	sdelay $0x2  }
0x498: {  	s9 =	sadd.s32 $0x10, s9  }
0x499: {  	p2 =	slt.u32 s9, $0x50910;
	v2 =	vpop (erf)  }
0x49a: {  	v2 =	vpsel !p2, $0x0, v2  }
0x49b: {  	[tilespmem:s8+$0x19500] =	vst v2;
	s8 =	smov.u32 s31  }
0x49c: {  	v2 =	vld.idx.msk [tilespmem:v0+s6+$0x0], $0xffff  }
0x49d: {  	v0 =	vadd.s32 $0x5000, v0;
	v3 =	vld.idx.msk [tilespmem:v1+s11+$0x0], $0xffff;
	[tilespmem:s8+$0x19700] =	vst v1  }
0x49e: {  	[tilespmem:s8+$0x19600] =	vst v0;
	_ =	sdelay $0x4  }
0x49f: {  	v0 =	vadd.f32 v3, v2;
	_ =	sdelay $0x1  }
0x4a0: {  	v1 =	vmul.f32 $2.000000030e-01, v0  }
0x4a1: {  	vm0 =	vge.f32 v0, $0.0e+00  }
0x4a2: {  	v0 =	vsel vm0, v0, v1  }
0x4a3: {  	v0 =	vmul.f32 $1.442695020e+00, v0;
	_ =	sdelay $0x1  }
.Ltmp15:
0x4a4: {  	(erf) = vpow2.f32 v0;
	(pc) =	sbr.rel @p1 .LBB2_33-.Ltmp15, $3  }
0x4a5: {  	_ =	sdelay $0x1  }
0x4a6: {  	s31 =	sshra.s32 s30, $0x2  }
0x4a7: {  	s30 =	sadd.s32 $0x40, s30;
	v0 =	vld [tilespmem:s31+$0x19380]  }
0x4a8: {  	_ = 	snop  }
0x4a9: {  	v1 =	vld [tilespmem:s31+$0x19400];
	_ =	sdelay $0x2  }
0x4aa: {  	s4 =	sadd.s32 $0x10, s9  }
0x4ab: {  	p1 =	slt.u32 s4, $0x50910;
	v2 =	vpop (erf)  }
0x4ac: {  	v2 =	vpsel !p1, $0x0, v2  }
0x4ad: {  	[tilespmem:s8+$0x19500] =	vst v2  }
0x4ae: {  	v2 =	vld.idx.msk [tilespmem:v0+s6+$0x0], $0xffff  }
0x4af: {  	v3 =	vld.idx.msk [tilespmem:v1+s11+$0x0], $0xffff;
	_ =	sdelay $0x4  }
0x4b0: {  	v2 =	vadd.f32 v3, v2;
	_ =	sdelay $0x1  }
0x4b1: {  	v3 =	vmul.f32 $2.000000030e-01, v2  }
0x4b2: {  	vm0 =	vge.f32 v2, $0.0e+00  }
0x4b3: {  	v2 =	vsel vm0, v2, v3  }
0x4b4: {  	v2 =	vmul.f32 $1.442695020e+00, v2;
	_ =	sdelay $0x1  }
0x4b5: {  	(erf) = vpow2.f32 v2;
	_ =	sdelay $0x7  }
0x4b6: {  	s4 =	sadd.s32 $0x10, s4;
	p1 =	seq.s32 s17, $0x35  }
0x4b7: {  	p6 =	slt.u32 s4, $0x50910;
	s4 =	sadd.s32 @!p1 s18, s19;
	v0 =	vadd.s32 $0x5000, v0;
	[tilespmem:s31+$0x19700] =	vst v1;
	v1 =	vpop (erf)  }
0x4b8: {  	s4 =	sshll.u32 @!p1 s4, $0x5;
	[tilespmem:s31+$0x19600] =	vst v0;
	v0 =	vpsel !p6, $0x0, v1  }
0x4b9: {  	s4 =	sand.u32 @!p1 $0x1FFFFFC0, s4;
	[tilespmem:s31+$0x19500] =	vst v0  }
0x4ba: {  	[tilespmem:s24], [sflag:$0x4] =	stream.indirect.gather [hbm4b:s5+s14], $0x80, s23, s14, $0xb8;
	[tilespmem:$0x1F780] =	vst v63  }
0x4bb: {  	s8 =	simm.s32 @!p1 $0x0;
	s9 =	simm.s32 @!p1 $0x19280;
	s4 =	sadd.s32 @!p1 s1, s4  }
0x4bc: {  	[tilespmem:s9], [sflag:$0x1] =	stream.linear.gather @!p1 [hbm4b:s4+s8], $0x100, $0x38;
	[tilespmem:$0x1F780] =	vst v63  }
0x4bd: {  	s31 =	simm.s32 $0x3;
	s9 =	simm.s32 $0x0  }
0x4be: {  	_ =	swait.ge [sflag:s31], $0x3000;
	v0 =	vmov s9  }
0x4bf: {  	[sflag:s31] =	ssyncset.done $0x0;
	v0 =	vand.u32 $0xFFFFFFFC, v0  }
0x4c0: {  	[sflag:s31] =	ssyncadd.s32 $0xFFFFD000;
	v0 =	vbroadcast v0, $0x0  }
0x4c1: {  	[spmem:s3] =	stream.indirect.scatter.add.f32 [tilespmem:s26], [sflag:$0x5], $0x1, s25, s14, $0xb8;
	[tilespmem:$0x1F780] =	vst v63  }
0x4c2: {  	_ =	swait.ge [sflag:s10], $0x60  }
0x4c3: {  	[sflag:s10] =	ssyncset.done $0x0  }
0x4c4: {  	s30 =	simm.s32 $0x19880;
	[sflag:s10] =	ssyncadd.s32 $0xFFFFFFA0  }
0x4c5: {  	v2 =	vld [tilespmem:s30+$0xFFFFFF70]  }
0x4c6: {  	v0 =	vld.idx.msk [tilespmem:v0+s26+$0x0], $0xffff  }
0x4c7: {  	v3 =	vld [tilespmem:s30+$0xFFFFFF00]  }
0x4c8: {  	v4 =	vld [tilespmem:s30+$0xFFFFFF20]  }
0x4c9: {  	v5 =	vld [tilespmem:s30+$0xFFFFFF30]  }
0x4ca: {  	v1 =	vld [tilespmem:s30+$0xFFFFFF50]  }
0x4cb: {  	v7 =	vld [tilespmem:s30+$0xFFFFFF10];
	v2 =	vmul.f32 v2, v0  }
0x4cc: {  	s8 =	simm.s32 $0x1;
	v6 =	vld [tilespmem:s30+$0xFFFFFF60];
	v3 =	vmul.f32 v3, v0  }
0x4cd: {  	v8 =	vld [tilespmem:s30+$0xFFFFFF40];
	v4 =	vmul.f32 v4, v0;
	[tilespmem:s30+$0xFFFFFF70] =	vst v2;
	v2 =	vmov s8  }
0x4ce: {  	v5 =	vmul.f32 v5, v0;
	[tilespmem:s30+$0xFFFFFF00] =	vst v3;
	v2 =	vand.u32 $0xFFFFFFFD, v2  }
0x4cf: {  	v1 =	vmul.f32 v1, v0;
	[tilespmem:s30+$0xFFFFFF20] =	vst v4;
	v2 =	vbroadcast v2, $0x0  }
0x4d0: {  	v3 =	vmul.f32 v7, v0;
	[tilespmem:s30+$0xFFFFFF30] =	vst v5  }
0x4d1: {  	v4 =	vmul.f32 v6, v0;
	[tilespmem:s30+$0xFFFFFF50] =	vst v1  }
0x4d2: {  	v0 =	vmul.f32 v8, v0;
	[tilespmem:s30+$0xFFFFFF10] =	vst v3  }
0x4d3: {  	[tilespmem:s30+$0xFFFFFF60] =	vst v4  }
0x4d4: {  	[tilespmem:s30+$0xFFFFFF40] =	vst v0;
	v0 =	vld [tilespmem:s30+$0xFFFFFF80]  }
0x4d5: {  	v2 =	vld.idx.msk [tilespmem:v2+s26+$0x0], $0xffff  }
0x4d6: {  	v1 =	vld [tilespmem:s30+$0xFFFFFFA0]  }
0x4d7: {  	v3 =	vld [tilespmem:s30+$0xFFFFFF90]  }
0x4d8: {  	v4 =	vld [tilespmem:s30+$0xFFFFFFD0]  }
0x4d9: {  	v5 =	vld [tilespmem:s30+$0xFFFFFFE0]  }
0x4da: {  	v6 =	vld [tilespmem:s30+$0xFFFFFFF0];
	v0 =	vmul.f32 v0, v2  }
0x4db: {  	s9 =	simm.s32 $0x2;
	v7 =	vld [tilespmem:s30+$0xFFFFFFB0];
	v1 =	vmul.f32 v1, v2  }
0x4dc: {  	v8 =	vld [tilespmem:s30+$0xFFFFFFC0];
	v3 =	vmul.f32 v3, v2;
	[tilespmem:s30+$0xFFFFFF80] =	vst v0;
	v0 =	vmov s9  }
0x4dd: {  	v4 =	vmul.f32 v4, v2;
	[tilespmem:s30+$0xFFFFFFA0] =	vst v1;
	v0 =	vand.u32 $0xFFFFFFFE, v0  }
0x4de: {  	v1 =	vmul.f32 v5, v2;
	[tilespmem:s30+$0xFFFFFF90] =	vst v3;
	v3 =	vbroadcast v0, $0x0  }
0x4df: {  	v5 =	vmul.f32 v6, v2;
	[tilespmem:s30+$0xFFFFFFD0] =	vst v4;
	v6 =	vld [tilespmem:s30+$0x30]  }
0x4e0: {  	v4 =	vmul.f32 v7, v2;
	v0 =	vld [tilespmem:s30+$0x40];
	[tilespmem:s30+$0xFFFFFFE0] =	vst v1  }
0x4e1: {  	v2 =	vmul.f32 v8, v2;
	v1 =	vld [tilespmem:s30+$0x70];
	[tilespmem:s30+$0xFFFFFFF0] =	vst v5  }
0x4e2: {  	[tilespmem:s30+$0xFFFFFFB0] =	vst v4;
	v4 =	vld [tilespmem:s30+$0x20]  }
0x4e3: {  	[tilespmem:s30+$0xFFFFFFC0] =	vst v2;
	v5 =	vld [tilespmem:s30+$0x0]  }
0x4e4: {  	v2 =	vld.idx.msk [tilespmem:v3+s26+$0x0], $0xffff  }
0x4e5: {  	s8 =	simm.s32 $0x7;
	s9 =	simm.s32 $0x19880;
	v3 =	vld [tilespmem:s30+$0x10]  }
.LBB2_35:
0x4e6: {  	p2 =	sne.s32 s8, $0x5F  }
0x4e7: {  	v7 =	vld [tilespmem:s30+$0x50];
	s9 =	sadd.s32 $0x200, s9;
	s4 =	smov.u32 s8;
	s8 =	sadd.s32 $0x4, s8  }
0x4e8: {  	v8 =	vld [tilespmem:s30+$0x60];
	_ =	sdelay $0x1  }
0x4e9: {  	v5 =	vmul.f32 v5, v2;
	v3 =	vmul.f32 v3, v2  }
0x4ea: {  	v4 =	vmul.f32 v4, v2;
	v6 =	vmul.f32 v6, v2  }
0x4eb: {  	v0 =	vmul.f32 v0, v2;
	v1 =	vmul.f32 v1, v2;
	[tilespmem:s30+$0x0] =	vst v5  }
0x4ec: {  	[tilespmem:s30+$0x20] =	vst v4;
	v4 =	vmul.f32 v7, v2;
	v2 =	vmul.f32 v8, v2  }
0x4ed: {  	[tilespmem:s30+$0x30] =	vst v6;
	v5 =	vld [tilespmem:s30+$0x80]  }
0x4ee: {  	[tilespmem:s30+$0x60] =	vst v2;
	v2 =	vmov s31;
	v6 =	vld [tilespmem:s30+$0xD0];
	s31 =	smov.u32 s4  }
0x4ef: {  	[tilespmem:s30+$0x50] =	vst v4;
	v4 =	vld [tilespmem:s30+$0xE0]  }
0x4f0: {  	[tilespmem:s30+$0x40] =	vst v0;
	v7 =	vld [tilespmem:s30+$0xB0]  }
0x4f1: {  	v0 =	vld [tilespmem:s9+$0x40];
	[tilespmem:s30+$0x70] =	vst v1  }
0x4f2: {  	v1 =	vld [tilespmem:s9+$0x70];
	[tilespmem:s30+$0x10] =	vst v3  }
0x4f3: {  	v2 =	vld.idx.msk [tilespmem:v2+s26+$0x0], $0xffff  }
0x4f4: {  	v3 =	vld [tilespmem:s30+$0x90]  }
0x4f5: {  	v8 =	vld [tilespmem:s30+$0xA0]  }
0x4f6: {  	v9 =	vld [tilespmem:s30+$0xC0]  }
0x4f7: {  	v10 =	vld [tilespmem:s30+$0xF0];
	_ =	sdelay $0x1  }
0x4f8: {  	v5 =	vmul.f32 v5, v2;
	v3 =	vmul.f32 v3, v2  }
0x4f9: {  	s4 =	sadd.s32 $0xFFFFFFFD, s31;
	v7 =	vmul.f32 v7, v2;
	v8 =	vmul.f32 v8, v2  }
0x4fa: {  	v11 =	vmov s4;
	v6 =	vmul.f32 v6, v2;
	[tilespmem:s30+$0x80] =	vst v5;
	v5 =	vmul.f32 v9, v2  }
0x4fb: {  	v9 =	vand.u32 $0xFFFFFFFC, v11;
	[tilespmem:s30+$0x90] =	vst v3;
	v3 =	vmul.f32 v4, v2;
	v2 =	vmul.f32 v10, v2  }
0x4fc: {  	v4 =	vbroadcast v9, $0x0;
	[tilespmem:s30+$0xA0] =	vst v8  }
0x4fd: {  	[tilespmem:s30+$0xD0] =	vst v6  }
0x4fe: {  	v6 =	vld [tilespmem:s9+$0xFFFFFF50];
	[tilespmem:s30+$0xB0] =	vst v7  }
0x4ff: {  	v7 =	vld [tilespmem:s9+$0xFFFFFF30];
	[tilespmem:s30+$0xC0] =	vst v5  }
0x500: {  	v5 =	vld [tilespmem:s9+$0xFFFFFF60];
	[tilespmem:s30+$0xE0] =	vst v3  }
0x501: {  	v3 =	vld [tilespmem:s9+$0xFFFFFF70];
	[tilespmem:s30+$0xF0] =	vst v2;
	s30 =	smov.u32 s9  }
0x502: {  	v2 =	vld.idx.msk [tilespmem:v4+s26+$0x0], $0xffff  }
0x503: {  	v4 =	vld [tilespmem:s9+$0xFFFFFF00]  }
0x504: {  	v8 =	vld [tilespmem:s9+$0xFFFFFF20]  }
0x505: {  	v9 =	vld [tilespmem:s9+$0xFFFFFF10]  }
0x506: {  	v10 =	vld [tilespmem:s9+$0xFFFFFF40];
	_ =	sdelay $0x1  }
0x507: {  	v3 =	vmul.f32 v3, v2;
	v4 =	vmul.f32 v4, v2  }
0x508: {  	s4 =	sadd.s32 $0xFFFFFFFE, s31;
	v5 =	vmul.f32 v5, v2;
	v8 =	vmul.f32 v8, v2  }
0x509: {  	v7 =	vmul.f32 v7, v2;
	v9 =	vmul.f32 v9, v2;
	[tilespmem:s9+$0xFFFFFF70] =	vst v3;
	v3 =	vmov s4  }
0x50a: {  	[tilespmem:s9+$0xFFFFFF00] =	vst v4;
	v4 =	vmul.f32 v10, v2;
	v2 =	vmul.f32 v6, v2;
	v3 =	vand.u32 $0xFFFFFFFD, v3  }
0x50b: {  	[tilespmem:s9+$0xFFFFFF20] =	vst v8;
	v3 =	vbroadcast v3, $0x0  }
0x50c: {  	[tilespmem:s9+$0xFFFFFF30] =	vst v7  }
0x50d: {  	[tilespmem:s9+$0xFFFFFF50] =	vst v2;
	v2 =	vld [tilespmem:s9+$0xFFFFFFF0]  }
0x50e: {  	[tilespmem:s9+$0xFFFFFF10] =	vst v9;
	v6 =	vld [tilespmem:s9+$0xFFFFFFD0]  }
0x50f: {  	[tilespmem:s9+$0xFFFFFF60] =	vst v5;
	v5 =	vld [tilespmem:s9+$0xFFFFFFB0]  }
0x510: {  	[tilespmem:s9+$0xFFFFFF40] =	vst v4;
	v4 =	vld [tilespmem:s9+$0xFFFFFF90]  }
0x511: {  	v3 =	vld.idx.msk [tilespmem:v3+s26+$0x0], $0xffff  }
0x512: {  	v7 =	vld [tilespmem:s9+$0xFFFFFF80]  }
0x513: {  	v8 =	vld [tilespmem:s9+$0xFFFFFFA0]  }
0x514: {  	v9 =	vld [tilespmem:s9+$0xFFFFFFC0]  }
0x515: {  	v10 =	vld [tilespmem:s9+$0xFFFFFFE0];
	_ =	sdelay $0x1  }
0x516: {  	v4 =	vmul.f32 v4, v3;
	v7 =	vmul.f32 v7, v3  }
0x517: {  	s4 =	sadd.s32 $0xFFFFFFFF, s31;
	v5 =	vmul.f32 v5, v3;
	v8 =	vmul.f32 v8, v3  }
0x518: {  	v6 =	vmul.f32 v6, v3;
	[tilespmem:s9+$0xFFFFFF80] =	vst v7;
	v7 =	vmul.f32 v9, v3;
	v9 =	vmov s4  }
0x519: {  	v2 =	vmul.f32 v2, v3;
	[tilespmem:s9+$0xFFFFFFA0] =	vst v8;
	v8 =	vmul.f32 v10, v3;
	v3 =	vand.u32 $0xFFFFFFFE, v9  }
0x51a: {  	[tilespmem:s9+$0xFFFFFF90] =	vst v4;
	v3 =	vbroadcast v3, $0x0  }
0x51b: {  	[tilespmem:s9+$0xFFFFFFD0] =	vst v6  }
0x51c: {  	[tilespmem:s9+$0xFFFFFFE0] =	vst v8  }
0x51d: {  	[tilespmem:s9+$0xFFFFFFB0] =	vst v5  }
.Ltmp16:
0x51e: {  	[tilespmem:s9+$0xFFFFFFF0] =	vst v2;
	v4 =	vld [tilespmem:s9+$0x20];
	(pc) =	sbr.rel @p2 .LBB2_35-.Ltmp16, $4  }
0x51f: {  	[tilespmem:s9+$0xFFFFFFC0] =	vst v7;
	v5 =	vld [tilespmem:s9+$0x0]  }
0x520: {  	v2 =	vld.idx.msk [tilespmem:v3+s26+$0x0], $0xffff  }
0x521: {  	v3 =	vld [tilespmem:s9+$0x10]  }
0x522: {  	v6 =	vld [tilespmem:s9+$0x30]  }
0x523: {  	_ =	sdelay $0x1  }
0x524: {  	v5 =	vmul.f32 v5, v2  }
0x525: {  	v7 =	vld [tilespmem:s30+$0x60];
	v4 =	vmul.f32 v4, v2  }
0x526: {  	v8 =	vld [tilespmem:s30+$0x50];
	v0 =	vmul.f32 v0, v2;
	[tilespmem:s30+$0x0] =	vst v5  }
0x527: {  	v1 =	vmul.f32 v1, v2;
	[tilespmem:s30+$0x20] =	vst v4  }
0x528: {  	v53 =	vmul.f32 v3, v2;
	[tilespmem:s30+$0x40] =	vst v0  }
0x529: {  	v52 =	vmov s31;
	v6 =	vmul.f32 v6, v2;
	[tilespmem:s30+$0x70] =	vst v1  }
0x52a: {  	v49 =	vmul.f32 v7, v2;
	[tilespmem:s30+$0x10] =	vst v53  }
0x52b: {  	v50 =	vmul.f32 v8, v2;
	[tilespmem:s30+$0x30] =	vst v6  }
0x52c: {  	[tilespmem:s30+$0x60] =	vst v49  }
0x52d: {  	v51 =	vld [tilespmem:s30+$0x80];
	[tilespmem:s30+$0x50] =	vst v50  }
0x52e: {  	v0 =	vld.idx.msk [tilespmem:v52+s26+$0x0], $0xffff  }
0x52f: {  	v54 =	vld [tilespmem:s30+$0x90]  }
0x530: {  	v55 =	vld [tilespmem:s30+$0xA0]  }
0x531: {  	v56 =	vld [tilespmem:s30+$0xD0]  }
0x532: {  	v57 =	vld [tilespmem:s30+$0xB0]  }
0x533: {  	v58 =	vld [tilespmem:s30+$0xC0];
	v6 =	vmul.f32 v51, v0  }
0x534: {  	v59 =	vld [tilespmem:s30+$0xE0];
	v1 =	vmul.f32 v54, v0  }
0x535: {  	v60 =	vld [tilespmem:s30+$0xF0];
	v2 =	vmul.f32 v55, v0;
	[tilespmem:s30+$0x80] =	vst v6  }
0x536: {  	v3 =	vmul.f32 v56, v0;
	[tilespmem:s30+$0x90] =	vst v1  }
0x537: {  	v61 =	vmul.f32 v57, v0;
	[tilespmem:s30+$0xA0] =	vst v2  }
0x538: {  	v62 =	vmul.f32 v58, v0;
	[tilespmem:s30+$0xD0] =	vst v3  }
0x539: {  	v63 =	vmul.f32 v59, v0;
	[tilespmem:s30+$0xB0] =	vst v61  }
0x53a: {  	v0 =	vmul.f32 v60, v0;
	[tilespmem:s30+$0xC0] =	vst v62  }
0x53b: {  	[tilespmem:s30+$0xE0] =	vst v63  }
.Ltmp17:
0x53c: {  	[tilespmem:s30+$0xF0] =	vst v0;
	(pc) =	sbr.rel @p1 .LBB2_40-.Ltmp17, $4  }
0x53d: {  	[spmem:s2] =	stream.indirect.scatter.add.f32 [tilespmem:s16], [sflag:$0x5], $0x80, s25, s14, $0xb8;
	[tilespmem:$0x1F780] =	vst v63  }
0x53e: {  	_ =	swait.ge [sflag:s10], $0x3000  }
0x53f: {  	[sflag:s10] =	ssyncset.done $0x0  }
0x540: {  	[sflag:s10] =	ssyncadd.s32 $0xFFFFD000  }
0x541: {  	_ =	swait.ge [sflag:s13], $0x100  }
0x542: {  	[sflag:s13] =	ssyncset.done $0x0  }
0x543: {  	s4 =	simm.s32 $0x0;
	[sflag:s13] =	ssyncadd.s32 $0xFFFFFF00  }
0x544: {  	v0 =	vld [tilespmem:s4+$0x19280]  }
0x545: {  	v1 =	vld [tilespmem:s4+$0x19300];
	_ =	sdelay $0x6  }
0x546: {  	v2 =	vld.idx.msk [tilespmem:v0+s6+$0x0], $0xffff  }
0x547: {  	v3 =	vld.idx.msk [tilespmem:v1+s11+$0x0], $0xffff;
	_ =	sdelay $0x4  }
0x548: {  	v2 =	vadd.f32 v3, v2;
	_ =	sdelay $0x1  }
0x549: {  	v3 =	vmul.f32 $2.000000030e-01, v2  }
0x54a: {  	vm0 =	vge.f32 v2, $0.0e+00  }
0x54b: {  	v2 =	vsel vm0, v2, v3  }
0x54c: {  	v2 =	vmul.f32 $1.442695020e+00, v2;
	_ =	sdelay $0x1  }
0x54d: {  	(erf) = vpow2.f32 v2;
	_ =	sdelay $0x1  }
0x54e: {  	v0 =	vadd.s32 $0x5000, v0;
	[tilespmem:s4+$0x19680] =	vst v1  }
0x54f: {  	s8 =	simm.s32 $0x10;
	[tilespmem:s4+$0x19580] =	vst v0  }
0x550: {  	v0 =	vld [tilespmem:s8+$0x19280]  }
0x551: {  	v1 =	vld [tilespmem:s8+$0x19300];
	_ =	sdelay $0x3  }
0x552: {  	p1 =	slt.u32 s0, $0x50910;
	v2 =	vpop (erf)  }
0x553: {  	v2 =	vpsel !p1, $0x0, v2  }
0x554: {  	[tilespmem:s4+$0x19480] =	vst v2  }
0x555: {  	v2 =	vld.idx.msk [tilespmem:v0+s6+$0x0], $0xffff  }
0x556: {  	v3 =	vld.idx.msk [tilespmem:v1+s11+$0x0], $0xffff;
	_ =	sdelay $0x4  }
0x557: {  	v2 =	vadd.f32 v3, v2;
	_ =	sdelay $0x1  }
0x558: {  	v3 =	vmul.f32 $2.000000030e-01, v2  }
0x559: {  	vm15 =	vge.f32 v2, $0.0e+00  }
0x55a: {  	v2 =	vsel vm15, v2, v3  }
0x55b: {  	[tilespmem:s8+$0x19680] =	vst v1;
	v1 =	vmul.f32 $1.442695020e+00, v2;
	_ =	sdelay $0x1  }
0x55c: {  	(erf) = vpow2.f32 v1;
	_ =	sdelay $0x1  }
0x55d: {  	v0 =	vadd.s32 $0x5000, v0  }
0x55e: {  	s31 =	simm.s32 $0x20;
	[tilespmem:s8+$0x19580] =	vst v0  }
0x55f: {  	s30 =	simm.s32 $0xC0;
	s9 =	smov.u32 s0;
	v0 =	vld [tilespmem:s31+$0x19280]  }
.LBB2_38:
0x560: {  	p1 =	sne.s32 s30, $0x140;
	v1 =	vld [tilespmem:s31+$0x19300];
	_ =	sdelay $0x2  }
0x561: {  	s9 =	sadd.s32 $0x10, s9  }
0x562: {  	p2 =	slt.u32 s9, $0x50910;
	v2 =	vpop (erf)  }
0x563: {  	v2 =	vpsel !p2, $0x0, v2  }
0x564: {  	[tilespmem:s8+$0x19480] =	vst v2;
	s8 =	smov.u32 s31  }
0x565: {  	v2 =	vld.idx.msk [tilespmem:v0+s6+$0x0], $0xffff  }
0x566: {  	v0 =	vadd.s32 $0x5000, v0;
	v3 =	vld.idx.msk [tilespmem:v1+s11+$0x0], $0xffff;
	[tilespmem:s8+$0x19680] =	vst v1  }
0x567: {  	[tilespmem:s8+$0x19580] =	vst v0;
	_ =	sdelay $0x4  }
0x568: {  	v0 =	vadd.f32 v3, v2;
	_ =	sdelay $0x1  }
0x569: {  	v1 =	vmul.f32 $2.000000030e-01, v0  }
0x56a: {  	vm0 =	vge.f32 v0, $0.0e+00  }
0x56b: {  	v0 =	vsel vm0, v0, v1  }
0x56c: {  	v0 =	vmul.f32 $1.442695020e+00, v0;
	_ =	sdelay $0x1  }
.Ltmp18:
0x56d: {  	(erf) = vpow2.f32 v0;
	(pc) =	sbr.rel @p1 .LBB2_38-.Ltmp18, $3  }
0x56e: {  	_ =	sdelay $0x1  }
0x56f: {  	s31 =	sshra.s32 s30, $0x2  }
0x570: {  	s30 =	sadd.s32 $0x40, s30;
	v0 =	vld [tilespmem:s31+$0x19280]  }
0x571: {  	_ = 	snop  }
0x572: {  	v1 =	vld [tilespmem:s31+$0x19300];
	_ =	sdelay $0x2  }
0x573: {  	s4 =	sadd.s32 $0x10, s9  }
0x574: {  	p1 =	slt.u32 s4, $0x50910;
	v2 =	vpop (erf)  }
0x575: {  	v2 =	vpsel !p1, $0x0, v2  }
0x576: {  	[tilespmem:s8+$0x19480] =	vst v2  }
0x577: {  	v2 =	vld.idx.msk [tilespmem:v0+s6+$0x0], $0xffff  }
0x578: {  	v3 =	vld.idx.msk [tilespmem:v1+s11+$0x0], $0xffff;
	_ =	sdelay $0x4  }
0x579: {  	v2 =	vadd.f32 v3, v2;
	_ =	sdelay $0x1  }
0x57a: {  	v3 =	vmul.f32 $2.000000030e-01, v2  }
0x57b: {  	vm0 =	vge.f32 v2, $0.0e+00  }
0x57c: {  	v2 =	vsel vm0, v2, v3  }
0x57d: {  	v2 =	vmul.f32 $1.442695020e+00, v2;
	_ =	sdelay $0x1  }
0x57e: {  	(erf) = vpow2.f32 v2;
	_ =	sdelay $0x7  }
0x57f: {  	s4 =	sadd.s32 $0x10, s4  }
0x580: {  	s30 =	sadd.s32 s18, s20;
	p6 =	slt.u32 s4, $0x50910;
	v61 =	vadd.s32 $0x5000, v0;
	[tilespmem:s31+$0x19680] =	vst v1;
	v62 =	vpop (erf)  }
0x581: {  	s4 =	sshll.u32 s30, $0x5;
	[tilespmem:s31+$0x19580] =	vst v61;
	v63 =	vpsel !p6, $0x0, v62  }
0x582: {  	s4 =	sand.u32 $0x1FFFFFE0, s4;
	[tilespmem:s31+$0x19480] =	vst v63  }
0x583: {  	[tilespmem:s16], [sflag:$0x3] =	stream.indirect.gather [hbm4b:s5+s14], $0x80, s15, s14, $0xb8;
	[tilespmem:$0x1F780] =	vst v63  }
0x584: {  	s4 =	sadd.s32 s1, s4;
	s31 =	simm.s32 $0x0  }
0x585: {  	[tilespmem:s21], [sflag:$0x2] =	stream.linear.gather [hbm4b:s4+s31], $0x100, $0x38;
	[tilespmem:$0x1F780] =	vst v63  }
.LBB2_40:
0x586: {  	s4 =	simm.s32 $0x0  }
0x587: {  	_ =	swait.ge [sflag:s28], $0x3000;
	v0 =	vmov s4  }
0x588: {  	[sflag:s28] =	ssyncset.done $0x0;
	v0 =	vand.u32 $0xFFFFFFFC, v0  }
0x589: {  	[sflag:s28] =	ssyncadd.s32 $0xFFFFD000;
	v0 =	vbroadcast v0, $0x0  }
0x58a: {  	[spmem:s3] =	stream.indirect.scatter.add.f32 [tilespmem:s7], [sflag:$0x5], $0x1, s12, s14, $0xb8;
	[tilespmem:$0x1F780] =	vst v63  }
0x58b: {  	_ =	swait.ge [sflag:s10], $0x60  }
0x58c: {  	[sflag:s10] =	ssyncset.done $0x0  }
0x58d: {  	s18 =	simm.s32 $0x1C880;
	[sflag:s10] =	ssyncadd.s32 $0xFFFFFFA0  }
0x58e: {  	v2 =	vld [tilespmem:s18+$0xFFFFFF70]  }
0x58f: {  	v0 =	vld.idx.msk [tilespmem:v0+s7+$0x0], $0xffff  }
0x590: {  	v3 =	vld [tilespmem:s18+$0xFFFFFF00]  }
0x591: {  	v4 =	vld [tilespmem:s18+$0xFFFFFF20]  }
0x592: {  	v5 =	vld [tilespmem:s18+$0xFFFFFF30]  }
0x593: {  	v1 =	vld [tilespmem:s18+$0xFFFFFF50]  }
0x594: {  	v7 =	vld [tilespmem:s18+$0xFFFFFF10];
	v2 =	vmul.f32 v2, v0  }
0x595: {  	s9 =	simm.s32 $0x1;
	v6 =	vld [tilespmem:s18+$0xFFFFFF60];
	v3 =	vmul.f32 v3, v0  }
0x596: {  	v8 =	vld [tilespmem:s18+$0xFFFFFF40];
	v4 =	vmul.f32 v4, v0;
	[tilespmem:s18+$0xFFFFFF70] =	vst v2;
	v2 =	vmov s9  }
0x597: {  	v5 =	vmul.f32 v5, v0;
	[tilespmem:s18+$0xFFFFFF00] =	vst v3;
	v2 =	vand.u32 $0xFFFFFFFD, v2  }
0x598: {  	v1 =	vmul.f32 v1, v0;
	[tilespmem:s18+$0xFFFFFF20] =	vst v4;
	v2 =	vbroadcast v2, $0x0  }
0x599: {  	v3 =	vmul.f32 v7, v0;
	[tilespmem:s18+$0xFFFFFF30] =	vst v5  }
0x59a: {  	v4 =	vmul.f32 v6, v0;
	[tilespmem:s18+$0xFFFFFF50] =	vst v1  }
0x59b: {  	v0 =	vmul.f32 v8, v0;
	[tilespmem:s18+$0xFFFFFF10] =	vst v3  }
0x59c: {  	[tilespmem:s18+$0xFFFFFF60] =	vst v4  }
0x59d: {  	[tilespmem:s18+$0xFFFFFF40] =	vst v0;
	v0 =	vld [tilespmem:s18+$0xFFFFFF80]  }
0x59e: {  	v2 =	vld.idx.msk [tilespmem:v2+s7+$0x0], $0xffff  }
0x59f: {  	v1 =	vld [tilespmem:s18+$0xFFFFFFA0]  }
0x5a0: {  	v3 =	vld [tilespmem:s18+$0xFFFFFF90]  }
0x5a1: {  	v4 =	vld [tilespmem:s18+$0xFFFFFFD0]  }
0x5a2: {  	v5 =	vld [tilespmem:s18+$0xFFFFFFE0]  }
0x5a3: {  	v6 =	vld [tilespmem:s18+$0xFFFFFFF0];
	v0 =	vmul.f32 v0, v2  }
0x5a4: {  	s31 =	simm.s32 $0x2;
	v7 =	vld [tilespmem:s18+$0xFFFFFFB0];
	v1 =	vmul.f32 v1, v2  }
0x5a5: {  	v8 =	vld [tilespmem:s18+$0xFFFFFFC0];
	v3 =	vmul.f32 v3, v2;
	[tilespmem:s18+$0xFFFFFF80] =	vst v0;
	v0 =	vmov s31  }
0x5a6: {  	v4 =	vmul.f32 v4, v2;
	[tilespmem:s18+$0xFFFFFFA0] =	vst v1;
	v0 =	vand.u32 $0xFFFFFFFE, v0  }
0x5a7: {  	v1 =	vmul.f32 v5, v2;
	[tilespmem:s18+$0xFFFFFF90] =	vst v3;
	v3 =	vbroadcast v0, $0x0  }
0x5a8: {  	v5 =	vmul.f32 v6, v2;
	[tilespmem:s18+$0xFFFFFFD0] =	vst v4;
	v6 =	vld [tilespmem:s18+$0x30]  }
0x5a9: {  	v4 =	vmul.f32 v7, v2;
	v0 =	vld [tilespmem:s18+$0x40];
	[tilespmem:s18+$0xFFFFFFE0] =	vst v1  }
0x5aa: {  	v2 =	vmul.f32 v8, v2;
	v1 =	vld [tilespmem:s18+$0x70];
	[tilespmem:s18+$0xFFFFFFF0] =	vst v5  }
0x5ab: {  	[tilespmem:s18+$0xFFFFFFB0] =	vst v4;
	v4 =	vld [tilespmem:s18+$0x20]  }
0x5ac: {  	[tilespmem:s18+$0xFFFFFFC0] =	vst v2;
	v5 =	vld [tilespmem:s18+$0x0]  }
0x5ad: {  	v2 =	vld.idx.msk [tilespmem:v3+s7+$0x0], $0xffff  }
0x5ae: {  	s30 =	simm.s32 $0x3;
	s8 =	simm.s32 $0x7;
	s9 =	simm.s32 $0x1C880;
	v3 =	vld [tilespmem:s18+$0x10]  }
.LBB2_41:
0x5af: {  	p1 =	sne.s32 s8, $0x5F  }
0x5b0: {  	v7 =	vld [tilespmem:s18+$0x50];
	s9 =	sadd.s32 $0x200, s9;
	s4 =	smov.u32 s8;
	s8 =	sadd.s32 $0x4, s8  }
0x5b1: {  	v8 =	vld [tilespmem:s18+$0x60];
	_ =	sdelay $0x1  }
0x5b2: {  	v5 =	vmul.f32 v5, v2;
	v3 =	vmul.f32 v3, v2  }
0x5b3: {  	v4 =	vmul.f32 v4, v2;
	v6 =	vmul.f32 v6, v2  }
0x5b4: {  	v0 =	vmul.f32 v0, v2;
	v1 =	vmul.f32 v1, v2;
	[tilespmem:s18+$0x0] =	vst v5  }
0x5b5: {  	[tilespmem:s18+$0x20] =	vst v4;
	v4 =	vmul.f32 v7, v2;
	v2 =	vmul.f32 v8, v2  }
0x5b6: {  	[tilespmem:s18+$0x30] =	vst v6;
	v5 =	vld [tilespmem:s18+$0x80]  }
0x5b7: {  	[tilespmem:s18+$0x60] =	vst v2;
	v2 =	vmov s30;
	v6 =	vld [tilespmem:s18+$0xD0];
	s30 =	smov.u32 s4  }
0x5b8: {  	[tilespmem:s18+$0x50] =	vst v4;
	v4 =	vld [tilespmem:s18+$0xE0]  }
0x5b9: {  	[tilespmem:s18+$0x40] =	vst v0;
	v7 =	vld [tilespmem:s18+$0xB0]  }
0x5ba: {  	v0 =	vld [tilespmem:s9+$0x40];
	[tilespmem:s18+$0x70] =	vst v1  }
0x5bb: {  	v1 =	vld [tilespmem:s9+$0x70];
	[tilespmem:s18+$0x10] =	vst v3  }
0x5bc: {  	v2 =	vld.idx.msk [tilespmem:v2+s7+$0x0], $0xffff  }
0x5bd: {  	v3 =	vld [tilespmem:s18+$0x90]  }
0x5be: {  	v8 =	vld [tilespmem:s18+$0xA0]  }
0x5bf: {  	v9 =	vld [tilespmem:s18+$0xC0]  }
0x5c0: {  	v10 =	vld [tilespmem:s18+$0xF0];
	_ =	sdelay $0x1  }
0x5c1: {  	v5 =	vmul.f32 v5, v2;
	v3 =	vmul.f32 v3, v2  }
0x5c2: {  	s4 =	sadd.s32 $0xFFFFFFFD, s30;
	v7 =	vmul.f32 v7, v2;
	v8 =	vmul.f32 v8, v2  }
0x5c3: {  	v11 =	vmov s4;
	v6 =	vmul.f32 v6, v2;
	[tilespmem:s18+$0x80] =	vst v5;
	v5 =	vmul.f32 v9, v2  }
0x5c4: {  	v9 =	vand.u32 $0xFFFFFFFC, v11;
	[tilespmem:s18+$0x90] =	vst v3;
	v3 =	vmul.f32 v4, v2;
	v2 =	vmul.f32 v10, v2  }
0x5c5: {  	v4 =	vbroadcast v9, $0x0;
	[tilespmem:s18+$0xA0] =	vst v8  }
0x5c6: {  	[tilespmem:s18+$0xD0] =	vst v6  }
0x5c7: {  	v6 =	vld [tilespmem:s9+$0xFFFFFF50];
	[tilespmem:s18+$0xB0] =	vst v7  }
0x5c8: {  	v7 =	vld [tilespmem:s9+$0xFFFFFF30];
	[tilespmem:s18+$0xC0] =	vst v5  }
0x5c9: {  	v5 =	vld [tilespmem:s9+$0xFFFFFF60];
	[tilespmem:s18+$0xE0] =	vst v3  }
0x5ca: {  	v3 =	vld [tilespmem:s9+$0xFFFFFF70];
	[tilespmem:s18+$0xF0] =	vst v2;
	s18 =	smov.u32 s9  }
0x5cb: {  	v2 =	vld.idx.msk [tilespmem:v4+s7+$0x0], $0xffff  }
0x5cc: {  	v4 =	vld [tilespmem:s9+$0xFFFFFF00]  }
0x5cd: {  	v8 =	vld [tilespmem:s9+$0xFFFFFF20]  }
0x5ce: {  	v9 =	vld [tilespmem:s9+$0xFFFFFF10]  }
0x5cf: {  	v10 =	vld [tilespmem:s9+$0xFFFFFF40];
	_ =	sdelay $0x1  }
0x5d0: {  	v3 =	vmul.f32 v3, v2;
	v4 =	vmul.f32 v4, v2  }
0x5d1: {  	s4 =	sadd.s32 $0xFFFFFFFE, s30;
	v5 =	vmul.f32 v5, v2;
	v8 =	vmul.f32 v8, v2  }
0x5d2: {  	v7 =	vmul.f32 v7, v2;
	v9 =	vmul.f32 v9, v2;
	[tilespmem:s9+$0xFFFFFF70] =	vst v3;
	v3 =	vmov s4  }
0x5d3: {  	[tilespmem:s9+$0xFFFFFF00] =	vst v4;
	v4 =	vmul.f32 v10, v2;
	v2 =	vmul.f32 v6, v2;
	v3 =	vand.u32 $0xFFFFFFFD, v3  }
0x5d4: {  	[tilespmem:s9+$0xFFFFFF20] =	vst v8;
	v3 =	vbroadcast v3, $0x0  }
0x5d5: {  	[tilespmem:s9+$0xFFFFFF30] =	vst v7  }
0x5d6: {  	[tilespmem:s9+$0xFFFFFF50] =	vst v2;
	v2 =	vld [tilespmem:s9+$0xFFFFFFF0]  }
0x5d7: {  	[tilespmem:s9+$0xFFFFFF10] =	vst v9;
	v6 =	vld [tilespmem:s9+$0xFFFFFFD0]  }
0x5d8: {  	[tilespmem:s9+$0xFFFFFF60] =	vst v5;
	v5 =	vld [tilespmem:s9+$0xFFFFFFB0]  }
0x5d9: {  	[tilespmem:s9+$0xFFFFFF40] =	vst v4;
	v4 =	vld [tilespmem:s9+$0xFFFFFF90]  }
0x5da: {  	v3 =	vld.idx.msk [tilespmem:v3+s7+$0x0], $0xffff  }
0x5db: {  	v7 =	vld [tilespmem:s9+$0xFFFFFF80]  }
0x5dc: {  	v8 =	vld [tilespmem:s9+$0xFFFFFFA0]  }
0x5dd: {  	v9 =	vld [tilespmem:s9+$0xFFFFFFC0]  }
0x5de: {  	v10 =	vld [tilespmem:s9+$0xFFFFFFE0];
	_ =	sdelay $0x1  }
0x5df: {  	v4 =	vmul.f32 v4, v3;
	v7 =	vmul.f32 v7, v3  }
0x5e0: {  	s4 =	sadd.s32 $0xFFFFFFFF, s30;
	v5 =	vmul.f32 v5, v3;
	v8 =	vmul.f32 v8, v3  }
0x5e1: {  	v6 =	vmul.f32 v6, v3;
	[tilespmem:s9+$0xFFFFFF80] =	vst v7;
	v7 =	vmul.f32 v9, v3;
	v9 =	vmov s4  }
0x5e2: {  	v2 =	vmul.f32 v2, v3;
	[tilespmem:s9+$0xFFFFFFA0] =	vst v8;
	v8 =	vmul.f32 v10, v3;
	v3 =	vand.u32 $0xFFFFFFFE, v9  }
0x5e3: {  	[tilespmem:s9+$0xFFFFFF90] =	vst v4;
	v3 =	vbroadcast v3, $0x0  }
0x5e4: {  	[tilespmem:s9+$0xFFFFFFD0] =	vst v6  }
0x5e5: {  	[tilespmem:s9+$0xFFFFFFE0] =	vst v8  }
0x5e6: {  	[tilespmem:s9+$0xFFFFFFB0] =	vst v5  }
.Ltmp19:
0x5e7: {  	[tilespmem:s9+$0xFFFFFFF0] =	vst v2;
	v4 =	vld [tilespmem:s9+$0x20];
	(pc) =	sbr.rel @p1 .LBB2_41-.Ltmp19, $4  }
0x5e8: {  	[tilespmem:s9+$0xFFFFFFC0] =	vst v7;
	v5 =	vld [tilespmem:s9+$0x0]  }
0x5e9: {  	v2 =	vld.idx.msk [tilespmem:v3+s7+$0x0], $0xffff  }
0x5ea: {  	v3 =	vld [tilespmem:s9+$0x10]  }
0x5eb: {  	v6 =	vld [tilespmem:s9+$0x30]  }
0x5ec: {  	_ =	sdelay $0x1  }
0x5ed: {  	v5 =	vmul.f32 v5, v2  }
0x5ee: {  	v7 =	vld [tilespmem:s18+$0x60];
	v4 =	vmul.f32 v4, v2  }
0x5ef: {  	v8 =	vld [tilespmem:s18+$0x50];
	v0 =	vmul.f32 v0, v2;
	[tilespmem:s18+$0x0] =	vst v5  }
0x5f0: {  	v1 =	vmul.f32 v1, v2;
	[tilespmem:s18+$0x20] =	vst v4  }
0x5f1: {  	v53 =	vmul.f32 v3, v2;
	[tilespmem:s18+$0x40] =	vst v0  }
0x5f2: {  	v52 =	vmov s30;
	v6 =	vmul.f32 v6, v2;
	[tilespmem:s18+$0x70] =	vst v1  }
0x5f3: {  	v49 =	vmul.f32 v7, v2;
	[tilespmem:s18+$0x10] =	vst v53  }
0x5f4: {  	v50 =	vmul.f32 v8, v2;
	[tilespmem:s18+$0x30] =	vst v6  }
0x5f5: {  	[tilespmem:s18+$0x60] =	vst v49  }
0x5f6: {  	v51 =	vld [tilespmem:s18+$0x80];
	[tilespmem:s18+$0x50] =	vst v50  }
0x5f7: {  	v0 =	vld.idx.msk [tilespmem:v52+s7+$0x0], $0xffff  }
0x5f8: {  	v54 =	vld [tilespmem:s18+$0x90]  }
0x5f9: {  	v55 =	vld [tilespmem:s18+$0xA0]  }
0x5fa: {  	v56 =	vld [tilespmem:s18+$0xD0]  }
0x5fb: {  	v57 =	vld [tilespmem:s18+$0xB0]  }
0x5fc: {  	v58 =	vld [tilespmem:s18+$0xC0];
	v6 =	vmul.f32 v51, v0  }
0x5fd: {  	v59 =	vld [tilespmem:s18+$0xE0];
	v1 =	vmul.f32 v54, v0  }
0x5fe: {  	v60 =	vld [tilespmem:s18+$0xF0];
	v2 =	vmul.f32 v55, v0;
	[tilespmem:s18+$0x80] =	vst v6  }
0x5ff: {  	v3 =	vmul.f32 v56, v0;
	[tilespmem:s18+$0x90] =	vst v1  }
0x600: {  	v61 =	vmul.f32 v57, v0;
	[tilespmem:s18+$0xA0] =	vst v2  }
0x601: {  	v62 =	vmul.f32 v58, v0;
	[tilespmem:s18+$0xD0] =	vst v3  }
0x602: {  	v63 =	vmul.f32 v59, v0;
	[tilespmem:s18+$0xB0] =	vst v61  }
0x603: {  	s17 =	sadd.s32 $0x1, s17;
	v0 =	vmul.f32 v60, v0;
	[tilespmem:s18+$0xC0] =	vst v62  }
0x604: {  	p1 =	sne.s32 s17, $0x36;
	[tilespmem:s18+$0xE0] =	vst v63  }
.Ltmp20:
0x605: {  	[tilespmem:s18+$0xF0] =	vst v0;
	(pc) =	sbr.rel @p1 .LBB2_32-.Ltmp20, $4  }
0x606: {  	[spmem:s2] =	stream.indirect.scatter.add.f32 [tilespmem:s24], [sflag:$0x5], $0x80, s12, s14, $0xb8;
	[tilespmem:$0x1F780] =	vst v63  }
0x607: {  	_ =	swait.ge [sflag:s10], $0x3000  }
0x608: {  	[sflag:s10] =	ssyncset.done $0x0  }
0x609: {  	s29 =	sadd.s32 $0xC0, s29;
	s0 =	sadd.s32 $0xC0, s0;
	[sflag:s10] =	ssyncadd.s32 $0xFFFFD000  }
0x60a: {  	[bflag:$0x0] =	sbarrier.arrive $0xFFFF  }
0x60b: {  	s0 =	rddreg [dreg:$0xb]  }
0x60c: {  	s9 =	rddreg [dreg:$0x1c]  }
0x60d: {  	s4 =	simm.s32 $0x80;
	s8 =	simm.s32 $0x10;
	s17 =	rddreg [dreg:$0x1d]  }
0x60e: {  	[hbm:s0@s4], [sflag:s9] =	dma.strided [spmem:s17@s8], $0x50, s13, $0x10   }
0x60f: {  	_ =	swait.ge [sflag:s10], $0x50  }
0x610: {  	[sflag:s10] =	ssyncset.done $0x0;
	s18 =	rddreg [dreg:$0xd]  }
0x611: {  	s29 =	rddreg [dreg:$0x1e];
	[sflag:s10] =	ssyncadd.s32 $0xFFFFFFB0  }
0x612: {  	[hbm:s18], [sflag:s9] =	dma.local [spmem:s29], $0x2800  }
0x613: {  	_ =	swait.ge [sflag:s10], $0x2800  }
0x614: {  	s30 =	rddreg [dreg:$0x1b]  }
0x615: {  	s31 =	rddreg [dreg:$0x17];
	s8 =	sadd.s32 $0x1, s30  }
0x616: {  	p1 =	sne.s32 s8, s31  }
.Ltmp21:
0x617: {  	_ = 	snop;
	(pc) =	sbr.rel @p1 .LBB2_1-.Ltmp21, $3  }
0x618: {  	[sflag:s10] =	ssyncset.done $0x0  }
0x619: {  	[sflag:s10] =	ssyncadd.s32 $0xFFFFD800  }
0x61a: {  	[bflag:$0x0] =	sbarrier.arrive $0xFFFF;
	_ =	sdelay $0x1  }
0x61b: {  	_ =	sfence.sel $0x180000  }
0x61c: {  	[bflag:$0x0] =	sbarrier.arrive $0xFFFF  }
0x61d: {  	_ =	strace $0x90000047  }
0x61e: {  	[bflag:$0x2] =	sbarrier.arrive $0xFFFF  }
0x61f: {  	s0 =	rddreg [dreg:$0x4]  }
0x620: {  	s0 =	sadd.s32 @!p0 $0x100000, s0  }
0x621: {  	[sflag:s0] =	ssyncadd.tile.s32 @!p0 $0x1;
	_ =	shalt  }
.Lfunc_end2:
_tile_overlayer_lowered:
.L_overlay_start_2:
0x622: {  	(tag) =	ssettag $0x2  }
0x623: {  	s0 =	rddreg [dreg:$0x0];
	s2 =	stileid.u32  }
0x624: {  	s1 =	rddreg [dreg:$0x1];
	p0 =	sne.s32 s2, $0x0  }
0x625: {  	s3 =	rddreg [dreg:$0x2];
	[bflag:$0x3] =	sbarrier.arrive $0xFFFF;
	s2 =	simm.s32 @!p0 $0x1C05  }
0x626: {  	[timem:s3], [sflag:s2] =	dma.local @!p0 [hbm:s0], s1  }
0x627: {  	s0 =	simm.s32 @!p0 $0x5  }
0x628: {  	_ =	swait.ge @!p0 [sflag:s0], s1  }
0x629: {  	s1 =	ssub.s32 @!p0 $0x0, s1;
	[sflag:s0] =	ssyncset.done @!p0 $0x0  }
0x62a: {  	[sflag:s0] =	ssyncadd.s32 @!p0 s1  }
0x62b: {  	[bflag:$0x3] =	sbarrier.arrive $0xFFFF  }
0x62c: {  	_ =	shalt  }

</sc_bundles>
